<compile_context>
chip_gen: v7x
topology: tpu7x:2x2x1
jax: 0.10.2.dev20260603
libtpu: 0.0.44.dev20260713+nightly
codegen_flags: <defaults>
</compile_context>

<pallas_src>
import functools

import numpy as np
import jax
import jax.numpy as jnp
from jax import lax
from jax.experimental import pallas as pl
from jax.experimental.pallas import tpu as pltpu
from jax.experimental.pallas import tpu_sc as plsc

_VOCAB = 100000
_D = 128
_NW = 16
_PER_W = 25
_ROWS = 32

_MASKS = np.zeros((_NW, 2, _ROWS), np.float32)
for _w in range(_NW):
    for _l in range(1, _PER_W + 1):
        _p = _w * _PER_W + (_l - 1)
        _MASKS[_w, 0 if _p < 200 else 1, _l] = 1.0


def _stable_sigmoid_neg(d):
    t = jnp.exp(-jnp.abs(d))
    num = jnp.where(d >= 0.0, t, jnp.ones_like(t))
    return num / (1.0 + t)


def _sum16(v, lanes):
    for sh in (8, 4, 2, 1):
        perm = jnp.bitwise_xor(lanes, sh)
        v = v + v.at[perm].get(mode="promise_in_bounds")
    return v


def _n2v_body(table_h, idx_h, masks_h, out_h,
              idx_v, rows_v, masks_v, part_v, fin_v, shared, out_v, sem):
    cid = lax.axis_index("c")
    sid = lax.axis_index("s")

    @pl.when(cid == 0)
    def _core0():
        pltpu.sync_copy(idx_h.at[sid], idx_v)
        pltpu.sync_copy(masks_h.at[sid], masks_v)
        pltpu.async_copy(table_h.at[idx_v], rows_v, sem).wait()

        lanes = lax.iota(jnp.int32, 16)
        s_chunks = [rows_v[0, pl.ds(16 * j, 16)] for j in range(8)]
        zacc = jnp.zeros((16,), jnp.float32)
        nacc = jnp.zeros((16,), jnp.float32)
        for g in range(2):
            dots = jnp.zeros((16,), jnp.float32)
            for k in range(16):
                r = g * 16 + k
                acc = rows_v[r, pl.ds(0, 16)] * s_chunks[0]
                for j in range(1, 8):
                    acc = acc + rows_v[r, pl.ds(16 * j, 16)] * s_chunks[j]
                dots = jnp.where(lanes == k, _sum16(acc, lanes), dots)
            mc = masks_v[0, pl.ds(16 * g, 16)]
            mn = masks_v[1, pl.ds(16 * g, 16)]
            zacc = zacc + mc * dots
            nacc = nacc + mn * _stable_sigmoid_neg(dots)

        part_v[0, :] = zacc
        part_v[1, :] = nacc
        pltpu.sync_copy(part_v, shared.at[sid])
        plsc.subcore_barrier()

        @pl.when(sid == 0)
        def _finish():
            pltpu.sync_copy(shared, fin_v)
            zv = fin_v[0, 0, :]
            nv = fin_v[0, 1, :]
            for w in range(1, _NW):
                zv = zv + fin_v[w, 0, :]
                nv = nv + fin_v[w, 1, :]
            zb = _sum16(zv, lanes)
            nb = _sum16(nv, lanes)

            t = jnp.exp(-jnp.abs(zb))
            num = jnp.where(zb >= 0.0, jnp.ones_like(t), t)
            p = num / (1.0 + t)
            p = jnp.clip(p, 1e-7, 1.0 - 1e-7)

            pi = lax.bitcast_convert_type(p, jnp.int32)
            y = (pi.astype(jnp.float32) - 1064866805.0) * 8.262958405176314e-08
            for _ in range(3):
                y = y + p * jnp.exp(-y) - 1.0

            nclip = jnp.clip(nb, 1e-7, 1.0 - 1e-7)
            out_v[...] = -y - nclip
            pltpu.sync_copy(out_v, out_h)


_n2v = functools.partial(
    pl.kernel,
    mesh=plsc.VectorSubcoreMesh(core_axis_name="c", subcore_axis_name="s"),
    out_type=jax.ShapeDtypeStruct((16,), jnp.float32),
    scratch_types=[
        pltpu.VMEM((_ROWS,), jnp.int32),
        pltpu.VMEM((_ROWS, _D), jnp.float32),
        pltpu.VMEM((2, _ROWS), jnp.float32),
        pltpu.VMEM((2, 16), jnp.float32),
        pltpu.VMEM((_NW, 2, 16), jnp.float32),
        pltpu.VMEM_SHARED((_NW, 2, 16), jnp.float32),
        pltpu.VMEM((16,), jnp.float32),
        pltpu.SemaphoreType.DMA,
    ],
)(_n2v_body)


@jax.jit
def kernel(embedding, source_node, context_nodes, neg_samples):
    src = source_node.astype(jnp.int32)
    payload = jnp.concatenate([context_nodes.astype(jnp.int32),
                               neg_samples.astype(jnp.int32)]).reshape(_NW, _PER_W)
    idx = jnp.concatenate(
        [jnp.broadcast_to(src[None, :], (_NW, 1)),
         payload,
         jnp.zeros((_NW, _ROWS - 1 - _PER_W), jnp.int32)], axis=1)
    out = _n2v(embedding, idx, jnp.asarray(_MASKS))
    return out[0]

# --- scband reference (transcript-rebuilt; emitter-appended) ---
"""Pipeline reference for scband-node2-vec-loss-11811160064246 (READ-ONLY COPY).

The authoritative reference and input builder live on the scoring server;
editing this copy changes nothing except your own understanding.
"""

import jax, jax.numpy as jnp
import numpy as np

VOCAB = 100000
EMBED_DIM = 128
N_CONTEXT = 200
N_NEG = 200

def setup_inputs(seed: int = 0) -> dict:
    key = jax.random.key(seed)
    k1, k2, k3, k4 = jax.random.split(key, 4)
    embedding = jax.random.normal(k1, (VOCAB, EMBED_DIM), dtype=jnp.float32)
    source_node = jax.random.randint(k2, (1,), 0, VOCAB, dtype=jnp.int64 if jax.config.jax_enable_x64 else jnp.int32)
    context_nodes = jax.random.randint(k3, (N_CONTEXT,), 0, VOCAB, dtype=jnp.int64 if jax.config.jax_enable_x64 else jnp.int32)
    neg_samples = jax.random.randint(k4, (N_NEG,), 0, VOCAB, dtype=jnp.int64 if jax.config.jax_enable_x64 else jnp.int32)
    return {"embedding": embedding, "source_node": source_node, "context_nodes": context_nodes, "neg_samples": neg_samples}

def reference(embedding, source_node, context_nodes, neg_samples):
    # embedding(source_node).squeeze()
    source_embedding = jnp.squeeze(jnp.take(embedding, source_node, axis=0))  # [d]
    # embedding(context_nodes)
    context_embedding = jnp.take(embedding, context_nodes, axis=0)  # [C, d]
    # embedding(neg_samples)
    neg_samples_embedding = jnp.take(embedding, neg_samples, axis=0)  # [K, d]
    # positives = sigmoid(sum(context_embedding @ source_embedding))
    positives = jax.nn.sigmoid(jnp.sum(context_embedding @ source_embedding))
    positives = jnp.clip(positives, 1e-07, 1.0 - 1e-07)
    # negatives = sigmoid(-(neg_emb @ source_emb[:, None])).sum()
    negatives = jax.nn.sigmoid(-(neg_samples_embedding @ source_embedding[:, None])).sum()
    negatives = jnp.clip(negatives, 1e-07, 1.0 - 1e-07)
    loss = -jnp.log(positives) - negatives
    return loss

if __name__ == "__main__":
    import jax
    _d = setup_inputs()
    print(jax.jit(kernel)(*tuple(_d.values())))

</pallas_src>

<mosaic_0001>
#map = affine_map<(d0, d1) -> (0, 0)>
#map1 = affine_map<(d0, d1) -> (0, 0, 0)>
#map2 = affine_map<(d0, d1) -> (0)>
module attributes {stable_mosaic.version = 14 : i64} {
  func.func @_n2v_body(%arg0: i32, %arg1: i32, %arg2: memref<100000x128xf32, #tpu.memory_space<hbm>>, %arg3: memref<16x32xi32, #tpu.memory_space<hbm>>, %arg4: memref<16x2x32xf32, #tpu.memory_space<hbm>>, %arg5: memref<16xf32, #tpu.memory_space<hbm>>, %arg6: memref<32xi32, #tpu.memory_space<vmem>>, %arg7: memref<32x128xf32, #tpu.memory_space<vmem>>, %arg8: memref<2x32xf32, #tpu.memory_space<vmem>>, %arg9: memref<2x16xf32, #tpu.memory_space<vmem>>, %arg10: memref<16x2x16xf32, #tpu.memory_space<vmem>>, %arg11: memref<16x2x16xf32, #tpu.memory_space<vmem_shared>>, %arg12: memref<16xf32, #tpu.memory_space<vmem>>, %arg13: memref<!tpu.dma_semaphore, #tpu.memory_space<semaphore_mem>>) attributes {dimension_semantics = [#tpu.dimension_semantics<core_parallel>, #tpu.dimension_semantics<subcore_parallel>], iteration_bounds = array<i64: 2, 16>, scalar_prefetch = 0 : i64, scratch_operands = 8 : i64, tpu.core_type = #tpu.core_type<sc_vector_subcore>, window_params = [{transform_indices = #map}, {transform_indices = #map}, {transform_indices = #map1}, {transform_indices = #map2}]} {
    %eq3A = arith.constant 0 : i32
    %eq3A_0 = arith.cmpi eq, %arg0, %eq3A : i32
    %convert_element_type3A = arith.extui %eq3A_0 : i1 to i32
    %cond3A = arith.constant 0 : i32
    %cond3A_1 = arith.cmpi ne, %convert_element_type3A, %cond3A : i32
    scf.if %cond3A_1 {
      "tpu.region"() ({
        %run_scoped3A = tpu.sem_alloc : memref<!tpu.dma_semaphore, #tpu.memory_space<semaphore_mem>>
        %dma_start3A_3795 = arith.constant 0 : i32
        %dma_start3A_3796 = tpu.memref_slice %arg3[%arg1, %dma_start3A_3795] : memref<16x32xi32, #tpu.memory_space<hbm>> -> memref<1x32xi32, #tpu.memory_space<hbm>>
        %dma_start3A_3797 = tpu.memref_squeeze %dma_start3A_3796 : memref<1x32xi32, #tpu.memory_space<hbm>> -> memref<32xi32, #tpu.memory_space<hbm>>
        %dma_start3A_3798 = arith.constant 0 : i32
        %dma_start3A_3799 = tpu.memref_slice %arg3[%arg1, %dma_start3A_3798] : memref<16x32xi32, #tpu.memory_space<hbm>> -> memref<1x32xi32, #tpu.memory_space<hbm>>
        %dma_start3A_3800 = tpu.memref_squeeze %dma_start3A_3799 : memref<1x32xi32, #tpu.memory_space<hbm>> -> memref<32xi32, #tpu.memory_space<hbm>>
        tpu.enqueue_dma source(%dma_start3A_3800 : memref<32xi32, #tpu.memory_space<hbm>>) target(%arg6 : memref<32xi32, #tpu.memory_space<vmem>>) target_semaphore(%run_scoped3A : memref<!tpu.dma_semaphore, #tpu.memory_space<semaphore_mem>>)
        %dma_wait3A_3801 = arith.constant 0 : i32
        %dma_wait3A_3802 = tpu.memref_slice %arg3[%arg1, %dma_wait3A_3801] : memref<16x32xi32, #tpu.memory_space<hbm>> -> memref<1x32xi32, #tpu.memory_space<hbm>>
        %dma_wait3A_3803 = tpu.memref_squeeze %dma_wait3A_3802 : memref<1x32xi32, #tpu.memory_space<hbm>> -> memref<32xi32, #tpu.memory_space<hbm>>
        %dma_wait3A_3804 = arith.constant 0 : i32
        %dma_wait3A_3805 = tpu.memref_slice %arg3[%arg1, %dma_wait3A_3804] : memref<16x32xi32, #tpu.memory_space<hbm>> -> memref<1x32xi32, #tpu.memory_space<hbm>>
        %dma_wait3A_3806 = tpu.memref_squeeze %dma_wait3A_3805 : memref<1x32xi32, #tpu.memory_space<hbm>> -> memref<32xi32, #tpu.memory_space<hbm>>
        tpu.wait_dma2 semaphore(%run_scoped3A : memref<!tpu.dma_semaphore, #tpu.memory_space<semaphore_mem>>) src(%dma_wait3A_3806 : memref<32xi32, #tpu.memory_space<hbm>>) dst(%arg6 : memref<32xi32, #tpu.memory_space<vmem>>)
        tpu.yield
      }) : () -> ()
      "tpu.region"() ({
        %run_scoped3A = tpu.sem_alloc : memref<!tpu.dma_semaphore, #tpu.memory_space<semaphore_mem>>
        %dma_start3A_3795 = arith.constant 0 : i32
        %dma_start3A_3796 = arith.constant 0 : i32
        %dma_start3A_3797 = tpu.memref_slice %arg4[%arg1, %dma_start3A_3795, %dma_start3A_3796] : memref<16x2x32xf32, #tpu.memory_space<hbm>> -> memref<1x2x32xf32, #tpu.memory_space<hbm>>
        %dma_start3A_3798 = tpu.memref_squeeze %dma_start3A_3797 : memref<1x2x32xf32, #tpu.memory_space<hbm>> -> memref<2x32xf32, #tpu.memory_space<hbm>>
        %dma_start3A_3799 = arith.constant 0 : i32
        %dma_start3A_3800 = arith.constant 0 : i32
        %dma_start3A_3801 = tpu.memref_slice %arg4[%arg1, %dma_start3A_3799, %dma_start3A_3800] : memref<16x2x32xf32, #tpu.memory_space<hbm>> -> memref<1x2x32xf32, #tpu.memory_space<hbm>>
        %dma_start3A_3802 = tpu.memref_squeeze %dma_start3A_3801 : memref<1x2x32xf32, #tpu.memory_space<hbm>> -> memref<2x32xf32, #tpu.memory_space<hbm>>
        tpu.enqueue_dma source(%dma_start3A_3802 : memref<2x32xf32, #tpu.memory_space<hbm>>) target(%arg8 : memref<2x32xf32, #tpu.memory_space<vmem>>) target_semaphore(%run_scoped3A : memref<!tpu.dma_semaphore, #tpu.memory_space<semaphore_mem>>)
        %dma_wait3A_3803 = arith.constant 0 : i32
        %dma_wait3A_3804 = arith.constant 0 : i32
        %dma_wait3A_3805 = tpu.memref_slice %arg4[%arg1, %dma_wait3A_3803, %dma_wait3A_3804] : memref<16x2x32xf32, #tpu.memory_space<hbm>> -> memref<1x2x32xf32, #tpu.memory_space<hbm>>
        %dma_wait3A_3806 = tpu.memref_squeeze %dma_wait3A_3805 : memref<1x2x32xf32, #tpu.memory_space<hbm>> -> memref<2x32xf32, #tpu.memory_space<hbm>>
        %dma_wait3A_3807 = arith.constant 0 : i32
        %dma_wait3A_3808 = arith.constant 0 : i32
        %dma_wait3A_3809 = tpu.memref_slice %arg4[%arg1, %dma_wait3A_3807, %dma_wait3A_3808] : memref<16x2x32xf32, #tpu.memory_space<hbm>> -> memref<1x2x32xf32, #tpu.memory_space<hbm>>
        %dma_wait3A_3810 = tpu.memref_squeeze %dma_wait3A_3809 : memref<1x2x32xf32, #tpu.memory_space<hbm>> -> memref<2x32xf32, #tpu.memory_space<hbm>>
        tpu.wait_dma2 semaphore(%run_scoped3A : memref<!tpu.dma_semaphore, #tpu.memory_space<semaphore_mem>>) src(%dma_wait3A_3810 : memref<2x32xf32, #tpu.memory_space<hbm>>) dst(%arg8 : memref<2x32xf32, #tpu.memory_space<vmem>>)
        tpu.yield
      }) : () -> ()
      %dma_start3A = arith.constant 0 : i32
      %dma_start3A_2 = arith.constant 0 : i32
      %dma_start3A_3 = tpu.memref_slice %arg2[%dma_start3A, %dma_start3A_2] : memref<100000x128xf32, #tpu.memory_space<hbm>> -> memref<100000x128xf32, #tpu.memory_space<hbm>>
      tpu.enqueue_indirect_dma source(%dma_start3A_3 : memref<100000x128xf32, #tpu.memory_space<hbm>>) target(%arg7 : memref<32x128xf32, #tpu.memory_space<vmem>>) offsets(%arg6 : memref<32xi32, #tpu.memory_space<vmem>>) semaphore(%arg13 : memref<!tpu.dma_semaphore, #tpu.memory_space<semaphore_mem>>)
      %dma_wait3A = arith.constant 0 : i32
      %dma_wait3A_4 = arith.constant 0 : i32
      %dma_wait3A_5 = tpu.memref_slice %arg2[%dma_wait3A, %dma_wait3A_4] : memref<100000x128xf32, #tpu.memory_space<hbm>> -> memref<100000x128xf32, #tpu.memory_space<hbm>>
      tpu.wait_indirect_dma semaphore(%arg13 : memref<!tpu.dma_semaphore, #tpu.memory_space<semaphore_mem>>) src(%dma_wait3A_5 : memref<100000x128xf32, #tpu.memory_space<hbm>>) dst(%arg7 : memref<32x128xf32, #tpu.memory_space<vmem>>)
      %iota3A = tpu.iota {dimensions = array<i32: 0>} : vector<16xi32>
      %get3A = arith.constant 0 : i32
      %get3A_6 = arith.index_cast %get3A : i32 to index
      %get3A_7 = arith.constant 0 : index
      %get3A_8 = tpu.vector_load %arg7[%get3A_6, %get3A_7] {strides = array<i32>} : memref<32x128xf32, #tpu.memory_space<vmem>>, vector<1x16xf32>,
      %get3A_9 = vector.shape_cast %get3A_8 : vector<1x16xf32> to vector<16xf32>
      %get3A_10 = arith.constant 0 : i32
      %get3A_11 = arith.index_cast %get3A_10 : i32 to index
      %get3A_12 = arith.constant 16 : index
      %get3A_13 = tpu.vector_load %arg7[%get3A_11, %get3A_12] {strides = array<i32>} : memref<32x128xf32, #tpu.memory_space<vmem>>, vector<1x16xf32>,
      %get3A_14 = vector.shape_cast %get3A_13 : vector<1x16xf32> to vector<16xf32>
      %get3A_15 = arith.constant 0 : i32
      %get3A_16 = arith.index_cast %get3A_15 : i32 to index
      %get3A_17 = arith.constant 32 : index
      %get3A_18 = tpu.vector_load %arg7[%get3A_16, %get3A_17] {strides = array<i32>} : memref<32x128xf32, #tpu.memory_space<vmem>>, vector<1x16xf32>,
      %get3A_19 = vector.shape_cast %get3A_18 : vector<1x16xf32> to vector<16xf32>
      %get3A_20 = arith.constant 0 : i32
      %get3A_21 = arith.index_cast %get3A_20 : i32 to index
      %get3A_22 = arith.constant 48 : index
      %get3A_23 = tpu.vector_load %arg7[%get3A_21, %get3A_22] {strides = array<i32>} : memref<32x128xf32, #tpu.memory_space<vmem>>, vector<1x16xf32>,
      %get3A_24 = vector.shape_cast %get3A_23 : vector<1x16xf32> to vector<16xf32>
      %get3A_25 = arith.constant 0 : i32
      %get3A_26 = arith.index_cast %get3A_25 : i32 to index
      %get3A_27 = arith.constant 64 : index
      %get3A_28 = tpu.vector_load %arg7[%get3A_26, %get3A_27] {strides = array<i32>} : memref<32x128xf32, #tpu.memory_space<vmem>>, vector<1x16xf32>,
      %get3A_29 = vector.shape_cast %get3A_28 : vector<1x16xf32> to vector<16xf32>
      %get3A_30 = arith.constant 0 : i32
      %get3A_31 = arith.index_cast %get3A_30 : i32 to index
      %get3A_32 = arith.constant 80 : index
      %get3A_33 = tpu.vector_load %arg7[%get3A_31, %get3A_32] {strides = array<i32>} : memref<32x128xf32, #tpu.memory_space<vmem>>, vector<1x16xf32>,
      %get3A_34 = vector.shape_cast %get3A_33 : vector<1x16xf32> to vector<16xf32>
      %get3A_35 = arith.constant 0 : i32
      %get3A_36 = arith.index_cast %get3A_35 : i32 to index
      %get3A_37 = arith.constant 96 : index
      %get3A_38 = tpu.vector_load %arg7[%get3A_36, %get3A_37] {strides = array<i32>} : memref<32x128xf32, #tpu.memory_space<vmem>>, vector<1x16xf32>,
      %get3A_39 = vector.shape_cast %get3A_38 : vector<1x16xf32> to vector<16xf32>
      %get3A_40 = arith.constant 0 : i32
      %get3A_41 = arith.index_cast %get3A_40 : i32 to index
      %get3A_42 = arith.constant 112 : index
      %get3A_43 = tpu.vector_load %arg7[%get3A_41, %get3A_42] {strides = array<i32>} : memref<32x128xf32, #tpu.memory_space<vmem>>, vector<1x16xf32>,
      %get3A_44 = vector.shape_cast %get3A_43 : vector<1x16xf32> to vector<16xf32>
      %broadcast_in_dim3A = arith.constant 0.000000e+00 : f32
      %broadcast_in_dim3A_45 = vector.broadcast %broadcast_in_dim3A : f32 to vector<16xf32>
      %broadcast_in_dim3A_46 = arith.constant 0.000000e+00 : f32
      %broadcast_in_dim3A_47 = vector.broadcast %broadcast_in_dim3A_46 : f32 to vector<16xf32>
      %broadcast_in_dim3A_48 = arith.constant 0.000000e+00 : f32
      %broadcast_in_dim3A_49 = vector.broadcast %broadcast_in_dim3A_48 : f32 to vector<16xf32>
      %get3A_50 = arith.constant 0 : i32
      %get3A_51 = arith.index_cast %get3A_50 : i32 to index
      %get3A_52 = arith.constant 0 : index
      %get3A_53 = tpu.vector_load %arg7[%get3A_51, %get3A_52] {strides = array<i32>} : memref<32x128xf32, #tpu.memory_space<vmem>>, vector<1x16xf32>,
      %get3A_54 = vector.shape_cast %get3A_53 : vector<1x16xf32> to vector<16xf32>
      %mul3A = arith.mulf %get3A_54, %get3A_9 : vector<16xf32>
      %get3A_55 = arith.constant 0 : i32
      %get3A_56 = arith.index_cast %get3A_55 : i32 to index
      %get3A_57 = arith.constant 16 : index
      %get3A_58 = tpu.vector_load %arg7[%get3A_56, %get3A_57] {strides = array<i32>} : memref<32x128xf32, #tpu.memory_space<vmem>>, vector<1x16xf32>,
      %get3A_59 = vector.shape_cast %get3A_58 : vector<1x16xf32> to vector<16xf32>
      %mul3A_60 = arith.mulf %get3A_59, %get3A_14 : vector<16xf32>
      %add3A = arith.addf %mul3A, %mul3A_60 : vector<16xf32>
      %get3A_61 = arith.constant 0 : i32
      %get3A_62 = arith.index_cast %get3A_61 : i32 to index
      %get3A_63 = arith.constant 32 : index
      %get3A_64 = tpu.vector_load %arg7[%get3A_62, %get3A_63] {strides = array<i32>} : memref<32x128xf32, #tpu.memory_space<vmem>>, vector<1x16xf32>,
      %get3A_65 = vector.shape_cast %get3A_64 : vector<1x16xf32> to vector<16xf32>
      %mul3A_66 = arith.mulf %get3A_65, %get3A_19 : vector<16xf32>
      %add3A_67 = arith.addf %add3A, %mul3A_66 : vector<16xf32>
      %get3A_68 = arith.constant 0 : i32
      %get3A_69 = arith.index_cast %get3A_68 : i32 to index
      %get3A_70 = arith.constant 48 : index
      %get3A_71 = tpu.vector_load %arg7[%get3A_69, %get3A_70] {strides = array<i32>} : memref<32x128xf32, #tpu.memory_space<vmem>>, vector<1x16xf32>,
      %get3A_72 = vector.shape_cast %get3A_71 : vector<1x16xf32> to vector<16xf32>
      %mul3A_73 = arith.mulf %get3A_72, %get3A_24 : vector<16xf32>
      %add3A_74 = arith.addf %add3A_67, %mul3A_73 : vector<16xf32>
      %get3A_75 = arith.constant 0 : i32
      %get3A_76 = arith.index_cast %get3A_75 : i32 to index
      %get3A_77 = arith.constant 64 : index
      %get3A_78 = tpu.vector_load %arg7[%get3A_76, %get3A_77] {strides = array<i32>} : memref<32x128xf32, #tpu.memory_space<vmem>>, vector<1x16xf32>,
      %get3A_79 = vector.shape_cast %get3A_78 : vector<1x16xf32> to vector<16xf32>
      %mul3A_80 = arith.mulf %get3A_79, %get3A_29 : vector<16xf32>
      %add3A_81 = arith.addf %add3A_74, %mul3A_80 : vector<16xf32>
      %get3A_82 = arith.constant 0 : i32
      %get3A_83 = arith.index_cast %get3A_82 : i32 to index
      %get3A_84 = arith.constant 80 : index
      %get3A_85 = tpu.vector_load %arg7[%get3A_83, %get3A_84] {strides = array<i32>} : memref<32x128xf32, #tpu.memory_space<vmem>>, vector<1x16xf32>,
      %get3A_86 = vector.shape_cast %get3A_85 : vector<1x16xf32> to vector<16xf32>
      %mul3A_87 = arith.mulf %get3A_86, %get3A_34 : vector<16xf32>
      %add3A_88 = arith.addf %add3A_81, %mul3A_87 : vector<16xf32>
      %get3A_89 = arith.constant 0 : i32
      %get3A_90 = arith.index_cast %get3A_89 : i32 to index
      %get3A_91 = arith.constant 96 : index
      %get3A_92 = tpu.vector_load %arg7[%get3A_90, %get3A_91] {strides = array<i32>} : memref<32x128xf32, #tpu.memory_space<vmem>>, vector<1x16xf32>,
      %get3A_93 = vector.shape_cast %get3A_92 : vector<1x16xf32> to vector<16xf32>
      %mul3A_94 = arith.mulf %get3A_93, %get3A_39 : vector<16xf32>
      %add3A_95 = arith.addf %add3A_88, %mul3A_94 : vector<16xf32>
      %get3A_96 = arith.constant 0 : i32
      %get3A_97 = arith.index_cast %get3A_96 : i32 to index
      %get3A_98 = arith.constant 112 : index
      %get3A_99 = tpu.vector_load %arg7[%get3A_97, %get3A_98] {strides = array<i32>} : memref<32x128xf32, #tpu.memory_space<vmem>>, vector<1x16xf32>,
      %get3A_100 = vector.shape_cast %get3A_99 : vector<1x16xf32> to vector<16xf32>
      %mul3A_101 = arith.mulf %get3A_100, %get3A_44 : vector<16xf32>
      %add3A_102 = arith.addf %add3A_95, %mul3A_101 : vector<16xf32>
      %eq3A_103 = arith.constant 0 : i32
      %eq3A_104 = vector.broadcast %eq3A_103 : i32 to vector<16xi32>
      %eq3A_105 = arith.cmpi eq, %iota3A, %eq3A_104 : vector<16xi32>
      %xor3A = arith.constant 8 : i32
      %xor3A_106 = vector.broadcast %xor3A : i32 to vector<16xi32>
      %xor3A_107 = arith.xori %iota3A, %xor3A_106 : vector<16xi32>
      %lt3A = arith.constant 0 : i32
      %lt3A_108 = vector.broadcast %lt3A : i32 to vector<16xi32>
      %lt3A_109 = arith.cmpi slt, %xor3A_107, %lt3A_108 : vector<16xi32>
      %add3A_110 = arith.constant 16 : i32
      %add3A_111 = vector.broadcast %add3A_110 : i32 to vector<16xi32>
      %add3A_112 = arith.addi %xor3A_107, %add3A_111 : vector<16xi32>
      %select_n3A = arith.select %lt3A_109, %add3A_112, %xor3A_107 : vector<16xi1>, vector<16xi32>
      %broadcast_in_dim3A_113 = vector.shape_cast %select_n3A : vector<16xi32> to vector<16x1xi32>
      %gather3A = vector.shape_cast %broadcast_in_dim3A_113 : vector<16x1xi32> to vector<16xi32>
      %gather3A_114 = tpu.dynamic_gather %add3A_102[%gather3A] in [0] : vector<16xf32>, vector<16xi32> -> vector<16xf32>
      %add3A_115 = arith.addf %add3A_102, %gather3A_114 : vector<16xf32>
      %xor3A_116 = arith.constant 4 : i32
      %xor3A_117 = vector.broadcast %xor3A_116 : i32 to vector<16xi32>
      %xor3A_118 = arith.xori %iota3A, %xor3A_117 : vector<16xi32>
      %lt3A_119 = arith.constant 0 : i32
      %lt3A_120 = vector.broadcast %lt3A_119 : i32 to vector<16xi32>
      %lt3A_121 = arith.cmpi slt, %xor3A_118, %lt3A_120 : vector<16xi32>
      %add3A_122 = arith.constant 16 : i32
      %add3A_123 = vector.broadcast %add3A_122 : i32 to vector<16xi32>
      %add3A_124 = arith.addi %xor3A_118, %add3A_123 : vector<16xi32>
      %select_n3A_125 = arith.select %lt3A_121, %add3A_124, %xor3A_118 : vector<16xi1>, vector<16xi32>
      %broadcast_in_dim3A_126 = vector.shape_cast %select_n3A_125 : vector<16xi32> to vector<16x1xi32>
      %gather3A_127 = vector.shape_cast %broadcast_in_dim3A_126 : vector<16x1xi32> to vector<16xi32>
      %gather3A_128 = tpu.dynamic_gather %add3A_115[%gather3A_127] in [0] : vector<16xf32>, vector<16xi32> -> vector<16xf32>
      %add3A_129 = arith.addf %add3A_115, %gather3A_128 : vector<16xf32>
      %xor3A_130 = arith.constant 2 : i32
      %xor3A_131 = vector.broadcast %xor3A_130 : i32 to vector<16xi32>
      %xor3A_132 = arith.xori %iota3A, %xor3A_131 : vector<16xi32>
      %lt3A_133 = arith.constant 0 : i32
      %lt3A_134 = vector.broadcast %lt3A_133 : i32 to vector<16xi32>
      %lt3A_135 = arith.cmpi slt, %xor3A_132, %lt3A_134 : vector<16xi32>
      %add3A_136 = arith.constant 16 : i32
      %add3A_137 = vector.broadcast %add3A_136 : i32 to vector<16xi32>
      %add3A_138 = arith.addi %xor3A_132, %add3A_137 : vector<16xi32>
      %select_n3A_139 = arith.select %lt3A_135, %add3A_138, %xor3A_132 : vector<16xi1>, vector<16xi32>
      %broadcast_in_dim3A_140 = vector.shape_cast %select_n3A_139 : vector<16xi32> to vector<16x1xi32>
      %gather3A_141 = vector.shape_cast %broadcast_in_dim3A_140 : vector<16x1xi32> to vector<16xi32>
      %gather3A_142 = tpu.dynamic_gather %add3A_129[%gather3A_141] in [0] : vector<16xf32>, vector<16xi32> -> vector<16xf32>
      %add3A_143 = arith.addf %add3A_129, %gather3A_142 : vector<16xf32>
      %xor3A_144 = arith.constant 1 : i32
      %xor3A_145 = vector.broadcast %xor3A_144 : i32 to vector<16xi32>
      %xor3A_146 = arith.xori %iota3A, %xor3A_145 : vector<16xi32>
      %lt3A_147 = arith.constant 0 : i32
      %lt3A_148 = vector.broadcast %lt3A_147 : i32 to vector<16xi32>
      %lt3A_149 = arith.cmpi slt, %xor3A_146, %lt3A_148 : vector<16xi32>
      %add3A_150 = arith.constant 16 : i32
      %add3A_151 = vector.broadcast %add3A_150 : i32 to vector<16xi32>
      %add3A_152 = arith.addi %xor3A_146, %add3A_151 : vector<16xi32>
      %select_n3A_153 = arith.select %lt3A_149, %add3A_152, %xor3A_146 : vector<16xi1>, vector<16xi32>
      %broadcast_in_dim3A_154 = vector.shape_cast %select_n3A_153 : vector<16xi32> to vector<16x1xi32>
      %gather3A_155 = vector.shape_cast %broadcast_in_dim3A_154 : vector<16x1xi32> to vector<16xi32>
      %gather3A_156 = tpu.dynamic_gather %add3A_143[%gather3A_155] in [0] : vector<16xf32>, vector<16xi32> -> vector<16xf32>
      %add3A_157 = arith.addf %add3A_143, %gather3A_156 : vector<16xf32>
      %select_n3A_158 = arith.select %eq3A_105, %add3A_157, %broadcast_in_dim3A_49 : vector<16xi1>, vector<16xf32>
      %get3A_159 = arith.constant 1 : i32
      %get3A_160 = arith.index_cast %get3A_159 : i32 to index
      %get3A_161 = arith.constant 0 : index
      %get3A_162 = tpu.vector_load %arg7[%get3A_160, %get3A_161] {strides = array<i32>} : memref<32x128xf32, #tpu.memory_space<vmem>>, vector<1x16xf32>,
      %get3A_163 = vector.shape_cast %get3A_162 : vector<1x16xf32> to vector<16xf32>
      %mul3A_164 = arith.mulf %get3A_163, %get3A_9 : vector<16xf32>
      %get3A_165 = arith.constant 1 : i32
      %get3A_166 = arith.index_cast %get3A_165 : i32 to index
      %get3A_167 = arith.constant 16 : index
      %get3A_168 = tpu.vector_load %arg7[%get3A_166, %get3A_167] {strides = array<i32>} : memref<32x128xf32, #tpu.memory_space<vmem>>, vector<1x16xf32>,
      %get3A_169 = vector.shape_cast %get3A_168 : vector<1x16xf32> to vector<16xf32>
      %mul3A_170 = arith.mulf %get3A_169, %get3A_14 : vector<16xf32>
      %add3A_171 = arith.addf %mul3A_164, %mul3A_170 : vector<16xf32>
      %get3A_172 = arith.constant 1 : i32
      %get3A_173 = arith.index_cast %get3A_172 : i32 to index
      %get3A_174 = arith.constant 32 : index
      %get3A_175 = tpu.vector_load %arg7[%get3A_173, %get3A_174] {strides = array<i32>} : memref<32x128xf32, #tpu.memory_space<vmem>>, vector<1x16xf32>,
      %get3A_176 = vector.shape_cast %get3A_175 : vector<1x16xf32> to vector<16xf32>
      %mul3A_177 = arith.mulf %get3A_176, %get3A_19 : vector<16xf32>
      %add3A_178 = arith.addf %add3A_171, %mul3A_177 : vector<16xf32>
      %get3A_179 = arith.constant 1 : i32
      %get3A_180 = arith.index_cast %get3A_179 : i32 to index
      %get3A_181 = arith.constant 48 : index
      %get3A_182 = tpu.vector_load %arg7[%get3A_180, %get3A_181] {strides = array<i32>} : memref<32x128xf32, #tpu.memory_space<vmem>>, vector<1x16xf32>,
      %get3A_183 = vector.shape_cast %get3A_182 : vector<1x16xf32> to vector<16xf32>
      %mul3A_184 = arith.mulf %get3A_183, %get3A_24 : vector<16xf32>
      %add3A_185 = arith.addf %add3A_178, %mul3A_184 : vector<16xf32>
      %get3A_186 = arith.constant 1 : i32
      %get3A_187 = arith.index_cast %get3A_186 : i32 to index
      %get3A_188 = arith.constant 64 : index
      %get3A_189 = tpu.vector_load %arg7[%get3A_187, %get3A_188] {strides = array<i32>} : memref<32x128xf32, #tpu.memory_space<vmem>>, vector<1x16xf32>,
      %get3A_190 = vector.shape_cast %get3A_189 : vector<1x16xf32> to vector<16xf32>
      %mul3A_191 = arith.mulf %get3A_190, %get3A_29 : vector<16xf32>
      %add3A_192 = arith.addf %add3A_185, %mul3A_191 : vector<16xf32>
      %get3A_193 = arith.constant 1 : i32
      %get3A_194 = arith.index_cast %get3A_193 : i32 to index
      %get3A_195 = arith.constant 80 : index
      %get3A_196 = tpu.vector_load %arg7[%get3A_194, %get3A_195] {strides = array<i32>} : memref<32x128xf32, #tpu.memory_space<vmem>>, vector<1x16xf32>,
      %get3A_197 = vector.shape_cast %get3A_196 : vector<1x16xf32> to vector<16xf32>
      %mul3A_198 = arith.mulf %get3A_197, %get3A_34 : vector<16xf32>
      %add3A_199 = arith.addf %add3A_192, %mul3A_198 : vector<16xf32>
      %get3A_200 = arith.constant 1 : i32
      %get3A_201 = arith.index_cast %get3A_200 : i32 to index
      %get3A_202 = arith.constant 96 : index
      %get3A_203 = tpu.vector_load %arg7[%get3A_201, %get3A_202] {strides = array<i32>} : memref<32x128xf32, #tpu.memory_space<vmem>>, vector<1x16xf32>,
      %get3A_204 = vector.shape_cast %get3A_203 : vector<1x16xf32> to vector<16xf32>
      %mul3A_205 = arith.mulf %get3A_204, %get3A_39 : vector<16xf32>
      %add3A_206 = arith.addf %add3A_199, %mul3A_205 : vector<16xf32>
      %get3A_207 = arith.constant 1 : i32
      %get3A_208 = arith.index_cast %get3A_207 : i32 to index
      %get3A_209 = arith.constant 112 : index
      %get3A_210 = tpu.vector_load %arg7[%get3A_208, %get3A_209] {strides = array<i32>} : memref<32x128xf32, #tpu.memory_space<vmem>>, vector<1x16xf32>,
      %get3A_211 = vector.shape_cast %get3A_210 : vector<1x16xf32> to vector<16xf32>
      %mul3A_212 = arith.mulf %get3A_211, %get3A_44 : vector<16xf32>
      %add3A_213 = arith.addf %add3A_206, %mul3A_212 : vector<16xf32>
      %eq3A_214 = arith.constant 1 : i32
      %eq3A_215 = vector.broadcast %eq3A_214 : i32 to vector<16xi32>
      %eq3A_216 = arith.cmpi eq, %iota3A, %eq3A_215 : vector<16xi32>
      %xor3A_217 = arith.constant 8 : i32
      %xor3A_218 = vector.broadcast %xor3A_217 : i32 to vector<16xi32>
      %xor3A_219 = arith.xori %iota3A, %xor3A_218 : vector<16xi32>
      %lt3A_220 = arith.constant 0 : i32
      %lt3A_221 = vector.broadcast %lt3A_220 : i32 to vector<16xi32>
      %lt3A_222 = arith.cmpi slt, %xor3A_219, %lt3A_221 : vector<16xi32>
      %add3A_223 = arith.constant 16 : i32
      %add3A_224 = vector.broadcast %add3A_223 : i32 to vector<16xi32>
      %add3A_225 = arith.addi %xor3A_219, %add3A_224 : vector<16xi32>
      %select_n3A_226 = arith.select %lt3A_222, %add3A_225, %xor3A_219 : vector<16xi1>, vector<16xi32>
      %broadcast_in_dim3A_227 = vector.shape_cast %select_n3A_226 : vector<16xi32> to vector<16x1xi32>
      %gather3A_228 = vector.shape_cast %broadcast_in_dim3A_227 : vector<16x1xi32> to vector<16xi32>
      %gather3A_229 = tpu.dynamic_gather %add3A_213[%gather3A_228] in [0] : vector<16xf32>, vector<16xi32> -> vector<16xf32>
      %add3A_230 = arith.addf %add3A_213, %gather3A_229 : vector<16xf32>
      %xor3A_231 = arith.constant 4 : i32
      %xor3A_232 = vector.broadcast %xor3A_231 : i32 to vector<16xi32>
      %xor3A_233 = arith.xori %iota3A, %xor3A_232 : vector<16xi32>
      %lt3A_234 = arith.constant 0 : i32
      %lt3A_235 = vector.broadcast %lt3A_234 : i32 to vector<16xi32>
      %lt3A_236 = arith.cmpi slt, %xor3A_233, %lt3A_235 : vector<16xi32>
      %add3A_237 = arith.constant 16 : i32
      %add3A_238 = vector.broadcast %add3A_237 : i32 to vector<16xi32>
      %add3A_239 = arith.addi %xor3A_233, %add3A_238 : vector<16xi32>
      %select_n3A_240 = arith.select %lt3A_236, %add3A_239, %xor3A_233 : vector<16xi1>, vector<16xi32>
      %broadcast_in_dim3A_241 = vector.shape_cast %select_n3A_240 : vector<16xi32> to vector<16x1xi32>
      %gather3A_242 = vector.shape_cast %broadcast_in_dim3A_241 : vector<16x1xi32> to vector<16xi32>
      %gather3A_243 = tpu.dynamic_gather %add3A_230[%gather3A_242] in [0] : vector<16xf32>, vector<16xi32> -> vector<16xf32>
      %add3A_244 = arith.addf %add3A_230, %gather3A_243 : vector<16xf32>
      %xor3A_245 = arith.constant 2 : i32
      %xor3A_246 = vector.broadcast %xor3A_245 : i32 to vector<16xi32>
      %xor3A_247 = arith.xori %iota3A, %xor3A_246 : vector<16xi32>
      %lt3A_248 = arith.constant 0 : i32
      %lt3A_249 = vector.broadcast %lt3A_248 : i32 to vector<16xi32>
      %lt3A_250 = arith.cmpi slt, %xor3A_247, %lt3A_249 : vector<16xi32>
      %add3A_251 = arith.constant 16 : i32
      %add3A_252 = vector.broadcast %add3A_251 : i32 to vector<16xi32>
      %add3A_253 = arith.addi %xor3A_247, %add3A_252 : vector<16xi32>
      %select_n3A_254 = arith.select %lt3A_250, %add3A_253, %xor3A_247 : vector<16xi1>, vector<16xi32>
      %broadcast_in_dim3A_255 = vector.shape_cast %select_n3A_254 : vector<16xi32> to vector<16x1xi32>
      %gather3A_256 = vector.shape_cast %broadcast_in_dim3A_255 : vector<16x1xi32> to vector<16xi32>
      %gather3A_257 = tpu.dynamic_gather %add3A_244[%gather3A_256] in [0] : vector<16xf32>, vector<16xi32> -> vector<16xf32>
      %add3A_258 = arith.addf %add3A_244, %gather3A_257 : vector<16xf32>
      %xor3A_259 = arith.constant 1 : i32
      %xor3A_260 = vector.broadcast %xor3A_259 : i32 to vector<16xi32>
      %xor3A_261 = arith.xori %iota3A, %xor3A_260 : vector<16xi32>
      %lt3A_262 = arith.constant 0 : i32
      %lt3A_263 = vector.broadcast %lt3A_262 : i32 to vector<16xi32>
      %lt3A_264 = arith.cmpi slt, %xor3A_261, %lt3A_263 : vector<16xi32>
      %add3A_265 = arith.constant 16 : i32
      %add3A_266 = vector.broadcast %add3A_265 : i32 to vector<16xi32>
      %add3A_267 = arith.addi %xor3A_261, %add3A_266 : vector<16xi32>
      %select_n3A_268 = arith.select %lt3A_264, %add3A_267, %xor3A_261 : vector<16xi1>, vector<16xi32>
      %broadcast_in_dim3A_269 = vector.shape_cast %select_n3A_268 : vector<16xi32> to vector<16x1xi32>
      %gather3A_270 = vector.shape_cast %broadcast_in_dim3A_269 : vector<16x1xi32> to vector<16xi32>
      %gather3A_271 = tpu.dynamic_gather %add3A_258[%gather3A_270] in [0] : vector<16xf32>, vector<16xi32> -> vector<16xf32>
      %add3A_272 = arith.addf %add3A_258, %gather3A_271 : vector<16xf32>
      %select_n3A_273 = arith.select %eq3A_216, %add3A_272, %select_n3A_158 : vector<16xi1>, vector<16xf32>
      %get3A_274 = arith.constant 2 : i32
      %get3A_275 = arith.index_cast %get3A_274 : i32 to index
      %get3A_276 = arith.constant 0 : index
      %get3A_277 = tpu.vector_load %arg7[%get3A_275, %get3A_276] {strides = array<i32>} : memref<32x128xf32, #tpu.memory_space<vmem>>, vector<1x16xf32>,
      %get3A_278 = vector.shape_cast %get3A_277 : vector<1x16xf32> to vector<16xf32>
      %mul3A_279 = arith.mulf %get3A_278, %get3A_9 : vector<16xf32>
      %get3A_280 = arith.constant 2 : i32
      %get3A_281 = arith.index_cast %get3A_280 : i32 to index
      %get3A_282 = arith.constant 16 : index
      %get3A_283 = tpu.vector_load %arg7[%get3A_281, %get3A_282] {strides = array<i32>} : memref<32x128xf32, #tpu.memory_space<vmem>>, vector<1x16xf32>,
      %get3A_284 = vector.shape_cast %get3A_283 : vector<1x16xf32> to vector<16xf32>
      %mul3A_285 = arith.mulf %get3A_284, %get3A_14 : vector<16xf32>
      %add3A_286 = arith.addf %mul3A_279, %mul3A_285 : vector<16xf32>
      %get3A_287 = arith.constant 2 : i32
      %get3A_288 = arith.index_cast %get3A_287 : i32 to index
      %get3A_289 = arith.constant 32 : index
      %get3A_290 = tpu.vector_load %arg7[%get3A_288, %get3A_289] {strides = array<i32>} : memref<32x128xf32, #tpu.memory_space<vmem>>, vector<1x16xf32>,
      %get3A_291 = vector.shape_cast %get3A_290 : vector<1x16xf32> to vector<16xf32>
      %mul3A_292 = arith.mulf %get3A_291, %get3A_19 : vector<16xf32>
      %add3A_293 = arith.addf %add3A_286, %mul3A_292 : vector<16xf32>
      %get3A_294 = arith.constant 2 : i32
      %get3A_295 = arith.index_cast %get3A_294 : i32 to index
      %get3A_296 = arith.constant 48 : index
      %get3A_297 = tpu.vector_load %arg7[%get3A_295, %get3A_296] {strides = array<i32>} : memref<32x128xf32, #tpu.memory_space<vmem>>, vector<1x16xf32>,
      %get3A_298 = vector.shape_cast %get3A_297 : vector<1x16xf32> to vector<16xf32>
      %mul3A_299 = arith.mulf %get3A_298, %get3A_24 : vector<16xf32>
      %add3A_300 = arith.addf %add3A_293, %mul3A_299 : vector<16xf32>
      %get3A_301 = arith.constant 2 : i32
      %get3A_302 = arith.index_cast %get3A_301 : i32 to index
      %get3A_303 = arith.constant 64 : index
      %get3A_304 = tpu.vector_load %arg7[%get3A_302, %get3A_303] {strides = array<i32>} : memref<32x128xf32, #tpu.memory_space<vmem>>, vector<1x16xf32>,
      %get3A_305 = vector.shape_cast %get3A_304 : vector<1x16xf32> to vector<16xf32>
      %mul3A_306 = arith.mulf %get3A_305, %get3A_29 : vector<16xf32>
      %add3A_307 = arith.addf %add3A_300, %mul3A_306 : vector<16xf32>
      %get3A_308 = arith.constant 2 : i32
      %get3A_309 = arith.index_cast %get3A_308 : i32 to index
      %get3A_310 = arith.constant 80 : index
      %get3A_311 = tpu.vector_load %arg7[%get3A_309, %get3A_310] {strides = array<i32>} : memref<32x128xf32, #tpu.memory_space<vmem>>, vector<1x16xf32>,
      %get3A_312 = vector.shape_cast %get3A_311 : vector<1x16xf32> to vector<16xf32>
      %mul3A_313 = arith.mulf %get3A_312, %get3A_34 : vector<16xf32>
      %add3A_314 = arith.addf %add3A_307, %mul3A_313 : vector<16xf32>
      %get3A_315 = arith.constant 2 : i32
      %get3A_316 = arith.index_cast %get3A_315 : i32 to index
      %get3A_317 = arith.constant 96 : index
      %get3A_318 = tpu.vector_load %arg7[%get3A_316, %get3A_317] {strides = array<i32>} : memref<32x128xf32, #tpu.memory_space<vmem>>, vector<1x16xf32>,
      %get3A_319 = vector.shape_cast %get3A_318 : vector<1x16xf32> to vector<16xf32>
      %mul3A_320 = arith.mulf %get3A_319, %get3A_39 : vector<16xf32>
      %add3A_321 = arith.addf %add3A_314, %mul3A_320 : vector<16xf32>
      %get3A_322 = arith.constant 2 : i32
      %get3A_323 = arith.index_cast %get3A_322 : i32 to index
      %get3A_324 = arith.constant 112 : index
      %get3A_325 = tpu.vector_load %arg7[%get3A_323, %get3A_324] {strides = array<i32>} : memref<32x128xf32, #tpu.memory_space<vmem>>, vector<1x16xf32>,
      %get3A_326 = vector.shape_cast %get3A_325 : vector<1x16xf32> to vector<16xf32>
      %mul3A_327 = arith.mulf %get3A_326, %get3A_44 : vector<16xf32>
      %add3A_328 = arith.addf %add3A_321, %mul3A_327 : vector<16xf32>
      %eq3A_329 = arith.constant 2 : i32
      %eq3A_330 = vector.broadcast %eq3A_329 : i32 to vector<16xi32>
      %eq3A_331 = arith.cmpi eq, %iota3A, %eq3A_330 : vector<16xi32>
      %xor3A_332 = arith.constant 8 : i32
      %xor3A_333 = vector.broadcast %xor3A_332 : i32 to vector<16xi32>
      %xor3A_334 = arith.xori %iota3A, %xor3A_333 : vector<16xi32>
      %lt3A_335 = arith.constant 0 : i32
      %lt3A_336 = vector.broadcast %lt3A_335 : i32 to vector<16xi32>
      %lt3A_337 = arith.cmpi slt, %xor3A_334, %lt3A_336 : vector<16xi32>
      %add3A_338 = arith.constant 16 : i32
      %add3A_339 = vector.broadcast %add3A_338 : i32 to vector<16xi32>
      %add3A_340 = arith.addi %xor3A_334, %add3A_339 : vector<16xi32>
      %select_n3A_341 = arith.select %lt3A_337, %add3A_340, %xor3A_334 : vector<16xi1>, vector<16xi32>
      %broadcast_in_dim3A_342 = vector.shape_cast %select_n3A_341 : vector<16xi32> to vector<16x1xi32>
      %gather3A_343 = vector.shape_cast %broadcast_in_dim3A_342 : vector<16x1xi32> to vector<16xi32>
      %gather3A_344 = tpu.dynamic_gather %add3A_328[%gather3A_343] in [0] : vector<16xf32>, vector<16xi32> -> vector<16xf32>
      %add3A_345 = arith.addf %add3A_328, %gather3A_344 : vector<16xf32>
      %xor3A_346 = arith.constant 4 : i32
      %xor3A_347 = vector.broadcast %xor3A_346 : i32 to vector<16xi32>
      %xor3A_348 = arith.xori %iota3A, %xor3A_347 : vector<16xi32>
      %lt3A_349 = arith.constant 0 : i32
      %lt3A_350 = vector.broadcast %lt3A_349 : i32 to vector<16xi32>
      %lt3A_351 = arith.cmpi slt, %xor3A_348, %lt3A_350 : vector<16xi32>
      %add3A_352 = arith.constant 16 : i32
      %add3A_353 = vector.broadcast %add3A_352 : i32 to vector<16xi32>
      %add3A_354 = arith.addi %xor3A_348, %add3A_353 : vector<16xi32>
      %select_n3A_355 = arith.select %lt3A_351, %add3A_354, %xor3A_348 : vector<16xi1>, vector<16xi32>
      %broadcast_in_dim3A_356 = vector.shape_cast %select_n3A_355 : vector<16xi32> to vector<16x1xi32>
      %gather3A_357 = vector.shape_cast %broadcast_in_dim3A_356 : vector<16x1xi32> to vector<16xi32>
      %gather3A_358 = tpu.dynamic_gather %add3A_345[%gather3A_357] in [0] : vector<16xf32>, vector<16xi32> -> vector<16xf32>
      %add3A_359 = arith.addf %add3A_345, %gather3A_358 : vector<16xf32>
      %xor3A_360 = arith.constant 2 : i32
      %xor3A_361 = vector.broadcast %xor3A_360 : i32 to vector<16xi32>
      %xor3A_362 = arith.xori %iota3A, %xor3A_361 : vector<16xi32>
      %lt3A_363 = arith.constant 0 : i32
      %lt3A_364 = vector.broadcast %lt3A_363 : i32 to vector<16xi32>
      %lt3A_365 = arith.cmpi slt, %xor3A_362, %lt3A_364 : vector<16xi32>
      %add3A_366 = arith.constant 16 : i32
      %add3A_367 = vector.broadcast %add3A_366 : i32 to vector<16xi32>
      %add3A_368 = arith.addi %xor3A_362, %add3A_367 : vector<16xi32>
      %select_n3A_369 = arith.select %lt3A_365, %add3A_368, %xor3A_362 : vector<16xi1>, vector<16xi32>
      %broadcast_in_dim3A_370 = vector.shape_cast %select_n3A_369 : vector<16xi32> to vector<16x1xi32>
      %gather3A_371 = vector.shape_cast %broadcast_in_dim3A_370 : vector<16x1xi32> to vector<16xi32>
      %gather3A_372 = tpu.dynamic_gather %add3A_359[%gather3A_371] in [0] : vector<16xf32>, vector<16xi32> -> vector<16xf32>
      %add3A_373 = arith.addf %add3A_359, %gather3A_372 : vector<16xf32>
      %xor3A_374 = arith.constant 1 : i32
      %xor3A_375 = vector.broadcast %xor3A_374 : i32 to vector<16xi32>
      %xor3A_376 = arith.xori %iota3A, %xor3A_375 : vector<16xi32>
      %lt3A_377 = arith.constant 0 : i32
      %lt3A_378 = vector.broadcast %lt3A_377 : i32 to vector<16xi32>
      %lt3A_379 = arith.cmpi slt, %xor3A_376, %lt3A_378 : vector<16xi32>
      %add3A_380 = arith.constant 16 : i32
      %add3A_381 = vector.broadcast %add3A_380 : i32 to vector<16xi32>
      %add3A_382 = arith.addi %xor3A_376, %add3A_381 : vector<16xi32>
      %select_n3A_383 = arith.select %lt3A_379, %add3A_382, %xor3A_376 : vector<16xi1>, vector<16xi32>
      %broadcast_in_dim3A_384 = vector.shape_cast %select_n3A_383 : vector<16xi32> to vector<16x1xi32>
      %gather3A_385 = vector.shape_cast %broadcast_in_dim3A_384 : vector<16x1xi32> to vector<16xi32>
      %gather3A_386 = tpu.dynamic_gather %add3A_373[%gather3A_385] in [0] : vector<16xf32>, vector<16xi32> -> vector<16xf32>
      %add3A_387 = arith.addf %add3A_373, %gather3A_386 : vector<16xf32>
      %select_n3A_388 = arith.select %eq3A_331, %add3A_387, %select_n3A_273 : vector<16xi1>, vector<16xf32>
      %get3A_389 = arith.constant 3 : i32
      %get3A_390 = arith.index_cast %get3A_389 : i32 to index
      %get3A_391 = arith.constant 0 : index
      %get3A_392 = tpu.vector_load %arg7[%get3A_390, %get3A_391] {strides = array<i32>} : memref<32x128xf32, #tpu.memory_space<vmem>>, vector<1x16xf32>,
      %get3A_393 = vector.shape_cast %get3A_392 : vector<1x16xf32> to vector<16xf32>
      %mul3A_394 = arith.mulf %get3A_393, %get3A_9 : vector<16xf32>
      %get3A_395 = arith.constant 3 : i32
      %get3A_396 = arith.index_cast %get3A_395 : i32 to index
      %get3A_397 = arith.constant 16 : index
      %get3A_398 = tpu.vector_load %arg7[%get3A_396, %get3A_397] {strides = array<i32>} : memref<32x128xf32, #tpu.memory_space<vmem>>, vector<1x16xf32>,
      %get3A_399 = vector.shape_cast %get3A_398 : vector<1x16xf32> to vector<16xf32>
      %mul3A_400 = arith.mulf %get3A_399, %get3A_14 : vector<16xf32>
      %add3A_401 = arith.addf %mul3A_394, %mul3A_400 : vector<16xf32>
      %get3A_402 = arith.constant 3 : i32
      %get3A_403 = arith.index_cast %get3A_402 : i32 to index
      %get3A_404 = arith.constant 32 : index
      %get3A_405 = tpu.vector_load %arg7[%get3A_403, %get3A_404] {strides = array<i32>} : memref<32x128xf32, #tpu.memory_space<vmem>>, vector<1x16xf32>,
      %get3A_406 = vector.shape_cast %get3A_405 : vector<1x16xf32> to vector<16xf32>
      %mul3A_407 = arith.mulf %get3A_406, %get3A_19 : vector<16xf32>
      %add3A_408 = arith.addf %add3A_401, %mul3A_407 : vector<16xf32>
      %get3A_409 = arith.constant 3 : i32
      %get3A_410 = arith.index_cast %get3A_409 : i32 to index
      %get3A_411 = arith.constant 48 : index
      %get3A_412 = tpu.vector_load %arg7[%get3A_410, %get3A_411] {strides = array<i32>} : memref<32x128xf32, #tpu.memory_space<vmem>>, vector<1x16xf32>,
      %get3A_413 = vector.shape_cast %get3A_412 : vector<1x16xf32> to vector<16xf32>
      %mul3A_414 = arith.mulf %get3A_413, %get3A_24 : vector<16xf32>
      %add3A_415 = arith.addf %add3A_408, %mul3A_414 : vector<16xf32>
      %get3A_416 = arith.constant 3 : i32
      %get3A_417 = arith.index_cast %get3A_416 : i32 to index
      %get3A_418 = arith.constant 64 : index
      %get3A_419 = tpu.vector_load %arg7[%get3A_417, %get3A_418] {strides = array<i32>} : memref<32x128xf32, #tpu.memory_space<vmem>>, vector<1x16xf32>,
      %get3A_420 = vector.shape_cast %get3A_419 : vector<1x16xf32> to vector<16xf32>
      %mul3A_421 = arith.mulf %get3A_420, %get3A_29 : vector<16xf32>
      %add3A_422 = arith.addf %add3A_415, %mul3A_421 : vector<16xf32>
      %get3A_423 = arith.constant 3 : i32
      %get3A_424 = arith.index_cast %get3A_423 : i32 to index
      %get3A_425 = arith.constant 80 : index
      %get3A_426 = tpu.vector_load %arg7[%get3A_424, %get3A_425] {strides = array<i32>} : memref<32x128xf32, #tpu.memory_space<vmem>>, vector<1x16xf32>,
      %get3A_427 = vector.shape_cast %get3A_426 : vector<1x16xf32> to vector<16xf32>
      %mul3A_428 = arith.mulf %get3A_427, %get3A_34 : vector<16xf32>
      %add3A_429 = arith.addf %add3A_422, %mul3A_428 : vector<16xf32>
      %get3A_430 = arith.constant 3 : i32
      %get3A_431 = arith.index_cast %get3A_430 : i32 to index
      %get3A_432 = arith.constant 96 : index
      %get3A_433 = tpu.vector_load %arg7[%get3A_431, %get3A_432] {strides = array<i32>} : memref<32x128xf32, #tpu.memory_space<vmem>>, vector<1x16xf32>,
      %get3A_434 = vector.shape_cast %get3A_433 : vector<1x16xf32> to vector<16xf32>
      %mul3A_435 = arith.mulf %get3A_434, %get3A_39 : vector<16xf32>
      %add3A_436 = arith.addf %add3A_429, %mul3A_435 : vector<16xf32>
      %get3A_437 = arith.constant 3 : i32
      %get3A_438 = arith.index_cast %get3A_437 : i32 to index
      %get3A_439 = arith.constant 112 : index
      %get3A_440 = tpu.vector_load %arg7[%get3A_438, %get3A_439] {strides = array<i32>} : memref<32x128xf32, #tpu.memory_space<vmem>>, vector<1x16xf32>,
      %get3A_441 = vector.shape_cast %get3A_440 : vector<1x16xf32> to vector<16xf32>
      %mul3A_442 = arith.mulf %get3A_441, %get3A_44 : vector<16xf32>
      %add3A_443 = arith.addf %add3A_436, %mul3A_442 : vector<16xf32>
      %eq3A_444 = arith.constant 3 : i32
      %eq3A_445 = vector.broadcast %eq3A_444 : i32 to vector<16xi32>
      %eq3A_446 = arith.cmpi eq, %iota3A, %eq3A_445 : vector<16xi32>
      %xor3A_447 = arith.constant 8 : i32
      %xor3A_448 = vector.broadcast %xor3A_447 : i32 to vector<16xi32>
      %xor3A_449 = arith.xori %iota3A, %xor3A_448 : vector<16xi32>
      %lt3A_450 = arith.constant 0 : i32
      %lt3A_451 = vector.broadcast %lt3A_450 : i32 to vector<16xi32>
      %lt3A_452 = arith.cmpi slt, %xor3A_449, %lt3A_451 : vector<16xi32>
      %add3A_453 = arith.constant 16 : i32
      %add3A_454 = vector.broadcast %add3A_453 : i32 to vector<16xi32>
      %add3A_455 = arith.addi %xor3A_449, %add3A_454 : vector<16xi32>
      %select_n3A_456 = arith.select %lt3A_452, %add3A_455, %xor3A_449 : vector<16xi1>, vector<16xi32>
      %broadcast_in_dim3A_457 = vector.shape_cast %select_n3A_456 : vector<16xi32> to vector<16x1xi32>
      %gather3A_458 = vector.shape_cast %broadcast_in_dim3A_457 : vector<16x1xi32> to vector<16xi32>
      %gather3A_459 = tpu.dynamic_gather %add3A_443[%gather3A_458] in [0] : vector<16xf32>, vector<16xi32> -> vector<16xf32>
      %add3A_460 = arith.addf %add3A_443, %gather3A_459 : vector<16xf32>
      %xor3A_461 = arith.constant 4 : i32
      %xor3A_462 = vector.broadcast %xor3A_461 : i32 to vector<16xi32>
      %xor3A_463 = arith.xori %iota3A, %xor3A_462 : vector<16xi32>
      %lt3A_464 = arith.constant 0 : i32
      %lt3A_465 = vector.broadcast %lt3A_464 : i32 to vector<16xi32>
      %lt3A_466 = arith.cmpi slt, %xor3A_463, %lt3A_465 : vector<16xi32>
      %add3A_467 = arith.constant 16 : i32
      %add3A_468 = vector.broadcast %add3A_467 : i32 to vector<16xi32>
      %add3A_469 = arith.addi %xor3A_463, %add3A_468 : vector<16xi32>
      %select_n3A_470 = arith.select %lt3A_466, %add3A_469, %xor3A_463 : vector<16xi1>, vector<16xi32>
      %broadcast_in_dim3A_471 = vector.shape_cast %select_n3A_470 : vector<16xi32> to vector<16x1xi32>
      %gather3A_472 = vector.shape_cast %broadcast_in_dim3A_471 : vector<16x1xi32> to vector<16xi32>
      %gather3A_473 = tpu.dynamic_gather %add3A_460[%gather3A_472] in [0] : vector<16xf32>, vector<16xi32> -> vector<16xf32>
      %add3A_474 = arith.addf %add3A_460, %gather3A_473 : vector<16xf32>
      %xor3A_475 = arith.constant 2 : i32
      %xor3A_476 = vector.broadcast %xor3A_475 : i32 to vector<16xi32>
      %xor3A_477 = arith.xori %iota3A, %xor3A_476 : vector<16xi32>
      %lt3A_478 = arith.constant 0 : i32
      %lt3A_479 = vector.broadcast %lt3A_478 : i32 to vector<16xi32>
      %lt3A_480 = arith.cmpi slt, %xor3A_477, %lt3A_479 : vector<16xi32>
      %add3A_481 = arith.constant 16 : i32
      %add3A_482 = vector.broadcast %add3A_481 : i32 to vector<16xi32>
      %add3A_483 = arith.addi %xor3A_477, %add3A_482 : vector<16xi32>
      %select_n3A_484 = arith.select %lt3A_480, %add3A_483, %xor3A_477 : vector<16xi1>, vector<16xi32>
      %broadcast_in_dim3A_485 = vector.shape_cast %select_n3A_484 : vector<16xi32> to vector<16x1xi32>
      %gather3A_486 = vector.shape_cast %broadcast_in_dim3A_485 : vector<16x1xi32> to vector<16xi32>
      %gather3A_487 = tpu.dynamic_gather %add3A_474[%gather3A_486] in [0] : vector<16xf32>, vector<16xi32> -> vector<16xf32>
      %add3A_488 = arith.addf %add3A_474, %gather3A_487 : vector<16xf32>
      %xor3A_489 = arith.constant 1 : i32
      %xor3A_490 = vector.broadcast %xor3A_489 : i32 to vector<16xi32>
      %xor3A_491 = arith.xori %iota3A, %xor3A_490 : vector<16xi32>
      %lt3A_492 = arith.constant 0 : i32
      %lt3A_493 = vector.broadcast %lt3A_492 : i32 to vector<16xi32>
      %lt3A_494 = arith.cmpi slt, %xor3A_491, %lt3A_493 : vector<16xi32>
      %add3A_495 = arith.constant 16 : i32
      %add3A_496 = vector.broadcast %add3A_495 : i32 to vector<16xi32>
      %add3A_497 = arith.addi %xor3A_491, %add3A_496 : vector<16xi32>
      %select_n3A_498 = arith.select %lt3A_494, %add3A_497, %xor3A_491 : vector<16xi1>, vector<16xi32>
      %broadcast_in_dim3A_499 = vector.shape_cast %select_n3A_498 : vector<16xi32> to vector<16x1xi32>
      %gather3A_500 = vector.shape_cast %broadcast_in_dim3A_499 : vector<16x1xi32> to vector<16xi32>
      %gather3A_501 = tpu.dynamic_gather %add3A_488[%gather3A_500] in [0] : vector<16xf32>, vector<16xi32> -> vector<16xf32>
      %add3A_502 = arith.addf %add3A_488, %gather3A_501 : vector<16xf32>
      %select_n3A_503 = arith.select %eq3A_446, %add3A_502, %select_n3A_388 : vector<16xi1>, vector<16xf32>
      %get3A_504 = arith.constant 4 : i32
      %get3A_505 = arith.index_cast %get3A_504 : i32 to index
      %get3A_506 = arith.constant 0 : index
      %get3A_507 = tpu.vector_load %arg7[%get3A_505, %get3A_506] {strides = array<i32>} : memref<32x128xf32, #tpu.memory_space<vmem>>, vector<1x16xf32>,
      %get3A_508 = vector.shape_cast %get3A_507 : vector<1x16xf32> to vector<16xf32>
      %mul3A_509 = arith.mulf %get3A_508, %get3A_9 : vector<16xf32>
      %get3A_510 = arith.constant 4 : i32
      %get3A_511 = arith.index_cast %get3A_510 : i32 to index
      %get3A_512 = arith.constant 16 : index
      %get3A_513 = tpu.vector_load %arg7[%get3A_511, %get3A_512] {strides = array<i32>} : memref<32x128xf32, #tpu.memory_space<vmem>>, vector<1x16xf32>,
      %get3A_514 = vector.shape_cast %get3A_513 : vector<1x16xf32> to vector<16xf32>
      %mul3A_515 = arith.mulf %get3A_514, %get3A_14 : vector<16xf32>
      %add3A_516 = arith.addf %mul3A_509, %mul3A_515 : vector<16xf32>
      %get3A_517 = arith.constant 4 : i32
      %get3A_518 = arith.index_cast %get3A_517 : i32 to index
      %get3A_519 = arith.constant 32 : index
      %get3A_520 = tpu.vector_load %arg7[%get3A_518, %get3A_519] {strides = array<i32>} : memref<32x128xf32, #tpu.memory_space<vmem>>, vector<1x16xf32>,
      %get3A_521 = vector.shape_cast %get3A_520 : vector<1x16xf32> to vector<16xf32>
      %mul3A_522 = arith.mulf %get3A_521, %get3A_19 : vector<16xf32>
      %add3A_523 = arith.addf %add3A_516, %mul3A_522 : vector<16xf32>
      %get3A_524 = arith.constant 4 : i32
      %get3A_525 = arith.index_cast %get3A_524 : i32 to index
      %get3A_526 = arith.constant 48 : index
      %get3A_527 = tpu.vector_load %arg7[%get3A_525, %get3A_526] {strides = array<i32>} : memref<32x128xf32, #tpu.memory_space<vmem>>, vector<1x16xf32>,
      %get3A_528 = vector.shape_cast %get3A_527 : vector<1x16xf32> to vector<16xf32>
      %mul3A_529 = arith.mulf %get3A_528, %get3A_24 : vector<16xf32>
      %add3A_530 = arith.addf %add3A_523, %mul3A_529 : vector<16xf32>
      %get3A_531 = arith.constant 4 : i32
      %get3A_532 = arith.index_cast %get3A_531 : i32 to index
      %get3A_533 = arith.constant 64 : index
      %get3A_534 = tpu.vector_load %arg7[%get3A_532, %get3A_533] {strides = array<i32>} : memref<32x128xf32, #tpu.memory_space<vmem>>, vector<1x16xf32>,
      %get3A_535 = vector.shape_cast %get3A_534 : vector<1x16xf32> to vector<16xf32>
      %mul3A_536 = arith.mulf %get3A_535, %get3A_29 : vector<16xf32>
      %add3A_537 = arith.addf %add3A_530, %mul3A_536 : vector<16xf32>
      %get3A_538 = arith.constant 4 : i32
      %get3A_539 = arith.index_cast %get3A_538 : i32 to index
      %get3A_540 = arith.constant 80 : index
      %get3A_541 = tpu.vector_load %arg7[%get3A_539, %get3A_540] {strides = array<i32>} : memref<32x128xf32, #tpu.memory_space<vmem>>, vector<1x16xf32>,
      %get3A_542 = vector.shape_cast %get3A_541 : vector<1x16xf32> to vector<16xf32>
      %mul3A_543 = arith.mulf %get3A_542, %get3A_34 : vector<16xf32>
      %add3A_544 = arith.addf %add3A_537, %mul3A_543 : vector<16xf32>
      %get3A_545 = arith.constant 4 : i32
      %get3A_546 = arith.index_cast %get3A_545 : i32 to index
      %get3A_547 = arith.constant 96 : index
      %get3A_548 = tpu.vector_load %arg7[%get3A_546, %get3A_547] {strides = array<i32>} : memref<32x128xf32, #tpu.memory_space<vmem>>, vector<1x16xf32>,
      %get3A_549 = vector.shape_cast %get3A_548 : vector<1x16xf32> to vector<16xf32>
      %mul3A_550 = arith.mulf %get3A_549, %get3A_39 : vector<16xf32>
      %add3A_551 = arith.addf %add3A_544, %mul3A_550 : vector<16xf32>
      %get3A_552 = arith.constant 4 : i32
      %get3A_553 = arith.index_cast %get3A_552 : i32 to index
      %get3A_554 = arith.constant 112 : index
      %get3A_555 = tpu.vector_load %arg7[%get3A_553, %get3A_554] {strides = array<i32>} : memref<32x128xf32, #tpu.memory_space<vmem>>, vector<1x16xf32>,
      %get3A_556 = vector.shape_cast %get3A_555 : vector<1x16xf32> to vector<16xf32>
      %mul3A_557 = arith.mulf %get3A_556, %get3A_44 : vector<16xf32>
      %add3A_558 = arith.addf %add3A_551, %mul3A_557 : vector<16xf32>
      %eq3A_559 = arith.constant 4 : i32
      %eq3A_560 = vector.broadcast %eq3A_559 : i32 to vector<16xi32>
      %eq3A_561 = arith.cmpi eq, %iota3A, %eq3A_560 : vector<16xi32>
      %xor3A_562 = arith.constant 8 : i32
      %xor3A_563 = vector.broadcast %xor3A_562 : i32 to vector<16xi32>
      %xor3A_564 = arith.xori %iota3A, %xor3A_563 : vector<16xi32>
      %lt3A_565 = arith.constant 0 : i32
      %lt3A_566 = vector.broadcast %lt3A_565 : i32 to vector<16xi32>
      %lt3A_567 = arith.cmpi slt, %xor3A_564, %lt3A_566 : vector<16xi32>
      %add3A_568 = arith.constant 16 : i32
      %add3A_569 = vector.broadcast %add3A_568 : i32 to vector<16xi32>
      %add3A_570 = arith.addi %xor3A_564, %add3A_569 : vector<16xi32>
      %select_n3A_571 = arith.select %lt3A_567, %add3A_570, %xor3A_564 : vector<16xi1>, vector<16xi32>
      %broadcast_in_dim3A_572 = vector.shape_cast %select_n3A_571 : vector<16xi32> to vector<16x1xi32>
      %gather3A_573 = vector.shape_cast %broadcast_in_dim3A_572 : vector<16x1xi32> to vector<16xi32>
      %gather3A_574 = tpu.dynamic_gather %add3A_558[%gather3A_573] in [0] : vector<16xf32>, vector<16xi32> -> vector<16xf32>
      %add3A_575 = arith.addf %add3A_558, %gather3A_574 : vector<16xf32>
      %xor3A_576 = arith.constant 4 : i32
      %xor3A_577 = vector.broadcast %xor3A_576 : i32 to vector<16xi32>
      %xor3A_578 = arith.xori %iota3A, %xor3A_577 : vector<16xi32>
      %lt3A_579 = arith.constant 0 : i32
      %lt3A_580 = vector.broadcast %lt3A_579 : i32 to vector<16xi32>
      %lt3A_581 = arith.cmpi slt, %xor3A_578, %lt3A_580 : vector<16xi32>
      %add3A_582 = arith.constant 16 : i32
      %add3A_583 = vector.broadcast %add3A_582 : i32 to vector<16xi32>
      %add3A_584 = arith.addi %xor3A_578, %add3A_583 : vector<16xi32>
      %select_n3A_585 = arith.select %lt3A_581, %add3A_584, %xor3A_578 : vector<16xi1>, vector<16xi32>
      %broadcast_in_dim3A_586 = vector.shape_cast %select_n3A_585 : vector<16xi32> to vector<16x1xi32>
      %gather3A_587 = vector.shape_cast %broadcast_in_dim3A_586 : vector<16x1xi32> to vector<16xi32>
      %gather3A_588 = tpu.dynamic_gather %add3A_575[%gather3A_587] in [0] : vector<16xf32>, vector<16xi32> -> vector<16xf32>
      %add3A_589 = arith.addf %add3A_575, %gather3A_588 : vector<16xf32>
      %xor3A_590 = arith.constant 2 : i32
      %xor3A_591 = vector.broadcast %xor3A_590 : i32 to vector<16xi32>
      %xor3A_592 = arith.xori %iota3A, %xor3A_591 : vector<16xi32>
      %lt3A_593 = arith.constant 0 : i32
      %lt3A_594 = vector.broadcast %lt3A_593 : i32 to vector<16xi32>
      %lt3A_595 = arith.cmpi slt, %xor3A_592, %lt3A_594 : vector<16xi32>
      %add3A_596 = arith.constant 16 : i32
      %add3A_597 = vector.broadcast %add3A_596 : i32 to vector<16xi32>
      %add3A_598 = arith.addi %xor3A_592, %add3A_597 : vector<16xi32>
      %select_n3A_599 = arith.select %lt3A_595, %add3A_598, %xor3A_592 : vector<16xi1>, vector<16xi32>
      %broadcast_in_dim3A_600 = vector.shape_cast %select_n3A_599 : vector<16xi32> to vector<16x1xi32>
      %gather3A_601 = vector.shape_cast %broadcast_in_dim3A_600 : vector<16x1xi32> to vector<16xi32>
      %gather3A_602 = tpu.dynamic_gather %add3A_589[%gather3A_601] in [0] : vector<16xf32>, vector<16xi32> -> vector<16xf32>
      %add3A_603 = arith.addf %add3A_589, %gather3A_602 : vector<16xf32>
      %xor3A_604 = arith.constant 1 : i32
      %xor3A_605 = vector.broadcast %xor3A_604 : i32 to vector<16xi32>
      %xor3A_606 = arith.xori %iota3A, %xor3A_605 : vector<16xi32>
      %lt3A_607 = arith.constant 0 : i32
      %lt3A_608 = vector.broadcast %lt3A_607 : i32 to vector<16xi32>
      %lt3A_609 = arith.cmpi slt, %xor3A_606, %lt3A_608 : vector<16xi32>
      %add3A_610 = arith.constant 16 : i32
      %add3A_611 = vector.broadcast %add3A_610 : i32 to vector<16xi32>
      %add3A_612 = arith.addi %xor3A_606, %add3A_611 : vector<16xi32>
      %select_n3A_613 = arith.select %lt3A_609, %add3A_612, %xor3A_606 : vector<16xi1>, vector<16xi32>
      %broadcast_in_dim3A_614 = vector.shape_cast %select_n3A_613 : vector<16xi32> to vector<16x1xi32>
      %gather3A_615 = vector.shape_cast %broadcast_in_dim3A_614 : vector<16x1xi32> to vector<16xi32>
      %gather3A_616 = tpu.dynamic_gather %add3A_603[%gather3A_615] in [0] : vector<16xf32>, vector<16xi32> -> vector<16xf32>
      %add3A_617 = arith.addf %add3A_603, %gather3A_616 : vector<16xf32>
      %select_n3A_618 = arith.select %eq3A_561, %add3A_617, %select_n3A_503 : vector<16xi1>, vector<16xf32>
      %get3A_619 = arith.constant 5 : i32
      %get3A_620 = arith.index_cast %get3A_619 : i32 to index
      %get3A_621 = arith.constant 0 : index
      %get3A_622 = tpu.vector_load %arg7[%get3A_620, %get3A_621] {strides = array<i32>} : memref<32x128xf32, #tpu.memory_space<vmem>>, vector<1x16xf32>,
      %get3A_623 = vector.shape_cast %get3A_622 : vector<1x16xf32> to vector<16xf32>
      %mul3A_624 = arith.mulf %get3A_623, %get3A_9 : vector<16xf32>
      %get3A_625 = arith.constant 5 : i32
      %get3A_626 = arith.index_cast %get3A_625 : i32 to index
      %get3A_627 = arith.constant 16 : index
      %get3A_628 = tpu.vector_load %arg7[%get3A_626, %get3A_627] {strides = array<i32>} : memref<32x128xf32, #tpu.memory_space<vmem>>, vector<1x16xf32>,
      %get3A_629 = vector.shape_cast %get3A_628 : vector<1x16xf32> to vector<16xf32>
      %mul3A_630 = arith.mulf %get3A_629, %get3A_14 : vector<16xf32>
      %add3A_631 = arith.addf %mul3A_624, %mul3A_630 : vector<16xf32>
      %get3A_632 = arith.constant 5 : i32
      %get3A_633 = arith.index_cast %get3A_632 : i32 to index
      %get3A_634 = arith.constant 32 : index
      %get3A_635 = tpu.vector_load %arg7[%get3A_633, %get3A_634] {strides = array<i32>} : memref<32x128xf32, #tpu.memory_space<vmem>>, vector<1x16xf32>,
      %get3A_636 = vector.shape_cast %get3A_635 : vector<1x16xf32> to vector<16xf32>
      %mul3A_637 = arith.mulf %get3A_636, %get3A_19 : vector<16xf32>
      %add3A_638 = arith.addf %add3A_631, %mul3A_637 : vector<16xf32>
      %get3A_639 = arith.constant 5 : i32
      %get3A_640 = arith.index_cast %get3A_639 : i32 to index
      %get3A_641 = arith.constant 48 : index
      %get3A_642 = tpu.vector_load %arg7[%get3A_640, %get3A_641] {strides = array<i32>} : memref<32x128xf32, #tpu.memory_space<vmem>>, vector<1x16xf32>,
      %get3A_643 = vector.shape_cast %get3A_642 : vector<1x16xf32> to vector<16xf32>
      %mul3A_644 = arith.mulf %get3A_643, %get3A_24 : vector<16xf32>
      %add3A_645 = arith.addf %add3A_638, %mul3A_644 : vector<16xf32>
      %get3A_646 = arith.constant 5 : i32
      %get3A_647 = arith.index_cast %get3A_646 : i32 to index
      %get3A_648 = arith.constant 64 : index
      %get3A_649 = tpu.vector_load %arg7[%get3A_647, %get3A_648] {strides = array<i32>} : memref<32x128xf32, #tpu.memory_space<vmem>>, vector<1x16xf32>,
      %get3A_650 = vector.shape_cast %get3A_649 : vector<1x16xf32> to vector<16xf32>
      %mul3A_651 = arith.mulf %get3A_650, %get3A_29 : vector<16xf32>
      %add3A_652 = arith.addf %add3A_645, %mul3A_651 : vector<16xf32>
      %get3A_653 = arith.constant 5 : i32
      %get3A_654 = arith.index_cast %get3A_653 : i32 to index
      %get3A_655 = arith.constant 80 : index
      %get3A_656 = tpu.vector_load %arg7[%get3A_654, %get3A_655] {strides = array<i32>} : memref<32x128xf32, #tpu.memory_space<vmem>>, vector<1x16xf32>,
      %get3A_657 = vector.shape_cast %get3A_656 : vector<1x16xf32> to vector<16xf32>
      %mul3A_658 = arith.mulf %get3A_657, %get3A_34 : vector<16xf32>
      %add3A_659 = arith.addf %add3A_652, %mul3A_658 : vector<16xf32>
      %get3A_660 = arith.constant 5 : i32
      %get3A_661 = arith.index_cast %get3A_660 : i32 to index
      %get3A_662 = arith.constant 96 : index
      %get3A_663 = tpu.vector_load %arg7[%get3A_661, %get3A_662] {strides = array<i32>} : memref<32x128xf32, #tpu.memory_space<vmem>>, vector<1x16xf32>,
      %get3A_664 = vector.shape_cast %get3A_663 : vector<1x16xf32> to vector<16xf32>
      %mul3A_665 = arith.mulf %get3A_664, %get3A_39 : vector<16xf32>
      %add3A_666 = arith.addf %add3A_659, %mul3A_665 : vector<16xf32>
      %get3A_667 = arith.constant 5 : i32
      %get3A_668 = arith.index_cast %get3A_667 : i32 to index
      %get3A_669 = arith.constant 112 : index
      %get3A_670 = tpu.vector_load %arg7[%get3A_668, %get3A_669] {strides = array<i32>} : memref<32x128xf32, #tpu.memory_space<vmem>>, vector<1x16xf32>,
      %get3A_671 = vector.shape_cast %get3A_670 : vector<1x16xf32> to vector<16xf32>
      %mul3A_672 = arith.mulf %get3A_671, %get3A_44 : vector<16xf32>
      %add3A_673 = arith.addf %add3A_666, %mul3A_672 : vector<16xf32>
      %eq3A_674 = arith.constant 5 : i32
      %eq3A_675 = vector.broadcast %eq3A_674 : i32 to vector<16xi32>
      %eq3A_676 = arith.cmpi eq, %iota3A, %eq3A_675 : vector<16xi32>
      %xor3A_677 = arith.constant 8 : i32
      %xor3A_678 = vector.broadcast %xor3A_677 : i32 to vector<16xi32>
      %xor3A_679 = arith.xori %iota3A, %xor3A_678 : vector<16xi32>
      %lt3A_680 = arith.constant 0 : i32
      %lt3A_681 = vector.broadcast %lt3A_680 : i32 to vector<16xi32>
      %lt3A_682 = arith.cmpi slt, %xor3A_679, %lt3A_681 : vector<16xi32>
      %add3A_683 = arith.constant 16 : i32
      %add3A_684 = vector.broadcast %add3A_683 : i32 to vector<16xi32>
      %add3A_685 = arith.addi %xor3A_679, %add3A_684 : vector<16xi32>
      %select_n3A_686 = arith.select %lt3A_682, %add3A_685, %xor3A_679 : vector<16xi1>, vector<16xi32>
      %broadcast_in_dim3A_687 = vector.shape_cast %select_n3A_686 : vector<16xi32> to vector<16x1xi32>
      %gather3A_688 = vector.shape_cast %broadcast_in_dim3A_687 : vector<16x1xi32> to vector<16xi32>
      %gather3A_689 = tpu.dynamic_gather %add3A_673[%gather3A_688] in [0] : vector<16xf32>, vector<16xi32> -> vector<16xf32>
      %add3A_690 = arith.addf %add3A_673, %gather3A_689 : vector<16xf32>
      %xor3A_691 = arith.constant 4 : i32
      %xor3A_692 = vector.broadcast %xor3A_691 : i32 to vector<16xi32>
      %xor3A_693 = arith.xori %iota3A, %xor3A_692 : vector<16xi32>
      %lt3A_694 = arith.constant 0 : i32
      %lt3A_695 = vector.broadcast %lt3A_694 : i32 to vector<16xi32>
      %lt3A_696 = arith.cmpi slt, %xor3A_693, %lt3A_695 : vector<16xi32>
      %add3A_697 = arith.constant 16 : i32
      %add3A_698 = vector.broadcast %add3A_697 : i32 to vector<16xi32>
      %add3A_699 = arith.addi %xor3A_693, %add3A_698 : vector<16xi32>
      %select_n3A_700 = arith.select %lt3A_696, %add3A_699, %xor3A_693 : vector<16xi1>, vector<16xi32>
      %broadcast_in_dim3A_701 = vector.shape_cast %select_n3A_700 : vector<16xi32> to vector<16x1xi32>
      %gather3A_702 = vector.shape_cast %broadcast_in_dim3A_701 : vector<16x1xi32> to vector<16xi32>
      %gather3A_703 = tpu.dynamic_gather %add3A_690[%gather3A_702] in [0] : vector<16xf32>, vector<16xi32> -> vector<16xf32>
      %add3A_704 = arith.addf %add3A_690, %gather3A_703 : vector<16xf32>
      %xor3A_705 = arith.constant 2 : i32
      %xor3A_706 = vector.broadcast %xor3A_705 : i32 to vector<16xi32>
      %xor3A_707 = arith.xori %iota3A, %xor3A_706 : vector<16xi32>
      %lt3A_708 = arith.constant 0 : i32
      %lt3A_709 = vector.broadcast %lt3A_708 : i32 to vector<16xi32>
      %lt3A_710 = arith.cmpi slt, %xor3A_707, %lt3A_709 : vector<16xi32>
      %add3A_711 = arith.constant 16 : i32
      %add3A_712 = vector.broadcast %add3A_711 : i32 to vector<16xi32>
      %add3A_713 = arith.addi %xor3A_707, %add3A_712 : vector<16xi32>
      %select_n3A_714 = arith.select %lt3A_710, %add3A_713, %xor3A_707 : vector<16xi1>, vector<16xi32>
      %broadcast_in_dim3A_715 = vector.shape_cast %select_n3A_714 : vector<16xi32> to vector<16x1xi32>
      %gather3A_716 = vector.shape_cast %broadcast_in_dim3A_715 : vector<16x1xi32> to vector<16xi32>
      %gather3A_717 = tpu.dynamic_gather %add3A_704[%gather3A_716] in [0] : vector<16xf32>, vector<16xi32> -> vector<16xf32>
      %add3A_718 = arith.addf %add3A_704, %gather3A_717 : vector<16xf32>
      %xor3A_719 = arith.constant 1 : i32
      %xor3A_720 = vector.broadcast %xor3A_719 : i32 to vector<16xi32>
      %xor3A_721 = arith.xori %iota3A, %xor3A_720 : vector<16xi32>
      %lt3A_722 = arith.constant 0 : i32
      %lt3A_723 = vector.broadcast %lt3A_722 : i32 to vector<16xi32>
      %lt3A_724 = arith.cmpi slt, %xor3A_721, %lt3A_723 : vector<16xi32>
      %add3A_725 = arith.constant 16 : i32
      %add3A_726 = vector.broadcast %add3A_725 : i32 to vector<16xi32>
      %add3A_727 = arith.addi %xor3A_721, %add3A_726 : vector<16xi32>
      %select_n3A_728 = arith.select %lt3A_724, %add3A_727, %xor3A_721 : vector<16xi1>, vector<16xi32>
      %broadcast_in_dim3A_729 = vector.shape_cast %select_n3A_728 : vector<16xi32> to vector<16x1xi32>
      %gather3A_730 = vector.shape_cast %broadcast_in_dim3A_729 : vector<16x1xi32> to vector<16xi32>
      %gather3A_731 = tpu.dynamic_gather %add3A_718[%gather3A_730] in [0] : vector<16xf32>, vector<16xi32> -> vector<16xf32>
      %add3A_732 = arith.addf %add3A_718, %gather3A_731 : vector<16xf32>
      %select_n3A_733 = arith.select %eq3A_676, %add3A_732, %select_n3A_618 : vector<16xi1>, vector<16xf32>
      %get3A_734 = arith.constant 6 : i32
      %get3A_735 = arith.index_cast %get3A_734 : i32 to index
      %get3A_736 = arith.constant 0 : index
      %get3A_737 = tpu.vector_load %arg7[%get3A_735, %get3A_736] {strides = array<i32>} : memref<32x128xf32, #tpu.memory_space<vmem>>, vector<1x16xf32>,
      %get3A_738 = vector.shape_cast %get3A_737 : vector<1x16xf32> to vector<16xf32>
      %mul3A_739 = arith.mulf %get3A_738, %get3A_9 : vector<16xf32>
      %get3A_740 = arith.constant 6 : i32
      %get3A_741 = arith.index_cast %get3A_740 : i32 to index
      %get3A_742 = arith.constant 16 : index
      %get3A_743 = tpu.vector_load %arg7[%get3A_741, %get3A_742] {strides = array<i32>} : memref<32x128xf32, #tpu.memory_space<vmem>>, vector<1x16xf32>,
      %get3A_744 = vector.shape_cast %get3A_743 : vector<1x16xf32> to vector<16xf32>
      %mul3A_745 = arith.mulf %get3A_744, %get3A_14 : vector<16xf32>
      %add3A_746 = arith.addf %mul3A_739, %mul3A_745 : vector<16xf32>
      %get3A_747 = arith.constant 6 : i32
      %get3A_748 = arith.index_cast %get3A_747 : i32 to index
      %get3A_749 = arith.constant 32 : index
      %get3A_750 = tpu.vector_load %arg7[%get3A_748, %get3A_749] {strides = array<i32>} : memref<32x128xf32, #tpu.memory_space<vmem>>, vector<1x16xf32>,
      %get3A_751 = vector.shape_cast %get3A_750 : vector<1x16xf32> to vector<16xf32>
      %mul3A_752 = arith.mulf %get3A_751, %get3A_19 : vector<16xf32>
      %add3A_753 = arith.addf %add3A_746, %mul3A_752 : vector<16xf32>
      %get3A_754 = arith.constant 6 : i32
      %get3A_755 = arith.index_cast %get3A_754 : i32 to index
      %get3A_756 = arith.constant 48 : index
      %get3A_757 = tpu.vector_load %arg7[%get3A_755, %get3A_756] {strides = array<i32>} : memref<32x128xf32, #tpu.memory_space<vmem>>, vector<1x16xf32>,
      %get3A_758 = vector.shape_cast %get3A_757 : vector<1x16xf32> to vector<16xf32>
      %mul3A_759 = arith.mulf %get3A_758, %get3A_24 : vector<16xf32>
      %add3A_760 = arith.addf %add3A_753, %mul3A_759 : vector<16xf32>
      %get3A_761 = arith.constant 6 : i32
      %get3A_762 = arith.index_cast %get3A_761 : i32 to index
      %get3A_763 = arith.constant 64 : index
      %get3A_764 = tpu.vector_load %arg7[%get3A_762, %get3A_763] {strides = array<i32>} : memref<32x128xf32, #tpu.memory_space<vmem>>, vector<1x16xf32>,
      %get3A_765 = vector.shape_cast %get3A_764 : vector<1x16xf32> to vector<16xf32>
      %mul3A_766 = arith.mulf %get3A_765, %get3A_29 : vector<16xf32>
      %add3A_767 = arith.addf %add3A_760, %mul3A_766 : vector<16xf32>
      %get3A_768 = arith.constant 6 : i32
      %get3A_769 = arith.index_cast %get3A_768 : i32 to index
      %get3A_770 = arith.constant 80 : index
      %get3A_771 = tpu.vector_load %arg7[%get3A_769, %get3A_770] {strides = array<i32>} : memref<32x128xf32, #tpu.memory_space<vmem>>, vector<1x16xf32>,
      %get3A_772 = vector.shape_cast %get3A_771 : vector<1x16xf32> to vector<16xf32>
      %mul3A_773 = arith.mulf %get3A_772, %get3A_34 : vector<16xf32>
      %add3A_774 = arith.addf %add3A_767, %mul3A_773 : vector<16xf32>
      %get3A_775 = arith.constant 6 : i32
      %get3A_776 = arith.index_cast %get3A_775 : i32 to index
      %get3A_777 = arith.constant 96 : index
      %get3A_778 = tpu.vector_load %arg7[%get3A_776, %get3A_777] {strides = array<i32>} : memref<32x128xf32, #tpu.memory_space<vmem>>, vector<1x16xf32>,
      %get3A_779 = vector.shape_cast %get3A_778 : vector<1x16xf32> to vector<16xf32>
      %mul3A_780 = arith.mulf %get3A_779, %get3A_39 : vector<16xf32>
      %add3A_781 = arith.addf %add3A_774, %mul3A_780 : vector<16xf32>
      %get3A_782 = arith.constant 6 : i32
      %get3A_783 = arith.index_cast %get3A_782 : i32 to index
      %get3A_784 = arith.constant 112 : index
      %get3A_785 = tpu.vector_load %arg7[%get3A_783, %get3A_784] {strides = array<i32>} : memref<32x128xf32, #tpu.memory_space<vmem>>, vector<1x16xf32>,
      %get3A_786 = vector.shape_cast %get3A_785 : vector<1x16xf32> to vector<16xf32>
      %mul3A_787 = arith.mulf %get3A_786, %get3A_44 : vector<16xf32>
      %add3A_788 = arith.addf %add3A_781, %mul3A_787 : vector<16xf32>
      %eq3A_789 = arith.constant 6 : i32
      %eq3A_790 = vector.broadcast %eq3A_789 : i32 to vector<16xi32>
      %eq3A_791 = arith.cmpi eq, %iota3A, %eq3A_790 : vector<16xi32>
      %xor3A_792 = arith.constant 8 : i32
      %xor3A_793 = vector.broadcast %xor3A_792 : i32 to vector<16xi32>
      %xor3A_794 = arith.xori %iota3A, %xor3A_793 : vector<16xi32>
      %lt3A_795 = arith.constant 0 : i32
      %lt3A_796 = vector.broadcast %lt3A_795 : i32 to vector<16xi32>
      %lt3A_797 = arith.cmpi slt, %xor3A_794, %lt3A_796 : vector<16xi32>
      %add3A_798 = arith.constant 16 : i32
      %add3A_799 = vector.broadcast %add3A_798 : i32 to vector<16xi32>
      %add3A_800 = arith.addi %xor3A_794, %add3A_799 : vector<16xi32>
      %select_n3A_801 = arith.select %lt3A_797, %add3A_800, %xor3A_794 : vector<16xi1>, vector<16xi32>
      %broadcast_in_dim3A_802 = vector.shape_cast %select_n3A_801 : vector<16xi32> to vector<16x1xi32>
      %gather3A_803 = vector.shape_cast %broadcast_in_dim3A_802 : vector<16x1xi32> to vector<16xi32>
      %gather3A_804 = tpu.dynamic_gather %add3A_788[%gather3A_803] in [0] : vector<16xf32>, vector<16xi32> -> vector<16xf32>
      %add3A_805 = arith.addf %add3A_788, %gather3A_804 : vector<16xf32>
      %xor3A_806 = arith.constant 4 : i32
      %xor3A_807 = vector.broadcast %xor3A_806 : i32 to vector<16xi32>
      %xor3A_808 = arith.xori %iota3A, %xor3A_807 : vector<16xi32>
      %lt3A_809 = arith.constant 0 : i32
      %lt3A_810 = vector.broadcast %lt3A_809 : i32 to vector<16xi32>
      %lt3A_811 = arith.cmpi slt, %xor3A_808, %lt3A_810 : vector<16xi32>
      %add3A_812 = arith.constant 16 : i32
      %add3A_813 = vector.broadcast %add3A_812 : i32 to vector<16xi32>
      %add3A_814 = arith.addi %xor3A_808, %add3A_813 : vector<16xi32>
      %select_n3A_815 = arith.select %lt3A_811, %add3A_814, %xor3A_808 : vector<16xi1>, vector<16xi32>
      %broadcast_in_dim3A_816 = vector.shape_cast %select_n3A_815 : vector<16xi32> to vector<16x1xi32>
      %gather3A_817 = vector.shape_cast %broadcast_in_dim3A_816 : vector<16x1xi32> to vector<16xi32>
      %gather3A_818 = tpu.dynamic_gather %add3A_805[%gather3A_817] in [0] : vector<16xf32>, vector<16xi32> -> vector<16xf32>
      %add3A_819 = arith.addf %add3A_805, %gather3A_818 : vector<16xf32>
      %xor3A_820 = arith.constant 2 : i32
      %xor3A_821 = vector.broadcast %xor3A_820 : i32 to vector<16xi32>
      %xor3A_822 = arith.xori %iota3A, %xor3A_821 : vector<16xi32>
      %lt3A_823 = arith.constant 0 : i32
      %lt3A_824 = vector.broadcast %lt3A_823 : i32 to vector<16xi32>
      %lt3A_825 = arith.cmpi slt, %xor3A_822, %lt3A_824 : vector<16xi32>
      %add3A_826 = arith.constant 16 : i32
      %add3A_827 = vector.broadcast %add3A_826 : i32 to vector<16xi32>
      %add3A_828 = arith.addi %xor3A_822, %add3A_827 : vector<16xi32>
      %select_n3A_829 = arith.select %lt3A_825, %add3A_828, %xor3A_822 : vector<16xi1>, vector<16xi32>
      %broadcast_in_dim3A_830 = vector.shape_cast %select_n3A_829 : vector<16xi32> to vector<16x1xi32>
      %gather3A_831 = vector.shape_cast %broadcast_in_dim3A_830 : vector<16x1xi32> to vector<16xi32>
      %gather3A_832 = tpu.dynamic_gather %add3A_819[%gather3A_831] in [0] : vector<16xf32>, vector<16xi32> -> vector<16xf32>
      %add3A_833 = arith.addf %add3A_819, %gather3A_832 : vector<16xf32>
      %xor3A_834 = arith.constant 1 : i32
      %xor3A_835 = vector.broadcast %xor3A_834 : i32 to vector<16xi32>
      %xor3A_836 = arith.xori %iota3A, %xor3A_835 : vector<16xi32>
      %lt3A_837 = arith.constant 0 : i32
      %lt3A_838 = vector.broadcast %lt3A_837 : i32 to vector<16xi32>
      %lt3A_839 = arith.cmpi slt, %xor3A_836, %lt3A_838 : vector<16xi32>
      %add3A_840 = arith.constant 16 : i32
      %add3A_841 = vector.broadcast %add3A_840 : i32 to vector<16xi32>
      %add3A_842 = arith.addi %xor3A_836, %add3A_841 : vector<16xi32>
      %select_n3A_843 = arith.select %lt3A_839, %add3A_842, %xor3A_836 : vector<16xi1>, vector<16xi32>
      %broadcast_in_dim3A_844 = vector.shape_cast %select_n3A_843 : vector<16xi32> to vector<16x1xi32>
      %gather3A_845 = vector.shape_cast %broadcast_in_dim3A_844 : vector<16x1xi32> to vector<16xi32>
      %gather3A_846 = tpu.dynamic_gather %add3A_833[%gather3A_845] in [0] : vector<16xf32>, vector<16xi32> -> vector<16xf32>
      %add3A_847 = arith.addf %add3A_833, %gather3A_846 : vector<16xf32>
      %select_n3A_848 = arith.select %eq3A_791, %add3A_847, %select_n3A_733 : vector<16xi1>, vector<16xf32>
      %get3A_849 = arith.constant 7 : i32
      %get3A_850 = arith.index_cast %get3A_849 : i32 to index
      %get3A_851 = arith.constant 0 : index
      %get3A_852 = tpu.vector_load %arg7[%get3A_850, %get3A_851] {strides = array<i32>} : memref<32x128xf32, #tpu.memory_space<vmem>>, vector<1x16xf32>,
      %get3A_853 = vector.shape_cast %get3A_852 : vector<1x16xf32> to vector<16xf32>
      %mul3A_854 = arith.mulf %get3A_853, %get3A_9 : vector<16xf32>
      %get3A_855 = arith.constant 7 : i32
      %get3A_856 = arith.index_cast %get3A_855 : i32 to index
      %get3A_857 = arith.constant 16 : index
      %get3A_858 = tpu.vector_load %arg7[%get3A_856, %get3A_857] {strides = array<i32>} : memref<32x128xf32, #tpu.memory_space<vmem>>, vector<1x16xf32>,
      %get3A_859 = vector.shape_cast %get3A_858 : vector<1x16xf32> to vector<16xf32>
      %mul3A_860 = arith.mulf %get3A_859, %get3A_14 : vector<16xf32>
      %add3A_861 = arith.addf %mul3A_854, %mul3A_860 : vector<16xf32>
      %get3A_862 = arith.constant 7 : i32
      %get3A_863 = arith.index_cast %get3A_862 : i32 to index
      %get3A_864 = arith.constant 32 : index
      %get3A_865 = tpu.vector_load %arg7[%get3A_863, %get3A_864] {strides = array<i32>} : memref<32x128xf32, #tpu.memory_space<vmem>>, vector<1x16xf32>,
      %get3A_866 = vector.shape_cast %get3A_865 : vector<1x16xf32> to vector<16xf32>
      %mul3A_867 = arith.mulf %get3A_866, %get3A_19 : vector<16xf32>
      %add3A_868 = arith.addf %add3A_861, %mul3A_867 : vector<16xf32>
      %get3A_869 = arith.constant 7 : i32
      %get3A_870 = arith.index_cast %get3A_869 : i32 to index
      %get3A_871 = arith.constant 48 : index
      %get3A_872 = tpu.vector_load %arg7[%get3A_870, %get3A_871] {strides = array<i32>} : memref<32x128xf32, #tpu.memory_space<vmem>>, vector<1x16xf32>,
      %get3A_873 = vector.shape_cast %get3A_872 : vector<1x16xf32> to vector<16xf32>
      %mul3A_874 = arith.mulf %get3A_873, %get3A_24 : vector<16xf32>
      %add3A_875 = arith.addf %add3A_868, %mul3A_874 : vector<16xf32>
      %get3A_876 = arith.constant 7 : i32
      %get3A_877 = arith.index_cast %get3A_876 : i32 to index
      %get3A_878 = arith.constant 64 : index
      %get3A_879 = tpu.vector_load %arg7[%get3A_877, %get3A_878] {strides = array<i32>} : memref<32x128xf32, #tpu.memory_space<vmem>>, vector<1x16xf32>,
      %get3A_880 = vector.shape_cast %get3A_879 : vector<1x16xf32> to vector<16xf32>
      %mul3A_881 = arith.mulf %get3A_880, %get3A_29 : vector<16xf32>
      %add3A_882 = arith.addf %add3A_875, %mul3A_881 : vector<16xf32>
      %get3A_883 = arith.constant 7 : i32
      %get3A_884 = arith.index_cast %get3A_883 : i32 to index
      %get3A_885 = arith.constant 80 : index
      %get3A_886 = tpu.vector_load %arg7[%get3A_884, %get3A_885] {strides = array<i32>} : memref<32x128xf32, #tpu.memory_space<vmem>>, vector<1x16xf32>,
      %get3A_887 = vector.shape_cast %get3A_886 : vector<1x16xf32> to vector<16xf32>
      %mul3A_888 = arith.mulf %get3A_887, %get3A_34 : vector<16xf32>
      %add3A_889 = arith.addf %add3A_882, %mul3A_888 : vector<16xf32>
      %get3A_890 = arith.constant 7 : i32
      %get3A_891 = arith.index_cast %get3A_890 : i32 to index
      %get3A_892 = arith.constant 96 : index
      %get3A_893 = tpu.vector_load %arg7[%get3A_891, %get3A_892] {strides = array<i32>} : memref<32x128xf32, #tpu.memory_space<vmem>>, vector<1x16xf32>,
      %get3A_894 = vector.shape_cast %get3A_893 : vector<1x16xf32> to vector<16xf32>
      %mul3A_895 = arith.mulf %get3A_894, %get3A_39 : vector<16xf32>
      %add3A_896 = arith.addf %add3A_889, %mul3A_895 : vector<16xf32>
      %get3A_897 = arith.constant 7 : i32
      %get3A_898 = arith.index_cast %get3A_897 : i32 to index
      %get3A_899 = arith.constant 112 : index
      %get3A_900 = tpu.vector_load %arg7[%get3A_898, %get3A_899] {strides = array<i32>} : memref<32x128xf32, #tpu.memory_space<vmem>>, vector<1x16xf32>,
      %get3A_901 = vector.shape_cast %get3A_900 : vector<1x16xf32> to vector<16xf32>
      %mul3A_902 = arith.mulf %get3A_901, %get3A_44 : vector<16xf32>
      %add3A_903 = arith.addf %add3A_896, %mul3A_902 : vector<16xf32>
      %eq3A_904 = arith.constant 7 : i32
      %eq3A_905 = vector.broadcast %eq3A_904 : i32 to vector<16xi32>
      %eq3A_906 = arith.cmpi eq, %iota3A, %eq3A_905 : vector<16xi32>
      %xor3A_907 = arith.constant 8 : i32
      %xor3A_908 = vector.broadcast %xor3A_907 : i32 to vector<16xi32>
      %xor3A_909 = arith.xori %iota3A, %xor3A_908 : vector<16xi32>
      %lt3A_910 = arith.constant 0 : i32
      %lt3A_911 = vector.broadcast %lt3A_910 : i32 to vector<16xi32>
      %lt3A_912 = arith.cmpi slt, %xor3A_909, %lt3A_911 : vector<16xi32>
      %add3A_913 = arith.constant 16 : i32
      %add3A_914 = vector.broadcast %add3A_913 : i32 to vector<16xi32>
      %add3A_915 = arith.addi %xor3A_909, %add3A_914 : vector<16xi32>
      %select_n3A_916 = arith.select %lt3A_912, %add3A_915, %xor3A_909 : vector<16xi1>, vector<16xi32>
      %broadcast_in_dim3A_917 = vector.shape_cast %select_n3A_916 : vector<16xi32> to vector<16x1xi32>
      %gather3A_918 = vector.shape_cast %broadcast_in_dim3A_917 : vector<16x1xi32> to vector<16xi32>
      %gather3A_919 = tpu.dynamic_gather %add3A_903[%gather3A_918] in [0] : vector<16xf32>, vector<16xi32> -> vector<16xf32>
      %add3A_920 = arith.addf %add3A_903, %gather3A_919 : vector<16xf32>
      %xor3A_921 = arith.constant 4 : i32
      %xor3A_922 = vector.broadcast %xor3A_921 : i32 to vector<16xi32>
      %xor3A_923 = arith.xori %iota3A, %xor3A_922 : vector<16xi32>
      %lt3A_924 = arith.constant 0 : i32
      %lt3A_925 = vector.broadcast %lt3A_924 : i32 to vector<16xi32>
      %lt3A_926 = arith.cmpi slt, %xor3A_923, %lt3A_925 : vector<16xi32>
      %add3A_927 = arith.constant 16 : i32
      %add3A_928 = vector.broadcast %add3A_927 : i32 to vector<16xi32>
      %add3A_929 = arith.addi %xor3A_923, %add3A_928 : vector<16xi32>
      %select_n3A_930 = arith.select %lt3A_926, %add3A_929, %xor3A_923 : vector<16xi1>, vector<16xi32>
      %broadcast_in_dim3A_931 = vector.shape_cast %select_n3A_930 : vector<16xi32> to vector<16x1xi32>
      %gather3A_932 = vector.shape_cast %broadcast_in_dim3A_931 : vector<16x1xi32> to vector<16xi32>
      %gather3A_933 = tpu.dynamic_gather %add3A_920[%gather3A_932] in [0] : vector<16xf32>, vector<16xi32> -> vector<16xf32>
      %add3A_934 = arith.addf %add3A_920, %gather3A_933 : vector<16xf32>
      %xor3A_935 = arith.constant 2 : i32
      %xor3A_936 = vector.broadcast %xor3A_935 : i32 to vector<16xi32>
      %xor3A_937 = arith.xori %iota3A, %xor3A_936 : vector<16xi32>
      %lt3A_938 = arith.constant 0 : i32
      %lt3A_939 = vector.broadcast %lt3A_938 : i32 to vector<16xi32>
      %lt3A_940 = arith.cmpi slt, %xor3A_937, %lt3A_939 : vector<16xi32>
      %add3A_941 = arith.constant 16 : i32
      %add3A_942 = vector.broadcast %add3A_941 : i32 to vector<16xi32>
      %add3A_943 = arith.addi %xor3A_937, %add3A_942 : vector<16xi32>
      %select_n3A_944 = arith.select %lt3A_940, %add3A_943, %xor3A_937 : vector<16xi1>, vector<16xi32>
      %broadcast_in_dim3A_945 = vector.shape_cast %select_n3A_944 : vector<16xi32> to vector<16x1xi32>
      %gather3A_946 = vector.shape_cast %broadcast_in_dim3A_945 : vector<16x1xi32> to vector<16xi32>
      %gather3A_947 = tpu.dynamic_gather %add3A_934[%gather3A_946] in [0] : vector<16xf32>, vector<16xi32> -> vector<16xf32>
      %add3A_948 = arith.addf %add3A_934, %gather3A_947 : vector<16xf32>
      %xor3A_949 = arith.constant 1 : i32
      %xor3A_950 = vector.broadcast %xor3A_949 : i32 to vector<16xi32>
      %xor3A_951 = arith.xori %iota3A, %xor3A_950 : vector<16xi32>
      %lt3A_952 = arith.constant 0 : i32
      %lt3A_953 = vector.broadcast %lt3A_952 : i32 to vector<16xi32>
      %lt3A_954 = arith.cmpi slt, %xor3A_951, %lt3A_953 : vector<16xi32>
      %add3A_955 = arith.constant 16 : i32
      %add3A_956 = vector.broadcast %add3A_955 : i32 to vector<16xi32>
      %add3A_957 = arith.addi %xor3A_951, %add3A_956 : vector<16xi32>
      %select_n3A_958 = arith.select %lt3A_954, %add3A_957, %xor3A_951 : vector<16xi1>, vector<16xi32>
      %broadcast_in_dim3A_959 = vector.shape_cast %select_n3A_958 : vector<16xi32> to vector<16x1xi32>
      %gather3A_960 = vector.shape_cast %broadcast_in_dim3A_959 : vector<16x1xi32> to vector<16xi32>
      %gather3A_961 = tpu.dynamic_gather %add3A_948[%gather3A_960] in [0] : vector<16xf32>, vector<16xi32> -> vector<16xf32>
      %add3A_962 = arith.addf %add3A_948, %gather3A_961 : vector<16xf32>
      %select_n3A_963 = arith.select %eq3A_906, %add3A_962, %select_n3A_848 : vector<16xi1>, vector<16xf32>
      %get3A_964 = arith.constant 8 : i32
      %get3A_965 = arith.index_cast %get3A_964 : i32 to index
      %get3A_966 = arith.constant 0 : index
      %get3A_967 = tpu.vector_load %arg7[%get3A_965, %get3A_966] {strides = array<i32>} : memref<32x128xf32, #tpu.memory_space<vmem>>, vector<1x16xf32>,
      %get3A_968 = vector.shape_cast %get3A_967 : vector<1x16xf32> to vector<16xf32>
      %mul3A_969 = arith.mulf %get3A_968, %get3A_9 : vector<16xf32>
      %get3A_970 = arith.constant 8 : i32
      %get3A_971 = arith.index_cast %get3A_970 : i32 to index
      %get3A_972 = arith.constant 16 : index
      %get3A_973 = tpu.vector_load %arg7[%get3A_971, %get3A_972] {strides = array<i32>} : memref<32x128xf32, #tpu.memory_space<vmem>>, vector<1x16xf32>,
      %get3A_974 = vector.shape_cast %get3A_973 : vector<1x16xf32> to vector<16xf32>
      %mul3A_975 = arith.mulf %get3A_974, %get3A_14 : vector<16xf32>
      %add3A_976 = arith.addf %mul3A_969, %mul3A_975 : vector<16xf32>
      %get3A_977 = arith.constant 8 : i32
      %get3A_978 = arith.index_cast %get3A_977 : i32 to index
      %get3A_979 = arith.constant 32 : index
      %get3A_980 = tpu.vector_load %arg7[%get3A_978, %get3A_979] {strides = array<i32>} : memref<32x128xf32, #tpu.memory_space<vmem>>, vector<1x16xf32>,
      %get3A_981 = vector.shape_cast %get3A_980 : vector<1x16xf32> to vector<16xf32>
      %mul3A_982 = arith.mulf %get3A_981, %get3A_19 : vector<16xf32>
      %add3A_983 = arith.addf %add3A_976, %mul3A_982 : vector<16xf32>
      %get3A_984 = arith.constant 8 : i32
      %get3A_985 = arith.index_cast %get3A_984 : i32 to index
      %get3A_986 = arith.constant 48 : index
      %get3A_987 = tpu.vector_load %arg7[%get3A_985, %get3A_986] {strides = array<i32>} : memref<32x128xf32, #tpu.memory_space<vmem>>, vector<1x16xf32>,
      %get3A_988 = vector.shape_cast %get3A_987 : vector<1x16xf32> to vector<16xf32>
      %mul3A_989 = arith.mulf %get3A_988, %get3A_24 : vector<16xf32>
      %add3A_990 = arith.addf %add3A_983, %mul3A_989 : vector<16xf32>
      %get3A_991 = arith.constant 8 : i32
      %get3A_992 = arith.index_cast %get3A_991 : i32 to index
      %get3A_993 = arith.constant 64 : index
      %get3A_994 = tpu.vector_load %arg7[%get3A_992, %get3A_993] {strides = array<i32>} : memref<32x128xf32, #tpu.memory_space<vmem>>, vector<1x16xf32>,
      %get3A_995 = vector.shape_cast %get3A_994 : vector<1x16xf32> to vector<16xf32>
      %mul3A_996 = arith.mulf %get3A_995, %get3A_29 : vector<16xf32>
      %add3A_997 = arith.addf %add3A_990, %mul3A_996 : vector<16xf32>
      %get3A_998 = arith.constant 8 : i32
      %get3A_999 = arith.index_cast %get3A_998 : i32 to index
      %get3A_1000 = arith.constant 80 : index
      %get3A_1001 = tpu.vector_load %arg7[%get3A_999, %get3A_1000] {strides = array<i32>} : memref<32x128xf32, #tpu.memory_space<vmem>>, vector<1x16xf32>,
      %get3A_1002 = vector.shape_cast %get3A_1001 : vector<1x16xf32> to vector<16xf32>
      %mul3A_1003 = arith.mulf %get3A_1002, %get3A_34 : vector<16xf32>
      %add3A_1004 = arith.addf %add3A_997, %mul3A_1003 : vector<16xf32>
      %get3A_1005 = arith.constant 8 : i32
      %get3A_1006 = arith.index_cast %get3A_1005 : i32 to index
      %get3A_1007 = arith.constant 96 : index
      %get3A_1008 = tpu.vector_load %arg7[%get3A_1006, %get3A_1007] {strides = array<i32>} : memref<32x128xf32, #tpu.memory_space<vmem>>, vector<1x16xf32>,
      %get3A_1009 = vector.shape_cast %get3A_1008 : vector<1x16xf32> to vector<16xf32>
      %mul3A_1010 = arith.mulf %get3A_1009, %get3A_39 : vector<16xf32>
      %add3A_1011 = arith.addf %add3A_1004, %mul3A_1010 : vector<16xf32>
      %get3A_1012 = arith.constant 8 : i32
      %get3A_1013 = arith.index_cast %get3A_1012 : i32 to index
      %get3A_1014 = arith.constant 112 : index
      %get3A_1015 = tpu.vector_load %arg7[%get3A_1013, %get3A_1014] {strides = array<i32>} : memref<32x128xf32, #tpu.memory_space<vmem>>, vector<1x16xf32>,
      %get3A_1016 = vector.shape_cast %get3A_1015 : vector<1x16xf32> to vector<16xf32>
      %mul3A_1017 = arith.mulf %get3A_1016, %get3A_44 : vector<16xf32>
      %add3A_1018 = arith.addf %add3A_1011, %mul3A_1017 : vector<16xf32>
      %eq3A_1019 = arith.constant 8 : i32
      %eq3A_1020 = vector.broadcast %eq3A_1019 : i32 to vector<16xi32>
      %eq3A_1021 = arith.cmpi eq, %iota3A, %eq3A_1020 : vector<16xi32>
      %xor3A_1022 = arith.constant 8 : i32
      %xor3A_1023 = vector.broadcast %xor3A_1022 : i32 to vector<16xi32>
      %xor3A_1024 = arith.xori %iota3A, %xor3A_1023 : vector<16xi32>
      %lt3A_1025 = arith.constant 0 : i32
      %lt3A_1026 = vector.broadcast %lt3A_1025 : i32 to vector<16xi32>
      %lt3A_1027 = arith.cmpi slt, %xor3A_1024, %lt3A_1026 : vector<16xi32>
      %add3A_1028 = arith.constant 16 : i32
      %add3A_1029 = vector.broadcast %add3A_1028 : i32 to vector<16xi32>
      %add3A_1030 = arith.addi %xor3A_1024, %add3A_1029 : vector<16xi32>
      %select_n3A_1031 = arith.select %lt3A_1027, %add3A_1030, %xor3A_1024 : vector<16xi1>, vector<16xi32>
      %broadcast_in_dim3A_1032 = vector.shape_cast %select_n3A_1031 : vector<16xi32> to vector<16x1xi32>
      %gather3A_1033 = vector.shape_cast %broadcast_in_dim3A_1032 : vector<16x1xi32> to vector<16xi32>
      %gather3A_1034 = tpu.dynamic_gather %add3A_1018[%gather3A_1033] in [0] : vector<16xf32>, vector<16xi32> -> vector<16xf32>
      %add3A_1035 = arith.addf %add3A_1018, %gather3A_1034 : vector<16xf32>
      %xor3A_1036 = arith.constant 4 : i32
      %xor3A_1037 = vector.broadcast %xor3A_1036 : i32 to vector<16xi32>
      %xor3A_1038 = arith.xori %iota3A, %xor3A_1037 : vector<16xi32>
      %lt3A_1039 = arith.constant 0 : i32
      %lt3A_1040 = vector.broadcast %lt3A_1039 : i32 to vector<16xi32>
      %lt3A_1041 = arith.cmpi slt, %xor3A_1038, %lt3A_1040 : vector<16xi32>
      %add3A_1042 = arith.constant 16 : i32
      %add3A_1043 = vector.broadcast %add3A_1042 : i32 to vector<16xi32>
      %add3A_1044 = arith.addi %xor3A_1038, %add3A_1043 : vector<16xi32>
      %select_n3A_1045 = arith.select %lt3A_1041, %add3A_1044, %xor3A_1038 : vector<16xi1>, vector<16xi32>
      %broadcast_in_dim3A_1046 = vector.shape_cast %select_n3A_1045 : vector<16xi32> to vector<16x1xi32>
      %gather3A_1047 = vector.shape_cast %broadcast_in_dim3A_1046 : vector<16x1xi32> to vector<16xi32>
      %gather3A_1048 = tpu.dynamic_gather %add3A_1035[%gather3A_1047] in [0] : vector<16xf32>, vector<16xi32> -> vector<16xf32>
      %add3A_1049 = arith.addf %add3A_1035, %gather3A_1048 : vector<16xf32>
      %xor3A_1050 = arith.constant 2 : i32
      %xor3A_1051 = vector.broadcast %xor3A_1050 : i32 to vector<16xi32>
      %xor3A_1052 = arith.xori %iota3A, %xor3A_1051 : vector<16xi32>
      %lt3A_1053 = arith.constant 0 : i32
      %lt3A_1054 = vector.broadcast %lt3A_1053 : i32 to vector<16xi32>
      %lt3A_1055 = arith.cmpi slt, %xor3A_1052, %lt3A_1054 : vector<16xi32>
      %add3A_1056 = arith.constant 16 : i32
      %add3A_1057 = vector.broadcast %add3A_1056 : i32 to vector<16xi32>
      %add3A_1058 = arith.addi %xor3A_1052, %add3A_1057 : vector<16xi32>
      %select_n3A_1059 = arith.select %lt3A_1055, %add3A_1058, %xor3A_1052 : vector<16xi1>, vector<16xi32>
      %broadcast_in_dim3A_1060 = vector.shape_cast %select_n3A_1059 : vector<16xi32> to vector<16x1xi32>
      %gather3A_1061 = vector.shape_cast %broadcast_in_dim3A_1060 : vector<16x1xi32> to vector<16xi32>
      %gather3A_1062 = tpu.dynamic_gather %add3A_1049[%gather3A_1061] in [0] : vector<16xf32>, vector<16xi32> -> vector<16xf32>
      %add3A_1063 = arith.addf %add3A_1049, %gather3A_1062 : vector<16xf32>
      %xor3A_1064 = arith.constant 1 : i32
      %xor3A_1065 = vector.broadcast %xor3A_1064 : i32 to vector<16xi32>
      %xor3A_1066 = arith.xori %iota3A, %xor3A_1065 : vector<16xi32>
      %lt3A_1067 = arith.constant 0 : i32
      %lt3A_1068 = vector.broadcast %lt3A_1067 : i32 to vector<16xi32>
      %lt3A_1069 = arith.cmpi slt, %xor3A_1066, %lt3A_1068 : vector<16xi32>
      %add3A_1070 = arith.constant 16 : i32
      %add3A_1071 = vector.broadcast %add3A_1070 : i32 to vector<16xi32>
      %add3A_1072 = arith.addi %xor3A_1066, %add3A_1071 : vector<16xi32>
      %select_n3A_1073 = arith.select %lt3A_1069, %add3A_1072, %xor3A_1066 : vector<16xi1>, vector<16xi32>
      %broadcast_in_dim3A_1074 = vector.shape_cast %select_n3A_1073 : vector<16xi32> to vector<16x1xi32>
      %gather3A_1075 = vector.shape_cast %broadcast_in_dim3A_1074 : vector<16x1xi32> to vector<16xi32>
      %gather3A_1076 = tpu.dynamic_gather %add3A_1063[%gather3A_1075] in [0] : vector<16xf32>, vector<16xi32> -> vector<16xf32>
      %add3A_1077 = arith.addf %add3A_1063, %gather3A_1076 : vector<16xf32>
      %select_n3A_1078 = arith.select %eq3A_1021, %add3A_1077, %select_n3A_963 : vector<16xi1>, vector<16xf32>
      %get3A_1079 = arith.constant 9 : i32
      %get3A_1080 = arith.index_cast %get3A_1079 : i32 to index
      %get3A_1081 = arith.constant 0 : index
      %get3A_1082 = tpu.vector_load %arg7[%get3A_1080, %get3A_1081] {strides = array<i32>} : memref<32x128xf32, #tpu.memory_space<vmem>>, vector<1x16xf32>,
      %get3A_1083 = vector.shape_cast %get3A_1082 : vector<1x16xf32> to vector<16xf32>
      %mul3A_1084 = arith.mulf %get3A_1083, %get3A_9 : vector<16xf32>
      %get3A_1085 = arith.constant 9 : i32
      %get3A_1086 = arith.index_cast %get3A_1085 : i32 to index
      %get3A_1087 = arith.constant 16 : index
      %get3A_1088 = tpu.vector_load %arg7[%get3A_1086, %get3A_1087] {strides = array<i32>} : memref<32x128xf32, #tpu.memory_space<vmem>>, vector<1x16xf32>,
      %get3A_1089 = vector.shape_cast %get3A_1088 : vector<1x16xf32> to vector<16xf32>
      %mul3A_1090 = arith.mulf %get3A_1089, %get3A_14 : vector<16xf32>
      %add3A_1091 = arith.addf %mul3A_1084, %mul3A_1090 : vector<16xf32>
      %get3A_1092 = arith.constant 9 : i32
      %get3A_1093 = arith.index_cast %get3A_1092 : i32 to index
      %get3A_1094 = arith.constant 32 : index
      %get3A_1095 = tpu.vector_load %arg7[%get3A_1093, %get3A_1094] {strides = array<i32>} : memref<32x128xf32, #tpu.memory_space<vmem>>, vector<1x16xf32>,
      %get3A_1096 = vector.shape_cast %get3A_1095 : vector<1x16xf32> to vector<16xf32>
      %mul3A_1097 = arith.mulf %get3A_1096, %get3A_19 : vector<16xf32>
      %add3A_1098 = arith.addf %add3A_1091, %mul3A_1097 : vector<16xf32>
      %get3A_1099 = arith.constant 9 : i32
      %get3A_1100 = arith.index_cast %get3A_1099 : i32 to index
      %get3A_1101 = arith.constant 48 : index
      %get3A_1102 = tpu.vector_load %arg7[%get3A_1100, %get3A_1101] {strides = array<i32>} : memref<32x128xf32, #tpu.memory_space<vmem>>, vector<1x16xf32>,
      %get3A_1103 = vector.shape_cast %get3A_1102 : vector<1x16xf32> to vector<16xf32>
      %mul3A_1104 = arith.mulf %get3A_1103, %get3A_24 : vector<16xf32>
      %add3A_1105 = arith.addf %add3A_1098, %mul3A_1104 : vector<16xf32>
      %get3A_1106 = arith.constant 9 : i32
      %get3A_1107 = arith.index_cast %get3A_1106 : i32 to index
      %get3A_1108 = arith.constant 64 : index
      %get3A_1109 = tpu.vector_load %arg7[%get3A_1107, %get3A_1108] {strides = array<i32>} : memref<32x128xf32, #tpu.memory_space<vmem>>, vector<1x16xf32>,
      %get3A_1110 = vector.shape_cast %get3A_1109 : vector<1x16xf32> to vector<16xf32>
      %mul3A_1111 = arith.mulf %get3A_1110, %get3A_29 : vector<16xf32>
      %add3A_1112 = arith.addf %add3A_1105, %mul3A_1111 : vector<16xf32>
      %get3A_1113 = arith.constant 9 : i32
      %get3A_1114 = arith.index_cast %get3A_1113 : i32 to index
      %get3A_1115 = arith.constant 80 : index
      %get3A_1116 = tpu.vector_load %arg7[%get3A_1114, %get3A_1115] {strides = array<i32>} : memref<32x128xf32, #tpu.memory_space<vmem>>, vector<1x16xf32>,
      %get3A_1117 = vector.shape_cast %get3A_1116 : vector<1x16xf32> to vector<16xf32>
      %mul3A_1118 = arith.mulf %get3A_1117, %get3A_34 : vector<16xf32>
      %add3A_1119 = arith.addf %add3A_1112, %mul3A_1118 : vector<16xf32>
      %get3A_1120 = arith.constant 9 : i32
      %get3A_1121 = arith.index_cast %get3A_1120 : i32 to index
      %get3A_1122 = arith.constant 96 : index
      %get3A_1123 = tpu.vector_load %arg7[%get3A_1121, %get3A_1122] {strides = array<i32>} : memref<32x128xf32, #tpu.memory_space<vmem>>, vector<1x16xf32>,
      %get3A_1124 = vector.shape_cast %get3A_1123 : vector<1x16xf32> to vector<16xf32>
      %mul3A_1125 = arith.mulf %get3A_1124, %get3A_39 : vector<16xf32>
      %add3A_1126 = arith.addf %add3A_1119, %mul3A_1125 : vector<16xf32>
      %get3A_1127 = arith.constant 9 : i32
      %get3A_1128 = arith.index_cast %get3A_1127 : i32 to index
      %get3A_1129 = arith.constant 112 : index
      %get3A_1130 = tpu.vector_load %arg7[%get3A_1128, %get3A_1129] {strides = array<i32>} : memref<32x128xf32, #tpu.memory_space<vmem>>, vector<1x16xf32>,
      %get3A_1131 = vector.shape_cast %get3A_1130 : vector<1x16xf32> to vector<16xf32>
      %mul3A_1132 = arith.mulf %get3A_1131, %get3A_44 : vector<16xf32>
      %add3A_1133 = arith.addf %add3A_1126, %mul3A_1132 : vector<16xf32>
      %eq3A_1134 = arith.constant 9 : i32
      %eq3A_1135 = vector.broadcast %eq3A_1134 : i32 to vector<16xi32>
      %eq3A_1136 = arith.cmpi eq, %iota3A, %eq3A_1135 : vector<16xi32>
      %xor3A_1137 = arith.constant 8 : i32
      %xor3A_1138 = vector.broadcast %xor3A_1137 : i32 to vector<16xi32>
      %xor3A_1139 = arith.xori %iota3A, %xor3A_1138 : vector<16xi32>
      %lt3A_1140 = arith.constant 0 : i32
      %lt3A_1141 = vector.broadcast %lt3A_1140 : i32 to vector<16xi32>
      %lt3A_1142 = arith.cmpi slt, %xor3A_1139, %lt3A_1141 : vector<16xi32>
      %add3A_1143 = arith.constant 16 : i32
      %add3A_1144 = vector.broadcast %add3A_1143 : i32 to vector<16xi32>
      %add3A_1145 = arith.addi %xor3A_1139, %add3A_1144 : vector<16xi32>
      %select_n3A_1146 = arith.select %lt3A_1142, %add3A_1145, %xor3A_1139 : vector<16xi1>, vector<16xi32>
      %broadcast_in_dim3A_1147 = vector.shape_cast %select_n3A_1146 : vector<16xi32> to vector<16x1xi32>
      %gather3A_1148 = vector.shape_cast %broadcast_in_dim3A_1147 : vector<16x1xi32> to vector<16xi32>
      %gather3A_1149 = tpu.dynamic_gather %add3A_1133[%gather3A_1148] in [0] : vector<16xf32>, vector<16xi32> -> vector<16xf32>
      %add3A_1150 = arith.addf %add3A_1133, %gather3A_1149 : vector<16xf32>
      %xor3A_1151 = arith.constant 4 : i32
      %xor3A_1152 = vector.broadcast %xor3A_1151 : i32 to vector<16xi32>
      %xor3A_1153 = arith.xori %iota3A, %xor3A_1152 : vector<16xi32>
      %lt3A_1154 = arith.constant 0 : i32
      %lt3A_1155 = vector.broadcast %lt3A_1154 : i32 to vector<16xi32>
      %lt3A_1156 = arith.cmpi slt, %xor3A_1153, %lt3A_1155 : vector<16xi32>
      %add3A_1157 = arith.constant 16 : i32
      %add3A_1158 = vector.broadcast %add3A_1157 : i32 to vector<16xi32>
      %add3A_1159 = arith.addi %xor3A_1153, %add3A_1158 : vector<16xi32>
      %select_n3A_1160 = arith.select %lt3A_1156, %add3A_1159, %xor3A_1153 : vector<16xi1>, vector<16xi32>
      %broadcast_in_dim3A_1161 = vector.shape_cast %select_n3A_1160 : vector<16xi32> to vector<16x1xi32>
      %gather3A_1162 = vector.shape_cast %broadcast_in_dim3A_1161 : vector<16x1xi32> to vector<16xi32>
      %gather3A_1163 = tpu.dynamic_gather %add3A_1150[%gather3A_1162] in [0] : vector<16xf32>, vector<16xi32> -> vector<16xf32>
      %add3A_1164 = arith.addf %add3A_1150, %gather3A_1163 : vector<16xf32>
      %xor3A_1165 = arith.constant 2 : i32
      %xor3A_1166 = vector.broadcast %xor3A_1165 : i32 to vector<16xi32>
      %xor3A_1167 = arith.xori %iota3A, %xor3A_1166 : vector<16xi32>
      %lt3A_1168 = arith.constant 0 : i32
      %lt3A_1169 = vector.broadcast %lt3A_1168 : i32 to vector<16xi32>
      %lt3A_1170 = arith.cmpi slt, %xor3A_1167, %lt3A_1169 : vector<16xi32>
      %add3A_1171 = arith.constant 16 : i32
      %add3A_1172 = vector.broadcast %add3A_1171 : i32 to vector<16xi32>
      %add3A_1173 = arith.addi %xor3A_1167, %add3A_1172 : vector<16xi32>
      %select_n3A_1174 = arith.select %lt3A_1170, %add3A_1173, %xor3A_1167 : vector<16xi1>, vector<16xi32>
      %broadcast_in_dim3A_1175 = vector.shape_cast %select_n3A_1174 : vector<16xi32> to vector<16x1xi32>
      %gather3A_1176 = vector.shape_cast %broadcast_in_dim3A_1175 : vector<16x1xi32> to vector<16xi32>
      %gather3A_1177 = tpu.dynamic_gather %add3A_1164[%gather3A_1176] in [0] : vector<16xf32>, vector<16xi32> -> vector<16xf32>
      %add3A_1178 = arith.addf %add3A_1164, %gather3A_1177 : vector<16xf32>
      %xor3A_1179 = arith.constant 1 : i32
      %xor3A_1180 = vector.broadcast %xor3A_1179 : i32 to vector<16xi32>
      %xor3A_1181 = arith.xori %iota3A, %xor3A_1180 : vector<16xi32>
      %lt3A_1182 = arith.constant 0 : i32
      %lt3A_1183 = vector.broadcast %lt3A_1182 : i32 to vector<16xi32>
      %lt3A_1184 = arith.cmpi slt, %xor3A_1181, %lt3A_1183 : vector<16xi32>
      %add3A_1185 = arith.constant 16 : i32
      %add3A_1186 = vector.broadcast %add3A_1185 : i32 to vector<16xi32>
      %add3A_1187 = arith.addi %xor3A_1181, %add3A_1186 : vector<16xi32>
      %select_n3A_1188 = arith.select %lt3A_1184, %add3A_1187, %xor3A_1181 : vector<16xi1>, vector<16xi32>
      %broadcast_in_dim3A_1189 = vector.shape_cast %select_n3A_1188 : vector<16xi32> to vector<16x1xi32>
      %gather3A_1190 = vector.shape_cast %broadcast_in_dim3A_1189 : vector<16x1xi32> to vector<16xi32>
      %gather3A_1191 = tpu.dynamic_gather %add3A_1178[%gather3A_1190] in [0] : vector<16xf32>, vector<16xi32> -> vector<16xf32>
      %add3A_1192 = arith.addf %add3A_1178, %gather3A_1191 : vector<16xf32>
      %select_n3A_1193 = arith.select %eq3A_1136, %add3A_1192, %select_n3A_1078 : vector<16xi1>, vector<16xf32>
      %get3A_1194 = arith.constant 10 : i32
      %get3A_1195 = arith.index_cast %get3A_1194 : i32 to index
      %get3A_1196 = arith.constant 0 : index
      %get3A_1197 = tpu.vector_load %arg7[%get3A_1195, %get3A_1196] {strides = array<i32>} : memref<32x128xf32, #tpu.memory_space<vmem>>, vector<1x16xf32>,
      %get3A_1198 = vector.shape_cast %get3A_1197 : vector<1x16xf32> to vector<16xf32>
      %mul3A_1199 = arith.mulf %get3A_1198, %get3A_9 : vector<16xf32>
      %get3A_1200 = arith.constant 10 : i32
      %get3A_1201 = arith.index_cast %get3A_1200 : i32 to index
      %get3A_1202 = arith.constant 16 : index
      %get3A_1203 = tpu.vector_load %arg7[%get3A_1201, %get3A_1202] {strides = array<i32>} : memref<32x128xf32, #tpu.memory_space<vmem>>, vector<1x16xf32>,
      %get3A_1204 = vector.shape_cast %get3A_1203 : vector<1x16xf32> to vector<16xf32>
      %mul3A_1205 = arith.mulf %get3A_1204, %get3A_14 : vector<16xf32>
      %add3A_1206 = arith.addf %mul3A_1199, %mul3A_1205 : vector<16xf32>
      %get3A_1207 = arith.constant 10 : i32
      %get3A_1208 = arith.index_cast %get3A_1207 : i32 to index
      %get3A_1209 = arith.constant 32 : index
      %get3A_1210 = tpu.vector_load %arg7[%get3A_1208, %get3A_1209] {strides = array<i32>} : memref<32x128xf32, #tpu.memory_space<vmem>>, vector<1x16xf32>,
      %get3A_1211 = vector.shape_cast %get3A_1210 : vector<1x16xf32> to vector<16xf32>
      %mul3A_1212 = arith.mulf %get3A_1211, %get3A_19 : vector<16xf32>
      %add3A_1213 = arith.addf %add3A_1206, %mul3A_1212 : vector<16xf32>
      %get3A_1214 = arith.constant 10 : i32
      %get3A_1215 = arith.index_cast %get3A_1214 : i32 to index
      %get3A_1216 = arith.constant 48 : index
      %get3A_1217 = tpu.vector_load %arg7[%get3A_1215, %get3A_1216] {strides = array<i32>} : memref<32x128xf32, #tpu.memory_space<vmem>>, vector<1x16xf32>,
      %get3A_1218 = vector.shape_cast %get3A_1217 : vector<1x16xf32> to vector<16xf32>
      %mul3A_1219 = arith.mulf %get3A_1218, %get3A_24 : vector<16xf32>
      %add3A_1220 = arith.addf %add3A_1213, %mul3A_1219 : vector<16xf32>
      %get3A_1221 = arith.constant 10 : i32
      %get3A_1222 = arith.index_cast %get3A_1221 : i32 to index
      %get3A_1223 = arith.constant 64 : index
      %get3A_1224 = tpu.vector_load %arg7[%get3A_1222, %get3A_1223] {strides = array<i32>} : memref<32x128xf32, #tpu.memory_space<vmem>>, vector<1x16xf32>,
      %get3A_1225 = vector.shape_cast %get3A_1224 : vector<1x16xf32> to vector<16xf32>
      %mul3A_1226 = arith.mulf %get3A_1225, %get3A_29 : vector<16xf32>
      %add3A_1227 = arith.addf %add3A_1220, %mul3A_1226 : vector<16xf32>
      %get3A_1228 = arith.constant 10 : i32
      %get3A_1229 = arith.index_cast %get3A_1228 : i32 to index
      %get3A_1230 = arith.constant 80 : index
      %get3A_1231 = tpu.vector_load %arg7[%get3A_1229, %get3A_1230] {strides = array<i32>} : memref<32x128xf32, #tpu.memory_space<vmem>>, vector<1x16xf32>,
      %get3A_1232 = vector.shape_cast %get3A_1231 : vector<1x16xf32> to vector<16xf32>
      %mul3A_1233 = arith.mulf %get3A_1232, %get3A_34 : vector<16xf32>
      %add3A_1234 = arith.addf %add3A_1227, %mul3A_1233 : vector<16xf32>
      %get3A_1235 = arith.constant 10 : i32
      %get3A_1236 = arith.index_cast %get3A_1235 : i32 to index
      %get3A_1237 = arith.constant 96 : index
      %get3A_1238 = tpu.vector_load %arg7[%get3A_1236, %get3A_1237] {strides = array<i32>} : memref<32x128xf32, #tpu.memory_space<vmem>>, vector<1x16xf32>,
      %get3A_1239 = vector.shape_cast %get3A_1238 : vector<1x16xf32> to vector<16xf32>
      %mul3A_1240 = arith.mulf %get3A_1239, %get3A_39 : vector<16xf32>
      %add3A_1241 = arith.addf %add3A_1234, %mul3A_1240 : vector<16xf32>
      %get3A_1242 = arith.constant 10 : i32
      %get3A_1243 = arith.index_cast %get3A_1242 : i32 to index
      %get3A_1244 = arith.constant 112 : index
      %get3A_1245 = tpu.vector_load %arg7[%get3A_1243, %get3A_1244] {strides = array<i32>} : memref<32x128xf32, #tpu.memory_space<vmem>>, vector<1x16xf32>,
      %get3A_1246 = vector.shape_cast %get3A_1245 : vector<1x16xf32> to vector<16xf32>
      %mul3A_1247 = arith.mulf %get3A_1246, %get3A_44 : vector<16xf32>
      %add3A_1248 = arith.addf %add3A_1241, %mul3A_1247 : vector<16xf32>
      %eq3A_1249 = arith.constant 10 : i32
      %eq3A_1250 = vector.broadcast %eq3A_1249 : i32 to vector<16xi32>
      %eq3A_1251 = arith.cmpi eq, %iota3A, %eq3A_1250 : vector<16xi32>
      %xor3A_1252 = arith.constant 8 : i32
      %xor3A_1253 = vector.broadcast %xor3A_1252 : i32 to vector<16xi32>
      %xor3A_1254 = arith.xori %iota3A, %xor3A_1253 : vector<16xi32>
      %lt3A_1255 = arith.constant 0 : i32
      %lt3A_1256 = vector.broadcast %lt3A_1255 : i32 to vector<16xi32>
      %lt3A_1257 = arith.cmpi slt, %xor3A_1254, %lt3A_1256 : vector<16xi32>
      %add3A_1258 = arith.constant 16 : i32
      %add3A_1259 = vector.broadcast %add3A_1258 : i32 to vector<16xi32>
      %add3A_1260 = arith.addi %xor3A_1254, %add3A_1259 : vector<16xi32>
      %select_n3A_1261 = arith.select %lt3A_1257, %add3A_1260, %xor3A_1254 : vector<16xi1>, vector<16xi32>
      %broadcast_in_dim3A_1262 = vector.shape_cast %select_n3A_1261 : vector<16xi32> to vector<16x1xi32>
      %gather3A_1263 = vector.shape_cast %broadcast_in_dim3A_1262 : vector<16x1xi32> to vector<16xi32>
      %gather3A_1264 = tpu.dynamic_gather %add3A_1248[%gather3A_1263] in [0] : vector<16xf32>, vector<16xi32> -> vector<16xf32>
      %add3A_1265 = arith.addf %add3A_1248, %gather3A_1264 : vector<16xf32>
      %xor3A_1266 = arith.constant 4 : i32
      %xor3A_1267 = vector.broadcast %xor3A_1266 : i32 to vector<16xi32>
      %xor3A_1268 = arith.xori %iota3A, %xor3A_1267 : vector<16xi32>
      %lt3A_1269 = arith.constant 0 : i32
      %lt3A_1270 = vector.broadcast %lt3A_1269 : i32 to vector<16xi32>
      %lt3A_1271 = arith.cmpi slt, %xor3A_1268, %lt3A_1270 : vector<16xi32>
      %add3A_1272 = arith.constant 16 : i32
      %add3A_1273 = vector.broadcast %add3A_1272 : i32 to vector<16xi32>
      %add3A_1274 = arith.addi %xor3A_1268, %add3A_1273 : vector<16xi32>
      %select_n3A_1275 = arith.select %lt3A_1271, %add3A_1274, %xor3A_1268 : vector<16xi1>, vector<16xi32>
      %broadcast_in_dim3A_1276 = vector.shape_cast %select_n3A_1275 : vector<16xi32> to vector<16x1xi32>
      %gather3A_1277 = vector.shape_cast %broadcast_in_dim3A_1276 : vector<16x1xi32> to vector<16xi32>
      %gather3A_1278 = tpu.dynamic_gather %add3A_1265[%gather3A_1277] in [0] : vector<16xf32>, vector<16xi32> -> vector<16xf32>
      %add3A_1279 = arith.addf %add3A_1265, %gather3A_1278 : vector<16xf32>
      %xor3A_1280 = arith.constant 2 : i32
      %xor3A_1281 = vector.broadcast %xor3A_1280 : i32 to vector<16xi32>
      %xor3A_1282 = arith.xori %iota3A, %xor3A_1281 : vector<16xi32>
      %lt3A_1283 = arith.constant 0 : i32
      %lt3A_1284 = vector.broadcast %lt3A_1283 : i32 to vector<16xi32>
      %lt3A_1285 = arith.cmpi slt, %xor3A_1282, %lt3A_1284 : vector<16xi32>
      %add3A_1286 = arith.constant 16 : i32
      %add3A_1287 = vector.broadcast %add3A_1286 : i32 to vector<16xi32>
      %add3A_1288 = arith.addi %xor3A_1282, %add3A_1287 : vector<16xi32>
      %select_n3A_1289 = arith.select %lt3A_1285, %add3A_1288, %xor3A_1282 : vector<16xi1>, vector<16xi32>
      %broadcast_in_dim3A_1290 = vector.shape_cast %select_n3A_1289 : vector<16xi32> to vector<16x1xi32>
      %gather3A_1291 = vector.shape_cast %broadcast_in_dim3A_1290 : vector<16x1xi32> to vector<16xi32>
      %gather3A_1292 = tpu.dynamic_gather %add3A_1279[%gather3A_1291] in [0] : vector<16xf32>, vector<16xi32> -> vector<16xf32>
      %add3A_1293 = arith.addf %add3A_1279, %gather3A_1292 : vector<16xf32>
      %xor3A_1294 = arith.constant 1 : i32
      %xor3A_1295 = vector.broadcast %xor3A_1294 : i32 to vector<16xi32>
      %xor3A_1296 = arith.xori %iota3A, %xor3A_1295 : vector<16xi32>
      %lt3A_1297 = arith.constant 0 : i32
      %lt3A_1298 = vector.broadcast %lt3A_1297 : i32 to vector<16xi32>
      %lt3A_1299 = arith.cmpi slt, %xor3A_1296, %lt3A_1298 : vector<16xi32>
      %add3A_1300 = arith.constant 16 : i32
      %add3A_1301 = vector.broadcast %add3A_1300 : i32 to vector<16xi32>
      %add3A_1302 = arith.addi %xor3A_1296, %add3A_1301 : vector<16xi32>
      %select_n3A_1303 = arith.select %lt3A_1299, %add3A_1302, %xor3A_1296 : vector<16xi1>, vector<16xi32>
      %broadcast_in_dim3A_1304 = vector.shape_cast %select_n3A_1303 : vector<16xi32> to vector<16x1xi32>
      %gather3A_1305 = vector.shape_cast %broadcast_in_dim3A_1304 : vector<16x1xi32> to vector<16xi32>
      %gather3A_1306 = tpu.dynamic_gather %add3A_1293[%gather3A_1305] in [0] : vector<16xf32>, vector<16xi32> -> vector<16xf32>
      %add3A_1307 = arith.addf %add3A_1293, %gather3A_1306 : vector<16xf32>
      %select_n3A_1308 = arith.select %eq3A_1251, %add3A_1307, %select_n3A_1193 : vector<16xi1>, vector<16xf32>
      %get3A_1309 = arith.constant 11 : i32
      %get3A_1310 = arith.index_cast %get3A_1309 : i32 to index
      %get3A_1311 = arith.constant 0 : index
      %get3A_1312 = tpu.vector_load %arg7[%get3A_1310, %get3A_1311] {strides = array<i32>} : memref<32x128xf32, #tpu.memory_space<vmem>>, vector<1x16xf32>,
      %get3A_1313 = vector.shape_cast %get3A_1312 : vector<1x16xf32> to vector<16xf32>
      %mul3A_1314 = arith.mulf %get3A_1313, %get3A_9 : vector<16xf32>
      %get3A_1315 = arith.constant 11 : i32
      %get3A_1316 = arith.index_cast %get3A_1315 : i32 to index
      %get3A_1317 = arith.constant 16 : index
      %get3A_1318 = tpu.vector_load %arg7[%get3A_1316, %get3A_1317] {strides = array<i32>} : memref<32x128xf32, #tpu.memory_space<vmem>>, vector<1x16xf32>,
      %get3A_1319 = vector.shape_cast %get3A_1318 : vector<1x16xf32> to vector<16xf32>
      %mul3A_1320 = arith.mulf %get3A_1319, %get3A_14 : vector<16xf32>
      %add3A_1321 = arith.addf %mul3A_1314, %mul3A_1320 : vector<16xf32>
      %get3A_1322 = arith.constant 11 : i32
      %get3A_1323 = arith.index_cast %get3A_1322 : i32 to index
      %get3A_1324 = arith.constant 32 : index
      %get3A_1325 = tpu.vector_load %arg7[%get3A_1323, %get3A_1324] {strides = array<i32>} : memref<32x128xf32, #tpu.memory_space<vmem>>, vector<1x16xf32>,
      %get3A_1326 = vector.shape_cast %get3A_1325 : vector<1x16xf32> to vector<16xf32>
      %mul3A_1327 = arith.mulf %get3A_1326, %get3A_19 : vector<16xf32>
      %add3A_1328 = arith.addf %add3A_1321, %mul3A_1327 : vector<16xf32>
      %get3A_1329 = arith.constant 11 : i32
      %get3A_1330 = arith.index_cast %get3A_1329 : i32 to index
      %get3A_1331 = arith.constant 48 : index
      %get3A_1332 = tpu.vector_load %arg7[%get3A_1330, %get3A_1331] {strides = array<i32>} : memref<32x128xf32, #tpu.memory_space<vmem>>, vector<1x16xf32>,
      %get3A_1333 = vector.shape_cast %get3A_1332 : vector<1x16xf32> to vector<16xf32>
      %mul3A_1334 = arith.mulf %get3A_1333, %get3A_24 : vector<16xf32>
      %add3A_1335 = arith.addf %add3A_1328, %mul3A_1334 : vector<16xf32>
      %get3A_1336 = arith.constant 11 : i32
      %get3A_1337 = arith.index_cast %get3A_1336 : i32 to index
      %get3A_1338 = arith.constant 64 : index
      %get3A_1339 = tpu.vector_load %arg7[%get3A_1337, %get3A_1338] {strides = array<i32>} : memref<32x128xf32, #tpu.memory_space<vmem>>, vector<1x16xf32>,
      %get3A_1340 = vector.shape_cast %get3A_1339 : vector<1x16xf32> to vector<16xf32>
      %mul3A_1341 = arith.mulf %get3A_1340, %get3A_29 : vector<16xf32>
      %add3A_1342 = arith.addf %add3A_1335, %mul3A_1341 : vector<16xf32>
      %get3A_1343 = arith.constant 11 : i32
      %get3A_1344 = arith.index_cast %get3A_1343 : i32 to index
      %get3A_1345 = arith.constant 80 : index
      %get3A_1346 = tpu.vector_load %arg7[%get3A_1344, %get3A_1345] {strides = array<i32>} : memref<32x128xf32, #tpu.memory_space<vmem>>, vector<1x16xf32>,
      %get3A_1347 = vector.shape_cast %get3A_1346 : vector<1x16xf32> to vector<16xf32>
      %mul3A_1348 = arith.mulf %get3A_1347, %get3A_34 : vector<16xf32>
      %add3A_1349 = arith.addf %add3A_1342, %mul3A_1348 : vector<16xf32>
      %get3A_1350 = arith.constant 11 : i32
      %get3A_1351 = arith.index_cast %get3A_1350 : i32 to index
      %get3A_1352 = arith.constant 96 : index
      %get3A_1353 = tpu.vector_load %arg7[%get3A_1351, %get3A_1352] {strides = array<i32>} : memref<32x128xf32, #tpu.memory_space<vmem>>, vector<1x16xf32>,
      %get3A_1354 = vector.shape_cast %get3A_1353 : vector<1x16xf32> to vector<16xf32>
      %mul3A_1355 = arith.mulf %get3A_1354, %get3A_39 : vector<16xf32>
      %add3A_1356 = arith.addf %add3A_1349, %mul3A_1355 : vector<16xf32>
      %get3A_1357 = arith.constant 11 : i32
      %get3A_1358 = arith.index_cast %get3A_1357 : i32 to index
      %get3A_1359 = arith.constant 112 : index
      %get3A_1360 = tpu.vector_load %arg7[%get3A_1358, %get3A_1359] {strides = array<i32>} : memref<32x128xf32, #tpu.memory_space<vmem>>, vector<1x16xf32>,
      %get3A_1361 = vector.shape_cast %get3A_1360 : vector<1x16xf32> to vector<16xf32>
      %mul3A_1362 = arith.mulf %get3A_1361, %get3A_44 : vector<16xf32>
      %add3A_1363 = arith.addf %add3A_1356, %mul3A_1362 : vector<16xf32>
      %eq3A_1364 = arith.constant 11 : i32
      %eq3A_1365 = vector.broadcast %eq3A_1364 : i32 to vector<16xi32>
      %eq3A_1366 = arith.cmpi eq, %iota3A, %eq3A_1365 : vector<16xi32>
      %xor3A_1367 = arith.constant 8 : i32
      %xor3A_1368 = vector.broadcast %xor3A_1367 : i32 to vector<16xi32>
      %xor3A_1369 = arith.xori %iota3A, %xor3A_1368 : vector<16xi32>
      %lt3A_1370 = arith.constant 0 : i32
      %lt3A_1371 = vector.broadcast %lt3A_1370 : i32 to vector<16xi32>
      %lt3A_1372 = arith.cmpi slt, %xor3A_1369, %lt3A_1371 : vector<16xi32>
      %add3A_1373 = arith.constant 16 : i32
      %add3A_1374 = vector.broadcast %add3A_1373 : i32 to vector<16xi32>
      %add3A_1375 = arith.addi %xor3A_1369, %add3A_1374 : vector<16xi32>
      %select_n3A_1376 = arith.select %lt3A_1372, %add3A_1375, %xor3A_1369 : vector<16xi1>, vector<16xi32>
      %broadcast_in_dim3A_1377 = vector.shape_cast %select_n3A_1376 : vector<16xi32> to vector<16x1xi32>
      %gather3A_1378 = vector.shape_cast %broadcast_in_dim3A_1377 : vector<16x1xi32> to vector<16xi32>
      %gather3A_1379 = tpu.dynamic_gather %add3A_1363[%gather3A_1378] in [0] : vector<16xf32>, vector<16xi32> -> vector<16xf32>
      %add3A_1380 = arith.addf %add3A_1363, %gather3A_1379 : vector<16xf32>
      %xor3A_1381 = arith.constant 4 : i32
      %xor3A_1382 = vector.broadcast %xor3A_1381 : i32 to vector<16xi32>
      %xor3A_1383 = arith.xori %iota3A, %xor3A_1382 : vector<16xi32>
      %lt3A_1384 = arith.constant 0 : i32
      %lt3A_1385 = vector.broadcast %lt3A_1384 : i32 to vector<16xi32>
      %lt3A_1386 = arith.cmpi slt, %xor3A_1383, %lt3A_1385 : vector<16xi32>
      %add3A_1387 = arith.constant 16 : i32
      %add3A_1388 = vector.broadcast %add3A_1387 : i32 to vector<16xi32>
      %add3A_1389 = arith.addi %xor3A_1383, %add3A_1388 : vector<16xi32>
      %select_n3A_1390 = arith.select %lt3A_1386, %add3A_1389, %xor3A_1383 : vector<16xi1>, vector<16xi32>
      %broadcast_in_dim3A_1391 = vector.shape_cast %select_n3A_1390 : vector<16xi32> to vector<16x1xi32>
      %gather3A_1392 = vector.shape_cast %broadcast_in_dim3A_1391 : vector<16x1xi32> to vector<16xi32>
      %gather3A_1393 = tpu.dynamic_gather %add3A_1380[%gather3A_1392] in [0] : vector<16xf32>, vector<16xi32> -> vector<16xf32>
      %add3A_1394 = arith.addf %add3A_1380, %gather3A_1393 : vector<16xf32>
      %xor3A_1395 = arith.constant 2 : i32
      %xor3A_1396 = vector.broadcast %xor3A_1395 : i32 to vector<16xi32>
      %xor3A_1397 = arith.xori %iota3A, %xor3A_1396 : vector<16xi32>
      %lt3A_1398 = arith.constant 0 : i32
      %lt3A_1399 = vector.broadcast %lt3A_1398 : i32 to vector<16xi32>
      %lt3A_1400 = arith.cmpi slt, %xor3A_1397, %lt3A_1399 : vector<16xi32>
      %add3A_1401 = arith.constant 16 : i32
      %add3A_1402 = vector.broadcast %add3A_1401 : i32 to vector<16xi32>
      %add3A_1403 = arith.addi %xor3A_1397, %add3A_1402 : vector<16xi32>
      %select_n3A_1404 = arith.select %lt3A_1400, %add3A_1403, %xor3A_1397 : vector<16xi1>, vector<16xi32>
      %broadcast_in_dim3A_1405 = vector.shape_cast %select_n3A_1404 : vector<16xi32> to vector<16x1xi32>
      %gather3A_1406 = vector.shape_cast %broadcast_in_dim3A_1405 : vector<16x1xi32> to vector<16xi32>
      %gather3A_1407 = tpu.dynamic_gather %add3A_1394[%gather3A_1406] in [0] : vector<16xf32>, vector<16xi32> -> vector<16xf32>
      %add3A_1408 = arith.addf %add3A_1394, %gather3A_1407 : vector<16xf32>
      %xor3A_1409 = arith.constant 1 : i32
      %xor3A_1410 = vector.broadcast %xor3A_1409 : i32 to vector<16xi32>
      %xor3A_1411 = arith.xori %iota3A, %xor3A_1410 : vector<16xi32>
      %lt3A_1412 = arith.constant 0 : i32
      %lt3A_1413 = vector.broadcast %lt3A_1412 : i32 to vector<16xi32>
      %lt3A_1414 = arith.cmpi slt, %xor3A_1411, %lt3A_1413 : vector<16xi32>
      %add3A_1415 = arith.constant 16 : i32
      %add3A_1416 = vector.broadcast %add3A_1415 : i32 to vector<16xi32>
      %add3A_1417 = arith.addi %xor3A_1411, %add3A_1416 : vector<16xi32>
      %select_n3A_1418 = arith.select %lt3A_1414, %add3A_1417, %xor3A_1411 : vector<16xi1>, vector<16xi32>
      %broadcast_in_dim3A_1419 = vector.shape_cast %select_n3A_1418 : vector<16xi32> to vector<16x1xi32>
      %gather3A_1420 = vector.shape_cast %broadcast_in_dim3A_1419 : vector<16x1xi32> to vector<16xi32>
      %gather3A_1421 = tpu.dynamic_gather %add3A_1408[%gather3A_1420] in [0] : vector<16xf32>, vector<16xi32> -> vector<16xf32>
      %add3A_1422 = arith.addf %add3A_1408, %gather3A_1421 : vector<16xf32>
      %select_n3A_1423 = arith.select %eq3A_1366, %add3A_1422, %select_n3A_1308 : vector<16xi1>, vector<16xf32>
      %get3A_1424 = arith.constant 12 : i32
      %get3A_1425 = arith.index_cast %get3A_1424 : i32 to index
      %get3A_1426 = arith.constant 0 : index
      %get3A_1427 = tpu.vector_load %arg7[%get3A_1425, %get3A_1426] {strides = array<i32>} : memref<32x128xf32, #tpu.memory_space<vmem>>, vector<1x16xf32>,
      %get3A_1428 = vector.shape_cast %get3A_1427 : vector<1x16xf32> to vector<16xf32>
      %mul3A_1429 = arith.mulf %get3A_1428, %get3A_9 : vector<16xf32>
      %get3A_1430 = arith.constant 12 : i32
      %get3A_1431 = arith.index_cast %get3A_1430 : i32 to index
      %get3A_1432 = arith.constant 16 : index
      %get3A_1433 = tpu.vector_load %arg7[%get3A_1431, %get3A_1432] {strides = array<i32>} : memref<32x128xf32, #tpu.memory_space<vmem>>, vector<1x16xf32>,
      %get3A_1434 = vector.shape_cast %get3A_1433 : vector<1x16xf32> to vector<16xf32>
      %mul3A_1435 = arith.mulf %get3A_1434, %get3A_14 : vector<16xf32>
      %add3A_1436 = arith.addf %mul3A_1429, %mul3A_1435 : vector<16xf32>
      %get3A_1437 = arith.constant 12 : i32
      %get3A_1438 = arith.index_cast %get3A_1437 : i32 to index
      %get3A_1439 = arith.constant 32 : index
      %get3A_1440 = tpu.vector_load %arg7[%get3A_1438, %get3A_1439] {strides = array<i32>} : memref<32x128xf32, #tpu.memory_space<vmem>>, vector<1x16xf32>,
      %get3A_1441 = vector.shape_cast %get3A_1440 : vector<1x16xf32> to vector<16xf32>
      %mul3A_1442 = arith.mulf %get3A_1441, %get3A_19 : vector<16xf32>
      %add3A_1443 = arith.addf %add3A_1436, %mul3A_1442 : vector<16xf32>
      %get3A_1444 = arith.constant 12 : i32
      %get3A_1445 = arith.index_cast %get3A_1444 : i32 to index
      %get3A_1446 = arith.constant 48 : index
      %get3A_1447 = tpu.vector_load %arg7[%get3A_1445, %get3A_1446] {strides = array<i32>} : memref<32x128xf32, #tpu.memory_space<vmem>>, vector<1x16xf32>,
      %get3A_1448 = vector.shape_cast %get3A_1447 : vector<1x16xf32> to vector<16xf32>
      %mul3A_1449 = arith.mulf %get3A_1448, %get3A_24 : vector<16xf32>
      %add3A_1450 = arith.addf %add3A_1443, %mul3A_1449 : vector<16xf32>
      %get3A_1451 = arith.constant 12 : i32
      %get3A_1452 = arith.index_cast %get3A_1451 : i32 to index
      %get3A_1453 = arith.constant 64 : index
      %get3A_1454 = tpu.vector_load %arg7[%get3A_1452, %get3A_1453] {strides = array<i32>} : memref<32x128xf32, #tpu.memory_space<vmem>>, vector<1x16xf32>,
      %get3A_1455 = vector.shape_cast %get3A_1454 : vector<1x16xf32> to vector<16xf32>
      %mul3A_1456 = arith.mulf %get3A_1455, %get3A_29 : vector<16xf32>
      %add3A_1457 = arith.addf %add3A_1450, %mul3A_1456 : vector<16xf32>
      %get3A_1458 = arith.constant 12 : i32
      %get3A_1459 = arith.index_cast %get3A_1458 : i32 to index
      %get3A_1460 = arith.constant 80 : index
      %get3A_1461 = tpu.vector_load %arg7[%get3A_1459, %get3A_1460] {strides = array<i32>} : memref<32x128xf32, #tpu.memory_space<vmem>>, vector<1x16xf32>,
      %get3A_1462 = vector.shape_cast %get3A_1461 : vector<1x16xf32> to vector<16xf32>
      %mul3A_1463 = arith.mulf %get3A_1462, %get3A_34 : vector<16xf32>
      %add3A_1464 = arith.addf %add3A_1457, %mul3A_1463 : vector<16xf32>
      %get3A_1465 = arith.constant 12 : i32
      %get3A_1466 = arith.index_cast %get3A_1465 : i32 to index
      %get3A_1467 = arith.constant 96 : index
      %get3A_1468 = tpu.vector_load %arg7[%get3A_1466, %get3A_1467] {strides = array<i32>} : memref<32x128xf32, #tpu.memory_space<vmem>>, vector<1x16xf32>,
      %get3A_1469 = vector.shape_cast %get3A_1468 : vector<1x16xf32> to vector<16xf32>
      %mul3A_1470 = arith.mulf %get3A_1469, %get3A_39 : vector<16xf32>
      %add3A_1471 = arith.addf %add3A_1464, %mul3A_1470 : vector<16xf32>
      %get3A_1472 = arith.constant 12 : i32
      %get3A_1473 = arith.index_cast %get3A_1472 : i32 to index
      %get3A_1474 = arith.constant 112 : index
      %get3A_1475 = tpu.vector_load %arg7[%get3A_1473, %get3A_1474] {strides = array<i32>} : memref<32x128xf32, #tpu.memory_space<vmem>>, vector<1x16xf32>,
      %get3A_1476 = vector.shape_cast %get3A_1475 : vector<1x16xf32> to vector<16xf32>
      %mul3A_1477 = arith.mulf %get3A_1476, %get3A_44 : vector<16xf32>
      %add3A_1478 = arith.addf %add3A_1471, %mul3A_1477 : vector<16xf32>
      %eq3A_1479 = arith.constant 12 : i32
      %eq3A_1480 = vector.broadcast %eq3A_1479 : i32 to vector<16xi32>
      %eq3A_1481 = arith.cmpi eq, %iota3A, %eq3A_1480 : vector<16xi32>
      %xor3A_1482 = arith.constant 8 : i32
      %xor3A_1483 = vector.broadcast %xor3A_1482 : i32 to vector<16xi32>
      %xor3A_1484 = arith.xori %iota3A, %xor3A_1483 : vector<16xi32>
      %lt3A_1485 = arith.constant 0 : i32
      %lt3A_1486 = vector.broadcast %lt3A_1485 : i32 to vector<16xi32>
      %lt3A_1487 = arith.cmpi slt, %xor3A_1484, %lt3A_1486 : vector<16xi32>
      %add3A_1488 = arith.constant 16 : i32
      %add3A_1489 = vector.broadcast %add3A_1488 : i32 to vector<16xi32>
      %add3A_1490 = arith.addi %xor3A_1484, %add3A_1489 : vector<16xi32>
      %select_n3A_1491 = arith.select %lt3A_1487, %add3A_1490, %xor3A_1484 : vector<16xi1>, vector<16xi32>
      %broadcast_in_dim3A_1492 = vector.shape_cast %select_n3A_1491 : vector<16xi32> to vector<16x1xi32>
      %gather3A_1493 = vector.shape_cast %broadcast_in_dim3A_1492 : vector<16x1xi32> to vector<16xi32>
      %gather3A_1494 = tpu.dynamic_gather %add3A_1478[%gather3A_1493] in [0] : vector<16xf32>, vector<16xi32> -> vector<16xf32>
      %add3A_1495 = arith.addf %add3A_1478, %gather3A_1494 : vector<16xf32>
      %xor3A_1496 = arith.constant 4 : i32
      %xor3A_1497 = vector.broadcast %xor3A_1496 : i32 to vector<16xi32>
      %xor3A_1498 = arith.xori %iota3A, %xor3A_1497 : vector<16xi32>
      %lt3A_1499 = arith.constant 0 : i32
      %lt3A_1500 = vector.broadcast %lt3A_1499 : i32 to vector<16xi32>
      %lt3A_1501 = arith.cmpi slt, %xor3A_1498, %lt3A_1500 : vector<16xi32>
      %add3A_1502 = arith.constant 16 : i32
      %add3A_1503 = vector.broadcast %add3A_1502 : i32 to vector<16xi32>
      %add3A_1504 = arith.addi %xor3A_1498, %add3A_1503 : vector<16xi32>
      %select_n3A_1505 = arith.select %lt3A_1501, %add3A_1504, %xor3A_1498 : vector<16xi1>, vector<16xi32>
      %broadcast_in_dim3A_1506 = vector.shape_cast %select_n3A_1505 : vector<16xi32> to vector<16x1xi32>
      %gather3A_1507 = vector.shape_cast %broadcast_in_dim3A_1506 : vector<16x1xi32> to vector<16xi32>
      %gather3A_1508 = tpu.dynamic_gather %add3A_1495[%gather3A_1507] in [0] : vector<16xf32>, vector<16xi32> -> vector<16xf32>
      %add3A_1509 = arith.addf %add3A_1495, %gather3A_1508 : vector<16xf32>
      %xor3A_1510 = arith.constant 2 : i32
      %xor3A_1511 = vector.broadcast %xor3A_1510 : i32 to vector<16xi32>
      %xor3A_1512 = arith.xori %iota3A, %xor3A_1511 : vector<16xi32>
      %lt3A_1513 = arith.constant 0 : i32
      %lt3A_1514 = vector.broadcast %lt3A_1513 : i32 to vector<16xi32>
      %lt3A_1515 = arith.cmpi slt, %xor3A_1512, %lt3A_1514 : vector<16xi32>
      %add3A_1516 = arith.constant 16 : i32
      %add3A_1517 = vector.broadcast %add3A_1516 : i32 to vector<16xi32>
      %add3A_1518 = arith.addi %xor3A_1512, %add3A_1517 : vector<16xi32>
      %select_n3A_1519 = arith.select %lt3A_1515, %add3A_1518, %xor3A_1512 : vector<16xi1>, vector<16xi32>
      %broadcast_in_dim3A_1520 = vector.shape_cast %select_n3A_1519 : vector<16xi32> to vector<16x1xi32>
      %gather3A_1521 = vector.shape_cast %broadcast_in_dim3A_1520 : vector<16x1xi32> to vector<16xi32>
      %gather3A_1522 = tpu.dynamic_gather %add3A_1509[%gather3A_1521] in [0] : vector<16xf32>, vector<16xi32> -> vector<16xf32>
      %add3A_1523 = arith.addf %add3A_1509, %gather3A_1522 : vector<16xf32>
      %xor3A_1524 = arith.constant 1 : i32
      %xor3A_1525 = vector.broadcast %xor3A_1524 : i32 to vector<16xi32>
      %xor3A_1526 = arith.xori %iota3A, %xor3A_1525 : vector<16xi32>
      %lt3A_1527 = arith.constant 0 : i32
      %lt3A_1528 = vector.broadcast %lt3A_1527 : i32 to vector<16xi32>
      %lt3A_1529 = arith.cmpi slt, %xor3A_1526, %lt3A_1528 : vector<16xi32>
      %add3A_1530 = arith.constant 16 : i32
      %add3A_1531 = vector.broadcast %add3A_1530 : i32 to vector<16xi32>
      %add3A_1532 = arith.addi %xor3A_1526, %add3A_1531 : vector<16xi32>
      %select_n3A_1533 = arith.select %lt3A_1529, %add3A_1532, %xor3A_1526 : vector<16xi1>, vector<16xi32>
      %broadcast_in_dim3A_1534 = vector.shape_cast %select_n3A_1533 : vector<16xi32> to vector<16x1xi32>
      %gather3A_1535 = vector.shape_cast %broadcast_in_dim3A_1534 : vector<16x1xi32> to vector<16xi32>
      %gather3A_1536 = tpu.dynamic_gather %add3A_1523[%gather3A_1535] in [0] : vector<16xf32>, vector<16xi32> -> vector<16xf32>
      %add3A_1537 = arith.addf %add3A_1523, %gather3A_1536 : vector<16xf32>
      %select_n3A_1538 = arith.select %eq3A_1481, %add3A_1537, %select_n3A_1423 : vector<16xi1>, vector<16xf32>
      %get3A_1539 = arith.constant 13 : i32
      %get3A_1540 = arith.index_cast %get3A_1539 : i32 to index
      %get3A_1541 = arith.constant 0 : index
      %get3A_1542 = tpu.vector_load %arg7[%get3A_1540, %get3A_1541] {strides = array<i32>} : memref<32x128xf32, #tpu.memory_space<vmem>>, vector<1x16xf32>,
      %get3A_1543 = vector.shape_cast %get3A_1542 : vector<1x16xf32> to vector<16xf32>
      %mul3A_1544 = arith.mulf %get3A_1543, %get3A_9 : vector<16xf32>
      %get3A_1545 = arith.constant 13 : i32
      %get3A_1546 = arith.index_cast %get3A_1545 : i32 to index
      %get3A_1547 = arith.constant 16 : index
      %get3A_1548 = tpu.vector_load %arg7[%get3A_1546, %get3A_1547] {strides = array<i32>} : memref<32x128xf32, #tpu.memory_space<vmem>>, vector<1x16xf32>,
      %get3A_1549 = vector.shape_cast %get3A_1548 : vector<1x16xf32> to vector<16xf32>
      %mul3A_1550 = arith.mulf %get3A_1549, %get3A_14 : vector<16xf32>
      %add3A_1551 = arith.addf %mul3A_1544, %mul3A_1550 : vector<16xf32>
      %get3A_1552 = arith.constant 13 : i32
      %get3A_1553 = arith.index_cast %get3A_1552 : i32 to index
      %get3A_1554 = arith.constant 32 : index
      %get3A_1555 = tpu.vector_load %arg7[%get3A_1553, %get3A_1554] {strides = array<i32>} : memref<32x128xf32, #tpu.memory_space<vmem>>, vector<1x16xf32>,
      %get3A_1556 = vector.shape_cast %get3A_1555 : vector<1x16xf32> to vector<16xf32>
      %mul3A_1557 = arith.mulf %get3A_1556, %get3A_19 : vector<16xf32>
      %add3A_1558 = arith.addf %add3A_1551, %mul3A_1557 : vector<16xf32>
      %get3A_1559 = arith.constant 13 : i32
      %get3A_1560 = arith.index_cast %get3A_1559 : i32 to index
      %get3A_1561 = arith.constant 48 : index
      %get3A_1562 = tpu.vector_load %arg7[%get3A_1560, %get3A_1561] {strides = array<i32>} : memref<32x128xf32, #tpu.memory_space<vmem>>, vector<1x16xf32>,
      %get3A_1563 = vector.shape_cast %get3A_1562 : vector<1x16xf32> to vector<16xf32>
      %mul3A_1564 = arith.mulf %get3A_1563, %get3A_24 : vector<16xf32>
      %add3A_1565 = arith.addf %add3A_1558, %mul3A_1564 : vector<16xf32>
      %get3A_1566 = arith.constant 13 : i32
      %get3A_1567 = arith.index_cast %get3A_1566 : i32 to index
      %get3A_1568 = arith.constant 64 : index
      %get3A_1569 = tpu.vector_load %arg7[%get3A_1567, %get3A_1568] {strides = array<i32>} : memref<32x128xf32, #tpu.memory_space<vmem>>, vector<1x16xf32>,
      %get3A_1570 = vector.shape_cast %get3A_1569 : vector<1x16xf32> to vector<16xf32>
      %mul3A_1571 = arith.mulf %get3A_1570, %get3A_29 : vector<16xf32>
      %add3A_1572 = arith.addf %add3A_1565, %mul3A_1571 : vector<16xf32>
      %get3A_1573 = arith.constant 13 : i32
      %get3A_1574 = arith.index_cast %get3A_1573 : i32 to index
      %get3A_1575 = arith.constant 80 : index
      %get3A_1576 = tpu.vector_load %arg7[%get3A_1574, %get3A_1575] {strides = array<i32>} : memref<32x128xf32, #tpu.memory_space<vmem>>, vector<1x16xf32>,
      %get3A_1577 = vector.shape_cast %get3A_1576 : vector<1x16xf32> to vector<16xf32>
      %mul3A_1578 = arith.mulf %get3A_1577, %get3A_34 : vector<16xf32>
      %add3A_1579 = arith.addf %add3A_1572, %mul3A_1578 : vector<16xf32>
      %get3A_1580 = arith.constant 13 : i32
      %get3A_1581 = arith.index_cast %get3A_1580 : i32 to index
      %get3A_1582 = arith.constant 96 : index
      %get3A_1583 = tpu.vector_load %arg7[%get3A_1581, %get3A_1582] {strides = array<i32>} : memref<32x128xf32, #tpu.memory_space<vmem>>, vector<1x16xf32>,
      %get3A_1584 = vector.shape_cast %get3A_1583 : vector<1x16xf32> to vector<16xf32>
      %mul3A_1585 = arith.mulf %get3A_1584, %get3A_39 : vector<16xf32>
      %add3A_1586 = arith.addf %add3A_1579, %mul3A_1585 : vector<16xf32>
      %get3A_1587 = arith.constant 13 : i32
      %get3A_1588 = arith.index_cast %get3A_1587 : i32 to index
      %get3A_1589 = arith.constant 112 : index
      %get3A_1590 = tpu.vector_load %arg7[%get3A_1588, %get3A_1589] {strides = array<i32>} : memref<32x128xf32, #tpu.memory_space<vmem>>, vector<1x16xf32>,
      %get3A_1591 = vector.shape_cast %get3A_1590 : vector<1x16xf32> to vector<16xf32>
      %mul3A_1592 = arith.mulf %get3A_1591, %get3A_44 : vector<16xf32>
      %add3A_1593 = arith.addf %add3A_1586, %mul3A_1592 : vector<16xf32>
      %eq3A_1594 = arith.constant 13 : i32
      %eq3A_1595 = vector.broadcast %eq3A_1594 : i32 to vector<16xi32>
      %eq3A_1596 = arith.cmpi eq, %iota3A, %eq3A_1595 : vector<16xi32>
      %xor3A_1597 = arith.constant 8 : i32
      %xor3A_1598 = vector.broadcast %xor3A_1597 : i32 to vector<16xi32>
      %xor3A_1599 = arith.xori %iota3A, %xor3A_1598 : vector<16xi32>
      %lt3A_1600 = arith.constant 0 : i32
      %lt3A_1601 = vector.broadcast %lt3A_1600 : i32 to vector<16xi32>
      %lt3A_1602 = arith.cmpi slt, %xor3A_1599, %lt3A_1601 : vector<16xi32>
      %add3A_1603 = arith.constant 16 : i32
      %add3A_1604 = vector.broadcast %add3A_1603 : i32 to vector<16xi32>
      %add3A_1605 = arith.addi %xor3A_1599, %add3A_1604 : vector<16xi32>
      %select_n3A_1606 = arith.select %lt3A_1602, %add3A_1605, %xor3A_1599 : vector<16xi1>, vector<16xi32>
      %broadcast_in_dim3A_1607 = vector.shape_cast %select_n3A_1606 : vector<16xi32> to vector<16x1xi32>
      %gather3A_1608 = vector.shape_cast %broadcast_in_dim3A_1607 : vector<16x1xi32> to vector<16xi32>
      %gather3A_1609 = tpu.dynamic_gather %add3A_1593[%gather3A_1608] in [0] : vector<16xf32>, vector<16xi32> -> vector<16xf32>
      %add3A_1610 = arith.addf %add3A_1593, %gather3A_1609 : vector<16xf32>
      %xor3A_1611 = arith.constant 4 : i32
      %xor3A_1612 = vector.broadcast %xor3A_1611 : i32 to vector<16xi32>
      %xor3A_1613 = arith.xori %iota3A, %xor3A_1612 : vector<16xi32>
      %lt3A_1614 = arith.constant 0 : i32
      %lt3A_1615 = vector.broadcast %lt3A_1614 : i32 to vector<16xi32>
      %lt3A_1616 = arith.cmpi slt, %xor3A_1613, %lt3A_1615 : vector<16xi32>
      %add3A_1617 = arith.constant 16 : i32
      %add3A_1618 = vector.broadcast %add3A_1617 : i32 to vector<16xi32>
      %add3A_1619 = arith.addi %xor3A_1613, %add3A_1618 : vector<16xi32>
      %select_n3A_1620 = arith.select %lt3A_1616, %add3A_1619, %xor3A_1613 : vector<16xi1>, vector<16xi32>
      %broadcast_in_dim3A_1621 = vector.shape_cast %select_n3A_1620 : vector<16xi32> to vector<16x1xi32>
      %gather3A_1622 = vector.shape_cast %broadcast_in_dim3A_1621 : vector<16x1xi32> to vector<16xi32>
      %gather3A_1623 = tpu.dynamic_gather %add3A_1610[%gather3A_1622] in [0] : vector<16xf32>, vector<16xi32> -> vector<16xf32>
      %add3A_1624 = arith.addf %add3A_1610, %gather3A_1623 : vector<16xf32>
      %xor3A_1625 = arith.constant 2 : i32
      %xor3A_1626 = vector.broadcast %xor3A_1625 : i32 to vector<16xi32>
      %xor3A_1627 = arith.xori %iota3A, %xor3A_1626 : vector<16xi32>
      %lt3A_1628 = arith.constant 0 : i32
      %lt3A_1629 = vector.broadcast %lt3A_1628 : i32 to vector<16xi32>
      %lt3A_1630 = arith.cmpi slt, %xor3A_1627, %lt3A_1629 : vector<16xi32>
      %add3A_1631 = arith.constant 16 : i32
      %add3A_1632 = vector.broadcast %add3A_1631 : i32 to vector<16xi32>
      %add3A_1633 = arith.addi %xor3A_1627, %add3A_1632 : vector<16xi32>
      %select_n3A_1634 = arith.select %lt3A_1630, %add3A_1633, %xor3A_1627 : vector<16xi1>, vector<16xi32>
      %broadcast_in_dim3A_1635 = vector.shape_cast %select_n3A_1634 : vector<16xi32> to vector<16x1xi32>
      %gather3A_1636 = vector.shape_cast %broadcast_in_dim3A_1635 : vector<16x1xi32> to vector<16xi32>
      %gather3A_1637 = tpu.dynamic_gather %add3A_1624[%gather3A_1636] in [0] : vector<16xf32>, vector<16xi32> -> vector<16xf32>
      %add3A_1638 = arith.addf %add3A_1624, %gather3A_1637 : vector<16xf32>
      %xor3A_1639 = arith.constant 1 : i32
      %xor3A_1640 = vector.broadcast %xor3A_1639 : i32 to vector<16xi32>
      %xor3A_1641 = arith.xori %iota3A, %xor3A_1640 : vector<16xi32>
      %lt3A_1642 = arith.constant 0 : i32
      %lt3A_1643 = vector.broadcast %lt3A_1642 : i32 to vector<16xi32>
      %lt3A_1644 = arith.cmpi slt, %xor3A_1641, %lt3A_1643 : vector<16xi32>
      %add3A_1645 = arith.constant 16 : i32
      %add3A_1646 = vector.broadcast %add3A_1645 : i32 to vector<16xi32>
      %add3A_1647 = arith.addi %xor3A_1641, %add3A_1646 : vector<16xi32>
      %select_n3A_1648 = arith.select %lt3A_1644, %add3A_1647, %xor3A_1641 : vector<16xi1>, vector<16xi32>
      %broadcast_in_dim3A_1649 = vector.shape_cast %select_n3A_1648 : vector<16xi32> to vector<16x1xi32>
      %gather3A_1650 = vector.shape_cast %broadcast_in_dim3A_1649 : vector<16x1xi32> to vector<16xi32>
      %gather3A_1651 = tpu.dynamic_gather %add3A_1638[%gather3A_1650] in [0] : vector<16xf32>, vector<16xi32> -> vector<16xf32>
      %add3A_1652 = arith.addf %add3A_1638, %gather3A_1651 : vector<16xf32>
      %select_n3A_1653 = arith.select %eq3A_1596, %add3A_1652, %select_n3A_1538 : vector<16xi1>, vector<16xf32>
      %get3A_1654 = arith.constant 14 : i32
      %get3A_1655 = arith.index_cast %get3A_1654 : i32 to index
      %get3A_1656 = arith.constant 0 : index
      %get3A_1657 = tpu.vector_load %arg7[%get3A_1655, %get3A_1656] {strides = array<i32>} : memref<32x128xf32, #tpu.memory_space<vmem>>, vector<1x16xf32>,
      %get3A_1658 = vector.shape_cast %get3A_1657 : vector<1x16xf32> to vector<16xf32>
      %mul3A_1659 = arith.mulf %get3A_1658, %get3A_9 : vector<16xf32>
      %get3A_1660 = arith.constant 14 : i32
      %get3A_1661 = arith.index_cast %get3A_1660 : i32 to index
      %get3A_1662 = arith.constant 16 : index
      %get3A_1663 = tpu.vector_load %arg7[%get3A_1661, %get3A_1662] {strides = array<i32>} : memref<32x128xf32, #tpu.memory_space<vmem>>, vector<1x16xf32>,
      %get3A_1664 = vector.shape_cast %get3A_1663 : vector<1x16xf32> to vector<16xf32>
      %mul3A_1665 = arith.mulf %get3A_1664, %get3A_14 : vector<16xf32>
      %add3A_1666 = arith.addf %mul3A_1659, %mul3A_1665 : vector<16xf32>
      %get3A_1667 = arith.constant 14 : i32
      %get3A_1668 = arith.index_cast %get3A_1667 : i32 to index
      %get3A_1669 = arith.constant 32 : index
      %get3A_1670 = tpu.vector_load %arg7[%get3A_1668, %get3A_1669] {strides = array<i32>} : memref<32x128xf32, #tpu.memory_space<vmem>>, vector<1x16xf32>,
      %get3A_1671 = vector.shape_cast %get3A_1670 : vector<1x16xf32> to vector<16xf32>
      %mul3A_1672 = arith.mulf %get3A_1671, %get3A_19 : vector<16xf32>
      %add3A_1673 = arith.addf %add3A_1666, %mul3A_1672 : vector<16xf32>
      %get3A_1674 = arith.constant 14 : i32
      %get3A_1675 = arith.index_cast %get3A_1674 : i32 to index
      %get3A_1676 = arith.constant 48 : index
      %get3A_1677 = tpu.vector_load %arg7[%get3A_1675, %get3A_1676] {strides = array<i32>} : memref<32x128xf32, #tpu.memory_space<vmem>>, vector<1x16xf32>,
      %get3A_1678 = vector.shape_cast %get3A_1677 : vector<1x16xf32> to vector<16xf32>
      %mul3A_1679 = arith.mulf %get3A_1678, %get3A_24 : vector<16xf32>
      %add3A_1680 = arith.addf %add3A_1673, %mul3A_1679 : vector<16xf32>
      %get3A_1681 = arith.constant 14 : i32
      %get3A_1682 = arith.index_cast %get3A_1681 : i32 to index
      %get3A_1683 = arith.constant 64 : index
      %get3A_1684 = tpu.vector_load %arg7[%get3A_1682, %get3A_1683] {strides = array<i32>} : memref<32x128xf32, #tpu.memory_space<vmem>>, vector<1x16xf32>,
      %get3A_1685 = vector.shape_cast %get3A_1684 : vector<1x16xf32> to vector<16xf32>
      %mul3A_1686 = arith.mulf %get3A_1685, %get3A_29 : vector<16xf32>
      %add3A_1687 = arith.addf %add3A_1680, %mul3A_1686 : vector<16xf32>
      %get3A_1688 = arith.constant 14 : i32
      %get3A_1689 = arith.index_cast %get3A_1688 : i32 to index
      %get3A_1690 = arith.constant 80 : index
      %get3A_1691 = tpu.vector_load %arg7[%get3A_1689, %get3A_1690] {strides = array<i32>} : memref<32x128xf32, #tpu.memory_space<vmem>>, vector<1x16xf32>,
      %get3A_1692 = vector.shape_cast %get3A_1691 : vector<1x16xf32> to vector<16xf32>
      %mul3A_1693 = arith.mulf %get3A_1692, %get3A_34 : vector<16xf32>
      %add3A_1694 = arith.addf %add3A_1687, %mul3A_1693 : vector<16xf32>
      %get3A_1695 = arith.constant 14 : i32
      %get3A_1696 = arith.index_cast %get3A_1695 : i32 to index
      %get3A_1697 = arith.constant 96 : index
      %get3A_1698 = tpu.vector_load %arg7[%get3A_1696, %get3A_1697] {strides = array<i32>} : memref<32x128xf32, #tpu.memory_space<vmem>>, vector<1x16xf32>,
      %get3A_1699 = vector.shape_cast %get3A_1698 : vector<1x16xf32> to vector<16xf32>
      %mul3A_1700 = arith.mulf %get3A_1699, %get3A_39 : vector<16xf32>
      %add3A_1701 = arith.addf %add3A_1694, %mul3A_1700 : vector<16xf32>
      %get3A_1702 = arith.constant 14 : i32
      %get3A_1703 = arith.index_cast %get3A_1702 : i32 to index
      %get3A_1704 = arith.constant 112 : index
      %get3A_1705 = tpu.vector_load %arg7[%get3A_1703, %get3A_1704] {strides = array<i32>} : memref<32x128xf32, #tpu.memory_space<vmem>>, vector<1x16xf32>,
      %get3A_1706 = vector.shape_cast %get3A_1705 : vector<1x16xf32> to vector<16xf32>
      %mul3A_1707 = arith.mulf %get3A_1706, %get3A_44 : vector<16xf32>
      %add3A_1708 = arith.addf %add3A_1701, %mul3A_1707 : vector<16xf32>
      %eq3A_1709 = arith.constant 14 : i32
      %eq3A_1710 = vector.broadcast %eq3A_1709 : i32 to vector<16xi32>
      %eq3A_1711 = arith.cmpi eq, %iota3A, %eq3A_1710 : vector<16xi32>
      %xor3A_1712 = arith.constant 8 : i32
      %xor3A_1713 = vector.broadcast %xor3A_1712 : i32 to vector<16xi32>
      %xor3A_1714 = arith.xori %iota3A, %xor3A_1713 : vector<16xi32>
      %lt3A_1715 = arith.constant 0 : i32
      %lt3A_1716 = vector.broadcast %lt3A_1715 : i32 to vector<16xi32>
      %lt3A_1717 = arith.cmpi slt, %xor3A_1714, %lt3A_1716 : vector<16xi32>
      %add3A_1718 = arith.constant 16 : i32
      %add3A_1719 = vector.broadcast %add3A_1718 : i32 to vector<16xi32>
      %add3A_1720 = arith.addi %xor3A_1714, %add3A_1719 : vector<16xi32>
      %select_n3A_1721 = arith.select %lt3A_1717, %add3A_1720, %xor3A_1714 : vector<16xi1>, vector<16xi32>
      %broadcast_in_dim3A_1722 = vector.shape_cast %select_n3A_1721 : vector<16xi32> to vector<16x1xi32>
      %gather3A_1723 = vector.shape_cast %broadcast_in_dim3A_1722 : vector<16x1xi32> to vector<16xi32>
      %gather3A_1724 = tpu.dynamic_gather %add3A_1708[%gather3A_1723] in [0] : vector<16xf32>, vector<16xi32> -> vector<16xf32>
      %add3A_1725 = arith.addf %add3A_1708, %gather3A_1724 : vector<16xf32>
      %xor3A_1726 = arith.constant 4 : i32
      %xor3A_1727 = vector.broadcast %xor3A_1726 : i32 to vector<16xi32>
      %xor3A_1728 = arith.xori %iota3A, %xor3A_1727 : vector<16xi32>
      %lt3A_1729 = arith.constant 0 : i32
      %lt3A_1730 = vector.broadcast %lt3A_1729 : i32 to vector<16xi32>
      %lt3A_1731 = arith.cmpi slt, %xor3A_1728, %lt3A_1730 : vector<16xi32>
      %add3A_1732 = arith.constant 16 : i32
      %add3A_1733 = vector.broadcast %add3A_1732 : i32 to vector<16xi32>
      %add3A_1734 = arith.addi %xor3A_1728, %add3A_1733 : vector<16xi32>
      %select_n3A_1735 = arith.select %lt3A_1731, %add3A_1734, %xor3A_1728 : vector<16xi1>, vector<16xi32>
      %broadcast_in_dim3A_1736 = vector.shape_cast %select_n3A_1735 : vector<16xi32> to vector<16x1xi32>
      %gather3A_1737 = vector.shape_cast %broadcast_in_dim3A_1736 : vector<16x1xi32> to vector<16xi32>
      %gather3A_1738 = tpu.dynamic_gather %add3A_1725[%gather3A_1737] in [0] : vector<16xf32>, vector<16xi32> -> vector<16xf32>
      %add3A_1739 = arith.addf %add3A_1725, %gather3A_1738 : vector<16xf32>
      %xor3A_1740 = arith.constant 2 : i32
      %xor3A_1741 = vector.broadcast %xor3A_1740 : i32 to vector<16xi32>
      %xor3A_1742 = arith.xori %iota3A, %xor3A_1741 : vector<16xi32>
      %lt3A_1743 = arith.constant 0 : i32
      %lt3A_1744 = vector.broadcast %lt3A_1743 : i32 to vector<16xi32>
      %lt3A_1745 = arith.cmpi slt, %xor3A_1742, %lt3A_1744 : vector<16xi32>
      %add3A_1746 = arith.constant 16 : i32
      %add3A_1747 = vector.broadcast %add3A_1746 : i32 to vector<16xi32>
      %add3A_1748 = arith.addi %xor3A_1742, %add3A_1747 : vector<16xi32>
      %select_n3A_1749 = arith.select %lt3A_1745, %add3A_1748, %xor3A_1742 : vector<16xi1>, vector<16xi32>
      %broadcast_in_dim3A_1750 = vector.shape_cast %select_n3A_1749 : vector<16xi32> to vector<16x1xi32>
      %gather3A_1751 = vector.shape_cast %broadcast_in_dim3A_1750 : vector<16x1xi32> to vector<16xi32>
      %gather3A_1752 = tpu.dynamic_gather %add3A_1739[%gather3A_1751] in [0] : vector<16xf32>, vector<16xi32> -> vector<16xf32>
      %add3A_1753 = arith.addf %add3A_1739, %gather3A_1752 : vector<16xf32>
      %xor3A_1754 = arith.constant 1 : i32
      %xor3A_1755 = vector.broadcast %xor3A_1754 : i32 to vector<16xi32>
      %xor3A_1756 = arith.xori %iota3A, %xor3A_1755 : vector<16xi32>
      %lt3A_1757 = arith.constant 0 : i32
      %lt3A_1758 = vector.broadcast %lt3A_1757 : i32 to vector<16xi32>
      %lt3A_1759 = arith.cmpi slt, %xor3A_1756, %lt3A_1758 : vector<16xi32>
      %add3A_1760 = arith.constant 16 : i32
      %add3A_1761 = vector.broadcast %add3A_1760 : i32 to vector<16xi32>
      %add3A_1762 = arith.addi %xor3A_1756, %add3A_1761 : vector<16xi32>
      %select_n3A_1763 = arith.select %lt3A_1759, %add3A_1762, %xor3A_1756 : vector<16xi1>, vector<16xi32>
      %broadcast_in_dim3A_1764 = vector.shape_cast %select_n3A_1763 : vector<16xi32> to vector<16x1xi32>
      %gather3A_1765 = vector.shape_cast %broadcast_in_dim3A_1764 : vector<16x1xi32> to vector<16xi32>
      %gather3A_1766 = tpu.dynamic_gather %add3A_1753[%gather3A_1765] in [0] : vector<16xf32>, vector<16xi32> -> vector<16xf32>
      %add3A_1767 = arith.addf %add3A_1753, %gather3A_1766 : vector<16xf32>
      %select_n3A_1768 = arith.select %eq3A_1711, %add3A_1767, %select_n3A_1653 : vector<16xi1>, vector<16xf32>
      %get3A_1769 = arith.constant 15 : i32
      %get3A_1770 = arith.index_cast %get3A_1769 : i32 to index
      %get3A_1771 = arith.constant 0 : index
      %get3A_1772 = tpu.vector_load %arg7[%get3A_1770, %get3A_1771] {strides = array<i32>} : memref<32x128xf32, #tpu.memory_space<vmem>>, vector<1x16xf32>,
      %get3A_1773 = vector.shape_cast %get3A_1772 : vector<1x16xf32> to vector<16xf32>
      %mul3A_1774 = arith.mulf %get3A_1773, %get3A_9 : vector<16xf32>
      %get3A_1775 = arith.constant 15 : i32
      %get3A_1776 = arith.index_cast %get3A_1775 : i32 to index
      %get3A_1777 = arith.constant 16 : index
      %get3A_1778 = tpu.vector_load %arg7[%get3A_1776, %get3A_1777] {strides = array<i32>} : memref<32x128xf32, #tpu.memory_space<vmem>>, vector<1x16xf32>,
      %get3A_1779 = vector.shape_cast %get3A_1778 : vector<1x16xf32> to vector<16xf32>
      %mul3A_1780 = arith.mulf %get3A_1779, %get3A_14 : vector<16xf32>
      %add3A_1781 = arith.addf %mul3A_1774, %mul3A_1780 : vector<16xf32>
      %get3A_1782 = arith.constant 15 : i32
      %get3A_1783 = arith.index_cast %get3A_1782 : i32 to index
      %get3A_1784 = arith.constant 32 : index
      %get3A_1785 = tpu.vector_load %arg7[%get3A_1783, %get3A_1784] {strides = array<i32>} : memref<32x128xf32, #tpu.memory_space<vmem>>, vector<1x16xf32>,
      %get3A_1786 = vector.shape_cast %get3A_1785 : vector<1x16xf32> to vector<16xf32>
      %mul3A_1787 = arith.mulf %get3A_1786, %get3A_19 : vector<16xf32>
      %add3A_1788 = arith.addf %add3A_1781, %mul3A_1787 : vector<16xf32>
      %get3A_1789 = arith.constant 15 : i32
      %get3A_1790 = arith.index_cast %get3A_1789 : i32 to index
      %get3A_1791 = arith.constant 48 : index
      %get3A_1792 = tpu.vector_load %arg7[%get3A_1790, %get3A_1791] {strides = array<i32>} : memref<32x128xf32, #tpu.memory_space<vmem>>, vector<1x16xf32>,
      %get3A_1793 = vector.shape_cast %get3A_1792 : vector<1x16xf32> to vector<16xf32>
      %mul3A_1794 = arith.mulf %get3A_1793, %get3A_24 : vector<16xf32>
      %add3A_1795 = arith.addf %add3A_1788, %mul3A_1794 : vector<16xf32>
      %get3A_1796 = arith.constant 15 : i32
      %get3A_1797 = arith.index_cast %get3A_1796 : i32 to index
      %get3A_1798 = arith.constant 64 : index
      %get3A_1799 = tpu.vector_load %arg7[%get3A_1797, %get3A_1798] {strides = array<i32>} : memref<32x128xf32, #tpu.memory_space<vmem>>, vector<1x16xf32>,
      %get3A_1800 = vector.shape_cast %get3A_1799 : vector<1x16xf32> to vector<16xf32>
      %mul3A_1801 = arith.mulf %get3A_1800, %get3A_29 : vector<16xf32>
      %add3A_1802 = arith.addf %add3A_1795, %mul3A_1801 : vector<16xf32>
      %get3A_1803 = arith.constant 15 : i32
      %get3A_1804 = arith.index_cast %get3A_1803 : i32 to index
      %get3A_1805 = arith.constant 80 : index
      %get3A_1806 = tpu.vector_load %arg7[%get3A_1804, %get3A_1805] {strides = array<i32>} : memref<32x128xf32, #tpu.memory_space<vmem>>, vector<1x16xf32>,
      %get3A_1807 = vector.shape_cast %get3A_1806 : vector<1x16xf32> to vector<16xf32>
      %mul3A_1808 = arith.mulf %get3A_1807, %get3A_34 : vector<16xf32>
      %add3A_1809 = arith.addf %add3A_1802, %mul3A_1808 : vector<16xf32>
      %get3A_1810 = arith.constant 15 : i32
      %get3A_1811 = arith.index_cast %get3A_1810 : i32 to index
      %get3A_1812 = arith.constant 96 : index
      %get3A_1813 = tpu.vector_load %arg7[%get3A_1811, %get3A_1812] {strides = array<i32>} : memref<32x128xf32, #tpu.memory_space<vmem>>, vector<1x16xf32>,
      %get3A_1814 = vector.shape_cast %get3A_1813 : vector<1x16xf32> to vector<16xf32>
      %mul3A_1815 = arith.mulf %get3A_1814, %get3A_39 : vector<16xf32>
      %add3A_1816 = arith.addf %add3A_1809, %mul3A_1815 : vector<16xf32>
      %get3A_1817 = arith.constant 15 : i32
      %get3A_1818 = arith.index_cast %get3A_1817 : i32 to index
      %get3A_1819 = arith.constant 112 : index
      %get3A_1820 = tpu.vector_load %arg7[%get3A_1818, %get3A_1819] {strides = array<i32>} : memref<32x128xf32, #tpu.memory_space<vmem>>, vector<1x16xf32>,
      %get3A_1821 = vector.shape_cast %get3A_1820 : vector<1x16xf32> to vector<16xf32>
      %mul3A_1822 = arith.mulf %get3A_1821, %get3A_44 : vector<16xf32>
      %add3A_1823 = arith.addf %add3A_1816, %mul3A_1822 : vector<16xf32>
      %eq3A_1824 = arith.constant 15 : i32
      %eq3A_1825 = vector.broadcast %eq3A_1824 : i32 to vector<16xi32>
      %eq3A_1826 = arith.cmpi eq, %iota3A, %eq3A_1825 : vector<16xi32>
      %xor3A_1827 = arith.constant 8 : i32
      %xor3A_1828 = vector.broadcast %xor3A_1827 : i32 to vector<16xi32>
      %xor3A_1829 = arith.xori %iota3A, %xor3A_1828 : vector<16xi32>
      %lt3A_1830 = arith.constant 0 : i32
      %lt3A_1831 = vector.broadcast %lt3A_1830 : i32 to vector<16xi32>
      %lt3A_1832 = arith.cmpi slt, %xor3A_1829, %lt3A_1831 : vector<16xi32>
      %add3A_1833 = arith.constant 16 : i32
      %add3A_1834 = vector.broadcast %add3A_1833 : i32 to vector<16xi32>
      %add3A_1835 = arith.addi %xor3A_1829, %add3A_1834 : vector<16xi32>
      %select_n3A_1836 = arith.select %lt3A_1832, %add3A_1835, %xor3A_1829 : vector<16xi1>, vector<16xi32>
      %broadcast_in_dim3A_1837 = vector.shape_cast %select_n3A_1836 : vector<16xi32> to vector<16x1xi32>
      %gather3A_1838 = vector.shape_cast %broadcast_in_dim3A_1837 : vector<16x1xi32> to vector<16xi32>
      %gather3A_1839 = tpu.dynamic_gather %add3A_1823[%gather3A_1838] in [0] : vector<16xf32>, vector<16xi32> -> vector<16xf32>
      %add3A_1840 = arith.addf %add3A_1823, %gather3A_1839 : vector<16xf32>
      %xor3A_1841 = arith.constant 4 : i32
      %xor3A_1842 = vector.broadcast %xor3A_1841 : i32 to vector<16xi32>
      %xor3A_1843 = arith.xori %iota3A, %xor3A_1842 : vector<16xi32>
      %lt3A_1844 = arith.constant 0 : i32
      %lt3A_1845 = vector.broadcast %lt3A_1844 : i32 to vector<16xi32>
      %lt3A_1846 = arith.cmpi slt, %xor3A_1843, %lt3A_1845 : vector<16xi32>
      %add3A_1847 = arith.constant 16 : i32
      %add3A_1848 = vector.broadcast %add3A_1847 : i32 to vector<16xi32>
      %add3A_1849 = arith.addi %xor3A_1843, %add3A_1848 : vector<16xi32>
      %select_n3A_1850 = arith.select %lt3A_1846, %add3A_1849, %xor3A_1843 : vector<16xi1>, vector<16xi32>
      %broadcast_in_dim3A_1851 = vector.shape_cast %select_n3A_1850 : vector<16xi32> to vector<16x1xi32>
      %gather3A_1852 = vector.shape_cast %broadcast_in_dim3A_1851 : vector<16x1xi32> to vector<16xi32>
      %gather3A_1853 = tpu.dynamic_gather %add3A_1840[%gather3A_1852] in [0] : vector<16xf32>, vector<16xi32> -> vector<16xf32>
      %add3A_1854 = arith.addf %add3A_1840, %gather3A_1853 : vector<16xf32>
      %xor3A_1855 = arith.constant 2 : i32
      %xor3A_1856 = vector.broadcast %xor3A_1855 : i32 to vector<16xi32>
      %xor3A_1857 = arith.xori %iota3A, %xor3A_1856 : vector<16xi32>
      %lt3A_1858 = arith.constant 0 : i32
      %lt3A_1859 = vector.broadcast %lt3A_1858 : i32 to vector<16xi32>
      %lt3A_1860 = arith.cmpi slt, %xor3A_1857, %lt3A_1859 : vector<16xi32>
      %add3A_1861 = arith.constant 16 : i32
      %add3A_1862 = vector.broadcast %add3A_1861 : i32 to vector<16xi32>
      %add3A_1863 = arith.addi %xor3A_1857, %add3A_1862 : vector<16xi32>
      %select_n3A_1864 = arith.select %lt3A_1860, %add3A_1863, %xor3A_1857 : vector<16xi1>, vector<16xi32>
      %broadcast_in_dim3A_1865 = vector.shape_cast %select_n3A_1864 : vector<16xi32> to vector<16x1xi32>
      %gather3A_1866 = vector.shape_cast %broadcast_in_dim3A_1865 : vector<16x1xi32> to vector<16xi32>
      %gather3A_1867 = tpu.dynamic_gather %add3A_1854[%gather3A_1866] in [0] : vector<16xf32>, vector<16xi32> -> vector<16xf32>
      %add3A_1868 = arith.addf %add3A_1854, %gather3A_1867 : vector<16xf32>
      %xor3A_1869 = arith.constant 1 : i32
      %xor3A_1870 = vector.broadcast %xor3A_1869 : i32 to vector<16xi32>
      %xor3A_1871 = arith.xori %iota3A, %xor3A_1870 : vector<16xi32>
      %lt3A_1872 = arith.constant 0 : i32
      %lt3A_1873 = vector.broadcast %lt3A_1872 : i32 to vector<16xi32>
      %lt3A_1874 = arith.cmpi slt, %xor3A_1871, %lt3A_1873 : vector<16xi32>
      %add3A_1875 = arith.constant 16 : i32
      %add3A_1876 = vector.broadcast %add3A_1875 : i32 to vector<16xi32>
      %add3A_1877 = arith.addi %xor3A_1871, %add3A_1876 : vector<16xi32>
      %select_n3A_1878 = arith.select %lt3A_1874, %add3A_1877, %xor3A_1871 : vector<16xi1>, vector<16xi32>
      %broadcast_in_dim3A_1879 = vector.shape_cast %select_n3A_1878 : vector<16xi32> to vector<16x1xi32>
      %gather3A_1880 = vector.shape_cast %broadcast_in_dim3A_1879 : vector<16x1xi32> to vector<16xi32>
      %gather3A_1881 = tpu.dynamic_gather %add3A_1868[%gather3A_1880] in [0] : vector<16xf32>, vector<16xi32> -> vector<16xf32>
      %add3A_1882 = arith.addf %add3A_1868, %gather3A_1881 : vector<16xf32>
      %select_n3A_1883 = arith.select %eq3A_1826, %add3A_1882, %select_n3A_1768 : vector<16xi1>, vector<16xf32>
      %get3A_1884 = arith.constant 0 : i32
      %get3A_1885 = arith.index_cast %get3A_1884 : i32 to index
      %get3A_1886 = arith.constant 0 : index
      %get3A_1887 = tpu.vector_load %arg8[%get3A_1885, %get3A_1886] {strides = array<i32>} : memref<2x32xf32, #tpu.memory_space<vmem>>, vector<1x16xf32>,
      %get3A_1888 = vector.shape_cast %get3A_1887 : vector<1x16xf32> to vector<16xf32>
      %get3A_1889 = arith.constant 1 : i32
      %get3A_1890 = arith.index_cast %get3A_1889 : i32 to index
      %get3A_1891 = arith.constant 0 : index
      %get3A_1892 = tpu.vector_load %arg8[%get3A_1890, %get3A_1891] {strides = array<i32>} : memref<2x32xf32, #tpu.memory_space<vmem>>, vector<1x16xf32>,
      %get3A_1893 = vector.shape_cast %get3A_1892 : vector<1x16xf32> to vector<16xf32>
      %mul3A_1894 = arith.mulf %get3A_1888, %select_n3A_1883 : vector<16xf32>
      %add3A_1895 = arith.addf %broadcast_in_dim3A_45, %mul3A_1894 : vector<16xf32>
      %abs3A = math.absf %select_n3A_1883 : vector<16xf32>
      %neg3A = arith.constant 0.000000e+00 : f32
      %neg3A_1896 = vector.broadcast %neg3A : f32 to vector<16xf32>
      %neg3A_1897 = arith.subf %neg3A_1896, %abs3A : vector<16xf32>
      %exp3A = math.exp %neg3A_1897 : vector<16xf32>
      %ge3A = arith.constant 0.000000e+00 : f32
      %ge3A_1898 = vector.broadcast %ge3A : f32 to vector<16xf32>
      %ge3A_1899 = arith.cmpf oge, %select_n3A_1883, %ge3A_1898 : vector<16xf32>
      %broadcast_in_dim3A_1900 = arith.constant 1.000000e+00 : f32
      %broadcast_in_dim3A_1901 = vector.broadcast %broadcast_in_dim3A_1900 : f32 to vector<16xf32>
      %select_n3A_1902 = arith.select %ge3A_1899, %exp3A, %broadcast_in_dim3A_1901 : vector<16xi1>, vector<16xf32>
      %add3A_1903 = arith.constant 1.000000e+00 : f32
      %add3A_1904 = vector.broadcast %add3A_1903 : f32 to vector<16xf32>
      %add3A_1905 = arith.addf %add3A_1904, %exp3A : vector<16xf32>
      %div3A = arith.divf %select_n3A_1902, %add3A_1905 : vector<16xf32>
      %mul3A_1906 = arith.mulf %get3A_1893, %div3A : vector<16xf32>
      %add3A_1907 = arith.addf %broadcast_in_dim3A_47, %mul3A_1906 : vector<16xf32>
      %broadcast_in_dim3A_1908 = arith.constant 0.000000e+00 : f32
      %broadcast_in_dim3A_1909 = vector.broadcast %broadcast_in_dim3A_1908 : f32 to vector<16xf32>
      %get3A_1910 = arith.constant 16 : i32
      %get3A_1911 = arith.index_cast %get3A_1910 : i32 to index
      %get3A_1912 = arith.constant 0 : index
      %get3A_1913 = tpu.vector_load %arg7[%get3A_1911, %get3A_1912] {strides = array<i32>} : memref<32x128xf32, #tpu.memory_space<vmem>>, vector<1x16xf32>,
      %get3A_1914 = vector.shape_cast %get3A_1913 : vector<1x16xf32> to vector<16xf32>
      %mul3A_1915 = arith.mulf %get3A_1914, %get3A_9 : vector<16xf32>
      %get3A_1916 = arith.constant 16 : i32
      %get3A_1917 = arith.index_cast %get3A_1916 : i32 to index
      %get3A_1918 = arith.constant 16 : index
      %get3A_1919 = tpu.vector_load %arg7[%get3A_1917, %get3A_1918] {strides = array<i32>} : memref<32x128xf32, #tpu.memory_space<vmem>>, vector<1x16xf32>,
      %get3A_1920 = vector.shape_cast %get3A_1919 : vector<1x16xf32> to vector<16xf32>
      %mul3A_1921 = arith.mulf %get3A_1920, %get3A_14 : vector<16xf32>
      %add3A_1922 = arith.addf %mul3A_1915, %mul3A_1921 : vector<16xf32>
      %get3A_1923 = arith.constant 16 : i32
      %get3A_1924 = arith.index_cast %get3A_1923 : i32 to index
      %get3A_1925 = arith.constant 32 : index
      %get3A_1926 = tpu.vector_load %arg7[%get3A_1924, %get3A_1925] {strides = array<i32>} : memref<32x128xf32, #tpu.memory_space<vmem>>, vector<1x16xf32>,
      %get3A_1927 = vector.shape_cast %get3A_1926 : vector<1x16xf32> to vector<16xf32>
      %mul3A_1928 = arith.mulf %get3A_1927, %get3A_19 : vector<16xf32>
      %add3A_1929 = arith.addf %add3A_1922, %mul3A_1928 : vector<16xf32>
      %get3A_1930 = arith.constant 16 : i32
      %get3A_1931 = arith.index_cast %get3A_1930 : i32 to index
      %get3A_1932 = arith.constant 48 : index
      %get3A_1933 = tpu.vector_load %arg7[%get3A_1931, %get3A_1932] {strides = array<i32>} : memref<32x128xf32, #tpu.memory_space<vmem>>, vector<1x16xf32>,
      %get3A_1934 = vector.shape_cast %get3A_1933 : vector<1x16xf32> to vector<16xf32>
      %mul3A_1935 = arith.mulf %get3A_1934, %get3A_24 : vector<16xf32>
      %add3A_1936 = arith.addf %add3A_1929, %mul3A_1935 : vector<16xf32>
      %get3A_1937 = arith.constant 16 : i32
      %get3A_1938 = arith.index_cast %get3A_1937 : i32 to index
      %get3A_1939 = arith.constant 64 : index
      %get3A_1940 = tpu.vector_load %arg7[%get3A_1938, %get3A_1939] {strides = array<i32>} : memref<32x128xf32, #tpu.memory_space<vmem>>, vector<1x16xf32>,
      %get3A_1941 = vector.shape_cast %get3A_1940 : vector<1x16xf32> to vector<16xf32>
      %mul3A_1942 = arith.mulf %get3A_1941, %get3A_29 : vector<16xf32>
      %add3A_1943 = arith.addf %add3A_1936, %mul3A_1942 : vector<16xf32>
      %get3A_1944 = arith.constant 16 : i32
      %get3A_1945 = arith.index_cast %get3A_1944 : i32 to index
      %get3A_1946 = arith.constant 80 : index
      %get3A_1947 = tpu.vector_load %arg7[%get3A_1945, %get3A_1946] {strides = array<i32>} : memref<32x128xf32, #tpu.memory_space<vmem>>, vector<1x16xf32>,
      %get3A_1948 = vector.shape_cast %get3A_1947 : vector<1x16xf32> to vector<16xf32>
      %mul3A_1949 = arith.mulf %get3A_1948, %get3A_34 : vector<16xf32>
      %add3A_1950 = arith.addf %add3A_1943, %mul3A_1949 : vector<16xf32>
      %get3A_1951 = arith.constant 16 : i32
      %get3A_1952 = arith.index_cast %get3A_1951 : i32 to index
      %get3A_1953 = arith.constant 96 : index
      %get3A_1954 = tpu.vector_load %arg7[%get3A_1952, %get3A_1953] {strides = array<i32>} : memref<32x128xf32, #tpu.memory_space<vmem>>, vector<1x16xf32>,
      %get3A_1955 = vector.shape_cast %get3A_1954 : vector<1x16xf32> to vector<16xf32>
      %mul3A_1956 = arith.mulf %get3A_1955, %get3A_39 : vector<16xf32>
      %add3A_1957 = arith.addf %add3A_1950, %mul3A_1956 : vector<16xf32>
      %get3A_1958 = arith.constant 16 : i32
      %get3A_1959 = arith.index_cast %get3A_1958 : i32 to index
      %get3A_1960 = arith.constant 112 : index
      %get3A_1961 = tpu.vector_load %arg7[%get3A_1959, %get3A_1960] {strides = array<i32>} : memref<32x128xf32, #tpu.memory_space<vmem>>, vector<1x16xf32>,
      %get3A_1962 = vector.shape_cast %get3A_1961 : vector<1x16xf32> to vector<16xf32>
      %mul3A_1963 = arith.mulf %get3A_1962, %get3A_44 : vector<16xf32>
      %add3A_1964 = arith.addf %add3A_1957, %mul3A_1963 : vector<16xf32>
      %eq3A_1965 = arith.constant 0 : i32
      %eq3A_1966 = vector.broadcast %eq3A_1965 : i32 to vector<16xi32>
      %eq3A_1967 = arith.cmpi eq, %iota3A, %eq3A_1966 : vector<16xi32>
      %xor3A_1968 = arith.constant 8 : i32
      %xor3A_1969 = vector.broadcast %xor3A_1968 : i32 to vector<16xi32>
      %xor3A_1970 = arith.xori %iota3A, %xor3A_1969 : vector<16xi32>
      %lt3A_1971 = arith.constant 0 : i32
      %lt3A_1972 = vector.broadcast %lt3A_1971 : i32 to vector<16xi32>
      %lt3A_1973 = arith.cmpi slt, %xor3A_1970, %lt3A_1972 : vector<16xi32>
      %add3A_1974 = arith.constant 16 : i32
      %add3A_1975 = vector.broadcast %add3A_1974 : i32 to vector<16xi32>
      %add3A_1976 = arith.addi %xor3A_1970, %add3A_1975 : vector<16xi32>
      %select_n3A_1977 = arith.select %lt3A_1973, %add3A_1976, %xor3A_1970 : vector<16xi1>, vector<16xi32>
      %broadcast_in_dim3A_1978 = vector.shape_cast %select_n3A_1977 : vector<16xi32> to vector<16x1xi32>
      %gather3A_1979 = vector.shape_cast %broadcast_in_dim3A_1978 : vector<16x1xi32> to vector<16xi32>
      %gather3A_1980 = tpu.dynamic_gather %add3A_1964[%gather3A_1979] in [0] : vector<16xf32>, vector<16xi32> -> vector<16xf32>
      %add3A_1981 = arith.addf %add3A_1964, %gather3A_1980 : vector<16xf32>
      %xor3A_1982 = arith.constant 4 : i32
      %xor3A_1983 = vector.broadcast %xor3A_1982 : i32 to vector<16xi32>
      %xor3A_1984 = arith.xori %iota3A, %xor3A_1983 : vector<16xi32>
      %lt3A_1985 = arith.constant 0 : i32
      %lt3A_1986 = vector.broadcast %lt3A_1985 : i32 to vector<16xi32>
      %lt3A_1987 = arith.cmpi slt, %xor3A_1984, %lt3A_1986 : vector<16xi32>
      %add3A_1988 = arith.constant 16 : i32
      %add3A_1989 = vector.broadcast %add3A_1988 : i32 to vector<16xi32>
      %add3A_1990 = arith.addi %xor3A_1984, %add3A_1989 : vector<16xi32>
      %select_n3A_1991 = arith.select %lt3A_1987, %add3A_1990, %xor3A_1984 : vector<16xi1>, vector<16xi32>
      %broadcast_in_dim3A_1992 = vector.shape_cast %select_n3A_1991 : vector<16xi32> to vector<16x1xi32>
      %gather3A_1993 = vector.shape_cast %broadcast_in_dim3A_1992 : vector<16x1xi32> to vector<16xi32>
      %gather3A_1994 = tpu.dynamic_gather %add3A_1981[%gather3A_1993] in [0] : vector<16xf32>, vector<16xi32> -> vector<16xf32>
      %add3A_1995 = arith.addf %add3A_1981, %gather3A_1994 : vector<16xf32>
      %xor3A_1996 = arith.constant 2 : i32
      %xor3A_1997 = vector.broadcast %xor3A_1996 : i32 to vector<16xi32>
      %xor3A_1998 = arith.xori %iota3A, %xor3A_1997 : vector<16xi32>
      %lt3A_1999 = arith.constant 0 : i32
      %lt3A_2000 = vector.broadcast %lt3A_1999 : i32 to vector<16xi32>
      %lt3A_2001 = arith.cmpi slt, %xor3A_1998, %lt3A_2000 : vector<16xi32>
      %add3A_2002 = arith.constant 16 : i32
      %add3A_2003 = vector.broadcast %add3A_2002 : i32 to vector<16xi32>
      %add3A_2004 = arith.addi %xor3A_1998, %add3A_2003 : vector<16xi32>
      %select_n3A_2005 = arith.select %lt3A_2001, %add3A_2004, %xor3A_1998 : vector<16xi1>, vector<16xi32>
      %broadcast_in_dim3A_2006 = vector.shape_cast %select_n3A_2005 : vector<16xi32> to vector<16x1xi32>
      %gather3A_2007 = vector.shape_cast %broadcast_in_dim3A_2006 : vector<16x1xi32> to vector<16xi32>
      %gather3A_2008 = tpu.dynamic_gather %add3A_1995[%gather3A_2007] in [0] : vector<16xf32>, vector<16xi32> -> vector<16xf32>
      %add3A_2009 = arith.addf %add3A_1995, %gather3A_2008 : vector<16xf32>
      %xor3A_2010 = arith.constant 1 : i32
      %xor3A_2011 = vector.broadcast %xor3A_2010 : i32 to vector<16xi32>
      %xor3A_2012 = arith.xori %iota3A, %xor3A_2011 : vector<16xi32>
      %lt3A_2013 = arith.constant 0 : i32
      %lt3A_2014 = vector.broadcast %lt3A_2013 : i32 to vector<16xi32>
      %lt3A_2015 = arith.cmpi slt, %xor3A_2012, %lt3A_2014 : vector<16xi32>
      %add3A_2016 = arith.constant 16 : i32
      %add3A_2017 = vector.broadcast %add3A_2016 : i32 to vector<16xi32>
      %add3A_2018 = arith.addi %xor3A_2012, %add3A_2017 : vector<16xi32>
      %select_n3A_2019 = arith.select %lt3A_2015, %add3A_2018, %xor3A_2012 : vector<16xi1>, vector<16xi32>
      %broadcast_in_dim3A_2020 = vector.shape_cast %select_n3A_2019 : vector<16xi32> to vector<16x1xi32>
      %gather3A_2021 = vector.shape_cast %broadcast_in_dim3A_2020 : vector<16x1xi32> to vector<16xi32>
      %gather3A_2022 = tpu.dynamic_gather %add3A_2009[%gather3A_2021] in [0] : vector<16xf32>, vector<16xi32> -> vector<16xf32>
      %add3A_2023 = arith.addf %add3A_2009, %gather3A_2022 : vector<16xf32>
      %select_n3A_2024 = arith.select %eq3A_1967, %add3A_2023, %broadcast_in_dim3A_1909 : vector<16xi1>, vector<16xf32>
      %get3A_2025 = arith.constant 17 : i32
      %get3A_2026 = arith.index_cast %get3A_2025 : i32 to index
      %get3A_2027 = arith.constant 0 : index
      %get3A_2028 = tpu.vector_load %arg7[%get3A_2026, %get3A_2027] {strides = array<i32>} : memref<32x128xf32, #tpu.memory_space<vmem>>, vector<1x16xf32>,
      %get3A_2029 = vector.shape_cast %get3A_2028 : vector<1x16xf32> to vector<16xf32>
      %mul3A_2030 = arith.mulf %get3A_2029, %get3A_9 : vector<16xf32>
      %get3A_2031 = arith.constant 17 : i32
      %get3A_2032 = arith.index_cast %get3A_2031 : i32 to index
      %get3A_2033 = arith.constant 16 : index
      %get3A_2034 = tpu.vector_load %arg7[%get3A_2032, %get3A_2033] {strides = array<i32>} : memref<32x128xf32, #tpu.memory_space<vmem>>, vector<1x16xf32>,
      %get3A_2035 = vector.shape_cast %get3A_2034 : vector<1x16xf32> to vector<16xf32>
      %mul3A_2036 = arith.mulf %get3A_2035, %get3A_14 : vector<16xf32>
      %add3A_2037 = arith.addf %mul3A_2030, %mul3A_2036 : vector<16xf32>
      %get3A_2038 = arith.constant 17 : i32
      %get3A_2039 = arith.index_cast %get3A_2038 : i32 to index
      %get3A_2040 = arith.constant 32 : index
      %get3A_2041 = tpu.vector_load %arg7[%get3A_2039, %get3A_2040] {strides = array<i32>} : memref<32x128xf32, #tpu.memory_space<vmem>>, vector<1x16xf32>,
      %get3A_2042 = vector.shape_cast %get3A_2041 : vector<1x16xf32> to vector<16xf32>
      %mul3A_2043 = arith.mulf %get3A_2042, %get3A_19 : vector<16xf32>
      %add3A_2044 = arith.addf %add3A_2037, %mul3A_2043 : vector<16xf32>
      %get3A_2045 = arith.constant 17 : i32
      %get3A_2046 = arith.index_cast %get3A_2045 : i32 to index
      %get3A_2047 = arith.constant 48 : index
      %get3A_2048 = tpu.vector_load %arg7[%get3A_2046, %get3A_2047] {strides = array<i32>} : memref<32x128xf32, #tpu.memory_space<vmem>>, vector<1x16xf32>,
      %get3A_2049 = vector.shape_cast %get3A_2048 : vector<1x16xf32> to vector<16xf32>
      %mul3A_2050 = arith.mulf %get3A_2049, %get3A_24 : vector<16xf32>
      %add3A_2051 = arith.addf %add3A_2044, %mul3A_2050 : vector<16xf32>
      %get3A_2052 = arith.constant 17 : i32
      %get3A_2053 = arith.index_cast %get3A_2052 : i32 to index
      %get3A_2054 = arith.constant 64 : index
      %get3A_2055 = tpu.vector_load %arg7[%get3A_2053, %get3A_2054] {strides = array<i32>} : memref<32x128xf32, #tpu.memory_space<vmem>>, vector<1x16xf32>,
      %get3A_2056 = vector.shape_cast %get3A_2055 : vector<1x16xf32> to vector<16xf32>
      %mul3A_2057 = arith.mulf %get3A_2056, %get3A_29 : vector<16xf32>
      %add3A_2058 = arith.addf %add3A_2051, %mul3A_2057 : vector<16xf32>
      %get3A_2059 = arith.constant 17 : i32
      %get3A_2060 = arith.index_cast %get3A_2059 : i32 to index
      %get3A_2061 = arith.constant 80 : index
      %get3A_2062 = tpu.vector_load %arg7[%get3A_2060, %get3A_2061] {strides = array<i32>} : memref<32x128xf32, #tpu.memory_space<vmem>>, vector<1x16xf32>,
      %get3A_2063 = vector.shape_cast %get3A_2062 : vector<1x16xf32> to vector<16xf32>
      %mul3A_2064 = arith.mulf %get3A_2063, %get3A_34 : vector<16xf32>
      %add3A_2065 = arith.addf %add3A_2058, %mul3A_2064 : vector<16xf32>
      %get3A_2066 = arith.constant 17 : i32
      %get3A_2067 = arith.index_cast %get3A_2066 : i32 to index
      %get3A_2068 = arith.constant 96 : index
      %get3A_2069 = tpu.vector_load %arg7[%get3A_2067, %get3A_2068] {strides = array<i32>} : memref<32x128xf32, #tpu.memory_space<vmem>>, vector<1x16xf32>,
      %get3A_2070 = vector.shape_cast %get3A_2069 : vector<1x16xf32> to vector<16xf32>
      %mul3A_2071 = arith.mulf %get3A_2070, %get3A_39 : vector<16xf32>
      %add3A_2072 = arith.addf %add3A_2065, %mul3A_2071 : vector<16xf32>
      %get3A_2073 = arith.constant 17 : i32
      %get3A_2074 = arith.index_cast %get3A_2073 : i32 to index
      %get3A_2075 = arith.constant 112 : index
      %get3A_2076 = tpu.vector_load %arg7[%get3A_2074, %get3A_2075] {strides = array<i32>} : memref<32x128xf32, #tpu.memory_space<vmem>>, vector<1x16xf32>,
      %get3A_2077 = vector.shape_cast %get3A_2076 : vector<1x16xf32> to vector<16xf32>
      %mul3A_2078 = arith.mulf %get3A_2077, %get3A_44 : vector<16xf32>
      %add3A_2079 = arith.addf %add3A_2072, %mul3A_2078 : vector<16xf32>
      %eq3A_2080 = arith.constant 1 : i32
      %eq3A_2081 = vector.broadcast %eq3A_2080 : i32 to vector<16xi32>
      %eq3A_2082 = arith.cmpi eq, %iota3A, %eq3A_2081 : vector<16xi32>
      %xor3A_2083 = arith.constant 8 : i32
      %xor3A_2084 = vector.broadcast %xor3A_2083 : i32 to vector<16xi32>
      %xor3A_2085 = arith.xori %iota3A, %xor3A_2084 : vector<16xi32>
      %lt3A_2086 = arith.constant 0 : i32
      %lt3A_2087 = vector.broadcast %lt3A_2086 : i32 to vector<16xi32>
      %lt3A_2088 = arith.cmpi slt, %xor3A_2085, %lt3A_2087 : vector<16xi32>
      %add3A_2089 = arith.constant 16 : i32
      %add3A_2090 = vector.broadcast %add3A_2089 : i32 to vector<16xi32>
      %add3A_2091 = arith.addi %xor3A_2085, %add3A_2090 : vector<16xi32>
      %select_n3A_2092 = arith.select %lt3A_2088, %add3A_2091, %xor3A_2085 : vector<16xi1>, vector<16xi32>
      %broadcast_in_dim3A_2093 = vector.shape_cast %select_n3A_2092 : vector<16xi32> to vector<16x1xi32>
      %gather3A_2094 = vector.shape_cast %broadcast_in_dim3A_2093 : vector<16x1xi32> to vector<16xi32>
      %gather3A_2095 = tpu.dynamic_gather %add3A_2079[%gather3A_2094] in [0] : vector<16xf32>, vector<16xi32> -> vector<16xf32>
      %add3A_2096 = arith.addf %add3A_2079, %gather3A_2095 : vector<16xf32>
      %xor3A_2097 = arith.constant 4 : i32
      %xor3A_2098 = vector.broadcast %xor3A_2097 : i32 to vector<16xi32>
      %xor3A_2099 = arith.xori %iota3A, %xor3A_2098 : vector<16xi32>
      %lt3A_2100 = arith.constant 0 : i32
      %lt3A_2101 = vector.broadcast %lt3A_2100 : i32 to vector<16xi32>
      %lt3A_2102 = arith.cmpi slt, %xor3A_2099, %lt3A_2101 : vector<16xi32>
      %add3A_2103 = arith.constant 16 : i32
      %add3A_2104 = vector.broadcast %add3A_2103 : i32 to vector<16xi32>
      %add3A_2105 = arith.addi %xor3A_2099, %add3A_2104 : vector<16xi32>
      %select_n3A_2106 = arith.select %lt3A_2102, %add3A_2105, %xor3A_2099 : vector<16xi1>, vector<16xi32>
      %broadcast_in_dim3A_2107 = vector.shape_cast %select_n3A_2106 : vector<16xi32> to vector<16x1xi32>
      %gather3A_2108 = vector.shape_cast %broadcast_in_dim3A_2107 : vector<16x1xi32> to vector<16xi32>
      %gather3A_2109 = tpu.dynamic_gather %add3A_2096[%gather3A_2108] in [0] : vector<16xf32>, vector<16xi32> -> vector<16xf32>
      %add3A_2110 = arith.addf %add3A_2096, %gather3A_2109 : vector<16xf32>
      %xor3A_2111 = arith.constant 2 : i32
      %xor3A_2112 = vector.broadcast %xor3A_2111 : i32 to vector<16xi32>
      %xor3A_2113 = arith.xori %iota3A, %xor3A_2112 : vector<16xi32>
      %lt3A_2114 = arith.constant 0 : i32
      %lt3A_2115 = vector.broadcast %lt3A_2114 : i32 to vector<16xi32>
      %lt3A_2116 = arith.cmpi slt, %xor3A_2113, %lt3A_2115 : vector<16xi32>
      %add3A_2117 = arith.constant 16 : i32
      %add3A_2118 = vector.broadcast %add3A_2117 : i32 to vector<16xi32>
      %add3A_2119 = arith.addi %xor3A_2113, %add3A_2118 : vector<16xi32>
      %select_n3A_2120 = arith.select %lt3A_2116, %add3A_2119, %xor3A_2113 : vector<16xi1>, vector<16xi32>
      %broadcast_in_dim3A_2121 = vector.shape_cast %select_n3A_2120 : vector<16xi32> to vector<16x1xi32>
      %gather3A_2122 = vector.shape_cast %broadcast_in_dim3A_2121 : vector<16x1xi32> to vector<16xi32>
      %gather3A_2123 = tpu.dynamic_gather %add3A_2110[%gather3A_2122] in [0] : vector<16xf32>, vector<16xi32> -> vector<16xf32>
      %add3A_2124 = arith.addf %add3A_2110, %gather3A_2123 : vector<16xf32>
      %xor3A_2125 = arith.constant 1 : i32
      %xor3A_2126 = vector.broadcast %xor3A_2125 : i32 to vector<16xi32>
      %xor3A_2127 = arith.xori %iota3A, %xor3A_2126 : vector<16xi32>
      %lt3A_2128 = arith.constant 0 : i32
      %lt3A_2129 = vector.broadcast %lt3A_2128 : i32 to vector<16xi32>
      %lt3A_2130 = arith.cmpi slt, %xor3A_2127, %lt3A_2129 : vector<16xi32>
      %add3A_2131 = arith.constant 16 : i32
      %add3A_2132 = vector.broadcast %add3A_2131 : i32 to vector<16xi32>
      %add3A_2133 = arith.addi %xor3A_2127, %add3A_2132 : vector<16xi32>
      %select_n3A_2134 = arith.select %lt3A_2130, %add3A_2133, %xor3A_2127 : vector<16xi1>, vector<16xi32>
      %broadcast_in_dim3A_2135 = vector.shape_cast %select_n3A_2134 : vector<16xi32> to vector<16x1xi32>
      %gather3A_2136 = vector.shape_cast %broadcast_in_dim3A_2135 : vector<16x1xi32> to vector<16xi32>
      %gather3A_2137 = tpu.dynamic_gather %add3A_2124[%gather3A_2136] in [0] : vector<16xf32>, vector<16xi32> -> vector<16xf32>
      %add3A_2138 = arith.addf %add3A_2124, %gather3A_2137 : vector<16xf32>
      %select_n3A_2139 = arith.select %eq3A_2082, %add3A_2138, %select_n3A_2024 : vector<16xi1>, vector<16xf32>
      %get3A_2140 = arith.constant 18 : i32
      %get3A_2141 = arith.index_cast %get3A_2140 : i32 to index
      %get3A_2142 = arith.constant 0 : index
      %get3A_2143 = tpu.vector_load %arg7[%get3A_2141, %get3A_2142] {strides = array<i32>} : memref<32x128xf32, #tpu.memory_space<vmem>>, vector<1x16xf32>,
      %get3A_2144 = vector.shape_cast %get3A_2143 : vector<1x16xf32> to vector<16xf32>
      %mul3A_2145 = arith.mulf %get3A_2144, %get3A_9 : vector<16xf32>
      %get3A_2146 = arith.constant 18 : i32
      %get3A_2147 = arith.index_cast %get3A_2146 : i32 to index
      %get3A_2148 = arith.constant 16 : index
      %get3A_2149 = tpu.vector_load %arg7[%get3A_2147, %get3A_2148] {strides = array<i32>} : memref<32x128xf32, #tpu.memory_space<vmem>>, vector<1x16xf32>,
      %get3A_2150 = vector.shape_cast %get3A_2149 : vector<1x16xf32> to vector<16xf32>
      %mul3A_2151 = arith.mulf %get3A_2150, %get3A_14 : vector<16xf32>
      %add3A_2152 = arith.addf %mul3A_2145, %mul3A_2151 : vector<16xf32>
      %get3A_2153 = arith.constant 18 : i32
      %get3A_2154 = arith.index_cast %get3A_2153 : i32 to index
      %get3A_2155 = arith.constant 32 : index
      %get3A_2156 = tpu.vector_load %arg7[%get3A_2154, %get3A_2155] {strides = array<i32>} : memref<32x128xf32, #tpu.memory_space<vmem>>, vector<1x16xf32>,
      %get3A_2157 = vector.shape_cast %get3A_2156 : vector<1x16xf32> to vector<16xf32>
      %mul3A_2158 = arith.mulf %get3A_2157, %get3A_19 : vector<16xf32>
      %add3A_2159 = arith.addf %add3A_2152, %mul3A_2158 : vector<16xf32>
      %get3A_2160 = arith.constant 18 : i32
      %get3A_2161 = arith.index_cast %get3A_2160 : i32 to index
      %get3A_2162 = arith.constant 48 : index
      %get3A_2163 = tpu.vector_load %arg7[%get3A_2161, %get3A_2162] {strides = array<i32>} : memref<32x128xf32, #tpu.memory_space<vmem>>, vector<1x16xf32>,
      %get3A_2164 = vector.shape_cast %get3A_2163 : vector<1x16xf32> to vector<16xf32>
      %mul3A_2165 = arith.mulf %get3A_2164, %get3A_24 : vector<16xf32>
      %add3A_2166 = arith.addf %add3A_2159, %mul3A_2165 : vector<16xf32>
      %get3A_2167 = arith.constant 18 : i32
      %get3A_2168 = arith.index_cast %get3A_2167 : i32 to index
      %get3A_2169 = arith.constant 64 : index
      %get3A_2170 = tpu.vector_load %arg7[%get3A_2168, %get3A_2169] {strides = array<i32>} : memref<32x128xf32, #tpu.memory_space<vmem>>, vector<1x16xf32>,
      %get3A_2171 = vector.shape_cast %get3A_2170 : vector<1x16xf32> to vector<16xf32>
      %mul3A_2172 = arith.mulf %get3A_2171, %get3A_29 : vector<16xf32>
      %add3A_2173 = arith.addf %add3A_2166, %mul3A_2172 : vector<16xf32>
      %get3A_2174 = arith.constant 18 : i32
      %get3A_2175 = arith.index_cast %get3A_2174 : i32 to index
      %get3A_2176 = arith.constant 80 : index
      %get3A_2177 = tpu.vector_load %arg7[%get3A_2175, %get3A_2176] {strides = array<i32>} : memref<32x128xf32, #tpu.memory_space<vmem>>, vector<1x16xf32>,
      %get3A_2178 = vector.shape_cast %get3A_2177 : vector<1x16xf32> to vector<16xf32>
      %mul3A_2179 = arith.mulf %get3A_2178, %get3A_34 : vector<16xf32>
      %add3A_2180 = arith.addf %add3A_2173, %mul3A_2179 : vector<16xf32>
      %get3A_2181 = arith.constant 18 : i32
      %get3A_2182 = arith.index_cast %get3A_2181 : i32 to index
      %get3A_2183 = arith.constant 96 : index
      %get3A_2184 = tpu.vector_load %arg7[%get3A_2182, %get3A_2183] {strides = array<i32>} : memref<32x128xf32, #tpu.memory_space<vmem>>, vector<1x16xf32>,
      %get3A_2185 = vector.shape_cast %get3A_2184 : vector<1x16xf32> to vector<16xf32>
      %mul3A_2186 = arith.mulf %get3A_2185, %get3A_39 : vector<16xf32>
      %add3A_2187 = arith.addf %add3A_2180, %mul3A_2186 : vector<16xf32>
      %get3A_2188 = arith.constant 18 : i32
      %get3A_2189 = arith.index_cast %get3A_2188 : i32 to index
      %get3A_2190 = arith.constant 112 : index
      %get3A_2191 = tpu.vector_load %arg7[%get3A_2189, %get3A_2190] {strides = array<i32>} : memref<32x128xf32, #tpu.memory_space<vmem>>, vector<1x16xf32>,
      %get3A_2192 = vector.shape_cast %get3A_2191 : vector<1x16xf32> to vector<16xf32>
      %mul3A_2193 = arith.mulf %get3A_2192, %get3A_44 : vector<16xf32>
      %add3A_2194 = arith.addf %add3A_2187, %mul3A_2193 : vector<16xf32>
      %eq3A_2195 = arith.constant 2 : i32
      %eq3A_2196 = vector.broadcast %eq3A_2195 : i32 to vector<16xi32>
      %eq3A_2197 = arith.cmpi eq, %iota3A, %eq3A_2196 : vector<16xi32>
      %xor3A_2198 = arith.constant 8 : i32
      %xor3A_2199 = vector.broadcast %xor3A_2198 : i32 to vector<16xi32>
      %xor3A_2200 = arith.xori %iota3A, %xor3A_2199 : vector<16xi32>
      %lt3A_2201 = arith.constant 0 : i32
      %lt3A_2202 = vector.broadcast %lt3A_2201 : i32 to vector<16xi32>
      %lt3A_2203 = arith.cmpi slt, %xor3A_2200, %lt3A_2202 : vector<16xi32>
      %add3A_2204 = arith.constant 16 : i32
      %add3A_2205 = vector.broadcast %add3A_2204 : i32 to vector<16xi32>
      %add3A_2206 = arith.addi %xor3A_2200, %add3A_2205 : vector<16xi32>
      %select_n3A_2207 = arith.select %lt3A_2203, %add3A_2206, %xor3A_2200 : vector<16xi1>, vector<16xi32>
      %broadcast_in_dim3A_2208 = vector.shape_cast %select_n3A_2207 : vector<16xi32> to vector<16x1xi32>
      %gather3A_2209 = vector.shape_cast %broadcast_in_dim3A_2208 : vector<16x1xi32> to vector<16xi32>
      %gather3A_2210 = tpu.dynamic_gather %add3A_2194[%gather3A_2209] in [0] : vector<16xf32>, vector<16xi32> -> vector<16xf32>
      %add3A_2211 = arith.addf %add3A_2194, %gather3A_2210 : vector<16xf32>
      %xor3A_2212 = arith.constant 4 : i32
      %xor3A_2213 = vector.broadcast %xor3A_2212 : i32 to vector<16xi32>
      %xor3A_2214 = arith.xori %iota3A, %xor3A_2213 : vector<16xi32>
      %lt3A_2215 = arith.constant 0 : i32
      %lt3A_2216 = vector.broadcast %lt3A_2215 : i32 to vector<16xi32>
      %lt3A_2217 = arith.cmpi slt, %xor3A_2214, %lt3A_2216 : vector<16xi32>
      %add3A_2218 = arith.constant 16 : i32
      %add3A_2219 = vector.broadcast %add3A_2218 : i32 to vector<16xi32>
      %add3A_2220 = arith.addi %xor3A_2214, %add3A_2219 : vector<16xi32>
      %select_n3A_2221 = arith.select %lt3A_2217, %add3A_2220, %xor3A_2214 : vector<16xi1>, vector<16xi32>
      %broadcast_in_dim3A_2222 = vector.shape_cast %select_n3A_2221 : vector<16xi32> to vector<16x1xi32>
      %gather3A_2223 = vector.shape_cast %broadcast_in_dim3A_2222 : vector<16x1xi32> to vector<16xi32>
      %gather3A_2224 = tpu.dynamic_gather %add3A_2211[%gather3A_2223] in [0] : vector<16xf32>, vector<16xi32> -> vector<16xf32>
      %add3A_2225 = arith.addf %add3A_2211, %gather3A_2224 : vector<16xf32>
      %xor3A_2226 = arith.constant 2 : i32
      %xor3A_2227 = vector.broadcast %xor3A_2226 : i32 to vector<16xi32>
      %xor3A_2228 = arith.xori %iota3A, %xor3A_2227 : vector<16xi32>
      %lt3A_2229 = arith.constant 0 : i32
      %lt3A_2230 = vector.broadcast %lt3A_2229 : i32 to vector<16xi32>
      %lt3A_2231 = arith.cmpi slt, %xor3A_2228, %lt3A_2230 : vector<16xi32>
      %add3A_2232 = arith.constant 16 : i32
      %add3A_2233 = vector.broadcast %add3A_2232 : i32 to vector<16xi32>
      %add3A_2234 = arith.addi %xor3A_2228, %add3A_2233 : vector<16xi32>
      %select_n3A_2235 = arith.select %lt3A_2231, %add3A_2234, %xor3A_2228 : vector<16xi1>, vector<16xi32>
      %broadcast_in_dim3A_2236 = vector.shape_cast %select_n3A_2235 : vector<16xi32> to vector<16x1xi32>
      %gather3A_2237 = vector.shape_cast %broadcast_in_dim3A_2236 : vector<16x1xi32> to vector<16xi32>
      %gather3A_2238 = tpu.dynamic_gather %add3A_2225[%gather3A_2237] in [0] : vector<16xf32>, vector<16xi32> -> vector<16xf32>
      %add3A_2239 = arith.addf %add3A_2225, %gather3A_2238 : vector<16xf32>
      %xor3A_2240 = arith.constant 1 : i32
      %xor3A_2241 = vector.broadcast %xor3A_2240 : i32 to vector<16xi32>
      %xor3A_2242 = arith.xori %iota3A, %xor3A_2241 : vector<16xi32>
      %lt3A_2243 = arith.constant 0 : i32
      %lt3A_2244 = vector.broadcast %lt3A_2243 : i32 to vector<16xi32>
      %lt3A_2245 = arith.cmpi slt, %xor3A_2242, %lt3A_2244 : vector<16xi32>
      %add3A_2246 = arith.constant 16 : i32
      %add3A_2247 = vector.broadcast %add3A_2246 : i32 to vector<16xi32>
      %add3A_2248 = arith.addi %xor3A_2242, %add3A_2247 : vector<16xi32>
      %select_n3A_2249 = arith.select %lt3A_2245, %add3A_2248, %xor3A_2242 : vector<16xi1>, vector<16xi32>
      %broadcast_in_dim3A_2250 = vector.shape_cast %select_n3A_2249 : vector<16xi32> to vector<16x1xi32>
      %gather3A_2251 = vector.shape_cast %broadcast_in_dim3A_2250 : vector<16x1xi32> to vector<16xi32>
      %gather3A_2252 = tpu.dynamic_gather %add3A_2239[%gather3A_2251] in [0] : vector<16xf32>, vector<16xi32> -> vector<16xf32>
      %add3A_2253 = arith.addf %add3A_2239, %gather3A_2252 : vector<16xf32>
      %select_n3A_2254 = arith.select %eq3A_2197, %add3A_2253, %select_n3A_2139 : vector<16xi1>, vector<16xf32>
      %get3A_2255 = arith.constant 19 : i32
      %get3A_2256 = arith.index_cast %get3A_2255 : i32 to index
      %get3A_2257 = arith.constant 0 : index
      %get3A_2258 = tpu.vector_load %arg7[%get3A_2256, %get3A_2257] {strides = array<i32>} : memref<32x128xf32, #tpu.memory_space<vmem>>, vector<1x16xf32>,
      %get3A_2259 = vector.shape_cast %get3A_2258 : vector<1x16xf32> to vector<16xf32>
      %mul3A_2260 = arith.mulf %get3A_2259, %get3A_9 : vector<16xf32>
      %get3A_2261 = arith.constant 19 : i32
      %get3A_2262 = arith.index_cast %get3A_2261 : i32 to index
      %get3A_2263 = arith.constant 16 : index
      %get3A_2264 = tpu.vector_load %arg7[%get3A_2262, %get3A_2263] {strides = array<i32>} : memref<32x128xf32, #tpu.memory_space<vmem>>, vector<1x16xf32>,
      %get3A_2265 = vector.shape_cast %get3A_2264 : vector<1x16xf32> to vector<16xf32>
      %mul3A_2266 = arith.mulf %get3A_2265, %get3A_14 : vector<16xf32>
      %add3A_2267 = arith.addf %mul3A_2260, %mul3A_2266 : vector<16xf32>
      %get3A_2268 = arith.constant 19 : i32
      %get3A_2269 = arith.index_cast %get3A_2268 : i32 to index
      %get3A_2270 = arith.constant 32 : index
      %get3A_2271 = tpu.vector_load %arg7[%get3A_2269, %get3A_2270] {strides = array<i32>} : memref<32x128xf32, #tpu.memory_space<vmem>>, vector<1x16xf32>,
      %get3A_2272 = vector.shape_cast %get3A_2271 : vector<1x16xf32> to vector<16xf32>
      %mul3A_2273 = arith.mulf %get3A_2272, %get3A_19 : vector<16xf32>
      %add3A_2274 = arith.addf %add3A_2267, %mul3A_2273 : vector<16xf32>
      %get3A_2275 = arith.constant 19 : i32
      %get3A_2276 = arith.index_cast %get3A_2275 : i32 to index
      %get3A_2277 = arith.constant 48 : index
      %get3A_2278 = tpu.vector_load %arg7[%get3A_2276, %get3A_2277] {strides = array<i32>} : memref<32x128xf32, #tpu.memory_space<vmem>>, vector<1x16xf32>,
      %get3A_2279 = vector.shape_cast %get3A_2278 : vector<1x16xf32> to vector<16xf32>
      %mul3A_2280 = arith.mulf %get3A_2279, %get3A_24 : vector<16xf32>
      %add3A_2281 = arith.addf %add3A_2274, %mul3A_2280 : vector<16xf32>
      %get3A_2282 = arith.constant 19 : i32
      %get3A_2283 = arith.index_cast %get3A_2282 : i32 to index
      %get3A_2284 = arith.constant 64 : index
      %get3A_2285 = tpu.vector_load %arg7[%get3A_2283, %get3A_2284] {strides = array<i32>} : memref<32x128xf32, #tpu.memory_space<vmem>>, vector<1x16xf32>,
      %get3A_2286 = vector.shape_cast %get3A_2285 : vector<1x16xf32> to vector<16xf32>
      %mul3A_2287 = arith.mulf %get3A_2286, %get3A_29 : vector<16xf32>
      %add3A_2288 = arith.addf %add3A_2281, %mul3A_2287 : vector<16xf32>
      %get3A_2289 = arith.constant 19 : i32
      %get3A_2290 = arith.index_cast %get3A_2289 : i32 to index
      %get3A_2291 = arith.constant 80 : index
      %get3A_2292 = tpu.vector_load %arg7[%get3A_2290, %get3A_2291] {strides = array<i32>} : memref<32x128xf32, #tpu.memory_space<vmem>>, vector<1x16xf32>,
      %get3A_2293 = vector.shape_cast %get3A_2292 : vector<1x16xf32> to vector<16xf32>
      %mul3A_2294 = arith.mulf %get3A_2293, %get3A_34 : vector<16xf32>
      %add3A_2295 = arith.addf %add3A_2288, %mul3A_2294 : vector<16xf32>
      %get3A_2296 = arith.constant 19 : i32
      %get3A_2297 = arith.index_cast %get3A_2296 : i32 to index
      %get3A_2298 = arith.constant 96 : index
      %get3A_2299 = tpu.vector_load %arg7[%get3A_2297, %get3A_2298] {strides = array<i32>} : memref<32x128xf32, #tpu.memory_space<vmem>>, vector<1x16xf32>,
      %get3A_2300 = vector.shape_cast %get3A_2299 : vector<1x16xf32> to vector<16xf32>
      %mul3A_2301 = arith.mulf %get3A_2300, %get3A_39 : vector<16xf32>
      %add3A_2302 = arith.addf %add3A_2295, %mul3A_2301 : vector<16xf32>
      %get3A_2303 = arith.constant 19 : i32
      %get3A_2304 = arith.index_cast %get3A_2303 : i32 to index
      %get3A_2305 = arith.constant 112 : index
      %get3A_2306 = tpu.vector_load %arg7[%get3A_2304, %get3A_2305] {strides = array<i32>} : memref<32x128xf32, #tpu.memory_space<vmem>>, vector<1x16xf32>,
      %get3A_2307 = vector.shape_cast %get3A_2306 : vector<1x16xf32> to vector<16xf32>
      %mul3A_2308 = arith.mulf %get3A_2307, %get3A_44 : vector<16xf32>
      %add3A_2309 = arith.addf %add3A_2302, %mul3A_2308 : vector<16xf32>
      %eq3A_2310 = arith.constant 3 : i32
      %eq3A_2311 = vector.broadcast %eq3A_2310 : i32 to vector<16xi32>
      %eq3A_2312 = arith.cmpi eq, %iota3A, %eq3A_2311 : vector<16xi32>
      %xor3A_2313 = arith.constant 8 : i32
      %xor3A_2314 = vector.broadcast %xor3A_2313 : i32 to vector<16xi32>
      %xor3A_2315 = arith.xori %iota3A, %xor3A_2314 : vector<16xi32>
      %lt3A_2316 = arith.constant 0 : i32
      %lt3A_2317 = vector.broadcast %lt3A_2316 : i32 to vector<16xi32>
      %lt3A_2318 = arith.cmpi slt, %xor3A_2315, %lt3A_2317 : vector<16xi32>
      %add3A_2319 = arith.constant 16 : i32
      %add3A_2320 = vector.broadcast %add3A_2319 : i32 to vector<16xi32>
      %add3A_2321 = arith.addi %xor3A_2315, %add3A_2320 : vector<16xi32>
      %select_n3A_2322 = arith.select %lt3A_2318, %add3A_2321, %xor3A_2315 : vector<16xi1>, vector<16xi32>
      %broadcast_in_dim3A_2323 = vector.shape_cast %select_n3A_2322 : vector<16xi32> to vector<16x1xi32>
      %gather3A_2324 = vector.shape_cast %broadcast_in_dim3A_2323 : vector<16x1xi32> to vector<16xi32>
      %gather3A_2325 = tpu.dynamic_gather %add3A_2309[%gather3A_2324] in [0] : vector<16xf32>, vector<16xi32> -> vector<16xf32>
      %add3A_2326 = arith.addf %add3A_2309, %gather3A_2325 : vector<16xf32>
      %xor3A_2327 = arith.constant 4 : i32
      %xor3A_2328 = vector.broadcast %xor3A_2327 : i32 to vector<16xi32>
      %xor3A_2329 = arith.xori %iota3A, %xor3A_2328 : vector<16xi32>
      %lt3A_2330 = arith.constant 0 : i32
      %lt3A_2331 = vector.broadcast %lt3A_2330 : i32 to vector<16xi32>
      %lt3A_2332 = arith.cmpi slt, %xor3A_2329, %lt3A_2331 : vector<16xi32>
      %add3A_2333 = arith.constant 16 : i32
      %add3A_2334 = vector.broadcast %add3A_2333 : i32 to vector<16xi32>
      %add3A_2335 = arith.addi %xor3A_2329, %add3A_2334 : vector<16xi32>
      %select_n3A_2336 = arith.select %lt3A_2332, %add3A_2335, %xor3A_2329 : vector<16xi1>, vector<16xi32>
      %broadcast_in_dim3A_2337 = vector.shape_cast %select_n3A_2336 : vector<16xi32> to vector<16x1xi32>
      %gather3A_2338 = vector.shape_cast %broadcast_in_dim3A_2337 : vector<16x1xi32> to vector<16xi32>
      %gather3A_2339 = tpu.dynamic_gather %add3A_2326[%gather3A_2338] in [0] : vector<16xf32>, vector<16xi32> -> vector<16xf32>
      %add3A_2340 = arith.addf %add3A_2326, %gather3A_2339 : vector<16xf32>
      %xor3A_2341 = arith.constant 2 : i32
      %xor3A_2342 = vector.broadcast %xor3A_2341 : i32 to vector<16xi32>
      %xor3A_2343 = arith.xori %iota3A, %xor3A_2342 : vector<16xi32>
      %lt3A_2344 = arith.constant 0 : i32
      %lt3A_2345 = vector.broadcast %lt3A_2344 : i32 to vector<16xi32>
      %lt3A_2346 = arith.cmpi slt, %xor3A_2343, %lt3A_2345 : vector<16xi32>
      %add3A_2347 = arith.constant 16 : i32
      %add3A_2348 = vector.broadcast %add3A_2347 : i32 to vector<16xi32>
      %add3A_2349 = arith.addi %xor3A_2343, %add3A_2348 : vector<16xi32>
      %select_n3A_2350 = arith.select %lt3A_2346, %add3A_2349, %xor3A_2343 : vector<16xi1>, vector<16xi32>
      %broadcast_in_dim3A_2351 = vector.shape_cast %select_n3A_2350 : vector<16xi32> to vector<16x1xi32>
      %gather3A_2352 = vector.shape_cast %broadcast_in_dim3A_2351 : vector<16x1xi32> to vector<16xi32>
      %gather3A_2353 = tpu.dynamic_gather %add3A_2340[%gather3A_2352] in [0] : vector<16xf32>, vector<16xi32> -> vector<16xf32>
      %add3A_2354 = arith.addf %add3A_2340, %gather3A_2353 : vector<16xf32>
      %xor3A_2355 = arith.constant 1 : i32
      %xor3A_2356 = vector.broadcast %xor3A_2355 : i32 to vector<16xi32>
      %xor3A_2357 = arith.xori %iota3A, %xor3A_2356 : vector<16xi32>
      %lt3A_2358 = arith.constant 0 : i32
      %lt3A_2359 = vector.broadcast %lt3A_2358 : i32 to vector<16xi32>
      %lt3A_2360 = arith.cmpi slt, %xor3A_2357, %lt3A_2359 : vector<16xi32>
      %add3A_2361 = arith.constant 16 : i32
      %add3A_2362 = vector.broadcast %add3A_2361 : i32 to vector<16xi32>
      %add3A_2363 = arith.addi %xor3A_2357, %add3A_2362 : vector<16xi32>
      %select_n3A_2364 = arith.select %lt3A_2360, %add3A_2363, %xor3A_2357 : vector<16xi1>, vector<16xi32>
      %broadcast_in_dim3A_2365 = vector.shape_cast %select_n3A_2364 : vector<16xi32> to vector<16x1xi32>
      %gather3A_2366 = vector.shape_cast %broadcast_in_dim3A_2365 : vector<16x1xi32> to vector<16xi32>
      %gather3A_2367 = tpu.dynamic_gather %add3A_2354[%gather3A_2366] in [0] : vector<16xf32>, vector<16xi32> -> vector<16xf32>
      %add3A_2368 = arith.addf %add3A_2354, %gather3A_2367 : vector<16xf32>
      %select_n3A_2369 = arith.select %eq3A_2312, %add3A_2368, %select_n3A_2254 : vector<16xi1>, vector<16xf32>
      %get3A_2370 = arith.constant 20 : i32
      %get3A_2371 = arith.index_cast %get3A_2370 : i32 to index
      %get3A_2372 = arith.constant 0 : index
      %get3A_2373 = tpu.vector_load %arg7[%get3A_2371, %get3A_2372] {strides = array<i32>} : memref<32x128xf32, #tpu.memory_space<vmem>>, vector<1x16xf32>,
      %get3A_2374 = vector.shape_cast %get3A_2373 : vector<1x16xf32> to vector<16xf32>
      %mul3A_2375 = arith.mulf %get3A_2374, %get3A_9 : vector<16xf32>
      %get3A_2376 = arith.constant 20 : i32
      %get3A_2377 = arith.index_cast %get3A_2376 : i32 to index
      %get3A_2378 = arith.constant 16 : index
      %get3A_2379 = tpu.vector_load %arg7[%get3A_2377, %get3A_2378] {strides = array<i32>} : memref<32x128xf32, #tpu.memory_space<vmem>>, vector<1x16xf32>,
      %get3A_2380 = vector.shape_cast %get3A_2379 : vector<1x16xf32> to vector<16xf32>
      %mul3A_2381 = arith.mulf %get3A_2380, %get3A_14 : vector<16xf32>
      %add3A_2382 = arith.addf %mul3A_2375, %mul3A_2381 : vector<16xf32>
      %get3A_2383 = arith.constant 20 : i32
      %get3A_2384 = arith.index_cast %get3A_2383 : i32 to index
      %get3A_2385 = arith.constant 32 : index
      %get3A_2386 = tpu.vector_load %arg7[%get3A_2384, %get3A_2385] {strides = array<i32>} : memref<32x128xf32, #tpu.memory_space<vmem>>, vector<1x16xf32>,
      %get3A_2387 = vector.shape_cast %get3A_2386 : vector<1x16xf32> to vector<16xf32>
      %mul3A_2388 = arith.mulf %get3A_2387, %get3A_19 : vector<16xf32>
      %add3A_2389 = arith.addf %add3A_2382, %mul3A_2388 : vector<16xf32>
      %get3A_2390 = arith.constant 20 : i32
      %get3A_2391 = arith.index_cast %get3A_2390 : i32 to index
      %get3A_2392 = arith.constant 48 : index
      %get3A_2393 = tpu.vector_load %arg7[%get3A_2391, %get3A_2392] {strides = array<i32>} : memref<32x128xf32, #tpu.memory_space<vmem>>, vector<1x16xf32>,
      %get3A_2394 = vector.shape_cast %get3A_2393 : vector<1x16xf32> to vector<16xf32>
      %mul3A_2395 = arith.mulf %get3A_2394, %get3A_24 : vector<16xf32>
      %add3A_2396 = arith.addf %add3A_2389, %mul3A_2395 : vector<16xf32>
      %get3A_2397 = arith.constant 20 : i32
      %get3A_2398 = arith.index_cast %get3A_2397 : i32 to index
      %get3A_2399 = arith.constant 64 : index
      %get3A_2400 = tpu.vector_load %arg7[%get3A_2398, %get3A_2399] {strides = array<i32>} : memref<32x128xf32, #tpu.memory_space<vmem>>, vector<1x16xf32>,
      %get3A_2401 = vector.shape_cast %get3A_2400 : vector<1x16xf32> to vector<16xf32>
      %mul3A_2402 = arith.mulf %get3A_2401, %get3A_29 : vector<16xf32>
      %add3A_2403 = arith.addf %add3A_2396, %mul3A_2402 : vector<16xf32>
      %get3A_2404 = arith.constant 20 : i32
      %get3A_2405 = arith.index_cast %get3A_2404 : i32 to index
      %get3A_2406 = arith.constant 80 : index
      %get3A_2407 = tpu.vector_load %arg7[%get3A_2405, %get3A_2406] {strides = array<i32>} : memref<32x128xf32, #tpu.memory_space<vmem>>, vector<1x16xf32>,
      %get3A_2408 = vector.shape_cast %get3A_2407 : vector<1x16xf32> to vector<16xf32>
      %mul3A_2409 = arith.mulf %get3A_2408, %get3A_34 : vector<16xf32>
      %add3A_2410 = arith.addf %add3A_2403, %mul3A_2409 : vector<16xf32>
      %get3A_2411 = arith.constant 20 : i32
      %get3A_2412 = arith.index_cast %get3A_2411 : i32 to index
      %get3A_2413 = arith.constant 96 : index
      %get3A_2414 = tpu.vector_load %arg7[%get3A_2412, %get3A_2413] {strides = array<i32>} : memref<32x128xf32, #tpu.memory_space<vmem>>, vector<1x16xf32>,
      %get3A_2415 = vector.shape_cast %get3A_2414 : vector<1x16xf32> to vector<16xf32>
      %mul3A_2416 = arith.mulf %get3A_2415, %get3A_39 : vector<16xf32>
      %add3A_2417 = arith.addf %add3A_2410, %mul3A_2416 : vector<16xf32>
      %get3A_2418 = arith.constant 20 : i32
      %get3A_2419 = arith.index_cast %get3A_2418 : i32 to index
      %get3A_2420 = arith.constant 112 : index
      %get3A_2421 = tpu.vector_load %arg7[%get3A_2419, %get3A_2420] {strides = array<i32>} : memref<32x128xf32, #tpu.memory_space<vmem>>, vector<1x16xf32>,
      %get3A_2422 = vector.shape_cast %get3A_2421 : vector<1x16xf32> to vector<16xf32>
      %mul3A_2423 = arith.mulf %get3A_2422, %get3A_44 : vector<16xf32>
      %add3A_2424 = arith.addf %add3A_2417, %mul3A_2423 : vector<16xf32>
      %eq3A_2425 = arith.constant 4 : i32
      %eq3A_2426 = vector.broadcast %eq3A_2425 : i32 to vector<16xi32>
      %eq3A_2427 = arith.cmpi eq, %iota3A, %eq3A_2426 : vector<16xi32>
      %xor3A_2428 = arith.constant 8 : i32
      %xor3A_2429 = vector.broadcast %xor3A_2428 : i32 to vector<16xi32>
      %xor3A_2430 = arith.xori %iota3A, %xor3A_2429 : vector<16xi32>
      %lt3A_2431 = arith.constant 0 : i32
      %lt3A_2432 = vector.broadcast %lt3A_2431 : i32 to vector<16xi32>
      %lt3A_2433 = arith.cmpi slt, %xor3A_2430, %lt3A_2432 : vector<16xi32>
      %add3A_2434 = arith.constant 16 : i32
      %add3A_2435 = vector.broadcast %add3A_2434 : i32 to vector<16xi32>
      %add3A_2436 = arith.addi %xor3A_2430, %add3A_2435 : vector<16xi32>
      %select_n3A_2437 = arith.select %lt3A_2433, %add3A_2436, %xor3A_2430 : vector<16xi1>, vector<16xi32>
      %broadcast_in_dim3A_2438 = vector.shape_cast %select_n3A_2437 : vector<16xi32> to vector<16x1xi32>
      %gather3A_2439 = vector.shape_cast %broadcast_in_dim3A_2438 : vector<16x1xi32> to vector<16xi32>
      %gather3A_2440 = tpu.dynamic_gather %add3A_2424[%gather3A_2439] in [0] : vector<16xf32>, vector<16xi32> -> vector<16xf32>
      %add3A_2441 = arith.addf %add3A_2424, %gather3A_2440 : vector<16xf32>
      %xor3A_2442 = arith.constant 4 : i32
      %xor3A_2443 = vector.broadcast %xor3A_2442 : i32 to vector<16xi32>
      %xor3A_2444 = arith.xori %iota3A, %xor3A_2443 : vector<16xi32>
      %lt3A_2445 = arith.constant 0 : i32
      %lt3A_2446 = vector.broadcast %lt3A_2445 : i32 to vector<16xi32>
      %lt3A_2447 = arith.cmpi slt, %xor3A_2444, %lt3A_2446 : vector<16xi32>
      %add3A_2448 = arith.constant 16 : i32
      %add3A_2449 = vector.broadcast %add3A_2448 : i32 to vector<16xi32>
      %add3A_2450 = arith.addi %xor3A_2444, %add3A_2449 : vector<16xi32>
      %select_n3A_2451 = arith.select %lt3A_2447, %add3A_2450, %xor3A_2444 : vector<16xi1>, vector<16xi32>
      %broadcast_in_dim3A_2452 = vector.shape_cast %select_n3A_2451 : vector<16xi32> to vector<16x1xi32>
      %gather3A_2453 = vector.shape_cast %broadcast_in_dim3A_2452 : vector<16x1xi32> to vector<16xi32>
      %gather3A_2454 = tpu.dynamic_gather %add3A_2441[%gather3A_2453] in [0] : vector<16xf32>, vector<16xi32> -> vector<16xf32>
      %add3A_2455 = arith.addf %add3A_2441, %gather3A_2454 : vector<16xf32>
      %xor3A_2456 = arith.constant 2 : i32
      %xor3A_2457 = vector.broadcast %xor3A_2456 : i32 to vector<16xi32>
      %xor3A_2458 = arith.xori %iota3A, %xor3A_2457 : vector<16xi32>
      %lt3A_2459 = arith.constant 0 : i32
      %lt3A_2460 = vector.broadcast %lt3A_2459 : i32 to vector<16xi32>
      %lt3A_2461 = arith.cmpi slt, %xor3A_2458, %lt3A_2460 : vector<16xi32>
      %add3A_2462 = arith.constant 16 : i32
      %add3A_2463 = vector.broadcast %add3A_2462 : i32 to vector<16xi32>
      %add3A_2464 = arith.addi %xor3A_2458, %add3A_2463 : vector<16xi32>
      %select_n3A_2465 = arith.select %lt3A_2461, %add3A_2464, %xor3A_2458 : vector<16xi1>, vector<16xi32>
      %broadcast_in_dim3A_2466 = vector.shape_cast %select_n3A_2465 : vector<16xi32> to vector<16x1xi32>
      %gather3A_2467 = vector.shape_cast %broadcast_in_dim3A_2466 : vector<16x1xi32> to vector<16xi32>
      %gather3A_2468 = tpu.dynamic_gather %add3A_2455[%gather3A_2467] in [0] : vector<16xf32>, vector<16xi32> -> vector<16xf32>
      %add3A_2469 = arith.addf %add3A_2455, %gather3A_2468 : vector<16xf32>
      %xor3A_2470 = arith.constant 1 : i32
      %xor3A_2471 = vector.broadcast %xor3A_2470 : i32 to vector<16xi32>
      %xor3A_2472 = arith.xori %iota3A, %xor3A_2471 : vector<16xi32>
      %lt3A_2473 = arith.constant 0 : i32
      %lt3A_2474 = vector.broadcast %lt3A_2473 : i32 to vector<16xi32>
      %lt3A_2475 = arith.cmpi slt, %xor3A_2472, %lt3A_2474 : vector<16xi32>
      %add3A_2476 = arith.constant 16 : i32
      %add3A_2477 = vector.broadcast %add3A_2476 : i32 to vector<16xi32>
      %add3A_2478 = arith.addi %xor3A_2472, %add3A_2477 : vector<16xi32>
      %select_n3A_2479 = arith.select %lt3A_2475, %add3A_2478, %xor3A_2472 : vector<16xi1>, vector<16xi32>
      %broadcast_in_dim3A_2480 = vector.shape_cast %select_n3A_2479 : vector<16xi32> to vector<16x1xi32>
      %gather3A_2481 = vector.shape_cast %broadcast_in_dim3A_2480 : vector<16x1xi32> to vector<16xi32>
      %gather3A_2482 = tpu.dynamic_gather %add3A_2469[%gather3A_2481] in [0] : vector<16xf32>, vector<16xi32> -> vector<16xf32>
      %add3A_2483 = arith.addf %add3A_2469, %gather3A_2482 : vector<16xf32>
      %select_n3A_2484 = arith.select %eq3A_2427, %add3A_2483, %select_n3A_2369 : vector<16xi1>, vector<16xf32>
      %get3A_2485 = arith.constant 21 : i32
      %get3A_2486 = arith.index_cast %get3A_2485 : i32 to index
      %get3A_2487 = arith.constant 0 : index
      %get3A_2488 = tpu.vector_load %arg7[%get3A_2486, %get3A_2487] {strides = array<i32>} : memref<32x128xf32, #tpu.memory_space<vmem>>, vector<1x16xf32>,
      %get3A_2489 = vector.shape_cast %get3A_2488 : vector<1x16xf32> to vector<16xf32>
      %mul3A_2490 = arith.mulf %get3A_2489, %get3A_9 : vector<16xf32>
      %get3A_2491 = arith.constant 21 : i32
      %get3A_2492 = arith.index_cast %get3A_2491 : i32 to index
      %get3A_2493 = arith.constant 16 : index
      %get3A_2494 = tpu.vector_load %arg7[%get3A_2492, %get3A_2493] {strides = array<i32>} : memref<32x128xf32, #tpu.memory_space<vmem>>, vector<1x16xf32>,
      %get3A_2495 = vector.shape_cast %get3A_2494 : vector<1x16xf32> to vector<16xf32>
      %mul3A_2496 = arith.mulf %get3A_2495, %get3A_14 : vector<16xf32>
      %add3A_2497 = arith.addf %mul3A_2490, %mul3A_2496 : vector<16xf32>
      %get3A_2498 = arith.constant 21 : i32
      %get3A_2499 = arith.index_cast %get3A_2498 : i32 to index
      %get3A_2500 = arith.constant 32 : index
      %get3A_2501 = tpu.vector_load %arg7[%get3A_2499, %get3A_2500] {strides = array<i32>} : memref<32x128xf32, #tpu.memory_space<vmem>>, vector<1x16xf32>,
      %get3A_2502 = vector.shape_cast %get3A_2501 : vector<1x16xf32> to vector<16xf32>
      %mul3A_2503 = arith.mulf %get3A_2502, %get3A_19 : vector<16xf32>
      %add3A_2504 = arith.addf %add3A_2497, %mul3A_2503 : vector<16xf32>
      %get3A_2505 = arith.constant 21 : i32
      %get3A_2506 = arith.index_cast %get3A_2505 : i32 to index
      %get3A_2507 = arith.constant 48 : index
      %get3A_2508 = tpu.vector_load %arg7[%get3A_2506, %get3A_2507] {strides = array<i32>} : memref<32x128xf32, #tpu.memory_space<vmem>>, vector<1x16xf32>,
      %get3A_2509 = vector.shape_cast %get3A_2508 : vector<1x16xf32> to vector<16xf32>
      %mul3A_2510 = arith.mulf %get3A_2509, %get3A_24 : vector<16xf32>
      %add3A_2511 = arith.addf %add3A_2504, %mul3A_2510 : vector<16xf32>
      %get3A_2512 = arith.constant 21 : i32
      %get3A_2513 = arith.index_cast %get3A_2512 : i32 to index
      %get3A_2514 = arith.constant 64 : index
      %get3A_2515 = tpu.vector_load %arg7[%get3A_2513, %get3A_2514] {strides = array<i32>} : memref<32x128xf32, #tpu.memory_space<vmem>>, vector<1x16xf32>,
      %get3A_2516 = vector.shape_cast %get3A_2515 : vector<1x16xf32> to vector<16xf32>
      %mul3A_2517 = arith.mulf %get3A_2516, %get3A_29 : vector<16xf32>
      %add3A_2518 = arith.addf %add3A_2511, %mul3A_2517 : vector<16xf32>
      %get3A_2519 = arith.constant 21 : i32
      %get3A_2520 = arith.index_cast %get3A_2519 : i32 to index
      %get3A_2521 = arith.constant 80 : index
      %get3A_2522 = tpu.vector_load %arg7[%get3A_2520, %get3A_2521] {strides = array<i32>} : memref<32x128xf32, #tpu.memory_space<vmem>>, vector<1x16xf32>,
      %get3A_2523 = vector.shape_cast %get3A_2522 : vector<1x16xf32> to vector<16xf32>
      %mul3A_2524 = arith.mulf %get3A_2523, %get3A_34 : vector<16xf32>
      %add3A_2525 = arith.addf %add3A_2518, %mul3A_2524 : vector<16xf32>
      %get3A_2526 = arith.constant 21 : i32
      %get3A_2527 = arith.index_cast %get3A_2526 : i32 to index
      %get3A_2528 = arith.constant 96 : index
      %get3A_2529 = tpu.vector_load %arg7[%get3A_2527, %get3A_2528] {strides = array<i32>} : memref<32x128xf32, #tpu.memory_space<vmem>>, vector<1x16xf32>,
      %get3A_2530 = vector.shape_cast %get3A_2529 : vector<1x16xf32> to vector<16xf32>
      %mul3A_2531 = arith.mulf %get3A_2530, %get3A_39 : vector<16xf32>
      %add3A_2532 = arith.addf %add3A_2525, %mul3A_2531 : vector<16xf32>
      %get3A_2533 = arith.constant 21 : i32
      %get3A_2534 = arith.index_cast %get3A_2533 : i32 to index
      %get3A_2535 = arith.constant 112 : index
      %get3A_2536 = tpu.vector_load %arg7[%get3A_2534, %get3A_2535] {strides = array<i32>} : memref<32x128xf32, #tpu.memory_space<vmem>>, vector<1x16xf32>,
      %get3A_2537 = vector.shape_cast %get3A_2536 : vector<1x16xf32> to vector<16xf32>
      %mul3A_2538 = arith.mulf %get3A_2537, %get3A_44 : vector<16xf32>
      %add3A_2539 = arith.addf %add3A_2532, %mul3A_2538 : vector<16xf32>
      %eq3A_2540 = arith.constant 5 : i32
      %eq3A_2541 = vector.broadcast %eq3A_2540 : i32 to vector<16xi32>
      %eq3A_2542 = arith.cmpi eq, %iota3A, %eq3A_2541 : vector<16xi32>
      %xor3A_2543 = arith.constant 8 : i32
      %xor3A_2544 = vector.broadcast %xor3A_2543 : i32 to vector<16xi32>
      %xor3A_2545 = arith.xori %iota3A, %xor3A_2544 : vector<16xi32>
      %lt3A_2546 = arith.constant 0 : i32
      %lt3A_2547 = vector.broadcast %lt3A_2546 : i32 to vector<16xi32>
      %lt3A_2548 = arith.cmpi slt, %xor3A_2545, %lt3A_2547 : vector<16xi32>
      %add3A_2549 = arith.constant 16 : i32
      %add3A_2550 = vector.broadcast %add3A_2549 : i32 to vector<16xi32>
      %add3A_2551 = arith.addi %xor3A_2545, %add3A_2550 : vector<16xi32>
      %select_n3A_2552 = arith.select %lt3A_2548, %add3A_2551, %xor3A_2545 : vector<16xi1>, vector<16xi32>
      %broadcast_in_dim3A_2553 = vector.shape_cast %select_n3A_2552 : vector<16xi32> to vector<16x1xi32>
      %gather3A_2554 = vector.shape_cast %broadcast_in_dim3A_2553 : vector<16x1xi32> to vector<16xi32>
      %gather3A_2555 = tpu.dynamic_gather %add3A_2539[%gather3A_2554] in [0] : vector<16xf32>, vector<16xi32> -> vector<16xf32>
      %add3A_2556 = arith.addf %add3A_2539, %gather3A_2555 : vector<16xf32>
      %xor3A_2557 = arith.constant 4 : i32
      %xor3A_2558 = vector.broadcast %xor3A_2557 : i32 to vector<16xi32>
      %xor3A_2559 = arith.xori %iota3A, %xor3A_2558 : vector<16xi32>
      %lt3A_2560 = arith.constant 0 : i32
      %lt3A_2561 = vector.broadcast %lt3A_2560 : i32 to vector<16xi32>
      %lt3A_2562 = arith.cmpi slt, %xor3A_2559, %lt3A_2561 : vector<16xi32>
      %add3A_2563 = arith.constant 16 : i32
      %add3A_2564 = vector.broadcast %add3A_2563 : i32 to vector<16xi32>
      %add3A_2565 = arith.addi %xor3A_2559, %add3A_2564 : vector<16xi32>
      %select_n3A_2566 = arith.select %lt3A_2562, %add3A_2565, %xor3A_2559 : vector<16xi1>, vector<16xi32>
      %broadcast_in_dim3A_2567 = vector.shape_cast %select_n3A_2566 : vector<16xi32> to vector<16x1xi32>
      %gather3A_2568 = vector.shape_cast %broadcast_in_dim3A_2567 : vector<16x1xi32> to vector<16xi32>
      %gather3A_2569 = tpu.dynamic_gather %add3A_2556[%gather3A_2568] in [0] : vector<16xf32>, vector<16xi32> -> vector<16xf32>
      %add3A_2570 = arith.addf %add3A_2556, %gather3A_2569 : vector<16xf32>
      %xor3A_2571 = arith.constant 2 : i32
      %xor3A_2572 = vector.broadcast %xor3A_2571 : i32 to vector<16xi32>
      %xor3A_2573 = arith.xori %iota3A, %xor3A_2572 : vector<16xi32>
      %lt3A_2574 = arith.constant 0 : i32
      %lt3A_2575 = vector.broadcast %lt3A_2574 : i32 to vector<16xi32>
      %lt3A_2576 = arith.cmpi slt, %xor3A_2573, %lt3A_2575 : vector<16xi32>
      %add3A_2577 = arith.constant 16 : i32
      %add3A_2578 = vector.broadcast %add3A_2577 : i32 to vector<16xi32>
      %add3A_2579 = arith.addi %xor3A_2573, %add3A_2578 : vector<16xi32>
      %select_n3A_2580 = arith.select %lt3A_2576, %add3A_2579, %xor3A_2573 : vector<16xi1>, vector<16xi32>
      %broadcast_in_dim3A_2581 = vector.shape_cast %select_n3A_2580 : vector<16xi32> to vector<16x1xi32>
      %gather3A_2582 = vector.shape_cast %broadcast_in_dim3A_2581 : vector<16x1xi32> to vector<16xi32>
      %gather3A_2583 = tpu.dynamic_gather %add3A_2570[%gather3A_2582] in [0] : vector<16xf32>, vector<16xi32> -> vector<16xf32>
      %add3A_2584 = arith.addf %add3A_2570, %gather3A_2583 : vector<16xf32>
      %xor3A_2585 = arith.constant 1 : i32
      %xor3A_2586 = vector.broadcast %xor3A_2585 : i32 to vector<16xi32>
      %xor3A_2587 = arith.xori %iota3A, %xor3A_2586 : vector<16xi32>
      %lt3A_2588 = arith.constant 0 : i32
      %lt3A_2589 = vector.broadcast %lt3A_2588 : i32 to vector<16xi32>
      %lt3A_2590 = arith.cmpi slt, %xor3A_2587, %lt3A_2589 : vector<16xi32>
      %add3A_2591 = arith.constant 16 : i32
      %add3A_2592 = vector.broadcast %add3A_2591 : i32 to vector<16xi32>
      %add3A_2593 = arith.addi %xor3A_2587, %add3A_2592 : vector<16xi32>
      %select_n3A_2594 = arith.select %lt3A_2590, %add3A_2593, %xor3A_2587 : vector<16xi1>, vector<16xi32>
      %broadcast_in_dim3A_2595 = vector.shape_cast %select_n3A_2594 : vector<16xi32> to vector<16x1xi32>
      %gather3A_2596 = vector.shape_cast %broadcast_in_dim3A_2595 : vector<16x1xi32> to vector<16xi32>
      %gather3A_2597 = tpu.dynamic_gather %add3A_2584[%gather3A_2596] in [0] : vector<16xf32>, vector<16xi32> -> vector<16xf32>
      %add3A_2598 = arith.addf %add3A_2584, %gather3A_2597 : vector<16xf32>
      %select_n3A_2599 = arith.select %eq3A_2542, %add3A_2598, %select_n3A_2484 : vector<16xi1>, vector<16xf32>
      %get3A_2600 = arith.constant 22 : i32
      %get3A_2601 = arith.index_cast %get3A_2600 : i32 to index
      %get3A_2602 = arith.constant 0 : index
      %get3A_2603 = tpu.vector_load %arg7[%get3A_2601, %get3A_2602] {strides = array<i32>} : memref<32x128xf32, #tpu.memory_space<vmem>>, vector<1x16xf32>,
      %get3A_2604 = vector.shape_cast %get3A_2603 : vector<1x16xf32> to vector<16xf32>
      %mul3A_2605 = arith.mulf %get3A_2604, %get3A_9 : vector<16xf32>
      %get3A_2606 = arith.constant 22 : i32
      %get3A_2607 = arith.index_cast %get3A_2606 : i32 to index
      %get3A_2608 = arith.constant 16 : index
      %get3A_2609 = tpu.vector_load %arg7[%get3A_2607, %get3A_2608] {strides = array<i32>} : memref<32x128xf32, #tpu.memory_space<vmem>>, vector<1x16xf32>,
      %get3A_2610 = vector.shape_cast %get3A_2609 : vector<1x16xf32> to vector<16xf32>
      %mul3A_2611 = arith.mulf %get3A_2610, %get3A_14 : vector<16xf32>
      %add3A_2612 = arith.addf %mul3A_2605, %mul3A_2611 : vector<16xf32>
      %get3A_2613 = arith.constant 22 : i32
      %get3A_2614 = arith.index_cast %get3A_2613 : i32 to index
      %get3A_2615 = arith.constant 32 : index
      %get3A_2616 = tpu.vector_load %arg7[%get3A_2614, %get3A_2615] {strides = array<i32>} : memref<32x128xf32, #tpu.memory_space<vmem>>, vector<1x16xf32>,
      %get3A_2617 = vector.shape_cast %get3A_2616 : vector<1x16xf32> to vector<16xf32>
      %mul3A_2618 = arith.mulf %get3A_2617, %get3A_19 : vector<16xf32>
      %add3A_2619 = arith.addf %add3A_2612, %mul3A_2618 : vector<16xf32>
      %get3A_2620 = arith.constant 22 : i32
      %get3A_2621 = arith.index_cast %get3A_2620 : i32 to index
      %get3A_2622 = arith.constant 48 : index
      %get3A_2623 = tpu.vector_load %arg7[%get3A_2621, %get3A_2622] {strides = array<i32>} : memref<32x128xf32, #tpu.memory_space<vmem>>, vector<1x16xf32>,
      %get3A_2624 = vector.shape_cast %get3A_2623 : vector<1x16xf32> to vector<16xf32>
      %mul3A_2625 = arith.mulf %get3A_2624, %get3A_24 : vector<16xf32>
      %add3A_2626 = arith.addf %add3A_2619, %mul3A_2625 : vector<16xf32>
      %get3A_2627 = arith.constant 22 : i32
      %get3A_2628 = arith.index_cast %get3A_2627 : i32 to index
      %get3A_2629 = arith.constant 64 : index
      %get3A_2630 = tpu.vector_load %arg7[%get3A_2628, %get3A_2629] {strides = array<i32>} : memref<32x128xf32, #tpu.memory_space<vmem>>, vector<1x16xf32>,
      %get3A_2631 = vector.shape_cast %get3A_2630 : vector<1x16xf32> to vector<16xf32>
      %mul3A_2632 = arith.mulf %get3A_2631, %get3A_29 : vector<16xf32>
      %add3A_2633 = arith.addf %add3A_2626, %mul3A_2632 : vector<16xf32>
      %get3A_2634 = arith.constant 22 : i32
      %get3A_2635 = arith.index_cast %get3A_2634 : i32 to index
      %get3A_2636 = arith.constant 80 : index
      %get3A_2637 = tpu.vector_load %arg7[%get3A_2635, %get3A_2636] {strides = array<i32>} : memref<32x128xf32, #tpu.memory_space<vmem>>, vector<1x16xf32>,
      %get3A_2638 = vector.shape_cast %get3A_2637 : vector<1x16xf32> to vector<16xf32>
      %mul3A_2639 = arith.mulf %get3A_2638, %get3A_34 : vector<16xf32>
      %add3A_2640 = arith.addf %add3A_2633, %mul3A_2639 : vector<16xf32>
      %get3A_2641 = arith.constant 22 : i32
      %get3A_2642 = arith.index_cast %get3A_2641 : i32 to index
      %get3A_2643 = arith.constant 96 : index
      %get3A_2644 = tpu.vector_load %arg7[%get3A_2642, %get3A_2643] {strides = array<i32>} : memref<32x128xf32, #tpu.memory_space<vmem>>, vector<1x16xf32>,
      %get3A_2645 = vector.shape_cast %get3A_2644 : vector<1x16xf32> to vector<16xf32>
      %mul3A_2646 = arith.mulf %get3A_2645, %get3A_39 : vector<16xf32>
      %add3A_2647 = arith.addf %add3A_2640, %mul3A_2646 : vector<16xf32>
      %get3A_2648 = arith.constant 22 : i32
      %get3A_2649 = arith.index_cast %get3A_2648 : i32 to index
      %get3A_2650 = arith.constant 112 : index
      %get3A_2651 = tpu.vector_load %arg7[%get3A_2649, %get3A_2650] {strides = array<i32>} : memref<32x128xf32, #tpu.memory_space<vmem>>, vector<1x16xf32>,
      %get3A_2652 = vector.shape_cast %get3A_2651 : vector<1x16xf32> to vector<16xf32>
      %mul3A_2653 = arith.mulf %get3A_2652, %get3A_44 : vector<16xf32>
      %add3A_2654 = arith.addf %add3A_2647, %mul3A_2653 : vector<16xf32>
      %eq3A_2655 = arith.constant 6 : i32
      %eq3A_2656 = vector.broadcast %eq3A_2655 : i32 to vector<16xi32>
      %eq3A_2657 = arith.cmpi eq, %iota3A, %eq3A_2656 : vector<16xi32>
      %xor3A_2658 = arith.constant 8 : i32
      %xor3A_2659 = vector.broadcast %xor3A_2658 : i32 to vector<16xi32>
      %xor3A_2660 = arith.xori %iota3A, %xor3A_2659 : vector<16xi32>
      %lt3A_2661 = arith.constant 0 : i32
      %lt3A_2662 = vector.broadcast %lt3A_2661 : i32 to vector<16xi32>
      %lt3A_2663 = arith.cmpi slt, %xor3A_2660, %lt3A_2662 : vector<16xi32>
      %add3A_2664 = arith.constant 16 : i32
      %add3A_2665 = vector.broadcast %add3A_2664 : i32 to vector<16xi32>
      %add3A_2666 = arith.addi %xor3A_2660, %add3A_2665 : vector<16xi32>
      %select_n3A_2667 = arith.select %lt3A_2663, %add3A_2666, %xor3A_2660 : vector<16xi1>, vector<16xi32>
      %broadcast_in_dim3A_2668 = vector.shape_cast %select_n3A_2667 : vector<16xi32> to vector<16x1xi32>
      %gather3A_2669 = vector.shape_cast %broadcast_in_dim3A_2668 : vector<16x1xi32> to vector<16xi32>
      %gather3A_2670 = tpu.dynamic_gather %add3A_2654[%gather3A_2669] in [0] : vector<16xf32>, vector<16xi32> -> vector<16xf32>
      %add3A_2671 = arith.addf %add3A_2654, %gather3A_2670 : vector<16xf32>
      %xor3A_2672 = arith.constant 4 : i32
      %xor3A_2673 = vector.broadcast %xor3A_2672 : i32 to vector<16xi32>
      %xor3A_2674 = arith.xori %iota3A, %xor3A_2673 : vector<16xi32>
      %lt3A_2675 = arith.constant 0 : i32
      %lt3A_2676 = vector.broadcast %lt3A_2675 : i32 to vector<16xi32>
      %lt3A_2677 = arith.cmpi slt, %xor3A_2674, %lt3A_2676 : vector<16xi32>
      %add3A_2678 = arith.constant 16 : i32
      %add3A_2679 = vector.broadcast %add3A_2678 : i32 to vector<16xi32>
      %add3A_2680 = arith.addi %xor3A_2674, %add3A_2679 : vector<16xi32>
      %select_n3A_2681 = arith.select %lt3A_2677, %add3A_2680, %xor3A_2674 : vector<16xi1>, vector<16xi32>
      %broadcast_in_dim3A_2682 = vector.shape_cast %select_n3A_2681 : vector<16xi32> to vector<16x1xi32>
      %gather3A_2683 = vector.shape_cast %broadcast_in_dim3A_2682 : vector<16x1xi32> to vector<16xi32>
      %gather3A_2684 = tpu.dynamic_gather %add3A_2671[%gather3A_2683] in [0] : vector<16xf32>, vector<16xi32> -> vector<16xf32>
      %add3A_2685 = arith.addf %add3A_2671, %gather3A_2684 : vector<16xf32>
      %xor3A_2686 = arith.constant 2 : i32
      %xor3A_2687 = vector.broadcast %xor3A_2686 : i32 to vector<16xi32>
      %xor3A_2688 = arith.xori %iota3A, %xor3A_2687 : vector<16xi32>
      %lt3A_2689 = arith.constant 0 : i32
      %lt3A_2690 = vector.broadcast %lt3A_2689 : i32 to vector<16xi32>
      %lt3A_2691 = arith.cmpi slt, %xor3A_2688, %lt3A_2690 : vector<16xi32>
      %add3A_2692 = arith.constant 16 : i32
      %add3A_2693 = vector.broadcast %add3A_2692 : i32 to vector<16xi32>
      %add3A_2694 = arith.addi %xor3A_2688, %add3A_2693 : vector<16xi32>
      %select_n3A_2695 = arith.select %lt3A_2691, %add3A_2694, %xor3A_2688 : vector<16xi1>, vector<16xi32>
      %broadcast_in_dim3A_2696 = vector.shape_cast %select_n3A_2695 : vector<16xi32> to vector<16x1xi32>
      %gather3A_2697 = vector.shape_cast %broadcast_in_dim3A_2696 : vector<16x1xi32> to vector<16xi32>
      %gather3A_2698 = tpu.dynamic_gather %add3A_2685[%gather3A_2697] in [0] : vector<16xf32>, vector<16xi32> -> vector<16xf32>
      %add3A_2699 = arith.addf %add3A_2685, %gather3A_2698 : vector<16xf32>
      %xor3A_2700 = arith.constant 1 : i32
      %xor3A_2701 = vector.broadcast %xor3A_2700 : i32 to vector<16xi32>
      %xor3A_2702 = arith.xori %iota3A, %xor3A_2701 : vector<16xi32>
      %lt3A_2703 = arith.constant 0 : i32
      %lt3A_2704 = vector.broadcast %lt3A_2703 : i32 to vector<16xi32>
      %lt3A_2705 = arith.cmpi slt, %xor3A_2702, %lt3A_2704 : vector<16xi32>
      %add3A_2706 = arith.constant 16 : i32
      %add3A_2707 = vector.broadcast %add3A_2706 : i32 to vector<16xi32>
      %add3A_2708 = arith.addi %xor3A_2702, %add3A_2707 : vector<16xi32>
      %select_n3A_2709 = arith.select %lt3A_2705, %add3A_2708, %xor3A_2702 : vector<16xi1>, vector<16xi32>
      %broadcast_in_dim3A_2710 = vector.shape_cast %select_n3A_2709 : vector<16xi32> to vector<16x1xi32>
      %gather3A_2711 = vector.shape_cast %broadcast_in_dim3A_2710 : vector<16x1xi32> to vector<16xi32>
      %gather3A_2712 = tpu.dynamic_gather %add3A_2699[%gather3A_2711] in [0] : vector<16xf32>, vector<16xi32> -> vector<16xf32>
      %add3A_2713 = arith.addf %add3A_2699, %gather3A_2712 : vector<16xf32>
      %select_n3A_2714 = arith.select %eq3A_2657, %add3A_2713, %select_n3A_2599 : vector<16xi1>, vector<16xf32>
      %get3A_2715 = arith.constant 23 : i32
      %get3A_2716 = arith.index_cast %get3A_2715 : i32 to index
      %get3A_2717 = arith.constant 0 : index
      %get3A_2718 = tpu.vector_load %arg7[%get3A_2716, %get3A_2717] {strides = array<i32>} : memref<32x128xf32, #tpu.memory_space<vmem>>, vector<1x16xf32>,
      %get3A_2719 = vector.shape_cast %get3A_2718 : vector<1x16xf32> to vector<16xf32>
      %mul3A_2720 = arith.mulf %get3A_2719, %get3A_9 : vector<16xf32>
      %get3A_2721 = arith.constant 23 : i32
      %get3A_2722 = arith.index_cast %get3A_2721 : i32 to index
      %get3A_2723 = arith.constant 16 : index
      %get3A_2724 = tpu.vector_load %arg7[%get3A_2722, %get3A_2723] {strides = array<i32>} : memref<32x128xf32, #tpu.memory_space<vmem>>, vector<1x16xf32>,
      %get3A_2725 = vector.shape_cast %get3A_2724 : vector<1x16xf32> to vector<16xf32>
      %mul3A_2726 = arith.mulf %get3A_2725, %get3A_14 : vector<16xf32>
      %add3A_2727 = arith.addf %mul3A_2720, %mul3A_2726 : vector<16xf32>
      %get3A_2728 = arith.constant 23 : i32
      %get3A_2729 = arith.index_cast %get3A_2728 : i32 to index
      %get3A_2730 = arith.constant 32 : index
      %get3A_2731 = tpu.vector_load %arg7[%get3A_2729, %get3A_2730] {strides = array<i32>} : memref<32x128xf32, #tpu.memory_space<vmem>>, vector<1x16xf32>,
      %get3A_2732 = vector.shape_cast %get3A_2731 : vector<1x16xf32> to vector<16xf32>
      %mul3A_2733 = arith.mulf %get3A_2732, %get3A_19 : vector<16xf32>
      %add3A_2734 = arith.addf %add3A_2727, %mul3A_2733 : vector<16xf32>
      %get3A_2735 = arith.constant 23 : i32
      %get3A_2736 = arith.index_cast %get3A_2735 : i32 to index
      %get3A_2737 = arith.constant 48 : index
      %get3A_2738 = tpu.vector_load %arg7[%get3A_2736, %get3A_2737] {strides = array<i32>} : memref<32x128xf32, #tpu.memory_space<vmem>>, vector<1x16xf32>,
      %get3A_2739 = vector.shape_cast %get3A_2738 : vector<1x16xf32> to vector<16xf32>
      %mul3A_2740 = arith.mulf %get3A_2739, %get3A_24 : vector<16xf32>
      %add3A_2741 = arith.addf %add3A_2734, %mul3A_2740 : vector<16xf32>
      %get3A_2742 = arith.constant 23 : i32
      %get3A_2743 = arith.index_cast %get3A_2742 : i32 to index
      %get3A_2744 = arith.constant 64 : index
      %get3A_2745 = tpu.vector_load %arg7[%get3A_2743, %get3A_2744] {strides = array<i32>} : memref<32x128xf32, #tpu.memory_space<vmem>>, vector<1x16xf32>,
      %get3A_2746 = vector.shape_cast %get3A_2745 : vector<1x16xf32> to vector<16xf32>
      %mul3A_2747 = arith.mulf %get3A_2746, %get3A_29 : vector<16xf32>
      %add3A_2748 = arith.addf %add3A_2741, %mul3A_2747 : vector<16xf32>
      %get3A_2749 = arith.constant 23 : i32
      %get3A_2750 = arith.index_cast %get3A_2749 : i32 to index
      %get3A_2751 = arith.constant 80 : index
      %get3A_2752 = tpu.vector_load %arg7[%get3A_2750, %get3A_2751] {strides = array<i32>} : memref<32x128xf32, #tpu.memory_space<vmem>>, vector<1x16xf32>,
      %get3A_2753 = vector.shape_cast %get3A_2752 : vector<1x16xf32> to vector<16xf32>
      %mul3A_2754 = arith.mulf %get3A_2753, %get3A_34 : vector<16xf32>
      %add3A_2755 = arith.addf %add3A_2748, %mul3A_2754 : vector<16xf32>
      %get3A_2756 = arith.constant 23 : i32
      %get3A_2757 = arith.index_cast %get3A_2756 : i32 to index
      %get3A_2758 = arith.constant 96 : index
      %get3A_2759 = tpu.vector_load %arg7[%get3A_2757, %get3A_2758] {strides = array<i32>} : memref<32x128xf32, #tpu.memory_space<vmem>>, vector<1x16xf32>,
      %get3A_2760 = vector.shape_cast %get3A_2759 : vector<1x16xf32> to vector<16xf32>
      %mul3A_2761 = arith.mulf %get3A_2760, %get3A_39 : vector<16xf32>
      %add3A_2762 = arith.addf %add3A_2755, %mul3A_2761 : vector<16xf32>
      %get3A_2763 = arith.constant 23 : i32
      %get3A_2764 = arith.index_cast %get3A_2763 : i32 to index
      %get3A_2765 = arith.constant 112 : index
      %get3A_2766 = tpu.vector_load %arg7[%get3A_2764, %get3A_2765] {strides = array<i32>} : memref<32x128xf32, #tpu.memory_space<vmem>>, vector<1x16xf32>,
      %get3A_2767 = vector.shape_cast %get3A_2766 : vector<1x16xf32> to vector<16xf32>
      %mul3A_2768 = arith.mulf %get3A_2767, %get3A_44 : vector<16xf32>
      %add3A_2769 = arith.addf %add3A_2762, %mul3A_2768 : vector<16xf32>
      %eq3A_2770 = arith.constant 7 : i32
      %eq3A_2771 = vector.broadcast %eq3A_2770 : i32 to vector<16xi32>
      %eq3A_2772 = arith.cmpi eq, %iota3A, %eq3A_2771 : vector<16xi32>
      %xor3A_2773 = arith.constant 8 : i32
      %xor3A_2774 = vector.broadcast %xor3A_2773 : i32 to vector<16xi32>
      %xor3A_2775 = arith.xori %iota3A, %xor3A_2774 : vector<16xi32>
      %lt3A_2776 = arith.constant 0 : i32
      %lt3A_2777 = vector.broadcast %lt3A_2776 : i32 to vector<16xi32>
      %lt3A_2778 = arith.cmpi slt, %xor3A_2775, %lt3A_2777 : vector<16xi32>
      %add3A_2779 = arith.constant 16 : i32
      %add3A_2780 = vector.broadcast %add3A_2779 : i32 to vector<16xi32>
      %add3A_2781 = arith.addi %xor3A_2775, %add3A_2780 : vector<16xi32>
      %select_n3A_2782 = arith.select %lt3A_2778, %add3A_2781, %xor3A_2775 : vector<16xi1>, vector<16xi32>
      %broadcast_in_dim3A_2783 = vector.shape_cast %select_n3A_2782 : vector<16xi32> to vector<16x1xi32>
      %gather3A_2784 = vector.shape_cast %broadcast_in_dim3A_2783 : vector<16x1xi32> to vector<16xi32>
      %gather3A_2785 = tpu.dynamic_gather %add3A_2769[%gather3A_2784] in [0] : vector<16xf32>, vector<16xi32> -> vector<16xf32>
      %add3A_2786 = arith.addf %add3A_2769, %gather3A_2785 : vector<16xf32>
      %xor3A_2787 = arith.constant 4 : i32
      %xor3A_2788 = vector.broadcast %xor3A_2787 : i32 to vector<16xi32>
      %xor3A_2789 = arith.xori %iota3A, %xor3A_2788 : vector<16xi32>
      %lt3A_2790 = arith.constant 0 : i32
      %lt3A_2791 = vector.broadcast %lt3A_2790 : i32 to vector<16xi32>
      %lt3A_2792 = arith.cmpi slt, %xor3A_2789, %lt3A_2791 : vector<16xi32>
      %add3A_2793 = arith.constant 16 : i32
      %add3A_2794 = vector.broadcast %add3A_2793 : i32 to vector<16xi32>
      %add3A_2795 = arith.addi %xor3A_2789, %add3A_2794 : vector<16xi32>
      %select_n3A_2796 = arith.select %lt3A_2792, %add3A_2795, %xor3A_2789 : vector<16xi1>, vector<16xi32>
      %broadcast_in_dim3A_2797 = vector.shape_cast %select_n3A_2796 : vector<16xi32> to vector<16x1xi32>
      %gather3A_2798 = vector.shape_cast %broadcast_in_dim3A_2797 : vector<16x1xi32> to vector<16xi32>
      %gather3A_2799 = tpu.dynamic_gather %add3A_2786[%gather3A_2798] in [0] : vector<16xf32>, vector<16xi32> -> vector<16xf32>
      %add3A_2800 = arith.addf %add3A_2786, %gather3A_2799 : vector<16xf32>
      %xor3A_2801 = arith.constant 2 : i32
      %xor3A_2802 = vector.broadcast %xor3A_2801 : i32 to vector<16xi32>
      %xor3A_2803 = arith.xori %iota3A, %xor3A_2802 : vector<16xi32>
      %lt3A_2804 = arith.constant 0 : i32
      %lt3A_2805 = vector.broadcast %lt3A_2804 : i32 to vector<16xi32>
      %lt3A_2806 = arith.cmpi slt, %xor3A_2803, %lt3A_2805 : vector<16xi32>
      %add3A_2807 = arith.constant 16 : i32
      %add3A_2808 = vector.broadcast %add3A_2807 : i32 to vector<16xi32>
      %add3A_2809 = arith.addi %xor3A_2803, %add3A_2808 : vector<16xi32>
      %select_n3A_2810 = arith.select %lt3A_2806, %add3A_2809, %xor3A_2803 : vector<16xi1>, vector<16xi32>
      %broadcast_in_dim3A_2811 = vector.shape_cast %select_n3A_2810 : vector<16xi32> to vector<16x1xi32>
      %gather3A_2812 = vector.shape_cast %broadcast_in_dim3A_2811 : vector<16x1xi32> to vector<16xi32>
      %gather3A_2813 = tpu.dynamic_gather %add3A_2800[%gather3A_2812] in [0] : vector<16xf32>, vector<16xi32> -> vector<16xf32>
      %add3A_2814 = arith.addf %add3A_2800, %gather3A_2813 : vector<16xf32>
      %xor3A_2815 = arith.constant 1 : i32
      %xor3A_2816 = vector.broadcast %xor3A_2815 : i32 to vector<16xi32>
      %xor3A_2817 = arith.xori %iota3A, %xor3A_2816 : vector<16xi32>
      %lt3A_2818 = arith.constant 0 : i32
      %lt3A_2819 = vector.broadcast %lt3A_2818 : i32 to vector<16xi32>
      %lt3A_2820 = arith.cmpi slt, %xor3A_2817, %lt3A_2819 : vector<16xi32>
      %add3A_2821 = arith.constant 16 : i32
      %add3A_2822 = vector.broadcast %add3A_2821 : i32 to vector<16xi32>
      %add3A_2823 = arith.addi %xor3A_2817, %add3A_2822 : vector<16xi32>
      %select_n3A_2824 = arith.select %lt3A_2820, %add3A_2823, %xor3A_2817 : vector<16xi1>, vector<16xi32>
      %broadcast_in_dim3A_2825 = vector.shape_cast %select_n3A_2824 : vector<16xi32> to vector<16x1xi32>
      %gather3A_2826 = vector.shape_cast %broadcast_in_dim3A_2825 : vector<16x1xi32> to vector<16xi32>
      %gather3A_2827 = tpu.dynamic_gather %add3A_2814[%gather3A_2826] in [0] : vector<16xf32>, vector<16xi32> -> vector<16xf32>
      %add3A_2828 = arith.addf %add3A_2814, %gather3A_2827 : vector<16xf32>
      %select_n3A_2829 = arith.select %eq3A_2772, %add3A_2828, %select_n3A_2714 : vector<16xi1>, vector<16xf32>
      %get3A_2830 = arith.constant 24 : i32
      %get3A_2831 = arith.index_cast %get3A_2830 : i32 to index
      %get3A_2832 = arith.constant 0 : index
      %get3A_2833 = tpu.vector_load %arg7[%get3A_2831, %get3A_2832] {strides = array<i32>} : memref<32x128xf32, #tpu.memory_space<vmem>>, vector<1x16xf32>,
      %get3A_2834 = vector.shape_cast %get3A_2833 : vector<1x16xf32> to vector<16xf32>
      %mul3A_2835 = arith.mulf %get3A_2834, %get3A_9 : vector<16xf32>
      %get3A_2836 = arith.constant 24 : i32
      %get3A_2837 = arith.index_cast %get3A_2836 : i32 to index
      %get3A_2838 = arith.constant 16 : index
      %get3A_2839 = tpu.vector_load %arg7[%get3A_2837, %get3A_2838] {strides = array<i32>} : memref<32x128xf32, #tpu.memory_space<vmem>>, vector<1x16xf32>,
      %get3A_2840 = vector.shape_cast %get3A_2839 : vector<1x16xf32> to vector<16xf32>
      %mul3A_2841 = arith.mulf %get3A_2840, %get3A_14 : vector<16xf32>
      %add3A_2842 = arith.addf %mul3A_2835, %mul3A_2841 : vector<16xf32>
      %get3A_2843 = arith.constant 24 : i32
      %get3A_2844 = arith.index_cast %get3A_2843 : i32 to index
      %get3A_2845 = arith.constant 32 : index
      %get3A_2846 = tpu.vector_load %arg7[%get3A_2844, %get3A_2845] {strides = array<i32>} : memref<32x128xf32, #tpu.memory_space<vmem>>, vector<1x16xf32>,
      %get3A_2847 = vector.shape_cast %get3A_2846 : vector<1x16xf32> to vector<16xf32>
      %mul3A_2848 = arith.mulf %get3A_2847, %get3A_19 : vector<16xf32>
      %add3A_2849 = arith.addf %add3A_2842, %mul3A_2848 : vector<16xf32>
      %get3A_2850 = arith.constant 24 : i32
      %get3A_2851 = arith.index_cast %get3A_2850 : i32 to index
      %get3A_2852 = arith.constant 48 : index
      %get3A_2853 = tpu.vector_load %arg7[%get3A_2851, %get3A_2852] {strides = array<i32>} : memref<32x128xf32, #tpu.memory_space<vmem>>, vector<1x16xf32>,
      %get3A_2854 = vector.shape_cast %get3A_2853 : vector<1x16xf32> to vector<16xf32>
      %mul3A_2855 = arith.mulf %get3A_2854, %get3A_24 : vector<16xf32>
      %add3A_2856 = arith.addf %add3A_2849, %mul3A_2855 : vector<16xf32>
      %get3A_2857 = arith.constant 24 : i32
      %get3A_2858 = arith.index_cast %get3A_2857 : i32 to index
      %get3A_2859 = arith.constant 64 : index
      %get3A_2860 = tpu.vector_load %arg7[%get3A_2858, %get3A_2859] {strides = array<i32>} : memref<32x128xf32, #tpu.memory_space<vmem>>, vector<1x16xf32>,
      %get3A_2861 = vector.shape_cast %get3A_2860 : vector<1x16xf32> to vector<16xf32>
      %mul3A_2862 = arith.mulf %get3A_2861, %get3A_29 : vector<16xf32>
      %add3A_2863 = arith.addf %add3A_2856, %mul3A_2862 : vector<16xf32>
      %get3A_2864 = arith.constant 24 : i32
      %get3A_2865 = arith.index_cast %get3A_2864 : i32 to index
      %get3A_2866 = arith.constant 80 : index
      %get3A_2867 = tpu.vector_load %arg7[%get3A_2865, %get3A_2866] {strides = array<i32>} : memref<32x128xf32, #tpu.memory_space<vmem>>, vector<1x16xf32>,
      %get3A_2868 = vector.shape_cast %get3A_2867 : vector<1x16xf32> to vector<16xf32>
      %mul3A_2869 = arith.mulf %get3A_2868, %get3A_34 : vector<16xf32>
      %add3A_2870 = arith.addf %add3A_2863, %mul3A_2869 : vector<16xf32>
      %get3A_2871 = arith.constant 24 : i32
      %get3A_2872 = arith.index_cast %get3A_2871 : i32 to index
      %get3A_2873 = arith.constant 96 : index
      %get3A_2874 = tpu.vector_load %arg7[%get3A_2872, %get3A_2873] {strides = array<i32>} : memref<32x128xf32, #tpu.memory_space<vmem>>, vector<1x16xf32>,
      %get3A_2875 = vector.shape_cast %get3A_2874 : vector<1x16xf32> to vector<16xf32>
      %mul3A_2876 = arith.mulf %get3A_2875, %get3A_39 : vector<16xf32>
      %add3A_2877 = arith.addf %add3A_2870, %mul3A_2876 : vector<16xf32>
      %get3A_2878 = arith.constant 24 : i32
      %get3A_2879 = arith.index_cast %get3A_2878 : i32 to index
      %get3A_2880 = arith.constant 112 : index
      %get3A_2881 = tpu.vector_load %arg7[%get3A_2879, %get3A_2880] {strides = array<i32>} : memref<32x128xf32, #tpu.memory_space<vmem>>, vector<1x16xf32>,
      %get3A_2882 = vector.shape_cast %get3A_2881 : vector<1x16xf32> to vector<16xf32>
      %mul3A_2883 = arith.mulf %get3A_2882, %get3A_44 : vector<16xf32>
      %add3A_2884 = arith.addf %add3A_2877, %mul3A_2883 : vector<16xf32>
      %eq3A_2885 = arith.constant 8 : i32
      %eq3A_2886 = vector.broadcast %eq3A_2885 : i32 to vector<16xi32>
      %eq3A_2887 = arith.cmpi eq, %iota3A, %eq3A_2886 : vector<16xi32>
      %xor3A_2888 = arith.constant 8 : i32
      %xor3A_2889 = vector.broadcast %xor3A_2888 : i32 to vector<16xi32>
      %xor3A_2890 = arith.xori %iota3A, %xor3A_2889 : vector<16xi32>
      %lt3A_2891 = arith.constant 0 : i32
      %lt3A_2892 = vector.broadcast %lt3A_2891 : i32 to vector<16xi32>
      %lt3A_2893 = arith.cmpi slt, %xor3A_2890, %lt3A_2892 : vector<16xi32>
      %add3A_2894 = arith.constant 16 : i32
      %add3A_2895 = vector.broadcast %add3A_2894 : i32 to vector<16xi32>
      %add3A_2896 = arith.addi %xor3A_2890, %add3A_2895 : vector<16xi32>
      %select_n3A_2897 = arith.select %lt3A_2893, %add3A_2896, %xor3A_2890 : vector<16xi1>, vector<16xi32>
      %broadcast_in_dim3A_2898 = vector.shape_cast %select_n3A_2897 : vector<16xi32> to vector<16x1xi32>
      %gather3A_2899 = vector.shape_cast %broadcast_in_dim3A_2898 : vector<16x1xi32> to vector<16xi32>
      %gather3A_2900 = tpu.dynamic_gather %add3A_2884[%gather3A_2899] in [0] : vector<16xf32>, vector<16xi32> -> vector<16xf32>
      %add3A_2901 = arith.addf %add3A_2884, %gather3A_2900 : vector<16xf32>
      %xor3A_2902 = arith.constant 4 : i32
      %xor3A_2903 = vector.broadcast %xor3A_2902 : i32 to vector<16xi32>
      %xor3A_2904 = arith.xori %iota3A, %xor3A_2903 : vector<16xi32>
      %lt3A_2905 = arith.constant 0 : i32
      %lt3A_2906 = vector.broadcast %lt3A_2905 : i32 to vector<16xi32>
      %lt3A_2907 = arith.cmpi slt, %xor3A_2904, %lt3A_2906 : vector<16xi32>
      %add3A_2908 = arith.constant 16 : i32
      %add3A_2909 = vector.broadcast %add3A_2908 : i32 to vector<16xi32>
      %add3A_2910 = arith.addi %xor3A_2904, %add3A_2909 : vector<16xi32>
      %select_n3A_2911 = arith.select %lt3A_2907, %add3A_2910, %xor3A_2904 : vector<16xi1>, vector<16xi32>
      %broadcast_in_dim3A_2912 = vector.shape_cast %select_n3A_2911 : vector<16xi32> to vector<16x1xi32>
      %gather3A_2913 = vector.shape_cast %broadcast_in_dim3A_2912 : vector<16x1xi32> to vector<16xi32>
      %gather3A_2914 = tpu.dynamic_gather %add3A_2901[%gather3A_2913] in [0] : vector<16xf32>, vector<16xi32> -> vector<16xf32>
      %add3A_2915 = arith.addf %add3A_2901, %gather3A_2914 : vector<16xf32>
      %xor3A_2916 = arith.constant 2 : i32
      %xor3A_2917 = vector.broadcast %xor3A_2916 : i32 to vector<16xi32>
      %xor3A_2918 = arith.xori %iota3A, %xor3A_2917 : vector<16xi32>
      %lt3A_2919 = arith.constant 0 : i32
      %lt3A_2920 = vector.broadcast %lt3A_2919 : i32 to vector<16xi32>
      %lt3A_2921 = arith.cmpi slt, %xor3A_2918, %lt3A_2920 : vector<16xi32>
      %add3A_2922 = arith.constant 16 : i32
      %add3A_2923 = vector.broadcast %add3A_2922 : i32 to vector<16xi32>
      %add3A_2924 = arith.addi %xor3A_2918, %add3A_2923 : vector<16xi32>
      %select_n3A_2925 = arith.select %lt3A_2921, %add3A_2924, %xor3A_2918 : vector<16xi1>, vector<16xi32>
      %broadcast_in_dim3A_2926 = vector.shape_cast %select_n3A_2925 : vector<16xi32> to vector<16x1xi32>
      %gather3A_2927 = vector.shape_cast %broadcast_in_dim3A_2926 : vector<16x1xi32> to vector<16xi32>
      %gather3A_2928 = tpu.dynamic_gather %add3A_2915[%gather3A_2927] in [0] : vector<16xf32>, vector<16xi32> -> vector<16xf32>
      %add3A_2929 = arith.addf %add3A_2915, %gather3A_2928 : vector<16xf32>
      %xor3A_2930 = arith.constant 1 : i32
      %xor3A_2931 = vector.broadcast %xor3A_2930 : i32 to vector<16xi32>
      %xor3A_2932 = arith.xori %iota3A, %xor3A_2931 : vector<16xi32>
      %lt3A_2933 = arith.constant 0 : i32
      %lt3A_2934 = vector.broadcast %lt3A_2933 : i32 to vector<16xi32>
      %lt3A_2935 = arith.cmpi slt, %xor3A_2932, %lt3A_2934 : vector<16xi32>
      %add3A_2936 = arith.constant 16 : i32
      %add3A_2937 = vector.broadcast %add3A_2936 : i32 to vector<16xi32>
      %add3A_2938 = arith.addi %xor3A_2932, %add3A_2937 : vector<16xi32>
      %select_n3A_2939 = arith.select %lt3A_2935, %add3A_2938, %xor3A_2932 : vector<16xi1>, vector<16xi32>
      %broadcast_in_dim3A_2940 = vector.shape_cast %select_n3A_2939 : vector<16xi32> to vector<16x1xi32>
      %gather3A_2941 = vector.shape_cast %broadcast_in_dim3A_2940 : vector<16x1xi32> to vector<16xi32>
      %gather3A_2942 = tpu.dynamic_gather %add3A_2929[%gather3A_2941] in [0] : vector<16xf32>, vector<16xi32> -> vector<16xf32>
      %add3A_2943 = arith.addf %add3A_2929, %gather3A_2942 : vector<16xf32>
      %select_n3A_2944 = arith.select %eq3A_2887, %add3A_2943, %select_n3A_2829 : vector<16xi1>, vector<16xf32>
      %get3A_2945 = arith.constant 25 : i32
      %get3A_2946 = arith.index_cast %get3A_2945 : i32 to index
      %get3A_2947 = arith.constant 0 : index
      %get3A_2948 = tpu.vector_load %arg7[%get3A_2946, %get3A_2947] {strides = array<i32>} : memref<32x128xf32, #tpu.memory_space<vmem>>, vector<1x16xf32>,
      %get3A_2949 = vector.shape_cast %get3A_2948 : vector<1x16xf32> to vector<16xf32>
      %mul3A_2950 = arith.mulf %get3A_2949, %get3A_9 : vector<16xf32>
      %get3A_2951 = arith.constant 25 : i32
      %get3A_2952 = arith.index_cast %get3A_2951 : i32 to index
      %get3A_2953 = arith.constant 16 : index
      %get3A_2954 = tpu.vector_load %arg7[%get3A_2952, %get3A_2953] {strides = array<i32>} : memref<32x128xf32, #tpu.memory_space<vmem>>, vector<1x16xf32>,
      %get3A_2955 = vector.shape_cast %get3A_2954 : vector<1x16xf32> to vector<16xf32>
      %mul3A_2956 = arith.mulf %get3A_2955, %get3A_14 : vector<16xf32>
      %add3A_2957 = arith.addf %mul3A_2950, %mul3A_2956 : vector<16xf32>
      %get3A_2958 = arith.constant 25 : i32
      %get3A_2959 = arith.index_cast %get3A_2958 : i32 to index
      %get3A_2960 = arith.constant 32 : index
      %get3A_2961 = tpu.vector_load %arg7[%get3A_2959, %get3A_2960] {strides = array<i32>} : memref<32x128xf32, #tpu.memory_space<vmem>>, vector<1x16xf32>,
      %get3A_2962 = vector.shape_cast %get3A_2961 : vector<1x16xf32> to vector<16xf32>
      %mul3A_2963 = arith.mulf %get3A_2962, %get3A_19 : vector<16xf32>
      %add3A_2964 = arith.addf %add3A_2957, %mul3A_2963 : vector<16xf32>
      %get3A_2965 = arith.constant 25 : i32
      %get3A_2966 = arith.index_cast %get3A_2965 : i32 to index
      %get3A_2967 = arith.constant 48 : index
      %get3A_2968 = tpu.vector_load %arg7[%get3A_2966, %get3A_2967] {strides = array<i32>} : memref<32x128xf32, #tpu.memory_space<vmem>>, vector<1x16xf32>,
      %get3A_2969 = vector.shape_cast %get3A_2968 : vector<1x16xf32> to vector<16xf32>
      %mul3A_2970 = arith.mulf %get3A_2969, %get3A_24 : vector<16xf32>
      %add3A_2971 = arith.addf %add3A_2964, %mul3A_2970 : vector<16xf32>
      %get3A_2972 = arith.constant 25 : i32
      %get3A_2973 = arith.index_cast %get3A_2972 : i32 to index
      %get3A_2974 = arith.constant 64 : index
      %get3A_2975 = tpu.vector_load %arg7[%get3A_2973, %get3A_2974] {strides = array<i32>} : memref<32x128xf32, #tpu.memory_space<vmem>>, vector<1x16xf32>,
      %get3A_2976 = vector.shape_cast %get3A_2975 : vector<1x16xf32> to vector<16xf32>
      %mul3A_2977 = arith.mulf %get3A_2976, %get3A_29 : vector<16xf32>
      %add3A_2978 = arith.addf %add3A_2971, %mul3A_2977 : vector<16xf32>
      %get3A_2979 = arith.constant 25 : i32
      %get3A_2980 = arith.index_cast %get3A_2979 : i32 to index
      %get3A_2981 = arith.constant 80 : index
      %get3A_2982 = tpu.vector_load %arg7[%get3A_2980, %get3A_2981] {strides = array<i32>} : memref<32x128xf32, #tpu.memory_space<vmem>>, vector<1x16xf32>,
      %get3A_2983 = vector.shape_cast %get3A_2982 : vector<1x16xf32> to vector<16xf32>
      %mul3A_2984 = arith.mulf %get3A_2983, %get3A_34 : vector<16xf32>
      %add3A_2985 = arith.addf %add3A_2978, %mul3A_2984 : vector<16xf32>
      %get3A_2986 = arith.constant 25 : i32
      %get3A_2987 = arith.index_cast %get3A_2986 : i32 to index
      %get3A_2988 = arith.constant 96 : index
      %get3A_2989 = tpu.vector_load %arg7[%get3A_2987, %get3A_2988] {strides = array<i32>} : memref<32x128xf32, #tpu.memory_space<vmem>>, vector<1x16xf32>,
      %get3A_2990 = vector.shape_cast %get3A_2989 : vector<1x16xf32> to vector<16xf32>
      %mul3A_2991 = arith.mulf %get3A_2990, %get3A_39 : vector<16xf32>
      %add3A_2992 = arith.addf %add3A_2985, %mul3A_2991 : vector<16xf32>
      %get3A_2993 = arith.constant 25 : i32
      %get3A_2994 = arith.index_cast %get3A_2993 : i32 to index
      %get3A_2995 = arith.constant 112 : index
      %get3A_2996 = tpu.vector_load %arg7[%get3A_2994, %get3A_2995] {strides = array<i32>} : memref<32x128xf32, #tpu.memory_space<vmem>>, vector<1x16xf32>,
      %get3A_2997 = vector.shape_cast %get3A_2996 : vector<1x16xf32> to vector<16xf32>
      %mul3A_2998 = arith.mulf %get3A_2997, %get3A_44 : vector<16xf32>
      %add3A_2999 = arith.addf %add3A_2992, %mul3A_2998 : vector<16xf32>
      %eq3A_3000 = arith.constant 9 : i32
      %eq3A_3001 = vector.broadcast %eq3A_3000 : i32 to vector<16xi32>
      %eq3A_3002 = arith.cmpi eq, %iota3A, %eq3A_3001 : vector<16xi32>
      %xor3A_3003 = arith.constant 8 : i32
      %xor3A_3004 = vector.broadcast %xor3A_3003 : i32 to vector<16xi32>
      %xor3A_3005 = arith.xori %iota3A, %xor3A_3004 : vector<16xi32>
      %lt3A_3006 = arith.constant 0 : i32
      %lt3A_3007 = vector.broadcast %lt3A_3006 : i32 to vector<16xi32>
      %lt3A_3008 = arith.cmpi slt, %xor3A_3005, %lt3A_3007 : vector<16xi32>
      %add3A_3009 = arith.constant 16 : i32
      %add3A_3010 = vector.broadcast %add3A_3009 : i32 to vector<16xi32>
      %add3A_3011 = arith.addi %xor3A_3005, %add3A_3010 : vector<16xi32>
      %select_n3A_3012 = arith.select %lt3A_3008, %add3A_3011, %xor3A_3005 : vector<16xi1>, vector<16xi32>
      %broadcast_in_dim3A_3013 = vector.shape_cast %select_n3A_3012 : vector<16xi32> to vector<16x1xi32>
      %gather3A_3014 = vector.shape_cast %broadcast_in_dim3A_3013 : vector<16x1xi32> to vector<16xi32>
      %gather3A_3015 = tpu.dynamic_gather %add3A_2999[%gather3A_3014] in [0] : vector<16xf32>, vector<16xi32> -> vector<16xf32>
      %add3A_3016 = arith.addf %add3A_2999, %gather3A_3015 : vector<16xf32>
      %xor3A_3017 = arith.constant 4 : i32
      %xor3A_3018 = vector.broadcast %xor3A_3017 : i32 to vector<16xi32>
      %xor3A_3019 = arith.xori %iota3A, %xor3A_3018 : vector<16xi32>
      %lt3A_3020 = arith.constant 0 : i32
      %lt3A_3021 = vector.broadcast %lt3A_3020 : i32 to vector<16xi32>
      %lt3A_3022 = arith.cmpi slt, %xor3A_3019, %lt3A_3021 : vector<16xi32>
      %add3A_3023 = arith.constant 16 : i32
      %add3A_3024 = vector.broadcast %add3A_3023 : i32 to vector<16xi32>
      %add3A_3025 = arith.addi %xor3A_3019, %add3A_3024 : vector<16xi32>
      %select_n3A_3026 = arith.select %lt3A_3022, %add3A_3025, %xor3A_3019 : vector<16xi1>, vector<16xi32>
      %broadcast_in_dim3A_3027 = vector.shape_cast %select_n3A_3026 : vector<16xi32> to vector<16x1xi32>
      %gather3A_3028 = vector.shape_cast %broadcast_in_dim3A_3027 : vector<16x1xi32> to vector<16xi32>
      %gather3A_3029 = tpu.dynamic_gather %add3A_3016[%gather3A_3028] in [0] : vector<16xf32>, vector<16xi32> -> vector<16xf32>
      %add3A_3030 = arith.addf %add3A_3016, %gather3A_3029 : vector<16xf32>
      %xor3A_3031 = arith.constant 2 : i32
      %xor3A_3032 = vector.broadcast %xor3A_3031 : i32 to vector<16xi32>
      %xor3A_3033 = arith.xori %iota3A, %xor3A_3032 : vector<16xi32>
      %lt3A_3034 = arith.constant 0 : i32
      %lt3A_3035 = vector.broadcast %lt3A_3034 : i32 to vector<16xi32>
      %lt3A_3036 = arith.cmpi slt, %xor3A_3033, %lt3A_3035 : vector<16xi32>
      %add3A_3037 = arith.constant 16 : i32
      %add3A_3038 = vector.broadcast %add3A_3037 : i32 to vector<16xi32>
      %add3A_3039 = arith.addi %xor3A_3033, %add3A_3038 : vector<16xi32>
      %select_n3A_3040 = arith.select %lt3A_3036, %add3A_3039, %xor3A_3033 : vector<16xi1>, vector<16xi32>
      %broadcast_in_dim3A_3041 = vector.shape_cast %select_n3A_3040 : vector<16xi32> to vector<16x1xi32>
      %gather3A_3042 = vector.shape_cast %broadcast_in_dim3A_3041 : vector<16x1xi32> to vector<16xi32>
      %gather3A_3043 = tpu.dynamic_gather %add3A_3030[%gather3A_3042] in [0] : vector<16xf32>, vector<16xi32> -> vector<16xf32>
      %add3A_3044 = arith.addf %add3A_3030, %gather3A_3043 : vector<16xf32>
      %xor3A_3045 = arith.constant 1 : i32
      %xor3A_3046 = vector.broadcast %xor3A_3045 : i32 to vector<16xi32>
      %xor3A_3047 = arith.xori %iota3A, %xor3A_3046 : vector<16xi32>
      %lt3A_3048 = arith.constant 0 : i32
      %lt3A_3049 = vector.broadcast %lt3A_3048 : i32 to vector<16xi32>
      %lt3A_3050 = arith.cmpi slt, %xor3A_3047, %lt3A_3049 : vector<16xi32>
      %add3A_3051 = arith.constant 16 : i32
      %add3A_3052 = vector.broadcast %add3A_3051 : i32 to vector<16xi32>
      %add3A_3053 = arith.addi %xor3A_3047, %add3A_3052 : vector<16xi32>
      %select_n3A_3054 = arith.select %lt3A_3050, %add3A_3053, %xor3A_3047 : vector<16xi1>, vector<16xi32>
      %broadcast_in_dim3A_3055 = vector.shape_cast %select_n3A_3054 : vector<16xi32> to vector<16x1xi32>
      %gather3A_3056 = vector.shape_cast %broadcast_in_dim3A_3055 : vector<16x1xi32> to vector<16xi32>
      %gather3A_3057 = tpu.dynamic_gather %add3A_3044[%gather3A_3056] in [0] : vector<16xf32>, vector<16xi32> -> vector<16xf32>
      %add3A_3058 = arith.addf %add3A_3044, %gather3A_3057 : vector<16xf32>
      %select_n3A_3059 = arith.select %eq3A_3002, %add3A_3058, %select_n3A_2944 : vector<16xi1>, vector<16xf32>
      %get3A_3060 = arith.constant 26 : i32
      %get3A_3061 = arith.index_cast %get3A_3060 : i32 to index
      %get3A_3062 = arith.constant 0 : index
      %get3A_3063 = tpu.vector_load %arg7[%get3A_3061, %get3A_3062] {strides = array<i32>} : memref<32x128xf32, #tpu.memory_space<vmem>>, vector<1x16xf32>,
      %get3A_3064 = vector.shape_cast %get3A_3063 : vector<1x16xf32> to vector<16xf32>
      %mul3A_3065 = arith.mulf %get3A_3064, %get3A_9 : vector<16xf32>
      %get3A_3066 = arith.constant 26 : i32
      %get3A_3067 = arith.index_cast %get3A_3066 : i32 to index
      %get3A_3068 = arith.constant 16 : index
      %get3A_3069 = tpu.vector_load %arg7[%get3A_3067, %get3A_3068] {strides = array<i32>} : memref<32x128xf32, #tpu.memory_space<vmem>>, vector<1x16xf32>,
      %get3A_3070 = vector.shape_cast %get3A_3069 : vector<1x16xf32> to vector<16xf32>
      %mul3A_3071 = arith.mulf %get3A_3070, %get3A_14 : vector<16xf32>
      %add3A_3072 = arith.addf %mul3A_3065, %mul3A_3071 : vector<16xf32>
      %get3A_3073 = arith.constant 26 : i32
      %get3A_3074 = arith.index_cast %get3A_3073 : i32 to index
      %get3A_3075 = arith.constant 32 : index
      %get3A_3076 = tpu.vector_load %arg7[%get3A_3074, %get3A_3075] {strides = array<i32>} : memref<32x128xf32, #tpu.memory_space<vmem>>, vector<1x16xf32>,
      %get3A_3077 = vector.shape_cast %get3A_3076 : vector<1x16xf32> to vector<16xf32>
      %mul3A_3078 = arith.mulf %get3A_3077, %get3A_19 : vector<16xf32>
      %add3A_3079 = arith.addf %add3A_3072, %mul3A_3078 : vector<16xf32>
      %get3A_3080 = arith.constant 26 : i32
      %get3A_3081 = arith.index_cast %get3A_3080 : i32 to index
      %get3A_3082 = arith.constant 48 : index
      %get3A_3083 = tpu.vector_load %arg7[%get3A_3081, %get3A_3082] {strides = array<i32>} : memref<32x128xf32, #tpu.memory_space<vmem>>, vector<1x16xf32>,
      %get3A_3084 = vector.shape_cast %get3A_3083 : vector<1x16xf32> to vector<16xf32>
      %mul3A_3085 = arith.mulf %get3A_3084, %get3A_24 : vector<16xf32>
      %add3A_3086 = arith.addf %add3A_3079, %mul3A_3085 : vector<16xf32>
      %get3A_3087 = arith.constant 26 : i32
      %get3A_3088 = arith.index_cast %get3A_3087 : i32 to index
      %get3A_3089 = arith.constant 64 : index
      %get3A_3090 = tpu.vector_load %arg7[%get3A_3088, %get3A_3089] {strides = array<i32>} : memref<32x128xf32, #tpu.memory_space<vmem>>, vector<1x16xf32>,
      %get3A_3091 = vector.shape_cast %get3A_3090 : vector<1x16xf32> to vector<16xf32>
      %mul3A_3092 = arith.mulf %get3A_3091, %get3A_29 : vector<16xf32>
      %add3A_3093 = arith.addf %add3A_3086, %mul3A_3092 : vector<16xf32>
      %get3A_3094 = arith.constant 26 : i32
      %get3A_3095 = arith.index_cast %get3A_3094 : i32 to index
      %get3A_3096 = arith.constant 80 : index
      %get3A_3097 = tpu.vector_load %arg7[%get3A_3095, %get3A_3096] {strides = array<i32>} : memref<32x128xf32, #tpu.memory_space<vmem>>, vector<1x16xf32>,
      %get3A_3098 = vector.shape_cast %get3A_3097 : vector<1x16xf32> to vector<16xf32>
      %mul3A_3099 = arith.mulf %get3A_3098, %get3A_34 : vector<16xf32>
      %add3A_3100 = arith.addf %add3A_3093, %mul3A_3099 : vector<16xf32>
      %get3A_3101 = arith.constant 26 : i32
      %get3A_3102 = arith.index_cast %get3A_3101 : i32 to index
      %get3A_3103 = arith.constant 96 : index
      %get3A_3104 = tpu.vector_load %arg7[%get3A_3102, %get3A_3103] {strides = array<i32>} : memref<32x128xf32, #tpu.memory_space<vmem>>, vector<1x16xf32>,
      %get3A_3105 = vector.shape_cast %get3A_3104 : vector<1x16xf32> to vector<16xf32>
      %mul3A_3106 = arith.mulf %get3A_3105, %get3A_39 : vector<16xf32>
      %add3A_3107 = arith.addf %add3A_3100, %mul3A_3106 : vector<16xf32>
      %get3A_3108 = arith.constant 26 : i32
      %get3A_3109 = arith.index_cast %get3A_3108 : i32 to index
      %get3A_3110 = arith.constant 112 : index
      %get3A_3111 = tpu.vector_load %arg7[%get3A_3109, %get3A_3110] {strides = array<i32>} : memref<32x128xf32, #tpu.memory_space<vmem>>, vector<1x16xf32>,
      %get3A_3112 = vector.shape_cast %get3A_3111 : vector<1x16xf32> to vector<16xf32>
      %mul3A_3113 = arith.mulf %get3A_3112, %get3A_44 : vector<16xf32>
      %add3A_3114 = arith.addf %add3A_3107, %mul3A_3113 : vector<16xf32>
      %eq3A_3115 = arith.constant 10 : i32
      %eq3A_3116 = vector.broadcast %eq3A_3115 : i32 to vector<16xi32>
      %eq3A_3117 = arith.cmpi eq, %iota3A, %eq3A_3116 : vector<16xi32>
      %xor3A_3118 = arith.constant 8 : i32
      %xor3A_3119 = vector.broadcast %xor3A_3118 : i32 to vector<16xi32>
      %xor3A_3120 = arith.xori %iota3A, %xor3A_3119 : vector<16xi32>
      %lt3A_3121 = arith.constant 0 : i32
      %lt3A_3122 = vector.broadcast %lt3A_3121 : i32 to vector<16xi32>
      %lt3A_3123 = arith.cmpi slt, %xor3A_3120, %lt3A_3122 : vector<16xi32>
      %add3A_3124 = arith.constant 16 : i32
      %add3A_3125 = vector.broadcast %add3A_3124 : i32 to vector<16xi32>
      %add3A_3126 = arith.addi %xor3A_3120, %add3A_3125 : vector<16xi32>
      %select_n3A_3127 = arith.select %lt3A_3123, %add3A_3126, %xor3A_3120 : vector<16xi1>, vector<16xi32>
      %broadcast_in_dim3A_3128 = vector.shape_cast %select_n3A_3127 : vector<16xi32> to vector<16x1xi32>
      %gather3A_3129 = vector.shape_cast %broadcast_in_dim3A_3128 : vector<16x1xi32> to vector<16xi32>
      %gather3A_3130 = tpu.dynamic_gather %add3A_3114[%gather3A_3129] in [0] : vector<16xf32>, vector<16xi32> -> vector<16xf32>
      %add3A_3131 = arith.addf %add3A_3114, %gather3A_3130 : vector<16xf32>
      %xor3A_3132 = arith.constant 4 : i32
      %xor3A_3133 = vector.broadcast %xor3A_3132 : i32 to vector<16xi32>
      %xor3A_3134 = arith.xori %iota3A, %xor3A_3133 : vector<16xi32>
      %lt3A_3135 = arith.constant 0 : i32
      %lt3A_3136 = vector.broadcast %lt3A_3135 : i32 to vector<16xi32>
      %lt3A_3137 = arith.cmpi slt, %xor3A_3134, %lt3A_3136 : vector<16xi32>
      %add3A_3138 = arith.constant 16 : i32
      %add3A_3139 = vector.broadcast %add3A_3138 : i32 to vector<16xi32>
      %add3A_3140 = arith.addi %xor3A_3134, %add3A_3139 : vector<16xi32>
      %select_n3A_3141 = arith.select %lt3A_3137, %add3A_3140, %xor3A_3134 : vector<16xi1>, vector<16xi32>
      %broadcast_in_dim3A_3142 = vector.shape_cast %select_n3A_3141 : vector<16xi32> to vector<16x1xi32>
      %gather3A_3143 = vector.shape_cast %broadcast_in_dim3A_3142 : vector<16x1xi32> to vector<16xi32>
      %gather3A_3144 = tpu.dynamic_gather %add3A_3131[%gather3A_3143] in [0] : vector<16xf32>, vector<16xi32> -> vector<16xf32>
      %add3A_3145 = arith.addf %add3A_3131, %gather3A_3144 : vector<16xf32>
      %xor3A_3146 = arith.constant 2 : i32
      %xor3A_3147 = vector.broadcast %xor3A_3146 : i32 to vector<16xi32>
      %xor3A_3148 = arith.xori %iota3A, %xor3A_3147 : vector<16xi32>
      %lt3A_3149 = arith.constant 0 : i32
      %lt3A_3150 = vector.broadcast %lt3A_3149 : i32 to vector<16xi32>
      %lt3A_3151 = arith.cmpi slt, %xor3A_3148, %lt3A_3150 : vector<16xi32>
      %add3A_3152 = arith.constant 16 : i32
      %add3A_3153 = vector.broadcast %add3A_3152 : i32 to vector<16xi32>
      %add3A_3154 = arith.addi %xor3A_3148, %add3A_3153 : vector<16xi32>
      %select_n3A_3155 = arith.select %lt3A_3151, %add3A_3154, %xor3A_3148 : vector<16xi1>, vector<16xi32>
      %broadcast_in_dim3A_3156 = vector.shape_cast %select_n3A_3155 : vector<16xi32> to vector<16x1xi32>
      %gather3A_3157 = vector.shape_cast %broadcast_in_dim3A_3156 : vector<16x1xi32> to vector<16xi32>
      %gather3A_3158 = tpu.dynamic_gather %add3A_3145[%gather3A_3157] in [0] : vector<16xf32>, vector<16xi32> -> vector<16xf32>
      %add3A_3159 = arith.addf %add3A_3145, %gather3A_3158 : vector<16xf32>
      %xor3A_3160 = arith.constant 1 : i32
      %xor3A_3161 = vector.broadcast %xor3A_3160 : i32 to vector<16xi32>
      %xor3A_3162 = arith.xori %iota3A, %xor3A_3161 : vector<16xi32>
      %lt3A_3163 = arith.constant 0 : i32
      %lt3A_3164 = vector.broadcast %lt3A_3163 : i32 to vector<16xi32>
      %lt3A_3165 = arith.cmpi slt, %xor3A_3162, %lt3A_3164 : vector<16xi32>
      %add3A_3166 = arith.constant 16 : i32
      %add3A_3167 = vector.broadcast %add3A_3166 : i32 to vector<16xi32>
      %add3A_3168 = arith.addi %xor3A_3162, %add3A_3167 : vector<16xi32>
      %select_n3A_3169 = arith.select %lt3A_3165, %add3A_3168, %xor3A_3162 : vector<16xi1>, vector<16xi32>
      %broadcast_in_dim3A_3170 = vector.shape_cast %select_n3A_3169 : vector<16xi32> to vector<16x1xi32>
      %gather3A_3171 = vector.shape_cast %broadcast_in_dim3A_3170 : vector<16x1xi32> to vector<16xi32>
      %gather3A_3172 = tpu.dynamic_gather %add3A_3159[%gather3A_3171] in [0] : vector<16xf32>, vector<16xi32> -> vector<16xf32>
      %add3A_3173 = arith.addf %add3A_3159, %gather3A_3172 : vector<16xf32>
      %select_n3A_3174 = arith.select %eq3A_3117, %add3A_3173, %select_n3A_3059 : vector<16xi1>, vector<16xf32>
      %get3A_3175 = arith.constant 27 : i32
      %get3A_3176 = arith.index_cast %get3A_3175 : i32 to index
      %get3A_3177 = arith.constant 0 : index
      %get3A_3178 = tpu.vector_load %arg7[%get3A_3176, %get3A_3177] {strides = array<i32>} : memref<32x128xf32, #tpu.memory_space<vmem>>, vector<1x16xf32>,
      %get3A_3179 = vector.shape_cast %get3A_3178 : vector<1x16xf32> to vector<16xf32>
      %mul3A_3180 = arith.mulf %get3A_3179, %get3A_9 : vector<16xf32>
      %get3A_3181 = arith.constant 27 : i32
      %get3A_3182 = arith.index_cast %get3A_3181 : i32 to index
      %get3A_3183 = arith.constant 16 : index
      %get3A_3184 = tpu.vector_load %arg7[%get3A_3182, %get3A_3183] {strides = array<i32>} : memref<32x128xf32, #tpu.memory_space<vmem>>, vector<1x16xf32>,
      %get3A_3185 = vector.shape_cast %get3A_3184 : vector<1x16xf32> to vector<16xf32>
      %mul3A_3186 = arith.mulf %get3A_3185, %get3A_14 : vector<16xf32>
      %add3A_3187 = arith.addf %mul3A_3180, %mul3A_3186 : vector<16xf32>
      %get3A_3188 = arith.constant 27 : i32
      %get3A_3189 = arith.index_cast %get3A_3188 : i32 to index
      %get3A_3190 = arith.constant 32 : index
      %get3A_3191 = tpu.vector_load %arg7[%get3A_3189, %get3A_3190] {strides = array<i32>} : memref<32x128xf32, #tpu.memory_space<vmem>>, vector<1x16xf32>,
      %get3A_3192 = vector.shape_cast %get3A_3191 : vector<1x16xf32> to vector<16xf32>
      %mul3A_3193 = arith.mulf %get3A_3192, %get3A_19 : vector<16xf32>
      %add3A_3194 = arith.addf %add3A_3187, %mul3A_3193 : vector<16xf32>
      %get3A_3195 = arith.constant 27 : i32
      %get3A_3196 = arith.index_cast %get3A_3195 : i32 to index
      %get3A_3197 = arith.constant 48 : index
      %get3A_3198 = tpu.vector_load %arg7[%get3A_3196, %get3A_3197] {strides = array<i32>} : memref<32x128xf32, #tpu.memory_space<vmem>>, vector<1x16xf32>,
      %get3A_3199 = vector.shape_cast %get3A_3198 : vector<1x16xf32> to vector<16xf32>
      %mul3A_3200 = arith.mulf %get3A_3199, %get3A_24 : vector<16xf32>
      %add3A_3201 = arith.addf %add3A_3194, %mul3A_3200 : vector<16xf32>
      %get3A_3202 = arith.constant 27 : i32
      %get3A_3203 = arith.index_cast %get3A_3202 : i32 to index
      %get3A_3204 = arith.constant 64 : index
      %get3A_3205 = tpu.vector_load %arg7[%get3A_3203, %get3A_3204] {strides = array<i32>} : memref<32x128xf32, #tpu.memory_space<vmem>>, vector<1x16xf32>,
      %get3A_3206 = vector.shape_cast %get3A_3205 : vector<1x16xf32> to vector<16xf32>
      %mul3A_3207 = arith.mulf %get3A_3206, %get3A_29 : vector<16xf32>
      %add3A_3208 = arith.addf %add3A_3201, %mul3A_3207 : vector<16xf32>
      %get3A_3209 = arith.constant 27 : i32
      %get3A_3210 = arith.index_cast %get3A_3209 : i32 to index
      %get3A_3211 = arith.constant 80 : index
      %get3A_3212 = tpu.vector_load %arg7[%get3A_3210, %get3A_3211] {strides = array<i32>} : memref<32x128xf32, #tpu.memory_space<vmem>>, vector<1x16xf32>,
      %get3A_3213 = vector.shape_cast %get3A_3212 : vector<1x16xf32> to vector<16xf32>
      %mul3A_3214 = arith.mulf %get3A_3213, %get3A_34 : vector<16xf32>
      %add3A_3215 = arith.addf %add3A_3208, %mul3A_3214 : vector<16xf32>
      %get3A_3216 = arith.constant 27 : i32
      %get3A_3217 = arith.index_cast %get3A_3216 : i32 to index
      %get3A_3218 = arith.constant 96 : index
      %get3A_3219 = tpu.vector_load %arg7[%get3A_3217, %get3A_3218] {strides = array<i32>} : memref<32x128xf32, #tpu.memory_space<vmem>>, vector<1x16xf32>,
      %get3A_3220 = vector.shape_cast %get3A_3219 : vector<1x16xf32> to vector<16xf32>
      %mul3A_3221 = arith.mulf %get3A_3220, %get3A_39 : vector<16xf32>
      %add3A_3222 = arith.addf %add3A_3215, %mul3A_3221 : vector<16xf32>
      %get3A_3223 = arith.constant 27 : i32
      %get3A_3224 = arith.index_cast %get3A_3223 : i32 to index
      %get3A_3225 = arith.constant 112 : index
      %get3A_3226 = tpu.vector_load %arg7[%get3A_3224, %get3A_3225] {strides = array<i32>} : memref<32x128xf32, #tpu.memory_space<vmem>>, vector<1x16xf32>,
      %get3A_3227 = vector.shape_cast %get3A_3226 : vector<1x16xf32> to vector<16xf32>
      %mul3A_3228 = arith.mulf %get3A_3227, %get3A_44 : vector<16xf32>
      %add3A_3229 = arith.addf %add3A_3222, %mul3A_3228 : vector<16xf32>
      %eq3A_3230 = arith.constant 11 : i32
      %eq3A_3231 = vector.broadcast %eq3A_3230 : i32 to vector<16xi32>
      %eq3A_3232 = arith.cmpi eq, %iota3A, %eq3A_3231 : vector<16xi32>
      %xor3A_3233 = arith.constant 8 : i32
      %xor3A_3234 = vector.broadcast %xor3A_3233 : i32 to vector<16xi32>
      %xor3A_3235 = arith.xori %iota3A, %xor3A_3234 : vector<16xi32>
      %lt3A_3236 = arith.constant 0 : i32
      %lt3A_3237 = vector.broadcast %lt3A_3236 : i32 to vector<16xi32>
      %lt3A_3238 = arith.cmpi slt, %xor3A_3235, %lt3A_3237 : vector<16xi32>
      %add3A_3239 = arith.constant 16 : i32
      %add3A_3240 = vector.broadcast %add3A_3239 : i32 to vector<16xi32>
      %add3A_3241 = arith.addi %xor3A_3235, %add3A_3240 : vector<16xi32>
      %select_n3A_3242 = arith.select %lt3A_3238, %add3A_3241, %xor3A_3235 : vector<16xi1>, vector<16xi32>
      %broadcast_in_dim3A_3243 = vector.shape_cast %select_n3A_3242 : vector<16xi32> to vector<16x1xi32>
      %gather3A_3244 = vector.shape_cast %broadcast_in_dim3A_3243 : vector<16x1xi32> to vector<16xi32>
      %gather3A_3245 = tpu.dynamic_gather %add3A_3229[%gather3A_3244] in [0] : vector<16xf32>, vector<16xi32> -> vector<16xf32>
      %add3A_3246 = arith.addf %add3A_3229, %gather3A_3245 : vector<16xf32>
      %xor3A_3247 = arith.constant 4 : i32
      %xor3A_3248 = vector.broadcast %xor3A_3247 : i32 to vector<16xi32>
      %xor3A_3249 = arith.xori %iota3A, %xor3A_3248 : vector<16xi32>
      %lt3A_3250 = arith.constant 0 : i32
      %lt3A_3251 = vector.broadcast %lt3A_3250 : i32 to vector<16xi32>
      %lt3A_3252 = arith.cmpi slt, %xor3A_3249, %lt3A_3251 : vector<16xi32>
      %add3A_3253 = arith.constant 16 : i32
      %add3A_3254 = vector.broadcast %add3A_3253 : i32 to vector<16xi32>
      %add3A_3255 = arith.addi %xor3A_3249, %add3A_3254 : vector<16xi32>
      %select_n3A_3256 = arith.select %lt3A_3252, %add3A_3255, %xor3A_3249 : vector<16xi1>, vector<16xi32>
      %broadcast_in_dim3A_3257 = vector.shape_cast %select_n3A_3256 : vector<16xi32> to vector<16x1xi32>
      %gather3A_3258 = vector.shape_cast %broadcast_in_dim3A_3257 : vector<16x1xi32> to vector<16xi32>
      %gather3A_3259 = tpu.dynamic_gather %add3A_3246[%gather3A_3258] in [0] : vector<16xf32>, vector<16xi32> -> vector<16xf32>
      %add3A_3260 = arith.addf %add3A_3246, %gather3A_3259 : vector<16xf32>
      %xor3A_3261 = arith.constant 2 : i32
      %xor3A_3262 = vector.broadcast %xor3A_3261 : i32 to vector<16xi32>
      %xor3A_3263 = arith.xori %iota3A, %xor3A_3262 : vector<16xi32>
      %lt3A_3264 = arith.constant 0 : i32
      %lt3A_3265 = vector.broadcast %lt3A_3264 : i32 to vector<16xi32>
      %lt3A_3266 = arith.cmpi slt, %xor3A_3263, %lt3A_3265 : vector<16xi32>
      %add3A_3267 = arith.constant 16 : i32
      %add3A_3268 = vector.broadcast %add3A_3267 : i32 to vector<16xi32>
      %add3A_3269 = arith.addi %xor3A_3263, %add3A_3268 : vector<16xi32>
      %select_n3A_3270 = arith.select %lt3A_3266, %add3A_3269, %xor3A_3263 : vector<16xi1>, vector<16xi32>
      %broadcast_in_dim3A_3271 = vector.shape_cast %select_n3A_3270 : vector<16xi32> to vector<16x1xi32>
      %gather3A_3272 = vector.shape_cast %broadcast_in_dim3A_3271 : vector<16x1xi32> to vector<16xi32>
      %gather3A_3273 = tpu.dynamic_gather %add3A_3260[%gather3A_3272] in [0] : vector<16xf32>, vector<16xi32> -> vector<16xf32>
      %add3A_3274 = arith.addf %add3A_3260, %gather3A_3273 : vector<16xf32>
      %xor3A_3275 = arith.constant 1 : i32
      %xor3A_3276 = vector.broadcast %xor3A_3275 : i32 to vector<16xi32>
      %xor3A_3277 = arith.xori %iota3A, %xor3A_3276 : vector<16xi32>
      %lt3A_3278 = arith.constant 0 : i32
      %lt3A_3279 = vector.broadcast %lt3A_3278 : i32 to vector<16xi32>
      %lt3A_3280 = arith.cmpi slt, %xor3A_3277, %lt3A_3279 : vector<16xi32>
      %add3A_3281 = arith.constant 16 : i32
      %add3A_3282 = vector.broadcast %add3A_3281 : i32 to vector<16xi32>
      %add3A_3283 = arith.addi %xor3A_3277, %add3A_3282 : vector<16xi32>
      %select_n3A_3284 = arith.select %lt3A_3280, %add3A_3283, %xor3A_3277 : vector<16xi1>, vector<16xi32>
      %broadcast_in_dim3A_3285 = vector.shape_cast %select_n3A_3284 : vector<16xi32> to vector<16x1xi32>
      %gather3A_3286 = vector.shape_cast %broadcast_in_dim3A_3285 : vector<16x1xi32> to vector<16xi32>
      %gather3A_3287 = tpu.dynamic_gather %add3A_3274[%gather3A_3286] in [0] : vector<16xf32>, vector<16xi32> -> vector<16xf32>
      %add3A_3288 = arith.addf %add3A_3274, %gather3A_3287 : vector<16xf32>
      %select_n3A_3289 = arith.select %eq3A_3232, %add3A_3288, %select_n3A_3174 : vector<16xi1>, vector<16xf32>
      %get3A_3290 = arith.constant 28 : i32
      %get3A_3291 = arith.index_cast %get3A_3290 : i32 to index
      %get3A_3292 = arith.constant 0 : index
      %get3A_3293 = tpu.vector_load %arg7[%get3A_3291, %get3A_3292] {strides = array<i32>} : memref<32x128xf32, #tpu.memory_space<vmem>>, vector<1x16xf32>,
      %get3A_3294 = vector.shape_cast %get3A_3293 : vector<1x16xf32> to vector<16xf32>
      %mul3A_3295 = arith.mulf %get3A_3294, %get3A_9 : vector<16xf32>
      %get3A_3296 = arith.constant 28 : i32
      %get3A_3297 = arith.index_cast %get3A_3296 : i32 to index
      %get3A_3298 = arith.constant 16 : index
      %get3A_3299 = tpu.vector_load %arg7[%get3A_3297, %get3A_3298] {strides = array<i32>} : memref<32x128xf32, #tpu.memory_space<vmem>>, vector<1x16xf32>,
      %get3A_3300 = vector.shape_cast %get3A_3299 : vector<1x16xf32> to vector<16xf32>
      %mul3A_3301 = arith.mulf %get3A_3300, %get3A_14 : vector<16xf32>
      %add3A_3302 = arith.addf %mul3A_3295, %mul3A_3301 : vector<16xf32>
      %get3A_3303 = arith.constant 28 : i32
      %get3A_3304 = arith.index_cast %get3A_3303 : i32 to index
      %get3A_3305 = arith.constant 32 : index
      %get3A_3306 = tpu.vector_load %arg7[%get3A_3304, %get3A_3305] {strides = array<i32>} : memref<32x128xf32, #tpu.memory_space<vmem>>, vector<1x16xf32>,
      %get3A_3307 = vector.shape_cast %get3A_3306 : vector<1x16xf32> to vector<16xf32>
      %mul3A_3308 = arith.mulf %get3A_3307, %get3A_19 : vector<16xf32>
      %add3A_3309 = arith.addf %add3A_3302, %mul3A_3308 : vector<16xf32>
      %get3A_3310 = arith.constant 28 : i32
      %get3A_3311 = arith.index_cast %get3A_3310 : i32 to index
      %get3A_3312 = arith.constant 48 : index
      %get3A_3313 = tpu.vector_load %arg7[%get3A_3311, %get3A_3312] {strides = array<i32>} : memref<32x128xf32, #tpu.memory_space<vmem>>, vector<1x16xf32>,
      %get3A_3314 = vector.shape_cast %get3A_3313 : vector<1x16xf32> to vector<16xf32>
      %mul3A_3315 = arith.mulf %get3A_3314, %get3A_24 : vector<16xf32>
      %add3A_3316 = arith.addf %add3A_3309, %mul3A_3315 : vector<16xf32>
      %get3A_3317 = arith.constant 28 : i32
      %get3A_3318 = arith.index_cast %get3A_3317 : i32 to index
      %get3A_3319 = arith.constant 64 : index
      %get3A_3320 = tpu.vector_load %arg7[%get3A_3318, %get3A_3319] {strides = array<i32>} : memref<32x128xf32, #tpu.memory_space<vmem>>, vector<1x16xf32>,
      %get3A_3321 = vector.shape_cast %get3A_3320 : vector<1x16xf32> to vector<16xf32>
      %mul3A_3322 = arith.mulf %get3A_3321, %get3A_29 : vector<16xf32>
      %add3A_3323 = arith.addf %add3A_3316, %mul3A_3322 : vector<16xf32>
      %get3A_3324 = arith.constant 28 : i32
      %get3A_3325 = arith.index_cast %get3A_3324 : i32 to index
      %get3A_3326 = arith.constant 80 : index
      %get3A_3327 = tpu.vector_load %arg7[%get3A_3325, %get3A_3326] {strides = array<i32>} : memref<32x128xf32, #tpu.memory_space<vmem>>, vector<1x16xf32>,
      %get3A_3328 = vector.shape_cast %get3A_3327 : vector<1x16xf32> to vector<16xf32>
      %mul3A_3329 = arith.mulf %get3A_3328, %get3A_34 : vector<16xf32>
      %add3A_3330 = arith.addf %add3A_3323, %mul3A_3329 : vector<16xf32>
      %get3A_3331 = arith.constant 28 : i32
      %get3A_3332 = arith.index_cast %get3A_3331 : i32 to index
      %get3A_3333 = arith.constant 96 : index
      %get3A_3334 = tpu.vector_load %arg7[%get3A_3332, %get3A_3333] {strides = array<i32>} : memref<32x128xf32, #tpu.memory_space<vmem>>, vector<1x16xf32>,
      %get3A_3335 = vector.shape_cast %get3A_3334 : vector<1x16xf32> to vector<16xf32>
      %mul3A_3336 = arith.mulf %get3A_3335, %get3A_39 : vector<16xf32>
      %add3A_3337 = arith.addf %add3A_3330, %mul3A_3336 : vector<16xf32>
      %get3A_3338 = arith.constant 28 : i32
      %get3A_3339 = arith.index_cast %get3A_3338 : i32 to index
      %get3A_3340 = arith.constant 112 : index
      %get3A_3341 = tpu.vector_load %arg7[%get3A_3339, %get3A_3340] {strides = array<i32>} : memref<32x128xf32, #tpu.memory_space<vmem>>, vector<1x16xf32>,
      %get3A_3342 = vector.shape_cast %get3A_3341 : vector<1x16xf32> to vector<16xf32>
      %mul3A_3343 = arith.mulf %get3A_3342, %get3A_44 : vector<16xf32>
      %add3A_3344 = arith.addf %add3A_3337, %mul3A_3343 : vector<16xf32>
      %eq3A_3345 = arith.constant 12 : i32
      %eq3A_3346 = vector.broadcast %eq3A_3345 : i32 to vector<16xi32>
      %eq3A_3347 = arith.cmpi eq, %iota3A, %eq3A_3346 : vector<16xi32>
      %xor3A_3348 = arith.constant 8 : i32
      %xor3A_3349 = vector.broadcast %xor3A_3348 : i32 to vector<16xi32>
      %xor3A_3350 = arith.xori %iota3A, %xor3A_3349 : vector<16xi32>
      %lt3A_3351 = arith.constant 0 : i32
      %lt3A_3352 = vector.broadcast %lt3A_3351 : i32 to vector<16xi32>
      %lt3A_3353 = arith.cmpi slt, %xor3A_3350, %lt3A_3352 : vector<16xi32>
      %add3A_3354 = arith.constant 16 : i32
      %add3A_3355 = vector.broadcast %add3A_3354 : i32 to vector<16xi32>
      %add3A_3356 = arith.addi %xor3A_3350, %add3A_3355 : vector<16xi32>
      %select_n3A_3357 = arith.select %lt3A_3353, %add3A_3356, %xor3A_3350 : vector<16xi1>, vector<16xi32>
      %broadcast_in_dim3A_3358 = vector.shape_cast %select_n3A_3357 : vector<16xi32> to vector<16x1xi32>
      %gather3A_3359 = vector.shape_cast %broadcast_in_dim3A_3358 : vector<16x1xi32> to vector<16xi32>
      %gather3A_3360 = tpu.dynamic_gather %add3A_3344[%gather3A_3359] in [0] : vector<16xf32>, vector<16xi32> -> vector<16xf32>
      %add3A_3361 = arith.addf %add3A_3344, %gather3A_3360 : vector<16xf32>
      %xor3A_3362 = arith.constant 4 : i32
      %xor3A_3363 = vector.broadcast %xor3A_3362 : i32 to vector<16xi32>
      %xor3A_3364 = arith.xori %iota3A, %xor3A_3363 : vector<16xi32>
      %lt3A_3365 = arith.constant 0 : i32
      %lt3A_3366 = vector.broadcast %lt3A_3365 : i32 to vector<16xi32>
      %lt3A_3367 = arith.cmpi slt, %xor3A_3364, %lt3A_3366 : vector<16xi32>
      %add3A_3368 = arith.constant 16 : i32
      %add3A_3369 = vector.broadcast %add3A_3368 : i32 to vector<16xi32>
      %add3A_3370 = arith.addi %xor3A_3364, %add3A_3369 : vector<16xi32>
      %select_n3A_3371 = arith.select %lt3A_3367, %add3A_3370, %xor3A_3364 : vector<16xi1>, vector<16xi32>
      %broadcast_in_dim3A_3372 = vector.shape_cast %select_n3A_3371 : vector<16xi32> to vector<16x1xi32>
      %gather3A_3373 = vector.shape_cast %broadcast_in_dim3A_3372 : vector<16x1xi32> to vector<16xi32>
      %gather3A_3374 = tpu.dynamic_gather %add3A_3361[%gather3A_3373] in [0] : vector<16xf32>, vector<16xi32> -> vector<16xf32>
      %add3A_3375 = arith.addf %add3A_3361, %gather3A_3374 : vector<16xf32>
      %xor3A_3376 = arith.constant 2 : i32
      %xor3A_3377 = vector.broadcast %xor3A_3376 : i32 to vector<16xi32>
      %xor3A_3378 = arith.xori %iota3A, %xor3A_3377 : vector<16xi32>
      %lt3A_3379 = arith.constant 0 : i32
      %lt3A_3380 = vector.broadcast %lt3A_3379 : i32 to vector<16xi32>
      %lt3A_3381 = arith.cmpi slt, %xor3A_3378, %lt3A_3380 : vector<16xi32>
      %add3A_3382 = arith.constant 16 : i32
      %add3A_3383 = vector.broadcast %add3A_3382 : i32 to vector<16xi32>
      %add3A_3384 = arith.addi %xor3A_3378, %add3A_3383 : vector<16xi32>
      %select_n3A_3385 = arith.select %lt3A_3381, %add3A_3384, %xor3A_3378 : vector<16xi1>, vector<16xi32>
      %broadcast_in_dim3A_3386 = vector.shape_cast %select_n3A_3385 : vector<16xi32> to vector<16x1xi32>
      %gather3A_3387 = vector.shape_cast %broadcast_in_dim3A_3386 : vector<16x1xi32> to vector<16xi32>
      %gather3A_3388 = tpu.dynamic_gather %add3A_3375[%gather3A_3387] in [0] : vector<16xf32>, vector<16xi32> -> vector<16xf32>
      %add3A_3389 = arith.addf %add3A_3375, %gather3A_3388 : vector<16xf32>
      %xor3A_3390 = arith.constant 1 : i32
      %xor3A_3391 = vector.broadcast %xor3A_3390 : i32 to vector<16xi32>
      %xor3A_3392 = arith.xori %iota3A, %xor3A_3391 : vector<16xi32>
      %lt3A_3393 = arith.constant 0 : i32
      %lt3A_3394 = vector.broadcast %lt3A_3393 : i32 to vector<16xi32>
      %lt3A_3395 = arith.cmpi slt, %xor3A_3392, %lt3A_3394 : vector<16xi32>
      %add3A_3396 = arith.constant 16 : i32
      %add3A_3397 = vector.broadcast %add3A_3396 : i32 to vector<16xi32>
      %add3A_3398 = arith.addi %xor3A_3392, %add3A_3397 : vector<16xi32>
      %select_n3A_3399 = arith.select %lt3A_3395, %add3A_3398, %xor3A_3392 : vector<16xi1>, vector<16xi32>
      %broadcast_in_dim3A_3400 = vector.shape_cast %select_n3A_3399 : vector<16xi32> to vector<16x1xi32>
      %gather3A_3401 = vector.shape_cast %broadcast_in_dim3A_3400 : vector<16x1xi32> to vector<16xi32>
      %gather3A_3402 = tpu.dynamic_gather %add3A_3389[%gather3A_3401] in [0] : vector<16xf32>, vector<16xi32> -> vector<16xf32>
      %add3A_3403 = arith.addf %add3A_3389, %gather3A_3402 : vector<16xf32>
      %select_n3A_3404 = arith.select %eq3A_3347, %add3A_3403, %select_n3A_3289 : vector<16xi1>, vector<16xf32>
      %get3A_3405 = arith.constant 29 : i32
      %get3A_3406 = arith.index_cast %get3A_3405 : i32 to index
      %get3A_3407 = arith.constant 0 : index
      %get3A_3408 = tpu.vector_load %arg7[%get3A_3406, %get3A_3407] {strides = array<i32>} : memref<32x128xf32, #tpu.memory_space<vmem>>, vector<1x16xf32>,
      %get3A_3409 = vector.shape_cast %get3A_3408 : vector<1x16xf32> to vector<16xf32>
      %mul3A_3410 = arith.mulf %get3A_3409, %get3A_9 : vector<16xf32>
      %get3A_3411 = arith.constant 29 : i32
      %get3A_3412 = arith.index_cast %get3A_3411 : i32 to index
      %get3A_3413 = arith.constant 16 : index
      %get3A_3414 = tpu.vector_load %arg7[%get3A_3412, %get3A_3413] {strides = array<i32>} : memref<32x128xf32, #tpu.memory_space<vmem>>, vector<1x16xf32>,
      %get3A_3415 = vector.shape_cast %get3A_3414 : vector<1x16xf32> to vector<16xf32>
      %mul3A_3416 = arith.mulf %get3A_3415, %get3A_14 : vector<16xf32>
      %add3A_3417 = arith.addf %mul3A_3410, %mul3A_3416 : vector<16xf32>
      %get3A_3418 = arith.constant 29 : i32
      %get3A_3419 = arith.index_cast %get3A_3418 : i32 to index
      %get3A_3420 = arith.constant 32 : index
      %get3A_3421 = tpu.vector_load %arg7[%get3A_3419, %get3A_3420] {strides = array<i32>} : memref<32x128xf32, #tpu.memory_space<vmem>>, vector<1x16xf32>,
      %get3A_3422 = vector.shape_cast %get3A_3421 : vector<1x16xf32> to vector<16xf32>
      %mul3A_3423 = arith.mulf %get3A_3422, %get3A_19 : vector<16xf32>
      %add3A_3424 = arith.addf %add3A_3417, %mul3A_3423 : vector<16xf32>
      %get3A_3425 = arith.constant 29 : i32
      %get3A_3426 = arith.index_cast %get3A_3425 : i32 to index
      %get3A_3427 = arith.constant 48 : index
      %get3A_3428 = tpu.vector_load %arg7[%get3A_3426, %get3A_3427] {strides = array<i32>} : memref<32x128xf32, #tpu.memory_space<vmem>>, vector<1x16xf32>,
      %get3A_3429 = vector.shape_cast %get3A_3428 : vector<1x16xf32> to vector<16xf32>
      %mul3A_3430 = arith.mulf %get3A_3429, %get3A_24 : vector<16xf32>
      %add3A_3431 = arith.addf %add3A_3424, %mul3A_3430 : vector<16xf32>
      %get3A_3432 = arith.constant 29 : i32
      %get3A_3433 = arith.index_cast %get3A_3432 : i32 to index
      %get3A_3434 = arith.constant 64 : index
      %get3A_3435 = tpu.vector_load %arg7[%get3A_3433, %get3A_3434] {strides = array<i32>} : memref<32x128xf32, #tpu.memory_space<vmem>>, vector<1x16xf32>,
      %get3A_3436 = vector.shape_cast %get3A_3435 : vector<1x16xf32> to vector<16xf32>
      %mul3A_3437 = arith.mulf %get3A_3436, %get3A_29 : vector<16xf32>
      %add3A_3438 = arith.addf %add3A_3431, %mul3A_3437 : vector<16xf32>
      %get3A_3439 = arith.constant 29 : i32
      %get3A_3440 = arith.index_cast %get3A_3439 : i32 to index
      %get3A_3441 = arith.constant 80 : index
      %get3A_3442 = tpu.vector_load %arg7[%get3A_3440, %get3A_3441] {strides = array<i32>} : memref<32x128xf32, #tpu.memory_space<vmem>>, vector<1x16xf32>,
      %get3A_3443 = vector.shape_cast %get3A_3442 : vector<1x16xf32> to vector<16xf32>
      %mul3A_3444 = arith.mulf %get3A_3443, %get3A_34 : vector<16xf32>
      %add3A_3445 = arith.addf %add3A_3438, %mul3A_3444 : vector<16xf32>
      %get3A_3446 = arith.constant 29 : i32
      %get3A_3447 = arith.index_cast %get3A_3446 : i32 to index
      %get3A_3448 = arith.constant 96 : index
      %get3A_3449 = tpu.vector_load %arg7[%get3A_3447, %get3A_3448] {strides = array<i32>} : memref<32x128xf32, #tpu.memory_space<vmem>>, vector<1x16xf32>,
      %get3A_3450 = vector.shape_cast %get3A_3449 : vector<1x16xf32> to vector<16xf32>
      %mul3A_3451 = arith.mulf %get3A_3450, %get3A_39 : vector<16xf32>
      %add3A_3452 = arith.addf %add3A_3445, %mul3A_3451 : vector<16xf32>
      %get3A_3453 = arith.constant 29 : i32
      %get3A_3454 = arith.index_cast %get3A_3453 : i32 to index
      %get3A_3455 = arith.constant 112 : index
      %get3A_3456 = tpu.vector_load %arg7[%get3A_3454, %get3A_3455] {strides = array<i32>} : memref<32x128xf32, #tpu.memory_space<vmem>>, vector<1x16xf32>,
      %get3A_3457 = vector.shape_cast %get3A_3456 : vector<1x16xf32> to vector<16xf32>
      %mul3A_3458 = arith.mulf %get3A_3457, %get3A_44 : vector<16xf32>
      %add3A_3459 = arith.addf %add3A_3452, %mul3A_3458 : vector<16xf32>
      %eq3A_3460 = arith.constant 13 : i32
      %eq3A_3461 = vector.broadcast %eq3A_3460 : i32 to vector<16xi32>
      %eq3A_3462 = arith.cmpi eq, %iota3A, %eq3A_3461 : vector<16xi32>
      %xor3A_3463 = arith.constant 8 : i32
      %xor3A_3464 = vector.broadcast %xor3A_3463 : i32 to vector<16xi32>
      %xor3A_3465 = arith.xori %iota3A, %xor3A_3464 : vector<16xi32>
      %lt3A_3466 = arith.constant 0 : i32
      %lt3A_3467 = vector.broadcast %lt3A_3466 : i32 to vector<16xi32>
      %lt3A_3468 = arith.cmpi slt, %xor3A_3465, %lt3A_3467 : vector<16xi32>
      %add3A_3469 = arith.constant 16 : i32
      %add3A_3470 = vector.broadcast %add3A_3469 : i32 to vector<16xi32>
      %add3A_3471 = arith.addi %xor3A_3465, %add3A_3470 : vector<16xi32>
      %select_n3A_3472 = arith.select %lt3A_3468, %add3A_3471, %xor3A_3465 : vector<16xi1>, vector<16xi32>
      %broadcast_in_dim3A_3473 = vector.shape_cast %select_n3A_3472 : vector<16xi32> to vector<16x1xi32>
      %gather3A_3474 = vector.shape_cast %broadcast_in_dim3A_3473 : vector<16x1xi32> to vector<16xi32>
      %gather3A_3475 = tpu.dynamic_gather %add3A_3459[%gather3A_3474] in [0] : vector<16xf32>, vector<16xi32> -> vector<16xf32>
      %add3A_3476 = arith.addf %add3A_3459, %gather3A_3475 : vector<16xf32>
      %xor3A_3477 = arith.constant 4 : i32
      %xor3A_3478 = vector.broadcast %xor3A_3477 : i32 to vector<16xi32>
      %xor3A_3479 = arith.xori %iota3A, %xor3A_3478 : vector<16xi32>
      %lt3A_3480 = arith.constant 0 : i32
      %lt3A_3481 = vector.broadcast %lt3A_3480 : i32 to vector<16xi32>
      %lt3A_3482 = arith.cmpi slt, %xor3A_3479, %lt3A_3481 : vector<16xi32>
      %add3A_3483 = arith.constant 16 : i32
      %add3A_3484 = vector.broadcast %add3A_3483 : i32 to vector<16xi32>
      %add3A_3485 = arith.addi %xor3A_3479, %add3A_3484 : vector<16xi32>
      %select_n3A_3486 = arith.select %lt3A_3482, %add3A_3485, %xor3A_3479 : vector<16xi1>, vector<16xi32>
      %broadcast_in_dim3A_3487 = vector.shape_cast %select_n3A_3486 : vector<16xi32> to vector<16x1xi32>
      %gather3A_3488 = vector.shape_cast %broadcast_in_dim3A_3487 : vector<16x1xi32> to vector<16xi32>
      %gather3A_3489 = tpu.dynamic_gather %add3A_3476[%gather3A_3488] in [0] : vector<16xf32>, vector<16xi32> -> vector<16xf32>
      %add3A_3490 = arith.addf %add3A_3476, %gather3A_3489 : vector<16xf32>
      %xor3A_3491 = arith.constant 2 : i32
      %xor3A_3492 = vector.broadcast %xor3A_3491 : i32 to vector<16xi32>
      %xor3A_3493 = arith.xori %iota3A, %xor3A_3492 : vector<16xi32>
      %lt3A_3494 = arith.constant 0 : i32
      %lt3A_3495 = vector.broadcast %lt3A_3494 : i32 to vector<16xi32>
      %lt3A_3496 = arith.cmpi slt, %xor3A_3493, %lt3A_3495 : vector<16xi32>
      %add3A_3497 = arith.constant 16 : i32
      %add3A_3498 = vector.broadcast %add3A_3497 : i32 to vector<16xi32>
      %add3A_3499 = arith.addi %xor3A_3493, %add3A_3498 : vector<16xi32>
      %select_n3A_3500 = arith.select %lt3A_3496, %add3A_3499, %xor3A_3493 : vector<16xi1>, vector<16xi32>
      %broadcast_in_dim3A_3501 = vector.shape_cast %select_n3A_3500 : vector<16xi32> to vector<16x1xi32>
      %gather3A_3502 = vector.shape_cast %broadcast_in_dim3A_3501 : vector<16x1xi32> to vector<16xi32>
      %gather3A_3503 = tpu.dynamic_gather %add3A_3490[%gather3A_3502] in [0] : vector<16xf32>, vector<16xi32> -> vector<16xf32>
      %add3A_3504 = arith.addf %add3A_3490, %gather3A_3503 : vector<16xf32>
      %xor3A_3505 = arith.constant 1 : i32
      %xor3A_3506 = vector.broadcast %xor3A_3505 : i32 to vector<16xi32>
      %xor3A_3507 = arith.xori %iota3A, %xor3A_3506 : vector<16xi32>
      %lt3A_3508 = arith.constant 0 : i32
      %lt3A_3509 = vector.broadcast %lt3A_3508 : i32 to vector<16xi32>
      %lt3A_3510 = arith.cmpi slt, %xor3A_3507, %lt3A_3509 : vector<16xi32>
      %add3A_3511 = arith.constant 16 : i32
      %add3A_3512 = vector.broadcast %add3A_3511 : i32 to vector<16xi32>
      %add3A_3513 = arith.addi %xor3A_3507, %add3A_3512 : vector<16xi32>
      %select_n3A_3514 = arith.select %lt3A_3510, %add3A_3513, %xor3A_3507 : vector<16xi1>, vector<16xi32>
      %broadcast_in_dim3A_3515 = vector.shape_cast %select_n3A_3514 : vector<16xi32> to vector<16x1xi32>
      %gather3A_3516 = vector.shape_cast %broadcast_in_dim3A_3515 : vector<16x1xi32> to vector<16xi32>
      %gather3A_3517 = tpu.dynamic_gather %add3A_3504[%gather3A_3516] in [0] : vector<16xf32>, vector<16xi32> -> vector<16xf32>
      %add3A_3518 = arith.addf %add3A_3504, %gather3A_3517 : vector<16xf32>
      %select_n3A_3519 = arith.select %eq3A_3462, %add3A_3518, %select_n3A_3404 : vector<16xi1>, vector<16xf32>
      %get3A_3520 = arith.constant 30 : i32
      %get3A_3521 = arith.index_cast %get3A_3520 : i32 to index
      %get3A_3522 = arith.constant 0 : index
      %get3A_3523 = tpu.vector_load %arg7[%get3A_3521, %get3A_3522] {strides = array<i32>} : memref<32x128xf32, #tpu.memory_space<vmem>>, vector<1x16xf32>,
      %get3A_3524 = vector.shape_cast %get3A_3523 : vector<1x16xf32> to vector<16xf32>
      %mul3A_3525 = arith.mulf %get3A_3524, %get3A_9 : vector<16xf32>
      %get3A_3526 = arith.constant 30 : i32
      %get3A_3527 = arith.index_cast %get3A_3526 : i32 to index
      %get3A_3528 = arith.constant 16 : index
      %get3A_3529 = tpu.vector_load %arg7[%get3A_3527, %get3A_3528] {strides = array<i32>} : memref<32x128xf32, #tpu.memory_space<vmem>>, vector<1x16xf32>,
      %get3A_3530 = vector.shape_cast %get3A_3529 : vector<1x16xf32> to vector<16xf32>
      %mul3A_3531 = arith.mulf %get3A_3530, %get3A_14 : vector<16xf32>
      %add3A_3532 = arith.addf %mul3A_3525, %mul3A_3531 : vector<16xf32>
      %get3A_3533 = arith.constant 30 : i32
      %get3A_3534 = arith.index_cast %get3A_3533 : i32 to index
      %get3A_3535 = arith.constant 32 : index
      %get3A_3536 = tpu.vector_load %arg7[%get3A_3534, %get3A_3535] {strides = array<i32>} : memref<32x128xf32, #tpu.memory_space<vmem>>, vector<1x16xf32>,
      %get3A_3537 = vector.shape_cast %get3A_3536 : vector<1x16xf32> to vector<16xf32>
      %mul3A_3538 = arith.mulf %get3A_3537, %get3A_19 : vector<16xf32>
      %add3A_3539 = arith.addf %add3A_3532, %mul3A_3538 : vector<16xf32>
      %get3A_3540 = arith.constant 30 : i32
      %get3A_3541 = arith.index_cast %get3A_3540 : i32 to index
      %get3A_3542 = arith.constant 48 : index
      %get3A_3543 = tpu.vector_load %arg7[%get3A_3541, %get3A_3542] {strides = array<i32>} : memref<32x128xf32, #tpu.memory_space<vmem>>, vector<1x16xf32>,
      %get3A_3544 = vector.shape_cast %get3A_3543 : vector<1x16xf32> to vector<16xf32>
      %mul3A_3545 = arith.mulf %get3A_3544, %get3A_24 : vector<16xf32>
      %add3A_3546 = arith.addf %add3A_3539, %mul3A_3545 : vector<16xf32>
      %get3A_3547 = arith.constant 30 : i32
      %get3A_3548 = arith.index_cast %get3A_3547 : i32 to index
      %get3A_3549 = arith.constant 64 : index
      %get3A_3550 = tpu.vector_load %arg7[%get3A_3548, %get3A_3549] {strides = array<i32>} : memref<32x128xf32, #tpu.memory_space<vmem>>, vector<1x16xf32>,
      %get3A_3551 = vector.shape_cast %get3A_3550 : vector<1x16xf32> to vector<16xf32>
      %mul3A_3552 = arith.mulf %get3A_3551, %get3A_29 : vector<16xf32>
      %add3A_3553 = arith.addf %add3A_3546, %mul3A_3552 : vector<16xf32>
      %get3A_3554 = arith.constant 30 : i32
      %get3A_3555 = arith.index_cast %get3A_3554 : i32 to index
      %get3A_3556 = arith.constant 80 : index
      %get3A_3557 = tpu.vector_load %arg7[%get3A_3555, %get3A_3556] {strides = array<i32>} : memref<32x128xf32, #tpu.memory_space<vmem>>, vector<1x16xf32>,
      %get3A_3558 = vector.shape_cast %get3A_3557 : vector<1x16xf32> to vector<16xf32>
      %mul3A_3559 = arith.mulf %get3A_3558, %get3A_34 : vector<16xf32>
      %add3A_3560 = arith.addf %add3A_3553, %mul3A_3559 : vector<16xf32>
      %get3A_3561 = arith.constant 30 : i32
      %get3A_3562 = arith.index_cast %get3A_3561 : i32 to index
      %get3A_3563 = arith.constant 96 : index
      %get3A_3564 = tpu.vector_load %arg7[%get3A_3562, %get3A_3563] {strides = array<i32>} : memref<32x128xf32, #tpu.memory_space<vmem>>, vector<1x16xf32>,
      %get3A_3565 = vector.shape_cast %get3A_3564 : vector<1x16xf32> to vector<16xf32>
      %mul3A_3566 = arith.mulf %get3A_3565, %get3A_39 : vector<16xf32>
      %add3A_3567 = arith.addf %add3A_3560, %mul3A_3566 : vector<16xf32>
      %get3A_3568 = arith.constant 30 : i32
      %get3A_3569 = arith.index_cast %get3A_3568 : i32 to index
      %get3A_3570 = arith.constant 112 : index
      %get3A_3571 = tpu.vector_load %arg7[%get3A_3569, %get3A_3570] {strides = array<i32>} : memref<32x128xf32, #tpu.memory_space<vmem>>, vector<1x16xf32>,
      %get3A_3572 = vector.shape_cast %get3A_3571 : vector<1x16xf32> to vector<16xf32>
      %mul3A_3573 = arith.mulf %get3A_3572, %get3A_44 : vector<16xf32>
      %add3A_3574 = arith.addf %add3A_3567, %mul3A_3573 : vector<16xf32>
      %eq3A_3575 = arith.constant 14 : i32
      %eq3A_3576 = vector.broadcast %eq3A_3575 : i32 to vector<16xi32>
      %eq3A_3577 = arith.cmpi eq, %iota3A, %eq3A_3576 : vector<16xi32>
      %xor3A_3578 = arith.constant 8 : i32
      %xor3A_3579 = vector.broadcast %xor3A_3578 : i32 to vector<16xi32>
      %xor3A_3580 = arith.xori %iota3A, %xor3A_3579 : vector<16xi32>
      %lt3A_3581 = arith.constant 0 : i32
      %lt3A_3582 = vector.broadcast %lt3A_3581 : i32 to vector<16xi32>
      %lt3A_3583 = arith.cmpi slt, %xor3A_3580, %lt3A_3582 : vector<16xi32>
      %add3A_3584 = arith.constant 16 : i32
      %add3A_3585 = vector.broadcast %add3A_3584 : i32 to vector<16xi32>
      %add3A_3586 = arith.addi %xor3A_3580, %add3A_3585 : vector<16xi32>
      %select_n3A_3587 = arith.select %lt3A_3583, %add3A_3586, %xor3A_3580 : vector<16xi1>, vector<16xi32>
      %broadcast_in_dim3A_3588 = vector.shape_cast %select_n3A_3587 : vector<16xi32> to vector<16x1xi32>
      %gather3A_3589 = vector.shape_cast %broadcast_in_dim3A_3588 : vector<16x1xi32> to vector<16xi32>
      %gather3A_3590 = tpu.dynamic_gather %add3A_3574[%gather3A_3589] in [0] : vector<16xf32>, vector<16xi32> -> vector<16xf32>
      %add3A_3591 = arith.addf %add3A_3574, %gather3A_3590 : vector<16xf32>
      %xor3A_3592 = arith.constant 4 : i32
      %xor3A_3593 = vector.broadcast %xor3A_3592 : i32 to vector<16xi32>
      %xor3A_3594 = arith.xori %iota3A, %xor3A_3593 : vector<16xi32>
      %lt3A_3595 = arith.constant 0 : i32
      %lt3A_3596 = vector.broadcast %lt3A_3595 : i32 to vector<16xi32>
      %lt3A_3597 = arith.cmpi slt, %xor3A_3594, %lt3A_3596 : vector<16xi32>
      %add3A_3598 = arith.constant 16 : i32
      %add3A_3599 = vector.broadcast %add3A_3598 : i32 to vector<16xi32>
      %add3A_3600 = arith.addi %xor3A_3594, %add3A_3599 : vector<16xi32>
      %select_n3A_3601 = arith.select %lt3A_3597, %add3A_3600, %xor3A_3594 : vector<16xi1>, vector<16xi32>
      %broadcast_in_dim3A_3602 = vector.shape_cast %select_n3A_3601 : vector<16xi32> to vector<16x1xi32>
      %gather3A_3603 = vector.shape_cast %broadcast_in_dim3A_3602 : vector<16x1xi32> to vector<16xi32>
      %gather3A_3604 = tpu.dynamic_gather %add3A_3591[%gather3A_3603] in [0] : vector<16xf32>, vector<16xi32> -> vector<16xf32>
      %add3A_3605 = arith.addf %add3A_3591, %gather3A_3604 : vector<16xf32>
      %xor3A_3606 = arith.constant 2 : i32
      %xor3A_3607 = vector.broadcast %xor3A_3606 : i32 to vector<16xi32>
      %xor3A_3608 = arith.xori %iota3A, %xor3A_3607 : vector<16xi32>
      %lt3A_3609 = arith.constant 0 : i32
      %lt3A_3610 = vector.broadcast %lt3A_3609 : i32 to vector<16xi32>
      %lt3A_3611 = arith.cmpi slt, %xor3A_3608, %lt3A_3610 : vector<16xi32>
      %add3A_3612 = arith.constant 16 : i32
      %add3A_3613 = vector.broadcast %add3A_3612 : i32 to vector<16xi32>
      %add3A_3614 = arith.addi %xor3A_3608, %add3A_3613 : vector<16xi32>
      %select_n3A_3615 = arith.select %lt3A_3611, %add3A_3614, %xor3A_3608 : vector<16xi1>, vector<16xi32>
      %broadcast_in_dim3A_3616 = vector.shape_cast %select_n3A_3615 : vector<16xi32> to vector<16x1xi32>
      %gather3A_3617 = vector.shape_cast %broadcast_in_dim3A_3616 : vector<16x1xi32> to vector<16xi32>
      %gather3A_3618 = tpu.dynamic_gather %add3A_3605[%gather3A_3617] in [0] : vector<16xf32>, vector<16xi32> -> vector<16xf32>
      %add3A_3619 = arith.addf %add3A_3605, %gather3A_3618 : vector<16xf32>
      %xor3A_3620 = arith.constant 1 : i32
      %xor3A_3621 = vector.broadcast %xor3A_3620 : i32 to vector<16xi32>
      %xor3A_3622 = arith.xori %iota3A, %xor3A_3621 : vector<16xi32>
      %lt3A_3623 = arith.constant 0 : i32
      %lt3A_3624 = vector.broadcast %lt3A_3623 : i32 to vector<16xi32>
      %lt3A_3625 = arith.cmpi slt, %xor3A_3622, %lt3A_3624 : vector<16xi32>
      %add3A_3626 = arith.constant 16 : i32
      %add3A_3627 = vector.broadcast %add3A_3626 : i32 to vector<16xi32>
      %add3A_3628 = arith.addi %xor3A_3622, %add3A_3627 : vector<16xi32>
      %select_n3A_3629 = arith.select %lt3A_3625, %add3A_3628, %xor3A_3622 : vector<16xi1>, vector<16xi32>
      %broadcast_in_dim3A_3630 = vector.shape_cast %select_n3A_3629 : vector<16xi32> to vector<16x1xi32>
      %gather3A_3631 = vector.shape_cast %broadcast_in_dim3A_3630 : vector<16x1xi32> to vector<16xi32>
      %gather3A_3632 = tpu.dynamic_gather %add3A_3619[%gather3A_3631] in [0] : vector<16xf32>, vector<16xi32> -> vector<16xf32>
      %add3A_3633 = arith.addf %add3A_3619, %gather3A_3632 : vector<16xf32>
      %select_n3A_3634 = arith.select %eq3A_3577, %add3A_3633, %select_n3A_3519 : vector<16xi1>, vector<16xf32>
      %get3A_3635 = arith.constant 31 : i32
      %get3A_3636 = arith.index_cast %get3A_3635 : i32 to index
      %get3A_3637 = arith.constant 0 : index
      %get3A_3638 = tpu.vector_load %arg7[%get3A_3636, %get3A_3637] {strides = array<i32>} : memref<32x128xf32, #tpu.memory_space<vmem>>, vector<1x16xf32>,
      %get3A_3639 = vector.shape_cast %get3A_3638 : vector<1x16xf32> to vector<16xf32>
      %mul3A_3640 = arith.mulf %get3A_3639, %get3A_9 : vector<16xf32>
      %get3A_3641 = arith.constant 31 : i32
      %get3A_3642 = arith.index_cast %get3A_3641 : i32 to index
      %get3A_3643 = arith.constant 16 : index
      %get3A_3644 = tpu.vector_load %arg7[%get3A_3642, %get3A_3643] {strides = array<i32>} : memref<32x128xf32, #tpu.memory_space<vmem>>, vector<1x16xf32>,
      %get3A_3645 = vector.shape_cast %get3A_3644 : vector<1x16xf32> to vector<16xf32>
      %mul3A_3646 = arith.mulf %get3A_3645, %get3A_14 : vector<16xf32>
      %add3A_3647 = arith.addf %mul3A_3640, %mul3A_3646 : vector<16xf32>
      %get3A_3648 = arith.constant 31 : i32
      %get3A_3649 = arith.index_cast %get3A_3648 : i32 to index
      %get3A_3650 = arith.constant 32 : index
      %get3A_3651 = tpu.vector_load %arg7[%get3A_3649, %get3A_3650] {strides = array<i32>} : memref<32x128xf32, #tpu.memory_space<vmem>>, vector<1x16xf32>,
      %get3A_3652 = vector.shape_cast %get3A_3651 : vector<1x16xf32> to vector<16xf32>
      %mul3A_3653 = arith.mulf %get3A_3652, %get3A_19 : vector<16xf32>
      %add3A_3654 = arith.addf %add3A_3647, %mul3A_3653 : vector<16xf32>
      %get3A_3655 = arith.constant 31 : i32
      %get3A_3656 = arith.index_cast %get3A_3655 : i32 to index
      %get3A_3657 = arith.constant 48 : index
      %get3A_3658 = tpu.vector_load %arg7[%get3A_3656, %get3A_3657] {strides = array<i32>} : memref<32x128xf32, #tpu.memory_space<vmem>>, vector<1x16xf32>,
      %get3A_3659 = vector.shape_cast %get3A_3658 : vector<1x16xf32> to vector<16xf32>
      %mul3A_3660 = arith.mulf %get3A_3659, %get3A_24 : vector<16xf32>
      %add3A_3661 = arith.addf %add3A_3654, %mul3A_3660 : vector<16xf32>
      %get3A_3662 = arith.constant 31 : i32
      %get3A_3663 = arith.index_cast %get3A_3662 : i32 to index
      %get3A_3664 = arith.constant 64 : index
      %get3A_3665 = tpu.vector_load %arg7[%get3A_3663, %get3A_3664] {strides = array<i32>} : memref<32x128xf32, #tpu.memory_space<vmem>>, vector<1x16xf32>,
      %get3A_3666 = vector.shape_cast %get3A_3665 : vector<1x16xf32> to vector<16xf32>
      %mul3A_3667 = arith.mulf %get3A_3666, %get3A_29 : vector<16xf32>
      %add3A_3668 = arith.addf %add3A_3661, %mul3A_3667 : vector<16xf32>
      %get3A_3669 = arith.constant 31 : i32
      %get3A_3670 = arith.index_cast %get3A_3669 : i32 to index
      %get3A_3671 = arith.constant 80 : index
      %get3A_3672 = tpu.vector_load %arg7[%get3A_3670, %get3A_3671] {strides = array<i32>} : memref<32x128xf32, #tpu.memory_space<vmem>>, vector<1x16xf32>,
      %get3A_3673 = vector.shape_cast %get3A_3672 : vector<1x16xf32> to vector<16xf32>
      %mul3A_3674 = arith.mulf %get3A_3673, %get3A_34 : vector<16xf32>
      %add3A_3675 = arith.addf %add3A_3668, %mul3A_3674 : vector<16xf32>
      %get3A_3676 = arith.constant 31 : i32
      %get3A_3677 = arith.index_cast %get3A_3676 : i32 to index
      %get3A_3678 = arith.constant 96 : index
      %get3A_3679 = tpu.vector_load %arg7[%get3A_3677, %get3A_3678] {strides = array<i32>} : memref<32x128xf32, #tpu.memory_space<vmem>>, vector<1x16xf32>,
      %get3A_3680 = vector.shape_cast %get3A_3679 : vector<1x16xf32> to vector<16xf32>
      %mul3A_3681 = arith.mulf %get3A_3680, %get3A_39 : vector<16xf32>
      %add3A_3682 = arith.addf %add3A_3675, %mul3A_3681 : vector<16xf32>
      %get3A_3683 = arith.constant 31 : i32
      %get3A_3684 = arith.index_cast %get3A_3683 : i32 to index
      %get3A_3685 = arith.constant 112 : index
      %get3A_3686 = tpu.vector_load %arg7[%get3A_3684, %get3A_3685] {strides = array<i32>} : memref<32x128xf32, #tpu.memory_space<vmem>>, vector<1x16xf32>,
      %get3A_3687 = vector.shape_cast %get3A_3686 : vector<1x16xf32> to vector<16xf32>
      %mul3A_3688 = arith.mulf %get3A_3687, %get3A_44 : vector<16xf32>
      %add3A_3689 = arith.addf %add3A_3682, %mul3A_3688 : vector<16xf32>
      %eq3A_3690 = arith.constant 15 : i32
      %eq3A_3691 = vector.broadcast %eq3A_3690 : i32 to vector<16xi32>
      %eq3A_3692 = arith.cmpi eq, %iota3A, %eq3A_3691 : vector<16xi32>
      %xor3A_3693 = arith.constant 8 : i32
      %xor3A_3694 = vector.broadcast %xor3A_3693 : i32 to vector<16xi32>
      %xor3A_3695 = arith.xori %iota3A, %xor3A_3694 : vector<16xi32>
      %lt3A_3696 = arith.constant 0 : i32
      %lt3A_3697 = vector.broadcast %lt3A_3696 : i32 to vector<16xi32>
      %lt3A_3698 = arith.cmpi slt, %xor3A_3695, %lt3A_3697 : vector<16xi32>
      %add3A_3699 = arith.constant 16 : i32
      %add3A_3700 = vector.broadcast %add3A_3699 : i32 to vector<16xi32>
      %add3A_3701 = arith.addi %xor3A_3695, %add3A_3700 : vector<16xi32>
      %select_n3A_3702 = arith.select %lt3A_3698, %add3A_3701, %xor3A_3695 : vector<16xi1>, vector<16xi32>
      %broadcast_in_dim3A_3703 = vector.shape_cast %select_n3A_3702 : vector<16xi32> to vector<16x1xi32>
      %gather3A_3704 = vector.shape_cast %broadcast_in_dim3A_3703 : vector<16x1xi32> to vector<16xi32>
      %gather3A_3705 = tpu.dynamic_gather %add3A_3689[%gather3A_3704] in [0] : vector<16xf32>, vector<16xi32> -> vector<16xf32>
      %add3A_3706 = arith.addf %add3A_3689, %gather3A_3705 : vector<16xf32>
      %xor3A_3707 = arith.constant 4 : i32
      %xor3A_3708 = vector.broadcast %xor3A_3707 : i32 to vector<16xi32>
      %xor3A_3709 = arith.xori %iota3A, %xor3A_3708 : vector<16xi32>
      %lt3A_3710 = arith.constant 0 : i32
      %lt3A_3711 = vector.broadcast %lt3A_3710 : i32 to vector<16xi32>
      %lt3A_3712 = arith.cmpi slt, %xor3A_3709, %lt3A_3711 : vector<16xi32>
      %add3A_3713 = arith.constant 16 : i32
      %add3A_3714 = vector.broadcast %add3A_3713 : i32 to vector<16xi32>
      %add3A_3715 = arith.addi %xor3A_3709, %add3A_3714 : vector<16xi32>
      %select_n3A_3716 = arith.select %lt3A_3712, %add3A_3715, %xor3A_3709 : vector<16xi1>, vector<16xi32>
      %broadcast_in_dim3A_3717 = vector.shape_cast %select_n3A_3716 : vector<16xi32> to vector<16x1xi32>
      %gather3A_3718 = vector.shape_cast %broadcast_in_dim3A_3717 : vector<16x1xi32> to vector<16xi32>
      %gather3A_3719 = tpu.dynamic_gather %add3A_3706[%gather3A_3718] in [0] : vector<16xf32>, vector<16xi32> -> vector<16xf32>
      %add3A_3720 = arith.addf %add3A_3706, %gather3A_3719 : vector<16xf32>
      %xor3A_3721 = arith.constant 2 : i32
      %xor3A_3722 = vector.broadcast %xor3A_3721 : i32 to vector<16xi32>
      %xor3A_3723 = arith.xori %iota3A, %xor3A_3722 : vector<16xi32>
      %lt3A_3724 = arith.constant 0 : i32
      %lt3A_3725 = vector.broadcast %lt3A_3724 : i32 to vector<16xi32>
      %lt3A_3726 = arith.cmpi slt, %xor3A_3723, %lt3A_3725 : vector<16xi32>
      %add3A_3727 = arith.constant 16 : i32
      %add3A_3728 = vector.broadcast %add3A_3727 : i32 to vector<16xi32>
      %add3A_3729 = arith.addi %xor3A_3723, %add3A_3728 : vector<16xi32>
      %select_n3A_3730 = arith.select %lt3A_3726, %add3A_3729, %xor3A_3723 : vector<16xi1>, vector<16xi32>
      %broadcast_in_dim3A_3731 = vector.shape_cast %select_n3A_3730 : vector<16xi32> to vector<16x1xi32>
      %gather3A_3732 = vector.shape_cast %broadcast_in_dim3A_3731 : vector<16x1xi32> to vector<16xi32>
      %gather3A_3733 = tpu.dynamic_gather %add3A_3720[%gather3A_3732] in [0] : vector<16xf32>, vector<16xi32> -> vector<16xf32>
      %add3A_3734 = arith.addf %add3A_3720, %gather3A_3733 : vector<16xf32>
      %xor3A_3735 = arith.constant 1 : i32
      %xor3A_3736 = vector.broadcast %xor3A_3735 : i32 to vector<16xi32>
      %xor3A_3737 = arith.xori %iota3A, %xor3A_3736 : vector<16xi32>
      %lt3A_3738 = arith.constant 0 : i32
      %lt3A_3739 = vector.broadcast %lt3A_3738 : i32 to vector<16xi32>
      %lt3A_3740 = arith.cmpi slt, %xor3A_3737, %lt3A_3739 : vector<16xi32>
      %add3A_3741 = arith.constant 16 : i32
      %add3A_3742 = vector.broadcast %add3A_3741 : i32 to vector<16xi32>
      %add3A_3743 = arith.addi %xor3A_3737, %add3A_3742 : vector<16xi32>
      %select_n3A_3744 = arith.select %lt3A_3740, %add3A_3743, %xor3A_3737 : vector<16xi1>, vector<16xi32>
      %broadcast_in_dim3A_3745 = vector.shape_cast %select_n3A_3744 : vector<16xi32> to vector<16x1xi32>
      %gather3A_3746 = vector.shape_cast %broadcast_in_dim3A_3745 : vector<16x1xi32> to vector<16xi32>
      %gather3A_3747 = tpu.dynamic_gather %add3A_3734[%gather3A_3746] in [0] : vector<16xf32>, vector<16xi32> -> vector<16xf32>
      %add3A_3748 = arith.addf %add3A_3734, %gather3A_3747 : vector<16xf32>
      %select_n3A_3749 = arith.select %eq3A_3692, %add3A_3748, %select_n3A_3634 : vector<16xi1>, vector<16xf32>
      %get3A_3750 = arith.constant 0 : i32
      %get3A_3751 = arith.index_cast %get3A_3750 : i32 to index
      %get3A_3752 = arith.constant 16 : index
      %get3A_3753 = tpu.vector_load %arg8[%get3A_3751, %get3A_3752] {strides = array<i32>} : memref<2x32xf32, #tpu.memory_space<vmem>>, vector<1x16xf32>,
      %get3A_3754 = vector.shape_cast %get3A_3753 : vector<1x16xf32> to vector<16xf32>
      %get3A_3755 = arith.constant 1 : i32
      %get3A_3756 = arith.index_cast %get3A_3755 : i32 to index
      %get3A_3757 = arith.constant 16 : index
      %get3A_3758 = tpu.vector_load %arg8[%get3A_3756, %get3A_3757] {strides = array<i32>} : memref<2x32xf32, #tpu.memory_space<vmem>>, vector<1x16xf32>,
      %get3A_3759 = vector.shape_cast %get3A_3758 : vector<1x16xf32> to vector<16xf32>
      %mul3A_3760 = arith.mulf %get3A_3754, %select_n3A_3749 : vector<16xf32>
      %add3A_3761 = arith.addf %add3A_1895, %mul3A_3760 : vector<16xf32>
      %abs3A_3762 = math.absf %select_n3A_3749 : vector<16xf32>
      %neg3A_3763 = arith.constant 0.000000e+00 : f32
      %neg3A_3764 = vector.broadcast %neg3A_3763 : f32 to vector<16xf32>
      %neg3A_3765 = arith.subf %neg3A_3764, %abs3A_3762 : vector<16xf32>
      %exp3A_3766 = math.exp %neg3A_3765 : vector<16xf32>
      %ge3A_3767 = arith.constant 0.000000e+00 : f32
      %ge3A_3768 = vector.broadcast %ge3A_3767 : f32 to vector<16xf32>
      %ge3A_3769 = arith.cmpf oge, %select_n3A_3749, %ge3A_3768 : vector<16xf32>
      %broadcast_in_dim3A_3770 = arith.constant 1.000000e+00 : f32
      %broadcast_in_dim3A_3771 = vector.broadcast %broadcast_in_dim3A_3770 : f32 to vector<16xf32>
      %select_n3A_3772 = arith.select %ge3A_3769, %exp3A_3766, %broadcast_in_dim3A_3771 : vector<16xi1>, vector<16xf32>
      %add3A_3773 = arith.constant 1.000000e+00 : f32
      %add3A_3774 = vector.broadcast %add3A_3773 : f32 to vector<16xf32>
      %add3A_3775 = arith.addf %add3A_3774, %exp3A_3766 : vector<16xf32>
      %div3A_3776 = arith.divf %select_n3A_3772, %add3A_3775 : vector<16xf32>
      %mul3A_3777 = arith.mulf %get3A_3759, %div3A_3776 : vector<16xf32>
      %add3A_3778 = arith.addf %add3A_1907, %mul3A_3777 : vector<16xf32>
      %swap3A = arith.constant 0 : i32
      %swap3A_3779 = arith.index_cast %swap3A : i32 to index
      %swap3A_3780 = arith.constant 0 : index
      %swap3A_3781 = tpu.vector_load %arg9[%swap3A_3779, %swap3A_3780] {strides = array<i32>} : memref<2x16xf32, #tpu.memory_space<vmem>>, vector<1x16xf32>,
      %swap3A_3782 = vector.shape_cast %swap3A_3781 : vector<1x16xf32> to vector<16xf32>
      %swap3A_3783 = vector.shape_cast %add3A_3761 : vector<16xf32> to vector<1x16xf32>
      tpu.vector_store %arg9[%swap3A_3779, %swap3A_3780], %swap3A_3783 {strides = array<i32>} : memref<2x16xf32, #tpu.memory_space<vmem>>, vector<1x16xf32>,
      %swap3A_3784 = arith.constant 1 : i32
      %swap3A_3785 = arith.index_cast %swap3A_3784 : i32 to index
      %swap3A_3786 = arith.constant 0 : index
      %swap3A_3787 = tpu.vector_load %arg9[%swap3A_3785, %swap3A_3786] {strides = array<i32>} : memref<2x16xf32, #tpu.memory_space<vmem>>, vector<1x16xf32>,
      %swap3A_3788 = vector.shape_cast %swap3A_3787 : vector<1x16xf32> to vector<16xf32>
      %swap3A_3789 = vector.shape_cast %add3A_3778 : vector<16xf32> to vector<1x16xf32>
      tpu.vector_store %arg9[%swap3A_3785, %swap3A_3786], %swap3A_3789 {strides = array<i32>} : memref<2x16xf32, #tpu.memory_space<vmem>>, vector<1x16xf32>,
      "tpu.region"() ({
        %run_scoped3A = tpu.sem_alloc : memref<!tpu.dma_semaphore, #tpu.memory_space<semaphore_mem>>
        %dma_start3A_3795 = arith.constant 0 : i32
        %dma_start3A_3796 = arith.constant 0 : i32
        %dma_start3A_3797 = tpu.memref_slice %arg11[%arg1, %dma_start3A_3795, %dma_start3A_3796] : memref<16x2x16xf32, #tpu.memory_space<vmem_shared>> -> memref<1x2x16xf32, #tpu.memory_space<vmem_shared>>
        %dma_start3A_3798 = tpu.memref_squeeze %dma_start3A_3797 : memref<1x2x16xf32, #tpu.memory_space<vmem_shared>> -> memref<2x16xf32, #tpu.memory_space<vmem_shared>>
        %dma_start3A_3799 = arith.constant 0 : i32
        %dma_start3A_3800 = arith.constant 0 : i32
        %dma_start3A_3801 = tpu.memref_slice %arg11[%arg1, %dma_start3A_3799, %dma_start3A_3800] : memref<16x2x16xf32, #tpu.memory_space<vmem_shared>> -> memref<1x2x16xf32, #tpu.memory_space<vmem_shared>>
        %dma_start3A_3802 = tpu.memref_squeeze %dma_start3A_3801 : memref<1x2x16xf32, #tpu.memory_space<vmem_shared>> -> memref<2x16xf32, #tpu.memory_space<vmem_shared>>
        tpu.enqueue_dma source(%arg9 : memref<2x16xf32, #tpu.memory_space<vmem>>) target(%dma_start3A_3802 : memref<2x16xf32, #tpu.memory_space<vmem_shared>>) target_semaphore(%run_scoped3A : memref<!tpu.dma_semaphore, #tpu.memory_space<semaphore_mem>>)
        %dma_wait3A_3803 = arith.constant 0 : i32
        %dma_wait3A_3804 = arith.constant 0 : i32
        %dma_wait3A_3805 = tpu.memref_slice %arg11[%arg1, %dma_wait3A_3803, %dma_wait3A_3804] : memref<16x2x16xf32, #tpu.memory_space<vmem_shared>> -> memref<1x2x16xf32, #tpu.memory_space<vmem_shared>>
        %dma_wait3A_3806 = tpu.memref_squeeze %dma_wait3A_3805 : memref<1x2x16xf32, #tpu.memory_space<vmem_shared>> -> memref<2x16xf32, #tpu.memory_space<vmem_shared>>
        %dma_wait3A_3807 = arith.constant 0 : i32
        %dma_wait3A_3808 = arith.constant 0 : i32
        %dma_wait3A_3809 = tpu.memref_slice %arg11[%arg1, %dma_wait3A_3807, %dma_wait3A_3808] : memref<16x2x16xf32, #tpu.memory_space<vmem_shared>> -> memref<1x2x16xf32, #tpu.memory_space<vmem_shared>>
        %dma_wait3A_3810 = tpu.memref_squeeze %dma_wait3A_3809 : memref<1x2x16xf32, #tpu.memory_space<vmem_shared>> -> memref<2x16xf32, #tpu.memory_space<vmem_shared>>
        tpu.wait_dma2 semaphore(%run_scoped3A : memref<!tpu.dma_semaphore, #tpu.memory_space<semaphore_mem>>) src(%arg9 : memref<2x16xf32, #tpu.memory_space<vmem>>) dst(%dma_wait3A_3810 : memref<2x16xf32, #tpu.memory_space<vmem_shared>>)
        tpu.yield
      }) : () -> ()
      %barrier3A = arith.constant 0 : index
      tpu.barrier barrier_id(%barrier3A)
      %eq3A_3790 = arith.constant 0 : i32
      %eq3A_3791 = arith.cmpi eq, %arg1, %eq3A_3790 : i32
      %convert_element_type3A_3792 = arith.extui %eq3A_3791 : i1 to i32
      %cond3A_3793 = arith.constant 0 : i32
      %cond3A_3794 = arith.cmpi ne, %convert_element_type3A_3792, %cond3A_3793 : i32
      scf.if %cond3A_3794 {
        "tpu.region"() ({
          %run_scoped3A = tpu.sem_alloc : memref<!tpu.dma_semaphore, #tpu.memory_space<semaphore_mem>>
          tpu.enqueue_dma source(%arg11 : memref<16x2x16xf32, #tpu.memory_space<vmem_shared>>) target(%arg10 : memref<16x2x16xf32, #tpu.memory_space<vmem>>) target_semaphore(%run_scoped3A : memref<!tpu.dma_semaphore, #tpu.memory_space<semaphore_mem>>)
          tpu.wait_dma2 semaphore(%run_scoped3A : memref<!tpu.dma_semaphore, #tpu.memory_space<semaphore_mem>>) src(%arg11 : memref<16x2x16xf32, #tpu.memory_space<vmem_shared>>) dst(%arg10 : memref<16x2x16xf32, #tpu.memory_space<vmem>>)
          tpu.yield
        }) : () -> ()
        %get3A_3795 = arith.constant 0 : i32
        %get3A_3796 = arith.constant 0 : i32
        %get3A_3797 = arith.index_cast %get3A_3795 : i32 to index
        %get3A_3798 = arith.index_cast %get3A_3796 : i32 to index
        %get3A_3799 = arith.constant 0 : index
        %get3A_3800 = tpu.vector_load %arg10[%get3A_3797, %get3A_3798, %get3A_3799] {strides = array<i32>} : memref<16x2x16xf32, #tpu.memory_space<vmem>>, vector<1x1x16xf32>,
        %get3A_3801 = vector.shape_cast %get3A_3800 : vector<1x1x16xf32> to vector<16xf32>
        %get3A_3802 = arith.constant 0 : i32
        %get3A_3803 = arith.constant 1 : i32
        %get3A_3804 = arith.index_cast %get3A_3802 : i32 to index
        %get3A_3805 = arith.index_cast %get3A_3803 : i32 to index
        %get3A_3806 = arith.constant 0 : index
        %get3A_3807 = tpu.vector_load %arg10[%get3A_3804, %get3A_3805, %get3A_3806] {strides = array<i32>} : memref<16x2x16xf32, #tpu.memory_space<vmem>>, vector<1x1x16xf32>,
        %get3A_3808 = vector.shape_cast %get3A_3807 : vector<1x1x16xf32> to vector<16xf32>
        %get3A_3809 = arith.constant 1 : i32
        %get3A_3810 = arith.constant 0 : i32
        %get3A_3811 = arith.index_cast %get3A_3809 : i32 to index
        %get3A_3812 = arith.index_cast %get3A_3810 : i32 to index
        %get3A_3813 = arith.constant 0 : index
        %get3A_3814 = tpu.vector_load %arg10[%get3A_3811, %get3A_3812, %get3A_3813] {strides = array<i32>} : memref<16x2x16xf32, #tpu.memory_space<vmem>>, vector<1x1x16xf32>,
        %get3A_3815 = vector.shape_cast %get3A_3814 : vector<1x1x16xf32> to vector<16xf32>
        %add3A_3816 = arith.addf %get3A_3801, %get3A_3815 : vector<16xf32>
        %get3A_3817 = arith.constant 1 : i32
        %get3A_3818 = arith.constant 1 : i32
        %get3A_3819 = arith.index_cast %get3A_3817 : i32 to index
        %get3A_3820 = arith.index_cast %get3A_3818 : i32 to index
        %get3A_3821 = arith.constant 0 : index
        %get3A_3822 = tpu.vector_load %arg10[%get3A_3819, %get3A_3820, %get3A_3821] {strides = array<i32>} : memref<16x2x16xf32, #tpu.memory_space<vmem>>, vector<1x1x16xf32>,
        %get3A_3823 = vector.shape_cast %get3A_3822 : vector<1x1x16xf32> to vector<16xf32>
        %add3A_3824 = arith.addf %get3A_3808, %get3A_3823 : vector<16xf32>
        %get3A_3825 = arith.constant 2 : i32
        %get3A_3826 = arith.constant 0 : i32
        %get3A_3827 = arith.index_cast %get3A_3825 : i32 to index
        %get3A_3828 = arith.index_cast %get3A_3826 : i32 to index
        %get3A_3829 = arith.constant 0 : index
        %get3A_3830 = tpu.vector_load %arg10[%get3A_3827, %get3A_3828, %get3A_3829] {strides = array<i32>} : memref<16x2x16xf32, #tpu.memory_space<vmem>>, vector<1x1x16xf32>,
        %get3A_3831 = vector.shape_cast %get3A_3830 : vector<1x1x16xf32> to vector<16xf32>
        %add3A_3832 = arith.addf %add3A_3816, %get3A_3831 : vector<16xf32>
        %get3A_3833 = arith.constant 2 : i32
        %get3A_3834 = arith.constant 1 : i32
        %get3A_3835 = arith.index_cast %get3A_3833 : i32 to index
        %get3A_3836 = arith.index_cast %get3A_3834 : i32 to index
        %get3A_3837 = arith.constant 0 : index
        %get3A_3838 = tpu.vector_load %arg10[%get3A_3835, %get3A_3836, %get3A_3837] {strides = array<i32>} : memref<16x2x16xf32, #tpu.memory_space<vmem>>, vector<1x1x16xf32>,
        %get3A_3839 = vector.shape_cast %get3A_3838 : vector<1x1x16xf32> to vector<16xf32>
        %add3A_3840 = arith.addf %add3A_3824, %get3A_3839 : vector<16xf32>
        %get3A_3841 = arith.constant 3 : i32
        %get3A_3842 = arith.constant 0 : i32
        %get3A_3843 = arith.index_cast %get3A_3841 : i32 to index
        %get3A_3844 = arith.index_cast %get3A_3842 : i32 to index
        %get3A_3845 = arith.constant 0 : index
        %get3A_3846 = tpu.vector_load %arg10[%get3A_3843, %get3A_3844, %get3A_3845] {strides = array<i32>} : memref<16x2x16xf32, #tpu.memory_space<vmem>>, vector<1x1x16xf32>,
        %get3A_3847 = vector.shape_cast %get3A_3846 : vector<1x1x16xf32> to vector<16xf32>
        %add3A_3848 = arith.addf %add3A_3832, %get3A_3847 : vector<16xf32>
        %get3A_3849 = arith.constant 3 : i32
        %get3A_3850 = arith.constant 1 : i32
        %get3A_3851 = arith.index_cast %get3A_3849 : i32 to index
        %get3A_3852 = arith.index_cast %get3A_3850 : i32 to index
        %get3A_3853 = arith.constant 0 : index
        %get3A_3854 = tpu.vector_load %arg10[%get3A_3851, %get3A_3852, %get3A_3853] {strides = array<i32>} : memref<16x2x16xf32, #tpu.memory_space<vmem>>, vector<1x1x16xf32>,
        %get3A_3855 = vector.shape_cast %get3A_3854 : vector<1x1x16xf32> to vector<16xf32>
        %add3A_3856 = arith.addf %add3A_3840, %get3A_3855 : vector<16xf32>
        %get3A_3857 = arith.constant 4 : i32
        %get3A_3858 = arith.constant 0 : i32
        %get3A_3859 = arith.index_cast %get3A_3857 : i32 to index
        %get3A_3860 = arith.index_cast %get3A_3858 : i32 to index
        %get3A_3861 = arith.constant 0 : index
        %get3A_3862 = tpu.vector_load %arg10[%get3A_3859, %get3A_3860, %get3A_3861] {strides = array<i32>} : memref<16x2x16xf32, #tpu.memory_space<vmem>>, vector<1x1x16xf32>,
        %get3A_3863 = vector.shape_cast %get3A_3862 : vector<1x1x16xf32> to vector<16xf32>
        %add3A_3864 = arith.addf %add3A_3848, %get3A_3863 : vector<16xf32>
        %get3A_3865 = arith.constant 4 : i32
        %get3A_3866 = arith.constant 1 : i32
        %get3A_3867 = arith.index_cast %get3A_3865 : i32 to index
        %get3A_3868 = arith.index_cast %get3A_3866 : i32 to index
        %get3A_3869 = arith.constant 0 : index
        %get3A_3870 = tpu.vector_load %arg10[%get3A_3867, %get3A_3868, %get3A_3869] {strides = array<i32>} : memref<16x2x16xf32, #tpu.memory_space<vmem>>, vector<1x1x16xf32>,
        %get3A_3871 = vector.shape_cast %get3A_3870 : vector<1x1x16xf32> to vector<16xf32>
        %add3A_3872 = arith.addf %add3A_3856, %get3A_3871 : vector<16xf32>
        %get3A_3873 = arith.constant 5 : i32
        %get3A_3874 = arith.constant 0 : i32
        %get3A_3875 = arith.index_cast %get3A_3873 : i32 to index
        %get3A_3876 = arith.index_cast %get3A_3874 : i32 to index
        %get3A_3877 = arith.constant 0 : index
        %get3A_3878 = tpu.vector_load %arg10[%get3A_3875, %get3A_3876, %get3A_3877] {strides = array<i32>} : memref<16x2x16xf32, #tpu.memory_space<vmem>>, vector<1x1x16xf32>,
        %get3A_3879 = vector.shape_cast %get3A_3878 : vector<1x1x16xf32> to vector<16xf32>
        %add3A_3880 = arith.addf %add3A_3864, %get3A_3879 : vector<16xf32>
        %get3A_3881 = arith.constant 5 : i32
        %get3A_3882 = arith.constant 1 : i32
        %get3A_3883 = arith.index_cast %get3A_3881 : i32 to index
        %get3A_3884 = arith.index_cast %get3A_3882 : i32 to index
        %get3A_3885 = arith.constant 0 : index
        %get3A_3886 = tpu.vector_load %arg10[%get3A_3883, %get3A_3884, %get3A_3885] {strides = array<i32>} : memref<16x2x16xf32, #tpu.memory_space<vmem>>, vector<1x1x16xf32>,
        %get3A_3887 = vector.shape_cast %get3A_3886 : vector<1x1x16xf32> to vector<16xf32>
        %add3A_3888 = arith.addf %add3A_3872, %get3A_3887 : vector<16xf32>
        %get3A_3889 = arith.constant 6 : i32
        %get3A_3890 = arith.constant 0 : i32
        %get3A_3891 = arith.index_cast %get3A_3889 : i32 to index
        %get3A_3892 = arith.index_cast %get3A_3890 : i32 to index
        %get3A_3893 = arith.constant 0 : index
        %get3A_3894 = tpu.vector_load %arg10[%get3A_3891, %get3A_3892, %get3A_3893] {strides = array<i32>} : memref<16x2x16xf32, #tpu.memory_space<vmem>>, vector<1x1x16xf32>,
        %get3A_3895 = vector.shape_cast %get3A_3894 : vector<1x1x16xf32> to vector<16xf32>
        %add3A_3896 = arith.addf %add3A_3880, %get3A_3895 : vector<16xf32>
        %get3A_3897 = arith.constant 6 : i32
        %get3A_3898 = arith.constant 1 : i32
        %get3A_3899 = arith.index_cast %get3A_3897 : i32 to index
        %get3A_3900 = arith.index_cast %get3A_3898 : i32 to index
        %get3A_3901 = arith.constant 0 : index
        %get3A_3902 = tpu.vector_load %arg10[%get3A_3899, %get3A_3900, %get3A_3901] {strides = array<i32>} : memref<16x2x16xf32, #tpu.memory_space<vmem>>, vector<1x1x16xf32>,
        %get3A_3903 = vector.shape_cast %get3A_3902 : vector<1x1x16xf32> to vector<16xf32>
        %add3A_3904 = arith.addf %add3A_3888, %get3A_3903 : vector<16xf32>
        %get3A_3905 = arith.constant 7 : i32
        %get3A_3906 = arith.constant 0 : i32
        %get3A_3907 = arith.index_cast %get3A_3905 : i32 to index
        %get3A_3908 = arith.index_cast %get3A_3906 : i32 to index
        %get3A_3909 = arith.constant 0 : index
        %get3A_3910 = tpu.vector_load %arg10[%get3A_3907, %get3A_3908, %get3A_3909] {strides = array<i32>} : memref<16x2x16xf32, #tpu.memory_space<vmem>>, vector<1x1x16xf32>,
        %get3A_3911 = vector.shape_cast %get3A_3910 : vector<1x1x16xf32> to vector<16xf32>
        %add3A_3912 = arith.addf %add3A_3896, %get3A_3911 : vector<16xf32>
        %get3A_3913 = arith.constant 7 : i32
        %get3A_3914 = arith.constant 1 : i32
        %get3A_3915 = arith.index_cast %get3A_3913 : i32 to index
        %get3A_3916 = arith.index_cast %get3A_3914 : i32 to index
        %get3A_3917 = arith.constant 0 : index
        %get3A_3918 = tpu.vector_load %arg10[%get3A_3915, %get3A_3916, %get3A_3917] {strides = array<i32>} : memref<16x2x16xf32, #tpu.memory_space<vmem>>, vector<1x1x16xf32>,
        %get3A_3919 = vector.shape_cast %get3A_3918 : vector<1x1x16xf32> to vector<16xf32>
        %add3A_3920 = arith.addf %add3A_3904, %get3A_3919 : vector<16xf32>
        %get3A_3921 = arith.constant 8 : i32
        %get3A_3922 = arith.constant 0 : i32
        %get3A_3923 = arith.index_cast %get3A_3921 : i32 to index
        %get3A_3924 = arith.index_cast %get3A_3922 : i32 to index
        %get3A_3925 = arith.constant 0 : index
        %get3A_3926 = tpu.vector_load %arg10[%get3A_3923, %get3A_3924, %get3A_3925] {strides = array<i32>} : memref<16x2x16xf32, #tpu.memory_space<vmem>>, vector<1x1x16xf32>,
        %get3A_3927 = vector.shape_cast %get3A_3926 : vector<1x1x16xf32> to vector<16xf32>
        %add3A_3928 = arith.addf %add3A_3912, %get3A_3927 : vector<16xf32>
        %get3A_3929 = arith.constant 8 : i32
        %get3A_3930 = arith.constant 1 : i32
        %get3A_3931 = arith.index_cast %get3A_3929 : i32 to index
        %get3A_3932 = arith.index_cast %get3A_3930 : i32 to index
        %get3A_3933 = arith.constant 0 : index
        %get3A_3934 = tpu.vector_load %arg10[%get3A_3931, %get3A_3932, %get3A_3933] {strides = array<i32>} : memref<16x2x16xf32, #tpu.memory_space<vmem>>, vector<1x1x16xf32>,
        %get3A_3935 = vector.shape_cast %get3A_3934 : vector<1x1x16xf32> to vector<16xf32>
        %add3A_3936 = arith.addf %add3A_3920, %get3A_3935 : vector<16xf32>
        %get3A_3937 = arith.constant 9 : i32
        %get3A_3938 = arith.constant 0 : i32
        %get3A_3939 = arith.index_cast %get3A_3937 : i32 to index
        %get3A_3940 = arith.index_cast %get3A_3938 : i32 to index
        %get3A_3941 = arith.constant 0 : index
        %get3A_3942 = tpu.vector_load %arg10[%get3A_3939, %get3A_3940, %get3A_3941] {strides = array<i32>} : memref<16x2x16xf32, #tpu.memory_space<vmem>>, vector<1x1x16xf32>,
        %get3A_3943 = vector.shape_cast %get3A_3942 : vector<1x1x16xf32> to vector<16xf32>
        %add3A_3944 = arith.addf %add3A_3928, %get3A_3943 : vector<16xf32>
        %get3A_3945 = arith.constant 9 : i32
        %get3A_3946 = arith.constant 1 : i32
        %get3A_3947 = arith.index_cast %get3A_3945 : i32 to index
        %get3A_3948 = arith.index_cast %get3A_3946 : i32 to index
        %get3A_3949 = arith.constant 0 : index
        %get3A_3950 = tpu.vector_load %arg10[%get3A_3947, %get3A_3948, %get3A_3949] {strides = array<i32>} : memref<16x2x16xf32, #tpu.memory_space<vmem>>, vector<1x1x16xf32>,
        %get3A_3951 = vector.shape_cast %get3A_3950 : vector<1x1x16xf32> to vector<16xf32>
        %add3A_3952 = arith.addf %add3A_3936, %get3A_3951 : vector<16xf32>
        %get3A_3953 = arith.constant 10 : i32
        %get3A_3954 = arith.constant 0 : i32
        %get3A_3955 = arith.index_cast %get3A_3953 : i32 to index
        %get3A_3956 = arith.index_cast %get3A_3954 : i32 to index
        %get3A_3957 = arith.constant 0 : index
        %get3A_3958 = tpu.vector_load %arg10[%get3A_3955, %get3A_3956, %get3A_3957] {strides = array<i32>} : memref<16x2x16xf32, #tpu.memory_space<vmem>>, vector<1x1x16xf32>,
        %get3A_3959 = vector.shape_cast %get3A_3958 : vector<1x1x16xf32> to vector<16xf32>
        %add3A_3960 = arith.addf %add3A_3944, %get3A_3959 : vector<16xf32>
        %get3A_3961 = arith.constant 10 : i32
        %get3A_3962 = arith.constant 1 : i32
        %get3A_3963 = arith.index_cast %get3A_3961 : i32 to index
        %get3A_3964 = arith.index_cast %get3A_3962 : i32 to index
        %get3A_3965 = arith.constant 0 : index
        %get3A_3966 = tpu.vector_load %arg10[%get3A_3963, %get3A_3964, %get3A_3965] {strides = array<i32>} : memref<16x2x16xf32, #tpu.memory_space<vmem>>, vector<1x1x16xf32>,
        %get3A_3967 = vector.shape_cast %get3A_3966 : vector<1x1x16xf32> to vector<16xf32>
        %add3A_3968 = arith.addf %add3A_3952, %get3A_3967 : vector<16xf32>
        %get3A_3969 = arith.constant 11 : i32
        %get3A_3970 = arith.constant 0 : i32
        %get3A_3971 = arith.index_cast %get3A_3969 : i32 to index
        %get3A_3972 = arith.index_cast %get3A_3970 : i32 to index
        %get3A_3973 = arith.constant 0 : index
        %get3A_3974 = tpu.vector_load %arg10[%get3A_3971, %get3A_3972, %get3A_3973] {strides = array<i32>} : memref<16x2x16xf32, #tpu.memory_space<vmem>>, vector<1x1x16xf32>,
        %get3A_3975 = vector.shape_cast %get3A_3974 : vector<1x1x16xf32> to vector<16xf32>
        %add3A_3976 = arith.addf %add3A_3960, %get3A_3975 : vector<16xf32>
        %get3A_3977 = arith.constant 11 : i32
        %get3A_3978 = arith.constant 1 : i32
        %get3A_3979 = arith.index_cast %get3A_3977 : i32 to index
        %get3A_3980 = arith.index_cast %get3A_3978 : i32 to index
        %get3A_3981 = arith.constant 0 : index
        %get3A_3982 = tpu.vector_load %arg10[%get3A_3979, %get3A_3980, %get3A_3981] {strides = array<i32>} : memref<16x2x16xf32, #tpu.memory_space<vmem>>, vector<1x1x16xf32>,
        %get3A_3983 = vector.shape_cast %get3A_3982 : vector<1x1x16xf32> to vector<16xf32>
        %add3A_3984 = arith.addf %add3A_3968, %get3A_3983 : vector<16xf32>
        %get3A_3985 = arith.constant 12 : i32
        %get3A_3986 = arith.constant 0 : i32
        %get3A_3987 = arith.index_cast %get3A_3985 : i32 to index
        %get3A_3988 = arith.index_cast %get3A_3986 : i32 to index
        %get3A_3989 = arith.constant 0 : index
        %get3A_3990 = tpu.vector_load %arg10[%get3A_3987, %get3A_3988, %get3A_3989] {strides = array<i32>} : memref<16x2x16xf32, #tpu.memory_space<vmem>>, vector<1x1x16xf32>,
        %get3A_3991 = vector.shape_cast %get3A_3990 : vector<1x1x16xf32> to vector<16xf32>
        %add3A_3992 = arith.addf %add3A_3976, %get3A_3991 : vector<16xf32>
        %get3A_3993 = arith.constant 12 : i32
        %get3A_3994 = arith.constant 1 : i32
        %get3A_3995 = arith.index_cast %get3A_3993 : i32 to index
        %get3A_3996 = arith.index_cast %get3A_3994 : i32 to index
        %get3A_3997 = arith.constant 0 : index
        %get3A_3998 = tpu.vector_load %arg10[%get3A_3995, %get3A_3996, %get3A_3997] {strides = array<i32>} : memref<16x2x16xf32, #tpu.memory_space<vmem>>, vector<1x1x16xf32>,
        %get3A_3999 = vector.shape_cast %get3A_3998 : vector<1x1x16xf32> to vector<16xf32>
        %add3A_4000 = arith.addf %add3A_3984, %get3A_3999 : vector<16xf32>
        %get3A_4001 = arith.constant 13 : i32
        %get3A_4002 = arith.constant 0 : i32
        %get3A_4003 = arith.index_cast %get3A_4001 : i32 to index
        %get3A_4004 = arith.index_cast %get3A_4002 : i32 to index
        %get3A_4005 = arith.constant 0 : index
        %get3A_4006 = tpu.vector_load %arg10[%get3A_4003, %get3A_4004, %get3A_4005] {strides = array<i32>} : memref<16x2x16xf32, #tpu.memory_space<vmem>>, vector<1x1x16xf32>,
        %get3A_4007 = vector.shape_cast %get3A_4006 : vector<1x1x16xf32> to vector<16xf32>
        %add3A_4008 = arith.addf %add3A_3992, %get3A_4007 : vector<16xf32>
        %get3A_4009 = arith.constant 13 : i32
        %get3A_4010 = arith.constant 1 : i32
        %get3A_4011 = arith.index_cast %get3A_4009 : i32 to index
        %get3A_4012 = arith.index_cast %get3A_4010 : i32 to index
        %get3A_4013 = arith.constant 0 : index
        %get3A_4014 = tpu.vector_load %arg10[%get3A_4011, %get3A_4012, %get3A_4013] {strides = array<i32>} : memref<16x2x16xf32, #tpu.memory_space<vmem>>, vector<1x1x16xf32>,
        %get3A_4015 = vector.shape_cast %get3A_4014 : vector<1x1x16xf32> to vector<16xf32>
        %add3A_4016 = arith.addf %add3A_4000, %get3A_4015 : vector<16xf32>
        %get3A_4017 = arith.constant 14 : i32
        %get3A_4018 = arith.constant 0 : i32
        %get3A_4019 = arith.index_cast %get3A_4017 : i32 to index
        %get3A_4020 = arith.index_cast %get3A_4018 : i32 to index
        %get3A_4021 = arith.constant 0 : index
        %get3A_4022 = tpu.vector_load %arg10[%get3A_4019, %get3A_4020, %get3A_4021] {strides = array<i32>} : memref<16x2x16xf32, #tpu.memory_space<vmem>>, vector<1x1x16xf32>,
        %get3A_4023 = vector.shape_cast %get3A_4022 : vector<1x1x16xf32> to vector<16xf32>
        %add3A_4024 = arith.addf %add3A_4008, %get3A_4023 : vector<16xf32>
        %get3A_4025 = arith.constant 14 : i32
        %get3A_4026 = arith.constant 1 : i32
        %get3A_4027 = arith.index_cast %get3A_4025 : i32 to index
        %get3A_4028 = arith.index_cast %get3A_4026 : i32 to index
        %get3A_4029 = arith.constant 0 : index
        %get3A_4030 = tpu.vector_load %arg10[%get3A_4027, %get3A_4028, %get3A_4029] {strides = array<i32>} : memref<16x2x16xf32, #tpu.memory_space<vmem>>, vector<1x1x16xf32>,
        %get3A_4031 = vector.shape_cast %get3A_4030 : vector<1x1x16xf32> to vector<16xf32>
        %add3A_4032 = arith.addf %add3A_4016, %get3A_4031 : vector<16xf32>
        %get3A_4033 = arith.constant 15 : i32
        %get3A_4034 = arith.constant 0 : i32
        %get3A_4035 = arith.index_cast %get3A_4033 : i32 to index
        %get3A_4036 = arith.index_cast %get3A_4034 : i32 to index
        %get3A_4037 = arith.constant 0 : index
        %get3A_4038 = tpu.vector_load %arg10[%get3A_4035, %get3A_4036, %get3A_4037] {strides = array<i32>} : memref<16x2x16xf32, #tpu.memory_space<vmem>>, vector<1x1x16xf32>,
        %get3A_4039 = vector.shape_cast %get3A_4038 : vector<1x1x16xf32> to vector<16xf32>
        %add3A_4040 = arith.addf %add3A_4024, %get3A_4039 : vector<16xf32>
        %get3A_4041 = arith.constant 15 : i32
        %get3A_4042 = arith.constant 1 : i32
        %get3A_4043 = arith.index_cast %get3A_4041 : i32 to index
        %get3A_4044 = arith.index_cast %get3A_4042 : i32 to index
        %get3A_4045 = arith.constant 0 : index
        %get3A_4046 = tpu.vector_load %arg10[%get3A_4043, %get3A_4044, %get3A_4045] {strides = array<i32>} : memref<16x2x16xf32, #tpu.memory_space<vmem>>, vector<1x1x16xf32>,
        %get3A_4047 = vector.shape_cast %get3A_4046 : vector<1x1x16xf32> to vector<16xf32>
        %add3A_4048 = arith.addf %add3A_4032, %get3A_4047 : vector<16xf32>
        %xor3A_4049 = arith.constant 8 : i32
        %xor3A_4050 = vector.broadcast %xor3A_4049 : i32 to vector<16xi32>
        %xor3A_4051 = arith.xori %iota3A, %xor3A_4050 : vector<16xi32>
        %lt3A_4052 = arith.constant 0 : i32
        %lt3A_4053 = vector.broadcast %lt3A_4052 : i32 to vector<16xi32>
        %lt3A_4054 = arith.cmpi slt, %xor3A_4051, %lt3A_4053 : vector<16xi32>
        %add3A_4055 = arith.constant 16 : i32
        %add3A_4056 = vector.broadcast %add3A_4055 : i32 to vector<16xi32>
        %add3A_4057 = arith.addi %xor3A_4051, %add3A_4056 : vector<16xi32>
        %select_n3A_4058 = arith.select %lt3A_4054, %add3A_4057, %xor3A_4051 : vector<16xi1>, vector<16xi32>
        %broadcast_in_dim3A_4059 = vector.shape_cast %select_n3A_4058 : vector<16xi32> to vector<16x1xi32>
        %gather3A_4060 = vector.shape_cast %broadcast_in_dim3A_4059 : vector<16x1xi32> to vector<16xi32>
        %gather3A_4061 = tpu.dynamic_gather %add3A_4040[%gather3A_4060] in [0] : vector<16xf32>, vector<16xi32> -> vector<16xf32>
        %add3A_4062 = arith.addf %add3A_4040, %gather3A_4061 : vector<16xf32>
        %xor3A_4063 = arith.constant 4 : i32
        %xor3A_4064 = vector.broadcast %xor3A_4063 : i32 to vector<16xi32>
        %xor3A_4065 = arith.xori %iota3A, %xor3A_4064 : vector<16xi32>
        %lt3A_4066 = arith.constant 0 : i32
        %lt3A_4067 = vector.broadcast %lt3A_4066 : i32 to vector<16xi32>
        %lt3A_4068 = arith.cmpi slt, %xor3A_4065, %lt3A_4067 : vector<16xi32>
        %add3A_4069 = arith.constant 16 : i32
        %add3A_4070 = vector.broadcast %add3A_4069 : i32 to vector<16xi32>
        %add3A_4071 = arith.addi %xor3A_4065, %add3A_4070 : vector<16xi32>
        %select_n3A_4072 = arith.select %lt3A_4068, %add3A_4071, %xor3A_4065 : vector<16xi1>, vector<16xi32>
        %broadcast_in_dim3A_4073 = vector.shape_cast %select_n3A_4072 : vector<16xi32> to vector<16x1xi32>
        %gather3A_4074 = vector.shape_cast %broadcast_in_dim3A_4073 : vector<16x1xi32> to vector<16xi32>
        %gather3A_4075 = tpu.dynamic_gather %add3A_4062[%gather3A_4074] in [0] : vector<16xf32>, vector<16xi32> -> vector<16xf32>
        %add3A_4076 = arith.addf %add3A_4062, %gather3A_4075 : vector<16xf32>
        %xor3A_4077 = arith.constant 2 : i32
        %xor3A_4078 = vector.broadcast %xor3A_4077 : i32 to vector<16xi32>
        %xor3A_4079 = arith.xori %iota3A, %xor3A_4078 : vector<16xi32>
        %lt3A_4080 = arith.constant 0 : i32
        %lt3A_4081 = vector.broadcast %lt3A_4080 : i32 to vector<16xi32>
        %lt3A_4082 = arith.cmpi slt, %xor3A_4079, %lt3A_4081 : vector<16xi32>
        %add3A_4083 = arith.constant 16 : i32
        %add3A_4084 = vector.broadcast %add3A_4083 : i32 to vector<16xi32>
        %add3A_4085 = arith.addi %xor3A_4079, %add3A_4084 : vector<16xi32>
        %select_n3A_4086 = arith.select %lt3A_4082, %add3A_4085, %xor3A_4079 : vector<16xi1>, vector<16xi32>
        %broadcast_in_dim3A_4087 = vector.shape_cast %select_n3A_4086 : vector<16xi32> to vector<16x1xi32>
        %gather3A_4088 = vector.shape_cast %broadcast_in_dim3A_4087 : vector<16x1xi32> to vector<16xi32>
        %gather3A_4089 = tpu.dynamic_gather %add3A_4076[%gather3A_4088] in [0] : vector<16xf32>, vector<16xi32> -> vector<16xf32>
        %add3A_4090 = arith.addf %add3A_4076, %gather3A_4089 : vector<16xf32>
        %xor3A_4091 = arith.constant 1 : i32
        %xor3A_4092 = vector.broadcast %xor3A_4091 : i32 to vector<16xi32>
        %xor3A_4093 = arith.xori %iota3A, %xor3A_4092 : vector<16xi32>
        %lt3A_4094 = arith.constant 0 : i32
        %lt3A_4095 = vector.broadcast %lt3A_4094 : i32 to vector<16xi32>
        %lt3A_4096 = arith.cmpi slt, %xor3A_4093, %lt3A_4095 : vector<16xi32>
        %add3A_4097 = arith.constant 16 : i32
        %add3A_4098 = vector.broadcast %add3A_4097 : i32 to vector<16xi32>
        %add3A_4099 = arith.addi %xor3A_4093, %add3A_4098 : vector<16xi32>
        %select_n3A_4100 = arith.select %lt3A_4096, %add3A_4099, %xor3A_4093 : vector<16xi1>, vector<16xi32>
        %broadcast_in_dim3A_4101 = vector.shape_cast %select_n3A_4100 : vector<16xi32> to vector<16x1xi32>
        %gather3A_4102 = vector.shape_cast %broadcast_in_dim3A_4101 : vector<16x1xi32> to vector<16xi32>
        %gather3A_4103 = tpu.dynamic_gather %add3A_4090[%gather3A_4102] in [0] : vector<16xf32>, vector<16xi32> -> vector<16xf32>
        %add3A_4104 = arith.addf %add3A_4090, %gather3A_4103 : vector<16xf32>
        %xor3A_4105 = arith.constant 8 : i32
        %xor3A_4106 = vector.broadcast %xor3A_4105 : i32 to vector<16xi32>
        %xor3A_4107 = arith.xori %iota3A, %xor3A_4106 : vector<16xi32>
        %lt3A_4108 = arith.constant 0 : i32
        %lt3A_4109 = vector.broadcast %lt3A_4108 : i32 to vector<16xi32>
        %lt3A_4110 = arith.cmpi slt, %xor3A_4107, %lt3A_4109 : vector<16xi32>
        %add3A_4111 = arith.constant 16 : i32
        %add3A_4112 = vector.broadcast %add3A_4111 : i32 to vector<16xi32>
        %add3A_4113 = arith.addi %xor3A_4107, %add3A_4112 : vector<16xi32>
        %select_n3A_4114 = arith.select %lt3A_4110, %add3A_4113, %xor3A_4107 : vector<16xi1>, vector<16xi32>
        %broadcast_in_dim3A_4115 = vector.shape_cast %select_n3A_4114 : vector<16xi32> to vector<16x1xi32>
        %gather3A_4116 = vector.shape_cast %broadcast_in_dim3A_4115 : vector<16x1xi32> to vector<16xi32>
        %gather3A_4117 = tpu.dynamic_gather %add3A_4048[%gather3A_4116] in [0] : vector<16xf32>, vector<16xi32> -> vector<16xf32>
        %add3A_4118 = arith.addf %add3A_4048, %gather3A_4117 : vector<16xf32>
        %xor3A_4119 = arith.constant 4 : i32
        %xor3A_4120 = vector.broadcast %xor3A_4119 : i32 to vector<16xi32>
        %xor3A_4121 = arith.xori %iota3A, %xor3A_4120 : vector<16xi32>
        %lt3A_4122 = arith.constant 0 : i32
        %lt3A_4123 = vector.broadcast %lt3A_4122 : i32 to vector<16xi32>
        %lt3A_4124 = arith.cmpi slt, %xor3A_4121, %lt3A_4123 : vector<16xi32>
        %add3A_4125 = arith.constant 16 : i32
        %add3A_4126 = vector.broadcast %add3A_4125 : i32 to vector<16xi32>
        %add3A_4127 = arith.addi %xor3A_4121, %add3A_4126 : vector<16xi32>
        %select_n3A_4128 = arith.select %lt3A_4124, %add3A_4127, %xor3A_4121 : vector<16xi1>, vector<16xi32>
        %broadcast_in_dim3A_4129 = vector.shape_cast %select_n3A_4128 : vector<16xi32> to vector<16x1xi32>
        %gather3A_4130 = vector.shape_cast %broadcast_in_dim3A_4129 : vector<16x1xi32> to vector<16xi32>
        %gather3A_4131 = tpu.dynamic_gather %add3A_4118[%gather3A_4130] in [0] : vector<16xf32>, vector<16xi32> -> vector<16xf32>
        %add3A_4132 = arith.addf %add3A_4118, %gather3A_4131 : vector<16xf32>
        %xor3A_4133 = arith.constant 2 : i32
        %xor3A_4134 = vector.broadcast %xor3A_4133 : i32 to vector<16xi32>
        %xor3A_4135 = arith.xori %iota3A, %xor3A_4134 : vector<16xi32>
        %lt3A_4136 = arith.constant 0 : i32
        %lt3A_4137 = vector.broadcast %lt3A_4136 : i32 to vector<16xi32>
        %lt3A_4138 = arith.cmpi slt, %xor3A_4135, %lt3A_4137 : vector<16xi32>
        %add3A_4139 = arith.constant 16 : i32
        %add3A_4140 = vector.broadcast %add3A_4139 : i32 to vector<16xi32>
        %add3A_4141 = arith.addi %xor3A_4135, %add3A_4140 : vector<16xi32>
        %select_n3A_4142 = arith.select %lt3A_4138, %add3A_4141, %xor3A_4135 : vector<16xi1>, vector<16xi32>
        %broadcast_in_dim3A_4143 = vector.shape_cast %select_n3A_4142 : vector<16xi32> to vector<16x1xi32>
        %gather3A_4144 = vector.shape_cast %broadcast_in_dim3A_4143 : vector<16x1xi32> to vector<16xi32>
        %gather3A_4145 = tpu.dynamic_gather %add3A_4132[%gather3A_4144] in [0] : vector<16xf32>, vector<16xi32> -> vector<16xf32>
        %add3A_4146 = arith.addf %add3A_4132, %gather3A_4145 : vector<16xf32>
        %xor3A_4147 = arith.constant 1 : i32
        %xor3A_4148 = vector.broadcast %xor3A_4147 : i32 to vector<16xi32>
        %xor3A_4149 = arith.xori %iota3A, %xor3A_4148 : vector<16xi32>
        %lt3A_4150 = arith.constant 0 : i32
        %lt3A_4151 = vector.broadcast %lt3A_4150 : i32 to vector<16xi32>
        %lt3A_4152 = arith.cmpi slt, %xor3A_4149, %lt3A_4151 : vector<16xi32>
        %add3A_4153 = arith.constant 16 : i32
        %add3A_4154 = vector.broadcast %add3A_4153 : i32 to vector<16xi32>
        %add3A_4155 = arith.addi %xor3A_4149, %add3A_4154 : vector<16xi32>
        %select_n3A_4156 = arith.select %lt3A_4152, %add3A_4155, %xor3A_4149 : vector<16xi1>, vector<16xi32>
        %broadcast_in_dim3A_4157 = vector.shape_cast %select_n3A_4156 : vector<16xi32> to vector<16x1xi32>
        %gather3A_4158 = vector.shape_cast %broadcast_in_dim3A_4157 : vector<16x1xi32> to vector<16xi32>
        %gather3A_4159 = tpu.dynamic_gather %add3A_4146[%gather3A_4158] in [0] : vector<16xf32>, vector<16xi32> -> vector<16xf32>
        %add3A_4160 = arith.addf %add3A_4146, %gather3A_4159 : vector<16xf32>
        %abs3A_4161 = math.absf %add3A_4104 : vector<16xf32>
        %neg3A_4162 = arith.constant 0.000000e+00 : f32
        %neg3A_4163 = vector.broadcast %neg3A_4162 : f32 to vector<16xf32>
        %neg3A_4164 = arith.subf %neg3A_4163, %abs3A_4161 : vector<16xf32>
        %exp3A_4165 = math.exp %neg3A_4164 : vector<16xf32>
        %ge3A_4166 = arith.constant 0.000000e+00 : f32
        %ge3A_4167 = vector.broadcast %ge3A_4166 : f32 to vector<16xf32>
        %ge3A_4168 = arith.cmpf oge, %add3A_4104, %ge3A_4167 : vector<16xf32>
        %broadcast_in_dim3A_4169 = arith.constant 1.000000e+00 : f32
        %broadcast_in_dim3A_4170 = vector.broadcast %broadcast_in_dim3A_4169 : f32 to vector<16xf32>
        %select_n3A_4171 = arith.select %ge3A_4168, %broadcast_in_dim3A_4170, %exp3A_4165 : vector<16xi1>, vector<16xf32>
        %add3A_4172 = arith.constant 1.000000e+00 : f32
        %add3A_4173 = vector.broadcast %add3A_4172 : f32 to vector<16xf32>
        %add3A_4174 = arith.addf %add3A_4173, %exp3A_4165 : vector<16xf32>
        %div3A_4175 = arith.divf %select_n3A_4171, %add3A_4174 : vector<16xf32>
        %jit3A = arith.constant 1.000000e-07 : f32
        %jit3A_4176 = arith.constant 0.99999988 : f32
        %max3A = vector.broadcast %jit3A : f32 to vector<16xf32>
        %max3A_4177 = arith.maximumf %max3A, %div3A_4175 : vector<16xf32>
        %min3A = vector.broadcast %jit3A_4176 : f32 to vector<16xf32>
        %min3A_4178 = arith.minimumf %min3A, %max3A_4177 : vector<16xf32>
        %bitcast_convert_type3A = tpu.bitcast %min3A_4178 : vector<16xf32> -> vector<16xi32>
        %convert_element_type3A_4179 = arith.sitofp %bitcast_convert_type3A : vector<16xi32> to vector<16xf32>
        %sub3A = arith.constant 1.06486682E+9 : f32
        %sub3A_4180 = vector.broadcast %sub3A : f32 to vector<16xf32>
        %sub3A_4181 = arith.subf %convert_element_type3A_4179, %sub3A_4180 : vector<16xf32>
        %mul3A_4182 = arith.constant 8.26295832E-8 : f32
        %mul3A_4183 = vector.broadcast %mul3A_4182 : f32 to vector<16xf32>
        %mul3A_4184 = arith.mulf %sub3A_4181, %mul3A_4183 : vector<16xf32>
        %neg3A_4185 = arith.constant 0.000000e+00 : f32
        %neg3A_4186 = vector.broadcast %neg3A_4185 : f32 to vector<16xf32>
        %neg3A_4187 = arith.subf %neg3A_4186, %mul3A_4184 : vector<16xf32>
        %exp3A_4188 = math.exp %neg3A_4187 : vector<16xf32>
        %mul3A_4189 = arith.mulf %min3A_4178, %exp3A_4188 : vector<16xf32>
        %add3A_4190 = arith.addf %mul3A_4184, %mul3A_4189 : vector<16xf32>
        %sub3A_4191 = arith.constant 1.000000e+00 : f32
        %sub3A_4192 = vector.broadcast %sub3A_4191 : f32 to vector<16xf32>
        %sub3A_4193 = arith.subf %add3A_4190, %sub3A_4192 : vector<16xf32>
        %neg3A_4194 = arith.constant 0.000000e+00 : f32
        %neg3A_4195 = vector.broadcast %neg3A_4194 : f32 to vector<16xf32>
        %neg3A_4196 = arith.subf %neg3A_4195, %sub3A_4193 : vector<16xf32>
        %exp3A_4197 = math.exp %neg3A_4196 : vector<16xf32>
        %mul3A_4198 = arith.mulf %min3A_4178, %exp3A_4197 : vector<16xf32>
        %add3A_4199 = arith.addf %sub3A_4193, %mul3A_4198 : vector<16xf32>
        %sub3A_4200 = arith.constant 1.000000e+00 : f32
        %sub3A_4201 = vector.broadcast %sub3A_4200 : f32 to vector<16xf32>
        %sub3A_4202 = arith.subf %add3A_4199, %sub3A_4201 : vector<16xf32>
        %neg3A_4203 = arith.constant 0.000000e+00 : f32
        %neg3A_4204 = vector.broadcast %neg3A_4203 : f32 to vector<16xf32>
        %neg3A_4205 = arith.subf %neg3A_4204, %sub3A_4202 : vector<16xf32>
        %exp3A_4206 = math.exp %neg3A_4205 : vector<16xf32>
        %mul3A_4207 = arith.mulf %min3A_4178, %exp3A_4206 : vector<16xf32>
        %add3A_4208 = arith.addf %sub3A_4202, %mul3A_4207 : vector<16xf32>
        %sub3A_4209 = arith.constant 1.000000e+00 : f32
        %sub3A_4210 = vector.broadcast %sub3A_4209 : f32 to vector<16xf32>
        %sub3A_4211 = arith.subf %add3A_4208, %sub3A_4210 : vector<16xf32>
        %jit3A_4212 = arith.constant 1.000000e-07 : f32
        %jit3A_4213 = arith.constant 0.99999988 : f32
        %max3A_4214 = vector.broadcast %jit3A_4212 : f32 to vector<16xf32>
        %max3A_4215 = arith.maximumf %max3A_4214, %add3A_4160 : vector<16xf32>
        %min3A_4216 = vector.broadcast %jit3A_4213 : f32 to vector<16xf32>
        %min3A_4217 = arith.minimumf %min3A_4216, %max3A_4215 : vector<16xf32>
        %neg3A_4218 = arith.constant 0.000000e+00 : f32
        %neg3A_4219 = vector.broadcast %neg3A_4218 : f32 to vector<16xf32>
        %neg3A_4220 = arith.subf %neg3A_4219, %sub3A_4211 : vector<16xf32>
        %sub3A_4221 = arith.subf %neg3A_4220, %min3A_4217 : vector<16xf32>
        %swap3A_4222 = arith.constant 0 : index
        %swap3A_4223 = tpu.vector_load %arg12[%swap3A_4222] {strides = array<i32>} : memref<16xf32, #tpu.memory_space<vmem>>, vector<16xf32>,
        %swap3A_4224 = vector.shape_cast %swap3A_4223 : vector<16xf32> to vector<16xf32>
        %swap3A_4225 = vector.shape_cast %sub3A_4221 : vector<16xf32> to vector<16xf32>
        tpu.vector_store %arg12[%swap3A_4222], %swap3A_4225 {strides = array<i32>} : memref<16xf32, #tpu.memory_space<vmem>>, vector<16xf32>,
        "tpu.region"() ({
          %run_scoped3A = tpu.sem_alloc : memref<!tpu.dma_semaphore, #tpu.memory_space<semaphore_mem>>
          tpu.enqueue_dma source(%arg12 : memref<16xf32, #tpu.memory_space<vmem>>) target(%arg5 : memref<16xf32, #tpu.memory_space<hbm>>) target_semaphore(%run_scoped3A : memref<!tpu.dma_semaphore, #tpu.memory_space<semaphore_mem>>)
          tpu.wait_dma2 semaphore(%run_scoped3A : memref<!tpu.dma_semaphore, #tpu.memory_space<semaphore_mem>>) src(%arg12 : memref<16xf32, #tpu.memory_space<vmem>>) dst(%arg5 : memref<16xf32, #tpu.memory_space<hbm>>)
          tpu.yield
        }) : () -> ()
      } else {
      }
    } else {
    }
    return
  }
}

</mosaic_0001>

<sc_bundles>
// kernel: kernel.3.cloned.1.call-start
scs
__scs_entry_jumppad:
0x0: {  	(pc) =	sbr.rel $0x88, $3  }
0x1: {  	(tag) =	ssettag $0x0;
	lr =	simm.s32 $0x1  }
0x2: {  	[smem:$0x3F9D] =	sst lr;
	_ =	strace $0xD0000000  }
0x3: {  	_ = 	snop  }
0x4: {  	_ = 	snop  }
0x5: {  	_ = 	snop  }
0x6: {  	_ = 	snop  }
0x7: {  	_ = 	snop  }
__scs_overlays_trampoline_lowered:
0x8: {  	[smem:$0x3FAC] =	sst s0  }
0x9: {  	[smem:$0x3FAD] =	sst s1  }
0xa: {  	[smem:$0x3FAE] =	sst s2  }
0xb: {  	[smem:$0x3FAF] =	sst s3  }
0xc: {  	[smem:$0x3FB0] =	sst s4  }
0xd: {  	[smem:$0x3FB1] =	sst s5  }
0xe: {  	[smem:$0x3FB2] =	sst s6  }
0xf: {  	[smem:$0x3FB3] =	sst s7  }
0x10: {  	[smem:$0x3FB4] =	sst s8  }
0x11: {  	[smem:$0x3FB5] =	sst s9;
	s0 =	simm.s32 @!p0 $0x0  }
0x12: {  	s1 =	sld [smem:$0x3F9B];
	s0 =	simm.s32 @p0 $0x1  }
0x13: {  	[smem:$0x3FB6] =	sst s0;
	s0 =	simm.s32 @!p1 $0x0  }
0x14: {  	s2 =	sld [smem:$0x3F9A];
	s0 =	simm.s32 @p1 $0x1  }
0x15: {  	[smem:$0x3FB7] =	sst s0;
	s0 =	simm.s32 @!p2 $0x0  }
0x16: {  	s3 =	sld [smem:$0x3FDB];
	s0 =	simm.s32 @p2 $0x1  }
0x17: {  	s4 =	simm.s32 $0x1BF5;
	[smem:$0x3FB9] =	sst s0  }
0x18: {  	s0 =	sld [smem:$0x3F9C];
	_ =	swait.ge [sflag:s4], $0x0  }
0x19: {  	s7 =	sld [smem:$0x3F9D]  }
0x1a: {  	s8 =	sadd.s32 $0xFFFFE003, lr  }
0x1b: {  	s9 =	sadd.s32 $0xFFFFFEF7, lr;
	s5 =	simm.s32 $0xFFFFFFFF;
	p2 =	slt.u32 s8, $0xFFFFF086  }
0x1c: {  	p1 =	slt.u32 s9, $0xF7A;
	s5 =	simm.s32 @!p2 $0x0  }
0x1d: {  	s5 =	simm.s32 @p1 $0x1;
	p0 =	seq.s32 s7, s2  }
0x1e: {  	s7 =	smul.u32 @!p0 $0xF7A, s2;
	p2 =	seq.s32 @!p0 s5, $0x0  }
0x1f: {  	s9 =	smul.u32 $0xF7A, s1;
	s8 =	simm.s32 @!p0 $0x1BF5;
	p2 =	por !p2, p0  }
0x20: {  	[sflag:s8] =	ssyncset.s32 @!p0 $0xFFFFF086;
	s6 =	sadd.s32 @!p0 s3, s7;
	s7 =	simm.s32 @!p0 $0x108  }
0x21: {  	s3 =	sadd.s32 s3, s9;
	s6 =	sadd.s32 @!p0 $0x88, s6;
	s7 =	simm.s32 @p2 $0x1082  }
0x22: {  	[simem:s7], [sflag:s8] =	dma.local @!p0 [hbm:s6], $0xF7A  }
0x23: {  	s9 =	sor.u32 $0xD0000000, s2;
	s6 =	simm.s32 $0x108;
	_ =	swait.ge @!p0 [sflag:s8], $0x0  }
0x24: {  	s3 =	sadd.s32 $0x88, s3;
	s6 =	simm.s32 @!p1 $0x1082;
	[sflag:s4] =	ssyncset.s32 $0xFFFFF086  }
0x25: {  	[simem:s6], [sflag:s4] =	dma.local [hbm:s3], $0xF7A  }
0x26: {  	[smem:$0x3F9D] =	sst s1;
	(tag) =	ssettag s2;
	_ =	strace s9  }
0x27: {  	s1 =	sld [smem:$0x3FAD]  }
0x28: {  	s2 =	sld [smem:$0x3FAE]  }
0x29: {  	s4 =	sld [smem:$0x3FB0]  }
0x2a: {  	p0 =	seq.s32 s5, $0x0;
	s5 =	sld [smem:$0x3FB1]  }
0x2b: {  	s6 =	sld [smem:$0x3FB2]  }
0x2c: {  	s7 =	sld [smem:$0x3FB3]  }
0x2d: {  	s3 =	simm.s32 $0x108;
	s8 =	sld [smem:$0x3FB4]  }
0x2e: {  	s3 =	simm.s32 @!p0 $0x1082;
	s9 =	sld [smem:$0x3FB5]  }
0x2f: {  	lr =	sadd.s32 s0, s3;
	s0 =	sld [smem:$0x3FAC]  }
0x30: {  	s3 =	sld [smem:$0x3FAF]  }
0x31: {  	[smem:$0x3FB8] =	sst s10  }
0x32: {  	s10 =	sld [smem:$0x3FB6];
	_ =	sdelay $0x3  }
0x33: {  	p0 =	seq.s32 s10, $0x1;
	s10 =	sld [smem:$0x3FB8];
	_ =	sdelay $0x3  }
0x34: {  	[smem:$0x3FB8] =	sst s10  }
0x35: {  	s10 =	sld [smem:$0x3FB7];
	_ =	sdelay $0x3  }
0x36: {  	p1 =	seq.s32 s10, $0x1;
	s10 =	sld [smem:$0x3FB8];
	_ =	sdelay $0x3  }
0x37: {  	[smem:$0x3FB8] =	sst s10  }
0x38: {  	s10 =	sld [smem:$0x3FB9]  }
0x39: {  	_ = 	snop;
	(pc) =	sbr.ind lr, $3  }
0x3a: {  	_ = 	snop  }
0x3b: {  	_ = 	snop  }
0x3c: {  	p2 =	seq.s32 s10, $0x1;
	s10 =	sld [smem:$0x3FB8]  }
0x3d: {  	_ =	shalt  }
0x3e: {  	_ =	shalt  }
0x3f: {  	_ =	shalt  }
0x40: {  	_ =	shalt  }
0x41: {  	_ =	shalt  }
0x42: {  	_ =	shalt  }
0x43: {  	_ =	shalt  }
0x44: {  	_ =	shalt  }
0x45: {  	_ =	shalt  }
0x46: {  	_ =	shalt  }
0x47: {  	_ =	shalt  }
0x48: {  	_ =	shalt  }
0x49: {  	_ =	shalt  }
0x4a: {  	_ =	shalt  }
0x4b: {  	_ =	shalt  }
0x4c: {  	_ =	shalt  }
0x4d: {  	_ =	shalt  }
0x4e: {  	_ =	shalt  }
0x4f: {  	_ =	shalt  }
0x50: {  	_ =	shalt  }
0x51: {  	_ =	shalt  }
0x52: {  	_ =	shalt  }
0x53: {  	_ =	shalt  }
0x54: {  	_ =	shalt  }
0x55: {  	_ =	shalt  }
0x56: {  	_ =	shalt  }
0x57: {  	_ =	shalt  }
0x58: {  	_ =	shalt  }
0x59: {  	_ =	shalt  }
0x5a: {  	_ =	shalt  }
0x5b: {  	_ =	shalt  }
0x5c: {  	_ =	shalt  }
0x5d: {  	_ =	shalt  }
0x5e: {  	_ =	shalt  }
0x5f: {  	_ =	shalt  }
0x60: {  	_ =	shalt  }
0x61: {  	_ =	shalt  }
0x62: {  	_ =	shalt  }
0x63: {  	_ =	shalt  }
0x64: {  	_ =	shalt  }
0x65: {  	_ =	shalt  }
0x66: {  	_ =	shalt  }
0x67: {  	_ =	shalt  }
0x68: {  	_ =	shalt  }
0x69: {  	_ =	shalt  }
0x6a: {  	_ =	shalt  }
0x6b: {  	_ =	shalt  }
0x6c: {  	_ =	shalt  }
0x6d: {  	_ =	shalt  }
0x6e: {  	_ =	shalt  }
0x6f: {  	_ =	shalt  }
0x70: {  	_ =	shalt  }
0x71: {  	_ =	shalt  }
0x72: {  	_ =	shalt  }
0x73: {  	_ =	shalt  }
0x74: {  	_ =	shalt  }
0x75: {  	_ =	shalt  }
0x76: {  	_ =	shalt  }
0x77: {  	_ =	shalt  }
0x78: {  	_ =	shalt  }
0x79: {  	_ =	shalt  }
0x7a: {  	_ =	shalt  }
0x7b: {  	_ =	shalt  }
0x7c: {  	_ =	shalt  }
0x7d: {  	_ =	shalt  }
0x7e: {  	_ =	shalt  }
0x7f: {  	_ =	shalt  }
0x80: {  	_ =	shalt  }
0x81: {  	_ =	shalt  }
0x82: {  	_ =	shalt  }
0x83: {  	_ =	shalt  }
0x84: {  	_ =	shalt  }
0x85: {  	_ =	shalt  }
0x86: {  	_ =	shalt  }
0x87: {  	_ =	shalt  }
.Lfunc_end0:
.L_simem_size_0:
called_computation_lowered:
.L_overlay_start_0:
0x88: {  	s2 =	sld [smem:$0x3FD9]  }
0x89: {  	s3 =	sld [smem:$0x3FFE];
	_ =	sdelay $0x1  }
0x8a: {  	s1 =	srdreg.scid  }
0x8b: {  	s0 =	sand.u32 $0x1, s1  }
0x8c: {  	s17 =	sshll.u32 s0, $0xA;
	s2 =	sadd.s32 s3, s2  }
0x8d: {  	s2 =	sadd.s32 s2, s17  }
0x8e: {  	[smem:$0x3FC4] =	sst s2  }
0x8f: {  	_ = 	snop  }
0x90: {  	s2 =	sld [smem:$0x3FC9]  }
0x91: {  	s18 =	sld [smem:$0x3FD0];
	(tm) =	ssettm $0x1  }
0x92: {  	s4 =	sld [smem:$0x3FFB];
	_ =	sdelay $0x3  }
0x93: {  	_ =	strace s4  }
0x94: {  	s4 =	sld [smem:$0x3FFC];
	_ =	sdelay $0x3  }
0x95: {  	_ =	strace s4  }
0x96: {  	s4 =	sld [smem:$0x3FFD];
	_ =	sdelay $0x3  }
0x97: {  	_ =	strace s4  }
0x98: {  	_ =	strace $0x8FFFFFFF  }
0x99: {  	s19 =	sld [smem:$0x3FDB];
	_ =	sdelay $0x1  }
0x9a: {  	s5 =	simm.s32 $_scs_section_size  }
0x9b: {  	s6 =	simm.s32 $_size__tile_overlayer_lowered;
	s7 =	simm.s32 $_tile_overlayer_lowered  }
0x9c: {  	s22 =	simm.s32 $0x1BFF;
	s21 =	sshll.u32 s7, $0x1;
	s4 =	sadd.s32 s5, s19  }
0x9d: {  	s8 =	simm.s32 $0x0;
	s20 =	sshll.u32 s6, $0x1;
	s6 =	sadd.s32 s21, s4  }
0x9e: {  	[timem:s8], [sflag:s22] =	dma.local [hbm:s6], s20  }
0x9f: {  	_ =	swait.ge [sflag:s22], s20  }
0xa0: {  	s5 =	ssub.s32 $0x0, s20;
	[sflag:s22] =	ssyncset.done $0x0  }
0xa1: {  	[sflag:s22] =	ssyncadd.s32 s5;
	_ =	sdelay $0x1  }
0xa2: {  	s23 =	simm.s32 $0x1B8B  }
0xa3: {  	_ =	swait.ge [sflag:s23], $0x1  }
0xa4: {  	[sflag:s23] =	ssyncset.done $0x0  }
0xa5: {  	s25 =	simm.s32 $0x1B8E;
	s24 =	sld [smem:$0x3FFE];
	[sflag:s23] =	ssyncadd.s32 $0xFFFFFFFF  }
0xa6: {  	s26 =	simm.s32 $execute0_lowered;
	[smem:$0x3FD2] =	sst s25  }
0xa7: {  	s6 =	sshll.u32 s26, $0x1;
	_ =	strace $0x80000046;
	[dreg:$0x1] =	wrdreg $0xFFFFFFFF  }
0xa8: {  	s28 =	simm.s32 $_size_execute0_lowered;
	s4 =	sadd.s32 s4, s6;
	[dreg:$0x0] =	wrdreg $0x0  }
0xa9: {  	s6 =	sshll.u32 s28, $0x1;
	[dreg:$0x2] =	wrdreg s4  }
0xaa: {  	[dreg:$0x3] =	wrdreg s6  }
0xab: {  	[dreg:$0x4] =	wrdreg $0xC0  }
0xac: {  	_ =	task [dreg:s8], $0x5FFFF  }
0xad: {  	[dreg:$0x1] =	wrdreg $0xFFFFFFFF  }
0xae: {  	[dreg:$0x0] =	wrdreg $0x60  }
0xaf: {  	[dreg:$0x2] =	wrdreg s2  }
0xb0: {  	[dreg:$0x3] =	wrdreg s24  }
0xb1: {  	[dreg:$0x4] =	wrdreg s18  }
0xb2: {  	[dreg:$0x5] =	wrdreg $0x22800  }
0xb3: {  	[dreg:$0x6] =	wrdreg $0x9  }
0xb4: {  	_ =	task.clear_ibuf [dreg:s8], $0x7FFFF;
	_ =	strace $0x90000046  }
0xb5: {  	s29 =	simm.s32 $0x9;
	_ =	strace $0x80000048  }
0xb6: {  	_ =	swait.ge [sflag:s29], $0x1  }
0xb7: {  	[sflag:s29] =	ssyncadd.s32 $0xFFFFFFFF  }
0xb8: {  	_ =	strace $0x90000048  }
0xb9: {  	_ =	sfence  }
0xba: {  	s30 =	sld [smem:$0x0];
	_ =	sdelay $0x2  }
0xbb: {  	s31 =	sshll.u32 s1, $0xD;
	s1 =	sshrl.u32 s1, $0x2  }
0xbc: {  	s3 =	sand.u32 $0x4000, s31;
	s1 =	sadd.s32 s1, s30  }
0xbd: {  	s0 =	sor.u32 s3, s0;
	s1 =	sshll.u32 s1, $0x11  }
0xbe: {  	s0 =	sor.u32 s1, s0  }
0xbf: {  	s0 =	sadd.s32 $0x8F2B, s0  }
0xc0: {  	[sflag:s0] =	ssyncadd.remote.s32 $0x1  }
0xc1: {  	_ =	sfence.sel $0xFFFF  }
0xc2: {  	[dreg:$0x0] =	wrdreg $0xFFFFFFFF;
	(pc) =	sbr.abs _section_cstart, $3  }
0xc3: {  	[dreg:$0x1] =	wrdreg $0xFFFFFFFF  }
0xc4: {  	_ =	task.clear_ibuf [dreg:s8], $0x2FFFF;
	_ =	strace $0x9FFFFFFF  }
0xc5: {  	(tm) =	ssettm $0x7FFFFFFF  }
tec
execute0_lowered:
.L_overlay_start_1:
0x0: {  	(tag) =	ssettag $0x1  }
0x1: {  	s6 =	rddreg [dreg:$0x0]  }
0x2: {  	s7 =	rddreg [dreg:$0x1]  }
0x3: {  	s2 =	rddreg [dreg:$0x2]  }
0x4: {  	s4 =	rddreg [dreg:$0x3];
	s1 =	srdreg.scid  }
0x5: {  	s0 =	rddreg [dreg:$0x4];
	s5 =	sand.u32 $0x1, s1  }
0x6: {  	s3 =	simm.s32 $0x0;
	s1 =	stileid.u32;
	p0 =	seq.s32 s5, $0x1  }
0x7: {  	[smem:$0x7FF] =	sst s3;
	s5 =	sadd.s32 $0x400, s7;
	s8 =	sshll.u32 @!p0 s1, $0x4  }
0x8: {  	_ =	strace $0x80000047;
	s5 =	sadd.s32 @!p0 s5, s8;
	s8 =	simm.s32 @!p0 $0x0  }
0x9: {  	[tilespmem:s8], [sflag:$0x2] =	stream.linear.gather @!p0 [hbm4b:s5+s8], $0x80, $0x38;
	[tilespmem:$0x2320] =	vst v63  }
0xa: {  	s5 =	simm.s32 @!p0 $0x2  }
0xb: {  	_ =	swait.ge @!p0 [sflag:s5], $0x80  }
0xc: {  	s7 =	sadd.s32 $0x600, s7;
	s9 =	sshll.u32 @!p0 s1, $0x5;
	[sflag:s5] =	ssyncset.done @!p0 $0x0  }
0xd: {  	s7 =	sadd.s32 @!p0 s7, s9;
	s9 =	simm.s32 @!p0 $0x1080;
	[sflag:s5] =	ssyncadd.s32 @!p0 $0xFFFFFF80  }
0xe: {  	[tilespmem:s9], [sflag:$0x2] =	stream.linear.gather @!p0 [hbm4b:s7+s8], $0x100, $0x38;
	[tilespmem:$0x2320] =	vst v63  }
0xf: {  	_ =	swait.ge @!p0 [sflag:s5], $0x100  }
0x10: {  	[sflag:s5] =	ssyncset.done @!p0 $0x0  }
0x11: {  	s7 =	simm.s32 @!p0 $0x20;
	s9 =	simm.s32 @!p0 $0x80;
	[sflag:s5] =	ssyncadd.s32 @!p0 $0xFFFFFF00  }
0x12: {  	[tilespmem:s9], [sflag:$0x1] =	stream.indirect.gather @!p0 [hbm4b:s6+s7], $0x80, s8, s7, $0xb8;
	[tilespmem:$0x2320] =	vst v63  }
0x13: {  	s6 =	simm.s32 @!p0 $0x1  }
0x14: {  	_ =	swait.ge @!p0 [sflag:s6], $0x1000  }
0x15: {  	[sflag:s6] =	ssyncset.done @!p0 $0x0  }
0x16: {  	[sflag:s6] =	ssyncadd.s32 @!p0 $0xFFFFF000  }
0x17: {  	v9 =	vld @!p0 [tilespmem:$0x80]  }
0x18: {  	v8 =	vld @!p0 [tilespmem:$0x90];
	_ =	sdelay $0x1  }
0x19: {  	v7 =	vld @!p0 [tilespmem:$0xA0];
	_ =	sdelay $0x1  }
0x1a: {  	v5 =	vld @!p0 [tilespmem:$0xB0]  }
0x1b: {  	v0 =	vmul.f32 @!p0 v9, v9;
	v1 =	vmul.f32 @!p0 v8, v8  }
0x1c: {  	v3 =	vld @!p0 [tilespmem:$0xC0]  }
0x1d: {  	v0 =	vadd.f32 @!p0 v1, v0;
	v1 =	vmul.f32 @!p0 v7, v7  }
0x1e: {  	v2 =	vld @!p0 [tilespmem:$0xD0]  }
0x1f: {  	v4 =	vmul.f32 @!p0 v5, v5;
	v0 =	vadd.f32 @!p0 v1, v0  }
0x20: {  	v1 =	vld @!p0 [tilespmem:$0xE0]  }
0x21: {  	v0 =	vadd.f32 @!p0 v4, v0;
	v4 =	vmul.f32 @!p0 v3, v3;
	_ =	sdelay $0x1  }
0x22: {  	v10 =	vld @!p0 [tilespmem:$0x100];
	v6 =	vmul.f32 @!p0 v2, v2;
	v4 =	vadd.f32 @!p0 v4, v0  }
0x23: {  	v0 =	vld @!p0 [tilespmem:$0xF0]  }
0x24: {  	v13 =	vld @!p0 [tilespmem:$0x110];
	v11 =	vmul.f32 @!p0 v1, v1;
	v4 =	vadd.f32 @!p0 v6, v4;
	v6 =	vimm.s32 @!p0 $0xFEDCBA98  }
0x25: {  	v12 =	vimm.s32 @!p0 $0x76543210;
	v6 =	vunpack.c.l.s4.s8 @!p0 v6  }
0x26: {  	v12 =	vunpack.c.l.s4.s8 @!p0 v12;
	v4 =	vadd.f32 @!p0 v11, v4;
	v11 =	vld @!p0 [tilespmem:$0x120]  }
0x27: {  	v15 =	vimm.s32 @!p0 $0xBA98FEDC;
	v16 =	vimm.s32 @!p0 $0x32107654;
	v6 =	vunpack.c.0.s8.s32 @!p0 v6  }
0x28: {  	v15 =	vunpack.c.l.s4.s8 @!p0 v15;
	v12 =	vunpack.c.0.s8.s32 @!p0 v12;
	v17 =	vld @!p0 [tilespmem:$0x130];
	v14 =	vmul.f32 @!p0 v0, v0  }
0x29: {  	v18 =	vld @!p0 [tilespmem:$0x160];
	v10 =	vmul.f32 @!p0 v10, v9;
	v13 =	vmul.f32 @!p0 v13, v8;
	v6 =	vand.u32 @!p0 $0xF, v6  }
0x2a: {  	v16 =	vunpack.c.l.s4.s8 @!p0 v16;
	v14 =	vadd.f32 @!p0 v14, v4;
	v4 =	vcombine.low @!p0 v6, v12;
	v12 =	vld @!p0 [tilespmem:$0x140]  }
0x2b: {  	v19 =	vld @!p0 [tilespmem:$0x1A0];
	v10 =	vadd.f32 @!p0 v13, v10;
	v11 =	vmul.f32 @!p0 v11, v7  }
0x2c: {  	v13 =	vld @!p0 [tilespmem:$0x150];
	v6 =	vunpack.c.0.s8.s32 @!p0 v15;
	v15 =	vunpack.c.0.s8.s32 @!p0 v16;
	v16 =	vperm.xlane @!p0 v14, v4  }
0x2d: {  	v20 =	vld @!p0 [tilespmem:$0x1C0];
	v10 =	vadd.f32 @!p0 v11, v10;
	v11 =	vmul.f32 @!p0 v17, v5  }
0x2e: {  	v21 =	vimm.s32 @!p0 $0x54761032;
	v6 =	vcombine.low @!p0 v15, v6;
	v14 =	vadd.f32 @!p0 v14, v16;
	v16 =	vld @!p0 [tilespmem:$0x180]  }
0x2f: {  	v24 =	vimm.s32 @!p0 $0x67452301;
	v10 =	vadd.f32 @!p0 v11, v10;
	v11 =	vmul.f32 @!p0 v12, v3;
	v12 =	vld @!p0 [tilespmem:$0x190]  }
0x30: {  	vm6 =	vmmov @!p0 $0x1;
	vm8 =	vmmov @!p0 $0x3;
	v22 =	vld @!p0 [tilespmem:$0x1E0];
	v6 =	vand.u32 @!p0 $0xF, v6  }
0x31: {  	v15 =	vld @!p0 [tilespmem:$0x170];
	v17 =	vperm.xlane @!p0 v14, v6;
	v10 =	vadd.f32 @!p0 v11, v10;
	v11 =	vmul.f32 @!p0 v13, v2  }
0x32: {  	vm0 =	vmmov @!p0 $0x7;
	vm1 =	vmmov @!p0 $0xf;
	vm3 =	vmmov @!p0 $0x1f;
	v23 =	vld @!p0 [tilespmem:$0x1F0]  }
0x33: {  	v13 =	vld @!p0 [tilespmem:$0x1B0];
	v14 =	vadd.f32 @!p0 v14, v17;
	v10 =	vadd.f32 @!p0 v11, v10;
	v11 =	vmul.f32 @!p0 v18, v1  }
0x34: {  	v25 =	vld @!p0 [tilespmem:$0x210];
	v17 =	vimm.s32 @!p0 $0xDCFE98BA;
	v16 =	vmul.f32 @!p0 v16, v9;
	v12 =	vmul.f32 @!p0 v12, v8  }
0x35: {  	v21 =	vunpack.c.l.s4.s8 @!p0 v21;
	v26 =	vld @!p0 [tilespmem:$0x240];
	v17 =	vunpack.c.l.s4.s8 @!p0 v17;
	v10 =	vadd.f32 @!p0 v11, v10  }
0x36: {  	v28 =	vld @!p0 [tilespmem:$0x280];
	v11 =	vmul.f32 @!p0 v15, v0;
	v15 =	vmul.f32 @!p0 v19, v7;
	v12 =	vadd.f32 @!p0 v12, v16  }
0x37: {  	v18 =	vld @!p0 [tilespmem:$0x1D0];
	v17 =	vunpack.c.0.s8.s32 @!p0 v17;
	v19 =	vunpack.c.0.s8.s32 @!p0 v21;
	v21 =	vimm.s32 @!p0 $0xEFCDAB89  }
0x38: {  	v29 =	vld @!p0 [tilespmem:$0x2E0];
	v11 =	vadd.f32 @!p0 v11, v10;
	v10 =	vadd.f32 @!p0 v15, v12;
	v12 =	vmul.f32 @!p0 v13, v5  }
0x39: {  	v16 =	vld @!p0 [tilespmem:$0x200];
	v15 =	vcombine.low @!p0 v19, v17;
	v17 =	vunpack.c.l.s4.s8 @!p0 v21;
	v19 =	vunpack.c.l.s4.s8 @!p0 v24  }
0x3a: {  	v32 =	vld @!p0 [tilespmem:$0x750];
	v20 =	vmul.f32 @!p0 v20, v3;
	v24 =	vperm.xlane @!p0 v11, v4;
	v12 =	vadd.f32 @!p0 v12, v10  }
0x3b: {  	v13 =	vld @!p0 [tilespmem:$0x220];
	v10 =	vand.u32 @!p0 $0xF, v15;
	v15 =	vunpack.c.0.s8.s32 @!p0 v17;
	v17 =	vunpack.c.0.s8.s32 @!p0 v19  }
0x3c: {  	v21 =	vld @!p0 [tilespmem:$0x230];
	v24 =	vadd.f32 @!p0 v11, v24;
	v11 =	vadd.f32 @!p0 v20, v12;
	v12 =	vmul.f32 @!p0 v18, v2  }
0x3d: {  	vm5 =	vmmov @!p0 $0x3f;
	v22 =	vmul.f32 @!p0 v22, v1;
	v19 =	vld @!p0 [tilespmem:$0x250];
	v20 =	vperm.xlane @!p0 v14, v10  }
0x3e: {  	v16 =	vmul.f32 @!p0 v16, v9;
	v18 =	vld @!p0 [tilespmem:$0x260];
	v15 =	vcombine.low @!p0 v17, v15;
	v12 =	vadd.f32 @!p0 v12, v11  }
0x3f: {  	v17 =	vld @!p0 [tilespmem:$0x270];
	v27 =	vperm.xlane @!p0 v24, v6;
	v14 =	vadd.f32 @!p0 v14, v20;
	v20 =	vmul.f32 @!p0 v25, v8  }
0x40: {  	v25 =	vld @!p0 [tilespmem:$0x290];
	v11 =	vand.u32 @!p0 $0xF, v15;
	v15 =	vmul.f32 @!p0 v23, v0;
	v12 =	vadd.f32 @!p0 v22, v12  }
0x41: {  	v13 =	vmul.f32 @!p0 v13, v7;
	v23 =	vadd.f32 @!p0 v24, v27;
	v22 =	vld @!p0 [tilespmem:$0x2A0];
	v16 =	vadd.f32 @!p0 v20, v16  }
0x42: {  	vm12 =	vmmov @!p0 $0x7f;
	v20 =	vld @!p0 [tilespmem:$0x2B0];
	v24 =	vperm.xlane @!p0 v14, v11;
	v12 =	vadd.f32 @!p0 v15, v12  }
0x43: {  	v27 =	vperm.xlane @!p0 v23, v10;
	v15 =	vld @!p0 [tilespmem:$0x2C0];
	v13 =	vadd.f32 @!p0 v13, v16;
	v16 =	vmul.f32 @!p0 v21, v5  }
0x44: {  	vm7 =	vmmov @!p0 $0xff;
	v21 =	vld @!p0 [tilespmem:$0x2D0];
	v14 =	vadd.f32 @!p0 v14, v24;
	v24 =	vperm.xlane @!p0 v12, v4  }
0x45: {  	v23 =	vadd.f32 @!p0 v23, v27;
	v27 =	vld @!p0 [tilespmem:$0x310];
	v13 =	vadd.f32 @!p0 v16, v13;
	v16 =	vmul.f32 @!p0 v26, v3  }
0x46: {  	v25 =	vmul.f32 @!p0 v25, v8;
	v26 =	vld @!p0 [tilespmem:$0x300];
	v12 =	vadd.f32 @!p0 v12, v24;
	v24 =	vmul.f32 @!p0 v28, v9  }
0x47: {  	v17 =	vmul.f32 @!p0 v17, v0;
	v13 =	vadd.f32 @!p0 v16, v13;
	v16 =	vmul.f32 @!p0 v19, v2;
	v19 =	vld @!p0 [tilespmem:$0x2F0]  }
0x48: {  	v22 =	vmul.f32 @!p0 v22, v7;
	v28 =	vperm.xlane @!p0 v23, v11;
	v24 =	vadd.f32 @!p0 v25, v24;
	v25 =	vld @!p0 [tilespmem:$0x320]  }
0x49: {  	v20 =	vmul.f32 @!p0 v20, v5;
	v13 =	vadd.f32 @!p0 v16, v13;
	v16 =	vmul.f32 @!p0 v18, v1;
	v18 =	vld @!p0 [tilespmem:$0x330]  }
0x4a: {  	v30 =	vperm.xlane @!p0 v12, v6;
	v23 =	vadd.f32 @!p0 v23, v28;
	v22 =	vadd.f32 @!p0 v22, v24;
	v24 =	vld @!p0 [tilespmem:$0x380]  }
0x4b: {  	v13 =	vadd.f32 @!p0 v16, v13;
	v16 =	vmul.f32 @!p0 v26, v9;
	v26 =	vmul.f32 @!p0 v27, v8;
	v27 =	vld @!p0 [tilespmem:$0x390]  }
0x4c: {  	v15 =	vmul.f32 @!p0 v15, v3;
	v12 =	vadd.f32 @!p0 v12, v30;
	v20 =	vadd.f32 @!p0 v20, v22;
	v22 =	vld @!p0 [tilespmem:$0x340]  }
0x4d: {  	v19 =	vmul.f32 @!p0 v19, v0;
	v16 =	vadd.f32 @!p0 v26, v16;
	v26 =	vld @!p0 [tilespmem:$0x3A0];
	v25 =	vmul.f32 @!p0 v25, v7  }
0x4e: {  	v13 =	vadd.f32 @!p0 v17, v13;
	v17 =	vmul.f32 @!p0 v21, v2;
	v15 =	vadd.f32 @!p0 v15, v20;
	v20 =	vld @!p0 [tilespmem:$0x350]  }
0x4f: {  	v21 =	vmul.f32 @!p0 v29, v1;
	v18 =	vmul.f32 @!p0 v18, v5;
	v16 =	vadd.f32 @!p0 v25, v16;
	v25 =	vld @!p0 [tilespmem:$0x3B0]  }
0x50: {  	v24 =	vmul.f32 @!p0 v24, v9;
	v27 =	vmul.f32 @!p0 v27, v8;
	v15 =	vadd.f32 @!p0 v17, v15;
	v17 =	vld @!p0 [tilespmem:$0x360]  }
0x51: {  	v29 =	vperm.xlane @!p0 v13, v4;
	v16 =	vadd.f32 @!p0 v18, v16;
	v18 =	vmul.f32 @!p0 v22, v3;
	v22 =	vld @!p0 [tilespmem:$0x3C0]  }
0x52: {  	v24 =	vadd.f32 @!p0 v27, v24;
	v26 =	vmul.f32 @!p0 v26, v7;
	v15 =	vadd.f32 @!p0 v21, v15;
	v21 =	vld @!p0 [tilespmem:$0x370]  }
0x53: {  	v28 =	vperm.xlane @!p0 v12, v10;
	v16 =	vadd.f32 @!p0 v18, v16;
	v18 =	vmul.f32 @!p0 v20, v2;
	v20 =	vld @!p0 [tilespmem:$0x3D0]  }
0x54: {  	v35 =	vld @!p0 [tilespmem:$0xA70];
	v13 =	vadd.f32 @!p0 v13, v29;
	v24 =	vadd.f32 @!p0 v26, v24;
	v25 =	vmul.f32 @!p0 v25, v5  }
0x55: {  	v15 =	vadd.f32 @!p0 v19, v15;
	v16 =	vadd.f32 @!p0 v18, v16;
	v17 =	vmul.f32 @!p0 v17, v1;
	v18 =	vld @!p0 [tilespmem:$0x3E0]  }
0x56: {  	v37 =	vld @!p0 [tilespmem:$0xC40];
	v12 =	vadd.f32 @!p0 v12, v28;
	v19 =	vadd.f32 @!p0 v25, v24;
	v22 =	vmul.f32 @!p0 v22, v3  }
0x57: {  	v24 =	vld @!p0 [tilespmem:$0x3F0];
	v25 =	vperm.xlane @!p0 v13, v6;
	v26 =	vperm.xlane @!p0 v15, v4;
	v16 =	vadd.f32 @!p0 v17, v16  }
0x58: {  	v17 =	vld @!p0 [tilespmem:$0x400];
	v21 =	vmul.f32 @!p0 v21, v0;
	v19 =	vadd.f32 @!p0 v22, v19;
	v20 =	vmul.f32 @!p0 v20, v2  }
0x59: {  	v27 =	vperm.xlane @!p0 v12, v11;
	v22 =	vld @!p0 [tilespmem:$0x410];
	v13 =	vadd.f32 @!p0 v13, v25;
	v15 =	vadd.f32 @!p0 v15, v26  }
0x5a: {  	v30 =	vld @!p0 [tilespmem:$0x490];
	v16 =	vadd.f32 @!p0 v21, v16;
	v19 =	vadd.f32 @!p0 v20, v19;
	v18 =	vmul.f32 @!p0 v18, v1  }
0x5b: {  	v12 =	vadd.f32 @!p0 v12, v27;
	v27 =	vld @!p0 [tilespmem:$0x440];
	v21 =	vperm.xlane @!p0 v13, v10;
	v26 =	vperm.xlane @!p0 v15, v6  }
0x5c: {  	v14 =	vsel @!p0 vm6, v14, v23;
	v25 =	vld @!p0 [tilespmem:$0x420];
	v28 =	vperm.xlane @!p0 v16, v4;
	v18 =	vadd.f32 @!p0 v18, v19  }
0x5d: {  	v20 =	vld @!p0 [tilespmem:$0x430];
	v19 =	vmul.f32 @!p0 v24, v0;
	v13 =	vadd.f32 @!p0 v13, v21;
	v15 =	vadd.f32 @!p0 v15, v26  }
0x5e: {  	v24 =	vld @!p0 [tilespmem:$0x450];
	v17 =	vmul.f32 @!p0 v17, v9;
	v16 =	vadd.f32 @!p0 v16, v28;
	v22 =	vmul.f32 @!p0 v22, v8  }
0x5f: {  	v12 =	vsel @!p0 vm8, v14, v12;
	v21 =	vld @!p0 [tilespmem:$0x460];
	v18 =	vadd.f32 @!p0 v19, v18;
	v23 =	vperm.xlane @!p0 v13, v11  }
0x60: {  	v28 =	vld @!p0 [tilespmem:$0x480];
	v26 =	vperm.xlane @!p0 v15, v10;
	v14 =	vperm.xlane @!p0 v16, v6;
	v17 =	vadd.f32 @!p0 v22, v17  }
0x61: {  	v19 =	vld @!p0 [tilespmem:$0x470];
	v22 =	vmul.f32 @!p0 v25, v7;
	v29 =	vperm.xlane @!p0 v18, v4;
	v13 =	vadd.f32 @!p0 v13, v23  }
0x62: {  	vm10 =	vmmov @!p0 $0x1ff;
	v25 =	vld @!p0 [tilespmem:$0x4C0];
	v15 =	vadd.f32 @!p0 v15, v26;
	v14 =	vadd.f32 @!p0 v16, v14  }
0x63: {  	v20 =	vmul.f32 @!p0 v20, v5;
	v23 =	vld @!p0 [tilespmem:$0x4A0];
	v17 =	vadd.f32 @!p0 v22, v17;
	v18 =	vadd.f32 @!p0 v18, v29  }
0x64: {  	v16 =	vld @!p0 [tilespmem:$0x4B0];
	v12 =	vsel @!p0 vm0, v12, v13;
	v13 =	vperm.xlane @!p0 v15, v11;
	v26 =	vperm.xlane @!p0 v14, v10  }
0x65: {  	v22 =	vld @!p0 [tilespmem:$0x4E0];
	v17 =	vadd.f32 @!p0 v20, v17;
	v20 =	vmul.f32 @!p0 v27, v3;
	v31 =	vperm.xlane @!p0 v18, v6  }
0x66: {  	vm2 =	vmmov @!p0 $0x3ff;
	v29 =	vld @!p0 [tilespmem:$0x4D0];
	v13 =	vadd.f32 @!p0 v15, v13;
	v14 =	vadd.f32 @!p0 v14, v26  }
0x67: {  	v27 =	vld @!p0 [tilespmem:$0x510];
	v17 =	vadd.f32 @!p0 v20, v17;
	v20 =	vmul.f32 @!p0 v24, v2;
	v18 =	vadd.f32 @!p0 v18, v31  }
0x68: {  	vm4 =	vmmov @!p0 $0x7ff;
	v15 =	vld @!p0 [tilespmem:$0x4F0];
	v12 =	vsel @!p0 vm1, v12, v13;
	v13 =	vperm.xlane @!p0 v14, v11  }
0x69: {  	v26 =	vld @!p0 [tilespmem:$0x500];
	v17 =	vadd.f32 @!p0 v20, v17;
	v20 =	vmul.f32 @!p0 v21, v1;
	v31 =	vperm.xlane @!p0 v18, v10  }
0x6a: {  	v24 =	vld @!p0 [tilespmem:$0x520];
	v13 =	vadd.f32 @!p0 v14, v13;
	v14 =	vmul.f32 @!p0 v28, v9;
	v28 =	vmul.f32 @!p0 v30, v8  }
0x6b: {  	vm9 =	vmmov @!p0 $0xfff;
	v19 =	vmul.f32 @!p0 v19, v0;
	v21 =	vld @!p0 [tilespmem:$0x540];
	v18 =	vadd.f32 @!p0 v18, v31  }
0x6c: {  	v23 =	vmul.f32 @!p0 v23, v7;
	v30 =	vld @!p0 [tilespmem:$0x530];
	v17 =	vadd.f32 @!p0 v20, v17;
	v14 =	vadd.f32 @!p0 v28, v14  }
0x6d: {  	vm11 =	vmmov @!p0 $0x1fff;
	v20 =	vld @!p0 [tilespmem:$0x560];
	v12 =	vsel @!p0 vm3, v12, v13;
	v13 =	vperm.xlane @!p0 v18, v11  }
0x6e: {  	v16 =	vmul.f32 @!p0 v16, v5;
	v28 =	vld @!p0 [tilespmem:$0x550];
	v17 =	vadd.f32 @!p0 v19, v17;
	v14 =	vadd.f32 @!p0 v23, v14  }
0x6f: {  	v19 =	vld @!p0 [tilespmem:$0x590];
	v13 =	vadd.f32 @!p0 v18, v13;
	v18 =	vmul.f32 @!p0 v26, v9;
	v26 =	vmul.f32 @!p0 v27, v8  }
0x70: {  	vm13 =	vmmov @!p0 $0x3fff;
	v23 =	vld @!p0 [tilespmem:$0x570];
	v14 =	vadd.f32 @!p0 v16, v14;
	v16 =	vmul.f32 @!p0 v25, v3  }
0x71: {  	v15 =	vmul.f32 @!p0 v15, v0;
	v24 =	vmul.f32 @!p0 v24, v7;
	v27 =	vld @!p0 [tilespmem:$0x580];
	v18 =	vadd.f32 @!p0 v26, v18  }
0x72: {  	v25 =	vld @!p0 [tilespmem:$0x5A0];
	v26 =	vperm.xlane @!p0 v17, v4;
	v14 =	vadd.f32 @!p0 v16, v14;
	v16 =	vmul.f32 @!p0 v29, v2  }
0x73: {  	v12 =	vsel @!p0 vm5, v12, v13;
	v29 =	vld @!p0 [tilespmem:$0x5B0];
	v13 =	vadd.f32 @!p0 v24, v18;
	v18 =	vmul.f32 @!p0 v30, v5  }
0x74: {  	v19 =	vmul.f32 @!p0 v19, v8;
	v24 =	vld @!p0 [tilespmem:$0x5C0];
	v14 =	vadd.f32 @!p0 v16, v14;
	v16 =	vmul.f32 @!p0 v22, v1  }
0x75: {  	v17 =	vadd.f32 @!p0 v17, v26;
	v26 =	vld @!p0 [tilespmem:$0x610];
	v13 =	vadd.f32 @!p0 v18, v13;
	v18 =	vmul.f32 @!p0 v21, v3  }
0x76: {  	v23 =	vmul.f32 @!p0 v23, v0;
	v21 =	vld @!p0 [tilespmem:$0x600];
	v14 =	vadd.f32 @!p0 v16, v14;
	v16 =	vmul.f32 @!p0 v27, v9  }
0x77: {  	v22 =	vld @!p0 [tilespmem:$0x5D0];
	v27 =	vperm.xlane @!p0 v17, v6;
	v13 =	vadd.f32 @!p0 v18, v13;
	v18 =	vmul.f32 @!p0 v28, v2  }
0x78: {  	v14 =	vadd.f32 @!p0 v15, v14;
	v15 =	vadd.f32 @!p0 v19, v16;
	v16 =	vmul.f32 @!p0 v25, v7;
	v19 =	vld @!p0 [tilespmem:$0x620]  }
0x79: {  	v17 =	vadd.f32 @!p0 v17, v27;
	v27 =	vld @!p0 [tilespmem:$0x630];
	v13 =	vadd.f32 @!p0 v18, v13;
	v18 =	vmul.f32 @!p0 v20, v1  }
0x7a: {  	v20 =	vld @!p0 [tilespmem:$0x5F0];
	v25 =	vperm.xlane @!p0 v14, v4;
	v15 =	vadd.f32 @!p0 v16, v15;
	v16 =	vmul.f32 @!p0 v29, v5  }
0x7b: {  	v28 =	vld @!p0 [tilespmem:$0x5E0];
	v13 =	vadd.f32 @!p0 v18, v13;
	v18 =	vmul.f32 @!p0 v21, v9;
	v21 =	vmul.f32 @!p0 v26, v8  }
0x7c: {  	v26 =	vld @!p0 [tilespmem:$0x640];
	v15 =	vadd.f32 @!p0 v16, v15;
	v16 =	vmul.f32 @!p0 v24, v3;
	v14 =	vadd.f32 @!p0 v14, v25  }
0x7d: {  	v25 =	vld @!p0 [tilespmem:$0x680];
	v18 =	vadd.f32 @!p0 v21, v18;
	v19 =	vmul.f32 @!p0 v19, v7;
	v13 =	vadd.f32 @!p0 v23, v13  }
0x7e: {  	v24 =	vld @!p0 [tilespmem:$0x650];
	v15 =	vadd.f32 @!p0 v16, v15;
	v16 =	vmul.f32 @!p0 v22, v2;
	v23 =	vperm.xlane @!p0 v14, v6  }
0x7f: {  	v38 =	vld @!p0 [tilespmem:$0xE60];
	v20 =	vmul.f32 @!p0 v20, v0;
	v18 =	vadd.f32 @!p0 v19, v18;
	v19 =	vmul.f32 @!p0 v27, v5  }
0x80: {  	v21 =	vld @!p0 [tilespmem:$0x660];
	v27 =	vperm.xlane @!p0 v13, v4;
	v15 =	vadd.f32 @!p0 v16, v15;
	v16 =	vmul.f32 @!p0 v28, v1  }
0x81: {  	v28 =	vld @!p0 [tilespmem:$0x690];
	v14 =	vadd.f32 @!p0 v14, v23;
	v18 =	vadd.f32 @!p0 v19, v18;
	v19 =	vmul.f32 @!p0 v26, v3  }
0x82: {  	v23 =	vld @!p0 [tilespmem:$0x6A0];
	v26 =	vperm.xlane @!p0 v17, v10;
	v13 =	vadd.f32 @!p0 v13, v27;
	v25 =	vmul.f32 @!p0 v25, v9  }
0x83: {  	v22 =	vld @!p0 [tilespmem:$0x670];
	v15 =	vadd.f32 @!p0 v16, v15;
	v18 =	vadd.f32 @!p0 v19, v18;
	v19 =	vmul.f32 @!p0 v24, v2  }
0x84: {  	v30 =	vld @!p0 [tilespmem:$0x710];
	v17 =	vadd.f32 @!p0 v17, v26;
	v26 =	vperm.xlane @!p0 v14, v10;
	v27 =	vperm.xlane @!p0 v13, v6  }
0x85: {  	v16 =	vld @!p0 [tilespmem:$0x6B0];
	v15 =	vadd.f32 @!p0 v20, v15;
	v18 =	vadd.f32 @!p0 v19, v18;
	v19 =	vmul.f32 @!p0 v21, v1  }
0x86: {  	v29 =	vld @!p0 [tilespmem:$0x6D0];
	v21 =	vperm.xlane @!p0 v17, v11;
	v14 =	vadd.f32 @!p0 v14, v26;
	v28 =	vmul.f32 @!p0 v28, v8  }
0x87: {  	v20 =	vld @!p0 [tilespmem:$0x6E0];
	v13 =	vadd.f32 @!p0 v13, v27;
	v23 =	vmul.f32 @!p0 v23, v7;
	v27 =	vperm.xlane @!p0 v15, v4  }
0x88: {  	v24 =	vld @!p0 [tilespmem:$0x6C0];
	v18 =	vadd.f32 @!p0 v19, v18;
	v19 =	vmul.f32 @!p0 v22, v0;
	v17 =	vadd.f32 @!p0 v17, v21  }
0x89: {  	v26 =	vld @!p0 [tilespmem:$0x6F0];
	v21 =	vperm.xlane @!p0 v14, v11;
	v31 =	vperm.xlane @!p0 v13, v10;
	v25 =	vadd.f32 @!p0 v28, v25  }
0x8a: {  	v22 =	vld @!p0 [tilespmem:$0x700];
	v16 =	vmul.f32 @!p0 v16, v5;
	v15 =	vadd.f32 @!p0 v15, v27;
	v18 =	vadd.f32 @!p0 v19, v18  }
0x8b: {  	v28 =	vld @!p0 [tilespmem:$0x780];
	v12 =	vsel @!p0 vm12, v12, v17;
	v14 =	vadd.f32 @!p0 v14, v21;
	v13 =	vadd.f32 @!p0 v13, v31  }
0x8c: {  	v19 =	vld @!p0 [tilespmem:$0x720];
	v23 =	vadd.f32 @!p0 v23, v25;
	v20 =	vmul.f32 @!p0 v20, v1;
	v21 =	vperm.xlane @!p0 v15, v6  }
0x8d: {  	v17 =	vld @!p0 [tilespmem:$0x730];
	v27 =	vperm.xlane @!p0 v18, v4;
	v12 =	vsel @!p0 vm7, v12, v14;
	v14 =	vperm.xlane @!p0 v13, v11  }
0x8e: {  	v25 =	vld @!p0 [tilespmem:$0x790];
	v16 =	vadd.f32 @!p0 v16, v23;
	v23 =	vmul.f32 @!p0 v24, v3;
	v15 =	vadd.f32 @!p0 v15, v21  }
0x8f: {  	v31 =	vld @!p0 [tilespmem:$0x740];
	v26 =	vmul.f32 @!p0 v26, v0;
	v18 =	vadd.f32 @!p0 v18, v27;
	v13 =	vadd.f32 @!p0 v13, v14  }
0x90: {  	v24 =	vld @!p0 [tilespmem:$0x7B0];
	v16 =	vadd.f32 @!p0 v23, v16;
	v23 =	vmul.f32 @!p0 v29, v2;
	v14 =	vperm.xlane @!p0 v15, v10  }
0x91: {  	v27 =	vld @!p0 [tilespmem:$0x770];
	v12 =	vsel @!p0 vm10, v12, v13;
	v13 =	vmul.f32 @!p0 v22, v9;
	v22 =	vmul.f32 @!p0 v30, v8  }
0x92: {  	v21 =	vld @!p0 [tilespmem:$0x760];
	v33 =	vperm.xlane @!p0 v18, v6;
	v16 =	vadd.f32 @!p0 v23, v16;
	v14 =	vadd.f32 @!p0 v15, v14  }
0x93: {  	v25 =	vmul.f32 @!p0 v25, v8;
	v23 =	vld @!p0 [tilespmem:$0x800];
	v15 =	vmul.f32 @!p0 v19, v7;
	v13 =	vadd.f32 @!p0 v22, v13  }
0x94: {  	v18 =	vadd.f32 @!p0 v18, v33;
	v16 =	vadd.f32 @!p0 v20, v16;
	v20 =	vld @!p0 [tilespmem:$0x810];
	v33 =	vperm.xlane @!p0 v14, v11  }
0x95: {  	v30 =	vld @!p0 [tilespmem:$0x7A0];
	v24 =	vmul.f32 @!p0 v24, v5;
	v13 =	vadd.f32 @!p0 v15, v13;
	v15 =	vmul.f32 @!p0 v17, v5  }
0x96: {  	v29 =	vld @!p0 [tilespmem:$0x7D0];
	v27 =	vmul.f32 @!p0 v27, v0;
	v22 =	vperm.xlane @!p0 v18, v10;
	v14 =	vadd.f32 @!p0 v14, v33  }
0x97: {  	v19 =	vld @!p0 [tilespmem:$0x7C0];
	v16 =	vadd.f32 @!p0 v26, v16;
	v13 =	vadd.f32 @!p0 v15, v13;
	v15 =	vmul.f32 @!p0 v31, v3  }
0x98: {  	v17 =	vld @!p0 [tilespmem:$0x7E0];
	v23 =	vmul.f32 @!p0 v23, v9;
	v12 =	vsel @!p0 vm2, v12, v14;
	v14 =	vmul.f32 @!p0 v28, v9  }
0x99: {  	v18 =	vadd.f32 @!p0 v18, v22;
	v22 =	vld @!p0 [tilespmem:$0x7F0];
	v20 =	vmul.f32 @!p0 v20, v8;
	v13 =	vadd.f32 @!p0 v15, v13  }
0x9a: {  	v15 =	vmul.f32 @!p0 v32, v2;
	v32 =	vld @!p0 [tilespmem:$0x820];
	v14 =	vadd.f32 @!p0 v25, v14;
	v25 =	vmul.f32 @!p0 v30, v7  }
0x9b: {  	v26 =	vld @!p0 [tilespmem:$0x850];
	v31 =	vperm.xlane @!p0 v18, v11;
	v30 =	vperm.xlane @!p0 v16, v4;
	v20 =	vadd.f32 @!p0 v20, v23  }
0x9c: {  	v28 =	vld @!p0 [tilespmem:$0x830];
	v13 =	vadd.f32 @!p0 v15, v13;
	v15 =	vmul.f32 @!p0 v21, v1;
	v14 =	vadd.f32 @!p0 v25, v14  }
0x9d: {  	v19 =	vmul.f32 @!p0 v19, v3;
	v18 =	vadd.f32 @!p0 v18, v31;
	v25 =	vld @!p0 [tilespmem:$0x870];
	v16 =	vadd.f32 @!p0 v16, v30  }
0x9e: {  	v17 =	vmul.f32 @!p0 v17, v1;
	v21 =	vld @!p0 [tilespmem:$0x840];
	v13 =	vadd.f32 @!p0 v15, v13;
	v14 =	vadd.f32 @!p0 v24, v14  }
0x9f: {  	v22 =	vmul.f32 @!p0 v22, v0;
	v15 =	vld @!p0 [tilespmem:$0x860];
	v12 =	vsel @!p0 vm4, v12, v18;
	v23 =	vmul.f32 @!p0 v32, v7  }
0xa0: {  	v30 =	vld @!p0 [tilespmem:$0x880];
	v13 =	vadd.f32 @!p0 v27, v13;
	v27 =	vperm.xlane @!p0 v16, v6;
	v14 =	vadd.f32 @!p0 v19, v14  }
0xa1: {  	v24 =	vld @!p0 [tilespmem:$0x890];
	v19 =	vmul.f32 @!p0 v29, v2;
	v20 =	vadd.f32 @!p0 v23, v20;
	v23 =	vmul.f32 @!p0 v28, v5  }
0xa2: {  	v31 =	vld @!p0 [tilespmem:$0x8A0];
	v32 =	vperm.xlane @!p0 v13, v4;
	v16 =	vadd.f32 @!p0 v16, v27;
	v25 =	vmul.f32 @!p0 v25, v0  }
0xa3: {  	v29 =	vld @!p0 [tilespmem:$0x8B0];
	v14 =	vadd.f32 @!p0 v19, v14;
	v18 =	vadd.f32 @!p0 v23, v20;
	v20 =	vmul.f32 @!p0 v21, v3  }
0xa4: {  	v19 =	vld @!p0 [tilespmem:$0x8D0];
	v15 =	vmul.f32 @!p0 v15, v1;
	v13 =	vadd.f32 @!p0 v13, v32;
	v23 =	vperm.xlane @!p0 v16, v10  }
0xa5: {  	v27 =	vld @!p0 [tilespmem:$0x8C0];
	v14 =	vadd.f32 @!p0 v17, v14;
	v18 =	vadd.f32 @!p0 v20, v18;
	v20 =	vmul.f32 @!p0 v26, v2  }
0xa6: {  	v21 =	vld @!p0 [tilespmem:$0x8E0];
	v24 =	vmul.f32 @!p0 v24, v8;
	v16 =	vadd.f32 @!p0 v16, v23;
	v23 =	vmul.f32 @!p0 v30, v9  }
0xa7: {  	v17 =	vld @!p0 [tilespmem:$0x8F0];
	v28 =	vperm.xlane @!p0 v13, v6;
	v14 =	vadd.f32 @!p0 v22, v14;
	v18 =	vadd.f32 @!p0 v20, v18  }
0xa8: {  	v26 =	vld @!p0 [tilespmem:$0x900];
	v22 =	vperm.xlane @!p0 v16, v11;
	v23 =	vadd.f32 @!p0 v24, v23;
	v24 =	vmul.f32 @!p0 v31, v7  }
0xa9: {  	v30 =	vld @!p0 [tilespmem:$0x910];
	v13 =	vadd.f32 @!p0 v13, v28;
	v19 =	vmul.f32 @!p0 v19, v2;
	v28 =	vperm.xlane @!p0 v14, v4  }
0xaa: {  	v20 =	vld @!p0 [tilespmem:$0x920];
	v15 =	vadd.f32 @!p0 v15, v18;
	v23 =	vadd.f32 @!p0 v24, v23;
	v24 =	vmul.f32 @!p0 v29, v5  }
0xab: {  	v31 =	vld @!p0 [tilespmem:$0x930];
	v16 =	vadd.f32 @!p0 v16, v22;
	v22 =	vperm.xlane @!p0 v13, v10;
	v14 =	vadd.f32 @!p0 v14, v28  }
0xac: {  	v18 =	vld @!p0 [tilespmem:$0x940];
	v15 =	vadd.f32 @!p0 v25, v15;
	v23 =	vadd.f32 @!p0 v24, v23;
	v24 =	vmul.f32 @!p0 v27, v3  }
0xad: {  	v21 =	vmul.f32 @!p0 v21, v1;
	v29 =	vld @!p0 [tilespmem:$0x950];
	v13 =	vadd.f32 @!p0 v13, v22;
	v22 =	vperm.xlane @!p0 v14, v6  }
0xae: {  	v17 =	vmul.f32 @!p0 v17, v0;
	v28 =	vld @!p0 [tilespmem:$0x960];
	v32 =	vperm.xlane @!p0 v15, v4;
	v23 =	vadd.f32 @!p0 v24, v23  }
0xaf: {  	v12 =	vsel @!p0 vm9, v12, v16;
	v24 =	vld @!p0 [tilespmem:$0x990];
	v16 =	vperm.xlane @!p0 v13, v11;
	v14 =	vadd.f32 @!p0 v14, v22  }
0xb0: {  	v25 =	vld @!p0 [tilespmem:$0x970];
	v20 =	vmul.f32 @!p0 v20, v7;
	v15 =	vadd.f32 @!p0 v15, v32;
	v19 =	vadd.f32 @!p0 v19, v23  }
0xb1: {  	v22 =	vld @!p0 [tilespmem:$0x9A0];
	v13 =	vadd.f32 @!p0 v13, v16;
	v16 =	vmul.f32 @!p0 v26, v9;
	v26 =	vmul.f32 @!p0 v30, v8  }
0xb2: {  	vm14 =	vmmov @!p0 $0x7fff;
	v23 =	vld @!p0 [tilespmem:$0x9B0];
	v32 =	vperm.xlane @!p0 v14, v10;
	v33 =	vperm.xlane @!p0 v15, v6  }
0xb3: {  	v27 =	vld @!p0 [tilespmem:$0x980];
	v18 =	vmul.f32 @!p0 v18, v3;
	v19 =	vadd.f32 @!p0 v21, v19;
	v16 =	vadd.f32 @!p0 v26, v16  }
0xb4: {  	v30 =	vld @!p0 [tilespmem:$0x9C0];
	v14 =	vadd.f32 @!p0 v14, v32;
	v15 =	vadd.f32 @!p0 v15, v33;
	v24 =	vmul.f32 @!p0 v24, v8  }
0xb5: {  	v21 =	vld @!p0 [tilespmem:$0x9D0];
	v17 =	vadd.f32 @!p0 v17, v19;
	v16 =	vadd.f32 @!p0 v20, v16;
	v19 =	vmul.f32 @!p0 v31, v5  }
0xb6: {  	v26 =	vld @!p0 [tilespmem:$0x9E0];
	v12 =	vsel @!p0 vm11, v12, v13;
	v22 =	vmul.f32 @!p0 v22, v7;
	v13 =	vperm.xlane @!p0 v14, v11  }
0xb7: {  	v32 =	vld @!p0 [tilespmem:$0x9F0];
	v31 =	vperm.xlane @!p0 v15, v10;
	v23 =	vmul.f32 @!p0 v23, v5;
	v16 =	vadd.f32 @!p0 v19, v16  }
0xb8: {  	v33 =	vld @!p0 [tilespmem:$0xA10];
	v34 =	vperm.xlane @!p0 v17, v4;
	v13 =	vadd.f32 @!p0 v14, v13;
	v14 =	vmul.f32 @!p0 v27, v9  }
0xb9: {  	v20 =	vld @!p0 [tilespmem:$0xA00];
	v15 =	vadd.f32 @!p0 v15, v31;
	v16 =	vadd.f32 @!p0 v18, v16;
	v18 =	vmul.f32 @!p0 v29, v2  }
0xba: {  	v19 =	vld @!p0 [tilespmem:$0xA20];
	v21 =	vmul.f32 @!p0 v21, v2;
	v17 =	vadd.f32 @!p0 v17, v34;
	v14 =	vadd.f32 @!p0 v24, v14  }
0xbb: {  	v27 =	vld @!p0 [tilespmem:$0xA30];
	v31 =	vperm.xlane @!p0 v15, v11;
	v16 =	vadd.f32 @!p0 v18, v16;
	v18 =	vmul.f32 @!p0 v28, v1  }
0xbc: {  	v12 =	vsel @!p0 vm13, v12, v13;
	v28 =	vld @!p0 [tilespmem:$0xA60];
	v34 =	vperm.xlane @!p0 v17, v6;
	v22 =	vadd.f32 @!p0 v22, v14  }
0xbd: {  	v29 =	vld @!p0 [tilespmem:$0xA40];
	v14 =	vadd.f32 @!p0 v15, v31;
	v15 =	vadd.f32 @!p0 v18, v16;
	v16 =	vmul.f32 @!p0 v25, v0  }
0xbe: {  	v18 =	vld @!p0 [tilespmem:$0xA80];
	v17 =	vadd.f32 @!p0 v17, v34;
	v22 =	vadd.f32 @!p0 v23, v22;
	v23 =	vmul.f32 @!p0 v30, v3  }
0xbf: {  	v25 =	vld @!p0 [tilespmem:$0xA90];
	v15 =	vadd.f32 @!p0 v16, v15;
	v16 =	vmul.f32 @!p0 v20, v9;
	v20 =	vmul.f32 @!p0 v33, v8  }
0xc0: {  	v24 =	vld @!p0 [tilespmem:$0xA50];
	v19 =	vmul.f32 @!p0 v19, v7;
	v12 =	vsel @!p0 vm14, v12, v14;
	v22 =	vadd.f32 @!p0 v23, v22  }
0xc1: {  	v30 =	vld @!p0 [tilespmem:$0xAA0];
	v31 =	vperm.xlane @!p0 v17, v10;
	v28 =	vmul.f32 @!p0 v28, v1;
	v16 =	vadd.f32 @!p0 v20, v16  }
0xc2: {  	v33 =	vperm.xlane @!p0 v15, v4;
	v20 =	vld @!p0 [tilespmem:$0xAC0];
	v21 =	vadd.f32 @!p0 v21, v22;
	v22 =	vmul.f32 @!p0 v26, v1  }
0xc3: {  	v23 =	vld @!p0 [tilespmem:$0xAB0];
	v18 =	vmul.f32 @!p0 v18, v9;
	v16 =	vadd.f32 @!p0 v19, v16;
	v19 =	vmul.f32 @!p0 v27, v5  }
0xc4: {  	v15 =	vadd.f32 @!p0 v15, v33;
	v27 =	vld @!p0 [tilespmem:$0xB00];
	v21 =	vadd.f32 @!p0 v22, v21;
	v22 =	vmul.f32 @!p0 v25, v8  }
0xc5: {  	v17 =	vadd.f32 @!p0 v17, v31;
	v31 =	vmul.f32 @!p0 v32, v0;
	v25 =	vld @!p0 [tilespmem:$0xB10];
	v16 =	vadd.f32 @!p0 v19, v16  }
0xc6: {  	v26 =	vld @!p0 [tilespmem:$0xAD0];
	v19 =	vmul.f32 @!p0 v29, v3;
	v32 =	vperm.xlane @!p0 v15, v6;
	v18 =	vadd.f32 @!p0 v22, v18  }
0xc7: {  	v22 =	vmul.f32 @!p0 v30, v7;
	v30 =	vld @!p0 [tilespmem:$0xB20];
	v21 =	vadd.f32 @!p0 v31, v21;
	v20 =	vmul.f32 @!p0 v20, v3  }
0xc8: {  	v29 =	vld @!p0 [tilespmem:$0xAE0];
	v16 =	vadd.f32 @!p0 v19, v16;
	v19 =	vmul.f32 @!p0 v24, v2;
	v15 =	vadd.f32 @!p0 v15, v32  }
0xc9: {  	v18 =	vadd.f32 @!p0 v22, v18;
	v22 =	vmul.f32 @!p0 v23, v5;
	v23 =	vld @!p0 [tilespmem:$0xB30];
	v31 =	vperm.xlane @!p0 v21, v4  }
0xca: {  	v24 =	vld @!p0 [tilespmem:$0xAF0];
	v16 =	vadd.f32 @!p0 v19, v16;
	v19 =	vmul.f32 @!p0 v27, v9;
	v25 =	vmul.f32 @!p0 v25, v8  }
0xcb: {  	v27 =	vld @!p0 [tilespmem:$0xB40];
	v32 =	vperm.xlane @!p0 v15, v10;
	v18 =	vadd.f32 @!p0 v22, v18;
	v21 =	vadd.f32 @!p0 v21, v31  }
0xcc: {  	v22 =	vld @!p0 [tilespmem:$0xB50];
	v16 =	vadd.f32 @!p0 v28, v16;
	v19 =	vadd.f32 @!p0 v25, v19;
	v25 =	vmul.f32 @!p0 v30, v7  }
0xcd: {  	v28 =	vld @!p0 [tilespmem:$0xB60];
	v30 =	vmul.f32 @!p0 v35, v0;
	v18 =	vadd.f32 @!p0 v20, v18;
	v20 =	vmul.f32 @!p0 v26, v2  }
0xce: {  	v15 =	vadd.f32 @!p0 v15, v32;
	v32 =	vld @!p0 [tilespmem:$0xBF0];
	v19 =	vadd.f32 @!p0 v25, v19;
	v23 =	vmul.f32 @!p0 v23, v5  }
0xcf: {  	v25 =	vld @!p0 [tilespmem:$0xB80];
	v16 =	vadd.f32 @!p0 v30, v16;
	v18 =	vadd.f32 @!p0 v20, v18;
	v20 =	vmul.f32 @!p0 v29, v1  }
0xd0: {  	v35 =	vld @!p0 [tilespmem:$0xC30];
	v30 =	vperm.xlane @!p0 v21, v6;
	v19 =	vadd.f32 @!p0 v23, v19;
	v23 =	vmul.f32 @!p0 v27, v3  }
0xd1: {  	v24 =	vmul.f32 @!p0 v24, v0;
	v29 =	vld @!p0 [tilespmem:$0xB90];
	v31 =	vperm.xlane @!p0 v16, v4;
	v18 =	vadd.f32 @!p0 v20, v18  }
0xd2: {  	v26 =	vld @!p0 [tilespmem:$0xB70];
	v22 =	vmul.f32 @!p0 v22, v2;
	v21 =	vadd.f32 @!p0 v21, v30;
	v19 =	vadd.f32 @!p0 v23, v19  }
0xd3: {  	v34 =	vperm.xlane @!p0 v17, v11;
	v27 =	vld @!p0 [tilespmem:$0xBA0];
	v16 =	vadd.f32 @!p0 v16, v31;
	v18 =	vadd.f32 @!p0 v24, v18  }
0xd4: {  	v30 =	vld @!p0 [tilespmem:$0xBD0];
	v14 =	vmul.f32 @!p0 v25, v9;
	v19 =	vadd.f32 @!p0 v22, v19;
	v22 =	vmul.f32 @!p0 v28, v1  }
0xd5: {  	v20 =	vld @!p0 [tilespmem:$0xBB0];
	v28 =	vperm.xlane @!p0 v21, v10;
	v31 =	vperm.xlane @!p0 v16, v6  }
0xd6: {  	v23 =	vld @!p0 [tilespmem:$0xBC0];
	v25 =	vmul.f32 @!p0 v29, v8;
	v33 =	vperm.xlane @!p0 v18, v4  }
0xd7: {  	v24 =	vld @!p0 [tilespmem:$0xBE0];
	v19 =	vadd.f32 @!p0 v22, v19;
	v22 =	vmul.f32 @!p0 v26, v0;
	v16 =	vadd.f32 @!p0 v16, v31  }
0xd8: {  	v29 =	vld @!p0 [tilespmem:$0xC90];
	v21 =	vadd.f32 @!p0 v21, v28;
	v31 =	vperm.xlane @!p0 v15, v11;
	v18 =	vadd.f32 @!p0 v18, v33  }
0xd9: {  	v17 =	vadd.f32 @!p0 v17, v34;
	v26 =	vld @!p0 [tilespmem:$0xC00];
	v19 =	vadd.f32 @!p0 v22, v19;
	v34 =	vperm.xlane @!p0 v16, v10  }
0xda: {  	v28 =	vld @!p0 [tilespmem:$0xC10];
	v33 =	vperm.xlane @!p0 v21, v11;
	v15 =	vadd.f32 @!p0 v15, v31;
	v31 =	vperm.xlane @!p0 v18, v6  }
0xdb: {  	v14 =	vadd.f32 @!p0 v25, v14;
	v25 =	vld @!p0 [tilespmem:$0xCB0];
	v16 =	vadd.f32 @!p0 v16, v34  }
0xdc: {  	v22 =	vld @!p0 [tilespmem:$0xC20];
	v36 =	vperm.xlane @!p0 v19, v4;
	v21 =	vadd.f32 @!p0 v21, v33;
	v13 =	vadd.f32 @!p0 v18, v31  }
0xdd: {  	v33 =	vld @!p0 [tilespmem:$0xC50];
	v15 =	vsel @!p0 vm6, v17, v15;
	v17 =	vperm.xlane @!p0 v16, v11  }
0xde: {  	v31 =	vld @!p0 [tilespmem:$0xC70];
	v18 =	vadd.f32 @!p0 v19, v36;
	v15 =	vsel @!p0 vm8, v15, v21;
	v21 =	vperm.xlane @!p0 v13, v10  }
0xdf: {  	v19 =	vld @!p0 [tilespmem:$0xC60];
	v16 =	vadd.f32 @!p0 v16, v17;
	v17 =	vmul.f32 @!p0 v26, v9;
	v26 =	vmul.f32 @!p0 v28, v8  }
0xe0: {  	v36 =	vld @!p0 [tilespmem:$0xC80];
	v34 =	vperm.xlane @!p0 v18, v6;
	v13 =	vadd.f32 @!p0 v13, v21;
	v21 =	vmul.f32 @!p0 v27, v7  }
0xe1: {  	v20 =	vmul.f32 @!p0 v20, v5;
	v22 =	vmul.f32 @!p0 v22, v7;
	v28 =	vld @!p0 [tilespmem:$0xCA0];
	v17 =	vadd.f32 @!p0 v26, v17  }
0xe2: {  	v29 =	vmul.f32 @!p0 v29, v8;
	v18 =	vadd.f32 @!p0 v18, v34;
	v26 =	vld @!p0 [tilespmem:$0xCC0];
	v14 =	vadd.f32 @!p0 v21, v14  }
0xe3: {  	v27 =	vperm.xlane @!p0 v13, v11;
	v21 =	vld @!p0 [tilespmem:$0xCD0];
	v17 =	vadd.f32 @!p0 v22, v17;
	v22 =	vmul.f32 @!p0 v35, v5  }
0xe4: {  	v34 =	vperm.xlane @!p0 v18, v10;
	v35 =	vld @!p0 [tilespmem:$0xCE0];
	v14 =	vadd.f32 @!p0 v20, v14;
	v20 =	vmul.f32 @!p0 v23, v3  }
0xe5: {  	v13 =	vadd.f32 @!p0 v13, v27;
	v27 =	vld @!p0 [tilespmem:$0xD00];
	v17 =	vadd.f32 @!p0 v22, v17;
	v22 =	vmul.f32 @!p0 v37, v3  }
0xe6: {  	v19 =	vmul.f32 @!p0 v19, v1;
	v14 =	vadd.f32 @!p0 v20, v14;
	v20 =	vmul.f32 @!p0 v30, v2;
	v30 =	vld @!p0 [tilespmem:$0xD10]  }
0xe7: {  	v23 =	vld @!p0 [tilespmem:$0xCF0];
	v18 =	vadd.f32 @!p0 v18, v34;
	v17 =	vadd.f32 @!p0 v22, v17;
	v22 =	vmul.f32 @!p0 v33, v2  }
0xe8: {  	v34 =	vand.u32 @!p0 $0x7FFFFFFF, v12;
	v33 =	vld @!p0 [tilespmem:$0xD20];
	v14 =	vadd.f32 @!p0 v20, v14;
	v20 =	vmul.f32 @!p0 v24, v1  }
0xe9: {  	v34 =	vsub.f32 @!p0 $0.0e+00, v34;
	v24 =	vmul.f32 @!p0 v32, v0;
	v32 =	vld @!p0 [tilespmem:$0xD30];
	v17 =	vadd.f32 @!p0 v22, v17  }
0xea: {  	v22 =	vmul.f32 @!p0 v31, v0;
	v31 =	vld @!p0 [tilespmem:$0xD40];
	v14 =	vadd.f32 @!p0 v20, v14;
	v20 =	vmul.f32 @!p0 v36, v9  }
0xeb: {  	v36 =	vld @!p0 [tilespmem:$0xD50];
	v17 =	vadd.f32 @!p0 v19, v17;
	v19 =	vmul.f32 @!p0 v27, v9;
	v27 =	vmul.f32 @!p0 v30, v8  }
0xec: {  	v30 =	vld @!p0 [tilespmem:$0xD60];
	v14 =	vadd.f32 @!p0 v24, v14;
	v20 =	vadd.f32 @!p0 v29, v20;
	v24 =	vmul.f32 @!p0 v28, v7  }
0xed: {  	v28 =	vld @!p0 [tilespmem:$0xD70];
	v17 =	vadd.f32 @!p0 v22, v17;
	v19 =	vadd.f32 @!p0 v27, v19;
	v22 =	vmul.f32 @!p0 v33, v7  }
0xee: {  	v27 =	vld @!p0 [tilespmem:$0xD80];
	v29 =	vperm.xlane @!p0 v14, v4;
	v20 =	vadd.f32 @!p0 v24, v20;
	v24 =	vmul.f32 @!p0 v25, v5  }
0xef: {  	v25 =	vld @!p0 [tilespmem:$0xD90];
	v33 =	vperm.xlane @!p0 v17, v4;
	v19 =	vadd.f32 @!p0 v22, v19;
	v22 =	vmul.f32 @!p0 v32, v5  }
0xf0: {  	v32 =	vld @!p0 [tilespmem:$0xDA0];
	v14 =	vadd.f32 @!p0 v14, v29;
	v20 =	vadd.f32 @!p0 v24, v20;
	v24 =	vmul.f32 @!p0 v26, v3  }
0xf1: {  	v26 =	vld @!p0 [tilespmem:$0xDB0];
	v17 =	vadd.f32 @!p0 v17, v33;
	v19 =	vadd.f32 @!p0 v22, v19;
	v22 =	vmul.f32 @!p0 v31, v3  }
0xf2: {  	v21 =	vmul.f32 @!p0 v21, v2;
	v29 =	vld @!p0 [tilespmem:$0xDC0];
	v31 =	vperm.xlane @!p0 v14, v6;
	v20 =	vadd.f32 @!p0 v24, v20  }
0xf3: {  	v24 =	vld @!p0 [tilespmem:$0xDD0];
	v33 =	vperm.xlane @!p0 v17, v6;
	v19 =	vadd.f32 @!p0 v22, v19;
	v22 =	vmul.f32 @!p0 v36, v2  }
0xf4: {  	v36 =	vld @!p0 [tilespmem:$0xDE0];
	v14 =	vadd.f32 @!p0 v14, v31;
	v20 =	vadd.f32 @!p0 v21, v20;
	v21 =	vmul.f32 @!p0 v35, v1  }
0xf5: {  	v31 =	vld @!p0 [tilespmem:$0xDF0];
	v17 =	vadd.f32 @!p0 v17, v33;
	v19 =	vadd.f32 @!p0 v22, v19;
	v22 =	vmul.f32 @!p0 v30, v1  }
0xf6: {  	v30 =	vld @!p0 [tilespmem:$0xE00];
	v33 =	vperm.xlane @!p0 v14, v10;
	v20 =	vadd.f32 @!p0 v21, v20;
	v21 =	vmul.f32 @!p0 v23, v0  }
0xf7: {  	v23 =	vld @!p0 [tilespmem:$0xE10];
	v35 =	vperm.xlane @!p0 v17, v10;
	v19 =	vadd.f32 @!p0 v22, v19;
	v22 =	vmul.f32 @!p0 v28, v0  }
0xf8: {  	v28 =	vld @!p0 [tilespmem:$0xE20];
	v14 =	vadd.f32 @!p0 v14, v33;
	v33 =	vperm.xlane @!p0 v18, v11;
	v20 =	vadd.f32 @!p0 v21, v20  }
0xf9: {  	v15 =	vsel @!p0 vm0, v15, v16;
	v21 =	vld @!p0 [tilespmem:$0xE30];
	v16 =	vadd.f32 @!p0 v17, v35;
	v17 =	vadd.f32 @!p0 v22, v19  }
0xfa: {  	v19 =	vld @!p0 [tilespmem:$0xE40];
	v18 =	vadd.f32 @!p0 v18, v33;
	v22 =	vperm.xlane @!p0 v14, v11;
	v33 =	vperm.xlane @!p0 v20, v4  }
0xfb: {  	v13 =	vsel @!p0 vm1, v15, v13;
	v35 =	vld @!p0 [tilespmem:$0xE50];
	v15 =	vperm.xlane @!p0 v16, v11;
	v37 =	vperm.xlane @!p0 v17, v4  }
0xfc: {  	v13 =	vsel @!p0 vm3, v13, v18;
	v14 =	vadd.f32 @!p0 v14, v22;
	v18 =	vadd.f32 @!p0 v20, v33;
	v20 =	vld @!p0 [tilespmem:$0xE70]  }
0xfd: {  	v22 =	vmul.f32 @!p0 $1.442695020e+00, v34;
	v33 =	vld @!p0 [tilespmem:$0xE90];
	v15 =	vadd.f32 @!p0 v16, v15;
	v16 =	vadd.f32 @!p0 v17, v37  }
0xfe: {  	v17 =	vld @!p0 [tilespmem:$0xE80];
	v13 =	vsel @!p0 vm5, v13, v14;
	v14 =	vperm.xlane @!p0 v18, v6  }
0xff: {  	(erf) = vpow2.f32 @!p0 v22;
	v22 =	vld @!p0 [tilespmem:$0xEA0];
	v13 =	vsel @!p0 vm12, v13, v15;
	v15 =	vperm.xlane @!p0 v16, v6  }
0x100: {  	v25 =	vmul.f32 @!p0 v25, v8;
	v14 =	vadd.f32 @!p0 v18, v14;
	v18 =	vmul.f32 @!p0 v27, v9;
	v27 =	vld @!p0 [tilespmem:$0xEB0]  }
0x101: {  	v23 =	vmul.f32 @!p0 v23, v8;
	v15 =	vadd.f32 @!p0 v16, v15;
	v16 =	vmul.f32 @!p0 v30, v9;
	v30 =	vld @!p0 [tilespmem:$0xEC0]  }
0x102: {  	v34 =	vperm.xlane @!p0 v14, v10;
	v18 =	vadd.f32 @!p0 v25, v18;
	v25 =	vmul.f32 @!p0 v32, v7;
	v32 =	vld @!p0 [tilespmem:$0xED0]  }
0x103: {  	v37 =	vperm.xlane @!p0 v15, v10;
	v16 =	vadd.f32 @!p0 v23, v16;
	v23 =	vmul.f32 @!p0 v28, v7;
	v28 =	vld @!p0 [tilespmem:$0xEE0]  }
0x104: {  	v14 =	vadd.f32 @!p0 v14, v34;
	v18 =	vadd.f32 @!p0 v25, v18;
	v25 =	vmul.f32 @!p0 v26, v5;
	v26 =	vld @!p0 [tilespmem:$0xEF0]  }
0x105: {  	v21 =	vmul.f32 @!p0 v21, v5;
	v15 =	vadd.f32 @!p0 v15, v37;
	v16 =	vadd.f32 @!p0 v23, v16;
	v23 =	vld @!p0 [tilespmem:$0xF00]  }
0x106: {  	v34 =	vperm.xlane @!p0 v14, v11;
	v18 =	vadd.f32 @!p0 v25, v18;
	v25 =	vmul.f32 @!p0 v29, v3;
	v29 =	vld @!p0 [tilespmem:$0xF10]  }
0x107: {  	v19 =	vmul.f32 @!p0 v19, v3;
	v37 =	vperm.xlane @!p0 v15, v11;
	v16 =	vadd.f32 @!p0 v21, v16;
	v21 =	vld @!p0 [tilespmem:$0xF20]  }
0x108: {  	v24 =	vmul.f32 @!p0 v24, v2;
	v14 =	vadd.f32 @!p0 v14, v34;
	v18 =	vadd.f32 @!p0 v25, v18;
	v25 =	vld @!p0 [tilespmem:$0xF30]  }
0x109: {  	v34 =	vld @!p0 [tilespmem:$0xF40];
	v15 =	vadd.f32 @!p0 v15, v37;
	v16 =	vadd.f32 @!p0 v19, v16;
	v19 =	vmul.f32 @!p0 v35, v2  }
0x10a: {  	v13 =	vsel @!p0 vm7, v13, v14;
	v14 =	vadd.f32 @!p0 v24, v18;
	v18 =	vmul.f32 @!p0 v36, v1;
	v24 =	vld @!p0 [tilespmem:$0xF50]  }
0x10b: {  	v13 =	vsel @!p0 vm10, v13, v15;
	v15 =	vadd.f32 @!p0 v19, v16;
	v16 =	vmul.f32 @!p0 v38, v1;
	v19 =	vld @!p0 [tilespmem:$0xF60]  }
0x10c: {  	v17 =	vmul.f32 @!p0 v17, v9;
	v14 =	vadd.f32 @!p0 v18, v14;
	v18 =	vmul.f32 @!p0 v33, v8;
	v33 =	vld @!p0 [tilespmem:$0xF70]  }
0x10d: {  	v15 =	vadd.f32 @!p0 v16, v15;
	v16 =	vmul.f32 @!p0 v23, v9;
	v23 =	vmul.f32 @!p0 v29, v8;
	v29 =	vld @!p0 [tilespmem:$0xF80]  }
0x10e: {  	v31 =	vmul.f32 @!p0 v31, v0;
	v17 =	vadd.f32 @!p0 v18, v17;
	v18 =	vmul.f32 @!p0 v22, v7;
	v22 =	vld @!p0 [tilespmem:$0xF90]  }
0x10f: {  	v20 =	vmul.f32 @!p0 v20, v0;
	v21 =	vmul.f32 @!p0 v21, v7;
	v16 =	vadd.f32 @!p0 v23, v16;
	v23 =	vld @!p0 [tilespmem:$0x1000]  }
0x110: {  	v14 =	vadd.f32 @!p0 v31, v14;
	v17 =	vadd.f32 @!p0 v18, v17;
	v18 =	vmul.f32 @!p0 v27, v5;
	v27 =	vld @!p0 [tilespmem:$0x1010]  }
0x111: {  	v15 =	vadd.f32 @!p0 v20, v15;
	v20 =	vmul.f32 @!p0 v25, v5;
	v16 =	vadd.f32 @!p0 v21, v16;
	v21 =	vld @!p0 [tilespmem:$0xFA0]  }
0x112: {  	v25 =	vmul.f32 @!p0 v32, v2;
	v17 =	vadd.f32 @!p0 v18, v17;
	v18 =	vmul.f32 @!p0 v30, v3;
	v30 =	vld @!p0 [tilespmem:$0x1020]  }
0x113: {  	v31 =	vld @!p0 [tilespmem:$0xFB0];
	v29 =	vmul.f32 @!p0 v29, v9;
	v16 =	vadd.f32 @!p0 v20, v16;
	v20 =	vmul.f32 @!p0 v34, v3  }
0x114: {  	v17 =	vadd.f32 @!p0 v18, v17;
	v18 =	vmul.f32 @!p0 v22, v8;
	v9 =	vmul.f32 @!p0 v23, v9;
	v22 =	vld @!p0 [tilespmem:$0x1030]  }
0x115: {  	v23 =	vld @!p0 [tilespmem:$0xFC0];
	v16 =	vadd.f32 @!p0 v20, v16;
	v20 =	vmul.f32 @!p0 v24, v2;
	v8 =	vmul.f32 @!p0 v27, v8  }
0x116: {  	v24 =	vld @!p0 [tilespmem:$0x1040];
	v17 =	vadd.f32 @!p0 v25, v17;
	v18 =	vadd.f32 @!p0 v18, v29;
	v21 =	vmul.f32 @!p0 v21, v7  }
0x117: {  	v16 =	vadd.f32 @!p0 v20, v16;
	v8 =	vadd.f32 @!p0 v8, v9;
	v7 =	vmul.f32 @!p0 v30, v7;
	v9 =	vld @!p0 [tilespmem:$0xFD0]  }
0x118: {  	v25 =	vld @!p0 [tilespmem:$0x1050];
	v20 =	vmul.f32 @!p0 v28, v1;
	v18 =	vadd.f32 @!p0 v21, v18;
	v21 =	vmul.f32 @!p0 v31, v5  }
0x119: {  	v7 =	vadd.f32 @!p0 v7, v8;
	v8 =	vmul.f32 @!p0 v19, v1;
	v5 =	vmul.f32 @!p0 v22, v5;
	v19 =	vld @!p0 [tilespmem:$0xFE0]  }
0x11a: {  	v17 =	vadd.f32 @!p0 v20, v17;
	v20 =	vmul.f32 @!p0 v23, v3;
	v18 =	vadd.f32 @!p0 v21, v18;
	v21 =	vld @!p0 [tilespmem:$0x1060]  }
0x11b: {  	v3 =	vmul.f32 @!p0 v24, v3;
	v8 =	vadd.f32 @!p0 v8, v16;
	v5 =	vadd.f32 @!p0 v5, v7;
	v7 =	vld @!p0 [tilespmem:$0xFF0]  }
0x11c: {  	v16 =	vmul.f32 @!p0 v26, v0;
	v18 =	vadd.f32 @!p0 v20, v18;
	v9 =	vmul.f32 @!p0 v9, v2;
	v20 =	vld @!p0 [tilespmem:$0x1070]  }
0x11d: {  	v2 =	vmul.f32 @!p0 v25, v2;
	v3 =	vadd.f32 @!p0 v3, v5;
	v5 =	vmul.f32 @!p0 v33, v0  }
0x11e: {  	v16 =	vadd.f32 @!p0 v16, v17;
	v9 =	vadd.f32 @!p0 v9, v18;
	v17 =	vmul.f32 @!p0 v19, v1  }
0x11f: {  	v5 =	vadd.f32 @!p0 v5, v8;
	v2 =	vadd.f32 @!p0 v2, v3;
	v1 =	vmul.f32 @!p0 v21, v1  }
0x120: {  	v8 =	vperm.xlane @!p0 v14, v4;
	v3 =	vadd.f32 @!p0 v17, v9;
	v7 =	vmul.f32 @!p0 v7, v0  }
0x121: {  	v1 =	vadd.f32 @!p0 v1, v2;
	v2 =	vperm.xlane @!p0 v15, v4;
	v0 =	vmul.f32 @!p0 v20, v0  }
0x122: {  	v9 =	vperm.xlane @!p0 v16, v4;
	v8 =	vadd.f32 @!p0 v14, v8;
	v3 =	vadd.f32 @!p0 v7, v3  }
0x123: {  	v7 =	vperm.xlane @!p0 v5, v4;
	v2 =	vadd.f32 @!p0 v15, v2;
	v0 =	vadd.f32 @!p0 v0, v1  }
0x124: {  	v9 =	vadd.f32 @!p0 v16, v9;
	v1 =	vperm.xlane @!p0 v8, v6;
	v14 =	vperm.xlane @!p0 v3, v4  }
0x125: {  	v5 =	vadd.f32 @!p0 v5, v7;
	v15 =	vperm.xlane @!p0 v2, v6;
	v4 =	vperm.xlane @!p0 v0, v4  }
0x126: {  	v7 =	vperm.xlane @!p0 v9, v6;
	v1 =	vadd.f32 @!p0 v8, v1;
	v3 =	vadd.f32 @!p0 v3, v14  }
0x127: {  	v8 =	vperm.xlane @!p0 v5, v6;
	v2 =	vadd.f32 @!p0 v2, v15;
	v0 =	vadd.f32 @!p0 v0, v4  }
0x128: {  	v7 =	vadd.f32 @!p0 v9, v7;
	v4 =	vperm.xlane @!p0 v1, v10;
	v9 =	vperm.xlane @!p0 v3, v6  }
0x129: {  	v5 =	vadd.f32 @!p0 v5, v8;
	v14 =	vperm.xlane @!p0 v2, v10;
	v6 =	vperm.xlane @!p0 v0, v6  }
0x12a: {  	v1 =	vadd.f32 @!p0 v1, v4;
	v4 =	vperm.xlane @!p0 v7, v10;
	v3 =	vadd.f32 @!p0 v3, v9  }
0x12b: {  	v8 =	vperm.xlane @!p0 v5, v10;
	v2 =	vadd.f32 @!p0 v2, v14;
	v0 =	vadd.f32 @!p0 v0, v6  }
0x12c: {  	v6 =	vperm.xlane @!p0 v1, v11;
	v4 =	vadd.f32 @!p0 v7, v4;
	v7 =	vperm.xlane @!p0 v3, v10  }
0x12d: {  	v5 =	vadd.f32 @!p0 v5, v8;
	v9 =	vperm.xlane @!p0 v2, v11;
	v8 =	vperm.xlane @!p0 v0, v10  }
0x12e: {  	v1 =	vadd.f32 @!p0 v1, v6;
	v6 =	vperm.xlane @!p0 v4, v11;
	v3 =	vadd.f32 @!p0 v3, v7  }
0x12f: {  	v7 =	vperm.xlane @!p0 v5, v11;
	v2 =	vadd.f32 @!p0 v2, v9;
	v0 =	vadd.f32 @!p0 v0, v8  }
0x130: {  	v1 =	vsel @!p0 vm2, v13, v1;
	v4 =	vadd.f32 @!p0 v4, v6;
	v6 =	vperm.xlane @!p0 v3, v11  }
0x131: {  	v1 =	vsel @!p0 vm4, v1, v2;
	v2 =	vadd.f32 @!p0 v5, v7;
	v5 =	vperm.xlane @!p0 v0, v11  }
0x132: {  	v1 =	vsel @!p0 vm9, v1, v4;
	v3 =	vadd.f32 @!p0 v3, v6  }
0x133: {  	v1 =	vsel @!p0 vm11, v1, v2;
	v0 =	vadd.f32 @!p0 v0, v5  }
0x134: {  	v1 =	vsel @!p0 vm13, v1, v3  }
0x135: {  	v0 =	vsel @!p0 vm14, v1, v0  }
0x136: {  	v1 =	vand.u32 @!p0 $0x7FFFFFFF, v0  }
0x137: {  	v2 =	vpop @!p0 (erf);
	v1 =	vsub.f32 @!p0 $0.0e+00, v1  }
0x138: {  	v3 =	vadd.f32 @!p0 $1.000000000e+00, v2  }
0x139: {  	v1 =	vmul.f32 @!p0 $1.442695020e+00, v1  }
0x13a: {  	(erf) = vrcp.f32 @!p0 v3  }
0x13b: {  	(erf) = vpow2.f32 @!p0 v1;
	_ =	sdelay $0x7  }
0x13c: {  	v1 =	vpop @!p0 (erf)  }
0x13d: {  	v3 =	vpop @!p0 (erf)  }
0x13e: {  	v4 =	vadd.f32 @!p0 $1.000000000e+00, v3;
	_ =	sdelay $0x1  }
0x13f: {  	(erf) = vrcp.f32 @!p0 v4;
	_ =	sdelay $0x3  }
0x140: {  	v4 =	vld @!p0 [tilespmem:$0x1080]  }
0x141: {  	v5 =	vld @!p0 [tilespmem:$0x1100]  }
0x142: {  	vm0 =	vge.f32 @!p0 v12, $0.0e+00;
	v6 =	vld @!p0 [tilespmem:$0x1090]  }
0x143: {  	v7 =	vld @!p0 [tilespmem:$0x1110];
	v2 =	vnsel @!p0 vm0, $0x3F800000, v2  }
0x144: {  	vm0 =	vge.f32 @!p0 v0, $0.0e+00;
	v1 =	vmul.f32 @!p0 v1, v2  }
0x145: {  	v3 =	vnsel @!p0 vm0, $0x3F800000, v3;
	v2 =	vmul.f32 @!p0 v12, v4;
	v4 =	vpop @!p0 (erf)  }
0x146: {  	v1 =	vmul.f32 @!p0 v1, v5;
	v3 =	vmul.f32 @!p0 v4, v3  }
0x147: {  	v0 =	vmul.f32 @!p0 v0, v6;
	v2 =	vadd.f32 @!p0 $0.0e+00, v2  }
0x148: {  	v1 =	vadd.f32 @!p0 $0.0e+00, v1;
	v3 =	vmul.f32 @!p0 v3, v7  }
0x149: {  	v0 =	vadd.f32 @!p0 v0, v2  }
0x14a: {  	v1 =	vadd.f32 @!p0 v3, v1  }
0x14b: {  	p1 =	sne.s32 @!p0 s1, $0x0;
	s6 =	sshll.u32 @!p0 s1, $0x8;
	[tilespmem:$0x1180] =	vst @!p0 v0  }
0x14c: {  	p1 =	por p0, p1;
	s7 =	simm.s32 @!p0 $0x1180;
	s6 =	sadd.s32 @!p0 s6, s4;
	[tilespmem:$0x1200] =	vst @!p0 v1  }
0x14d: {  	[spmem:s6] =	stream.linear.scatter @!p0 [tilespmem:s7], [sflag:$0x2], $0x100, $0x38;
	[tilespmem:$0x2320] =	vst v63  }
.Ltmp0:
0x14e: {  	_ =	swait.ge @!p0 [sflag:s5], $0x100;
	(pc) =	sbr.rel @p1 .LBB2_2-.Ltmp0, $3  }
0x14f: {  	[sflag:s5] =	ssyncset.done @!p0 $0x0  }
0x150: {  	[sflag:s5] =	ssyncadd.s32 @!p0 $0xFFFFFF00  }
0x151: {  	[bflag:$0x0] =	sbarrier.arrive @!p0 $0xFFFF;
	_ =	sdelay $0x1  }
0x152: {  	s5 =	simm.s32 $0x1280;
	s30 =	simm.s32 $0x2  }
0x153: {  	[tilespmem:s5], [sflag:$0x2] =	stream.linear.gather [spmem:s4], $0x1000, $0x38;
	[tilespmem:$0x2320] =	vst v63  }
0x154: {  	_ =	swait.ge [sflag:s30], $0x1000  }
0x155: {  	[sflag:s30] =	ssyncset.done $0x0  }
0x156: {  	[sflag:s30] =	ssyncadd.s32 $0xFFFFF000  }
0x157: {  	v0 =	vld [tilespmem:$0x1280]  }
0x158: {  	v1 =	vld [tilespmem:$0x1380];
	_ =	sdelay $0x1  }
0x159: {  	v2 =	vld [tilespmem:$0x1480];
	_ =	sdelay $0x1  }
0x15a: {  	v3 =	vld [tilespmem:$0x1580]  }
0x15b: {  	v0 =	vadd.f32 v1, v0  }
0x15c: {  	v7 =	vld [tilespmem:$0x1680]  }
0x15d: {  	v0 =	vadd.f32 v2, v0  }
0x15e: {  	v8 =	vld [tilespmem:$0x1780]  }
0x15f: {  	v0 =	vadd.f32 v3, v0  }
0x160: {  	v9 =	vld [tilespmem:$0x1880]  }
0x161: {  	v0 =	vadd.f32 v7, v0  }
0x162: {  	v10 =	vld [tilespmem:$0x1980]  }
0x163: {  	v0 =	vadd.f32 v8, v0  }
0x164: {  	v11 =	vld [tilespmem:$0x1A80]  }
0x165: {  	v0 =	vadd.f32 v9, v0  }
0x166: {  	v12 =	vld [tilespmem:$0x1B80]  }
0x167: {  	v0 =	vadd.f32 v10, v0  }
0x168: {  	v13 =	vld [tilespmem:$0x1C80]  }
0x169: {  	v0 =	vadd.f32 v11, v0  }
0x16a: {  	v14 =	vld [tilespmem:$0x1D80]  }
0x16b: {  	v0 =	vadd.f32 v12, v0  }
0x16c: {  	v15 =	vld [tilespmem:$0x1E80]  }
0x16d: {  	v0 =	vadd.f32 v13, v0  }
0x16e: {  	v16 =	vld [tilespmem:$0x1F80]  }
0x16f: {  	v0 =	vadd.f32 v14, v0  }
0x170: {  	v17 =	vld [tilespmem:$0x2080]  }
0x171: {  	v18 =	vimm.s32 $0xFEDCBA98;
	v0 =	vadd.f32 v15, v0  }
0x172: {  	v4 =	vimm.s32 $0x76543210;
	v19 =	vld [tilespmem:$0x2180];
	v3 =	vunpack.c.l.s4.s8 v18  }
0x173: {  	v4 =	vunpack.c.l.s4.s8 v4;
	v0 =	vadd.f32 v16, v0  }
0x174: {  	v22 =	vimm.s32 $0xBA98FEDC;
	v20 =	vunpack.c.0.s8.s32 v3  }
0x175: {  	v5 =	vimm.s32 $0x32107654;
	v21 =	vunpack.c.0.s8.s32 v4;
	v0 =	vadd.f32 v17, v0  }
0x176: {  	v5 =	vunpack.c.l.s4.s8 v5;
	v4 =	vunpack.c.l.s4.s8 v22;
	v2 =	vand.u32 $0xF, v20  }
0x177: {  	v23 =	vcombine.low v2, v21;
	v0 =	vadd.f32 v19, v0  }
0x178: {  	v25 =	vunpack.c.0.s8.s32 v5;
	v24 =	vunpack.c.0.s8.s32 v4  }
0x179: {  	v27 =	vimm.s32 $0xDCFE98BA;
	v6 =	vimm.s32 $0x54761032;
	v26 =	vperm.xlane v0, v23  }
0x17a: {  	v28 =	vunpack.c.l.s4.s8 v27;
	v29 =	vunpack.c.l.s4.s8 v6;
	v2 =	vcombine.low v25, v24  }
0x17b: {  	v0 =	vadd.f32 v26, v0  }
0x17c: {  	v30 =	vunpack.c.0.s8.s32 v29;
	v3 =	vunpack.c.0.s8.s32 v28;
	v2 =	vand.u32 $0xF, v2  }
0x17d: {  	v32 =	vimm.s32 $0xEFCDAB89;
	v7 =	vimm.s32 $0x67452301;
	v31 =	vperm.xlane v0, v2  }
0x17e: {  	v33 =	vunpack.c.l.s4.s8 v32;
	v34 =	vunpack.c.l.s4.s8 v7;
	v3 =	vcombine.low v30, v3  }
0x17f: {  	v0 =	vadd.f32 v31, v0  }
0x180: {  	v4 =	vunpack.c.0.s8.s32 v33;
	v35 =	vunpack.c.0.s8.s32 v34;
	v3 =	vand.u32 $0xF, v3  }
0x181: {  	v36 =	vperm.xlane v0, v3  }
0x182: {  	v4 =	vcombine.low v35, v4  }
0x183: {  	v0 =	vadd.f32 v36, v0  }
0x184: {  	v4 =	vand.u32 $0xF, v4  }
0x185: {  	v37 =	vperm.xlane v0, v4;
	_ =	sdelay $0x1  }
0x186: {  	v0 =	vadd.f32 v37, v0;
	_ =	sdelay $0x1  }
0x187: {  	v5 =	vand.u32 $0x7FFFFFFF, v0  }
0x188: {  	v5 =	vsub.f32 $0.0e+00, v5;
	_ =	sdelay $0x1  }
0x189: {  	v5 =	vmul.f32 $1.442695020e+00, v5;
	_ =	sdelay $0x1  }
0x18a: {  	(erf) = vpow2.f32 v5;
	_ =	sdelay $0x8  }
0x18b: {  	v5 =	vpop (erf)  }
0x18c: {  	v38 =	vadd.f32 $1.000000000e+00, v5;
	_ =	sdelay $0x1  }
0x18d: {  	(erf) = vrcp.f32 v38;
	_ =	sdelay $0x7  }
0x18e: {  	vm0 =	vge.f32 v0, $0.0e+00  }
0x18f: {  	v0 =	vsel vm0, $0x3F800000, v5;
	v39 =	vpop (erf)  }
0x190: {  	v0 =	vmul.f32 v39, v0;
	_ =	sdelay $0x1  }
0x191: {  	v0 =	vmax.f32 v0, $1.000000010e-07  }
0x192: {  	v0 =	vmin.f32 v0, $9.999998800e-01  }
0x193: {  	v40 =	vcvt.s32.f32 v0;
	_ =	sdelay $0x1  }
0x194: {  	v5 =	vadd.f32 $-1.064866820e+09, v40;
	_ =	sdelay $0x1  }
0x195: {  	v5 =	vmul.f32 $8.262958320e-08, v5;
	_ =	sdelay $0x1  }
0x196: {  	v41 =	vsub.f32 $0.0e+00, v5;
	_ =	sdelay $0x1  }
0x197: {  	v6 =	vmul.f32 $1.442695020e+00, v41;
	_ =	sdelay $0x1  }
0x198: {  	(erf) = vpow2.f32 v6;
	_ =	sdelay $0x3  }
0x199: {  	v42 =	vld [tilespmem:$0x1300]  }
0x19a: {  	v43 =	vld [tilespmem:$0x1400];
	_ =	sdelay $0x1  }
0x19b: {  	v8 =	vld [tilespmem:$0x1500];
	_ =	sdelay $0x1  }
0x19c: {  	v9 =	vld [tilespmem:$0x1600];
	v10 =	vpop (erf)  }
0x19d: {  	v6 =	vadd.f32 v43, v42;
	v44 =	vmul.f32 v10, v0  }
0x19e: {  	v45 =	vld [tilespmem:$0x1700]  }
0x19f: {  	v6 =	vadd.f32 v8, v6;
	v5 =	vadd.f32 v44, v5  }
0x1a0: {  	v46 =	vld [tilespmem:$0x1800]  }
0x1a1: {  	v6 =	vadd.f32 v9, v6;
	v5 =	vadd.f32 $-1.000000000e+00, v5  }
0x1a2: {  	v47 =	vld [tilespmem:$0x1900]  }
0x1a3: {  	v6 =	vadd.f32 v45, v6;
	v48 =	vsub.f32 $0.0e+00, v5  }
0x1a4: {  	v49 =	vld [tilespmem:$0x1A00]  }
0x1a5: {  	v6 =	vadd.f32 v46, v6;
	v50 =	vmul.f32 $1.442695020e+00, v48  }
0x1a6: {  	v51 =	vld [tilespmem:$0x1B00]  }
0x1a7: {  	v6 =	vadd.f32 v47, v6;
	(erf) = vpow2.f32 v50  }
0x1a8: {  	v52 =	vld [tilespmem:$0x1C00]  }
0x1a9: {  	v6 =	vadd.f32 v49, v6  }
0x1aa: {  	v53 =	vld [tilespmem:$0x1D00]  }
0x1ab: {  	v6 =	vadd.f32 v51, v6  }
0x1ac: {  	v54 =	vld [tilespmem:$0x1E00]  }
0x1ad: {  	v6 =	vadd.f32 v52, v6  }
0x1ae: {  	v55 =	vld [tilespmem:$0x1F00]  }
0x1af: {  	v6 =	vadd.f32 v53, v6  }
0x1b0: {  	v56 =	vld [tilespmem:$0x2000];
	v57 =	vpop (erf)  }
0x1b1: {  	v6 =	vadd.f32 v54, v6;
	v58 =	vmul.f32 v57, v0  }
0x1b2: {  	v59 =	vld [tilespmem:$0x2100]  }
0x1b3: {  	v6 =	vadd.f32 v55, v6;
	v5 =	vadd.f32 v58, v5  }
0x1b4: {  	v60 =	vld [tilespmem:$0x2200]  }
0x1b5: {  	v6 =	vadd.f32 v56, v6;
	v5 =	vadd.f32 $-1.000000000e+00, v5;
	_ =	sdelay $0x1  }
0x1b6: {  	v6 =	vadd.f32 v59, v6;
	v61 =	vsub.f32 $0.0e+00, v5;
	_ =	sdelay $0x1  }
0x1b7: {  	v6 =	vadd.f32 v60, v6;
	v62 =	vmul.f32 $1.442695020e+00, v61;
	_ =	sdelay $0x1  }
0x1b8: {  	v1 =	vperm.xlane v6, v23;
	(erf) = vpow2.f32 v62;
	_ =	sdelay $0x1  }
0x1b9: {  	v1 =	vadd.f32 v1, v6;
	_ =	sdelay $0x1  }
0x1ba: {  	v2 =	vperm.xlane v1, v2;
	_ =	sdelay $0x1  }
0x1bb: {  	v1 =	vadd.f32 v2, v1;
	_ =	sdelay $0x1  }
0x1bc: {  	v2 =	vperm.xlane v1, v3  }
0x1bd: {  	v63 =	vpop (erf)  }
0x1be: {  	v1 =	vadd.f32 v2, v1;
	v0 =	vmul.f32 v63, v0;
	_ =	sdelay $0x1  }
0x1bf: {  	v2 =	vperm.xlane v1, v4;
	v0 =	vadd.f32 v0, v5;
	_ =	sdelay $0x1  }
0x1c0: {  	v1 =	vadd.f32 v2, v1;
	v0 =	vadd.f32 $-1.000000000e+00, v0;
	_ =	sdelay $0x1  }
0x1c1: {  	v1 =	vmax.f32 v1, $1.000000010e-07;
	v0 =	vsub.f32 $0.0e+00, v0  }
0x1c2: {  	v1 =	vmin.f32 v1, $9.999998800e-01  }
0x1c3: {  	v0 =	vsub.f32 v0, v1;
	_ =	sdelay $0x1  }
0x1c4: {  	s31 =	simm.s32 $0x22A0;
	[tilespmem:$0x22A0] =	vst v0  }
0x1c5: {  	[hbm4b:s2+s3] =	stream.linear.scatter [tilespmem:s31], [sflag:$0x2], $0x80, $0x38;
	[tilespmem:$0x2320] =	vst v63  }
0x1c6: {  	_ =	swait.ge [sflag:s30], $0x80  }
0x1c7: {  	[sflag:s30] =	ssyncset.done $0x0  }
0x1c8: {  	[sflag:s30] =	ssyncadd.s32 $0xFFFFFF80  }
.LBB2_2:
0x1c9: {  	_ =	sfence.sel $0x180000  }
0x1ca: {  	[bflag:$0x0] =	sbarrier.arrive $0xFFFF  }
0x1cb: {  	p0 =	sne.s32 s1, $0x0;
	_ =	strace $0x90000047  }
0x1cc: {  	s0 =	sadd.s32 @!p0 $0x100000, s0;
	[bflag:$0x2] =	sbarrier.arrive $0xFFFF  }
0x1cd: {  	[sflag:s0] =	ssyncadd.tile.s32 @!p0 $0x1;
	_ =	shalt  }
.Lfunc_end2:
_tile_overlayer_lowered:
.L_overlay_start_2:
0x1ce: {  	(tag) =	ssettag $0x2  }
0x1cf: {  	s0 =	rddreg [dreg:$0x0];
	s2 =	stileid.u32  }
0x1d0: {  	s1 =	rddreg [dreg:$0x1];
	p0 =	sne.s32 s2, $0x0  }
0x1d1: {  	s3 =	rddreg [dreg:$0x2];
	[bflag:$0x3] =	sbarrier.arrive $0xFFFF;
	s2 =	simm.s32 @!p0 $0x1C02  }
0x1d2: {  	[timem:s3], [sflag:s2] =	dma.local @!p0 [hbm:s0], s1  }
0x1d3: {  	s0 =	simm.s32 @!p0 $0x2  }
0x1d4: {  	_ =	swait.ge @!p0 [sflag:s0], s1  }
0x1d5: {  	s1 =	ssub.s32 @!p0 $0x0, s1;
	[sflag:s0] =	ssyncset.done @!p0 $0x0  }
0x1d6: {  	[sflag:s0] =	ssyncadd.s32 @!p0 s1  }
0x1d7: {  	[bflag:$0x3] =	sbarrier.arrive $0xFFFF  }
0x1d8: {  	_ =	shalt  }

</sc_bundles>
